<compile_context>
chip_gen: v7x
topology: tpu7x:2x2x1
jax: 0.10.2.dev20260603
libtpu: 0.0.44.dev20260713+nightly
codegen_flags: <defaults>
</compile_context>

<pallas_src>
import functools

import jax
import jax.numpy as jnp
from jax import lax
from jax.experimental import pallas as pl
from jax.experimental.pallas import tpu as pltpu
from jax.experimental.pallas import tpu_sc as plsc

_NW = 32
_CH = 8192
_UNROLL = 8


def _sc_scatter(idx_t, src_t, m_rows):
    d_cols, n_upd = idx_t.shape
    half = m_rows // 2
    cols_per_worker = d_cols // _NW
    n_chunks = n_upd // _CH

    mesh = plsc.VectorSubcoreMesh(core_axis_name="c", subcore_axis_name="s")

    @functools.partial(
        pl.kernel,
        out_type=jax.ShapeDtypeStruct((d_cols, m_rows), jnp.float32),
        mesh=mesh,
        scratch_types=[
            pltpu.VMEM((half,), jnp.float32),
            pltpu.VMEM((_CH,), jnp.int32),
            pltpu.VMEM((_CH,), jnp.float32),
            pltpu.VMEM((_CH,), jnp.int32),
            pltpu.VMEM((_CH,), jnp.float32),
            pltpu.SemaphoreType.DMA,
            pltpu.SemaphoreType.DMA,
        ],
        compiler_params=pltpu.CompilerParams(needs_layout_passes=False),
    )
    def scatter_kernel(idx_hbm, src_hbm, delta_hbm,
                       acc, ibuf0, sbuf0, ibuf1, sbuf1, sem0, sem1):
        wid = lax.axis_index("s") * 2 + lax.axis_index("c")
        zeros16 = jnp.zeros((16,), jnp.float32)
        bufs = ((ibuf0, sbuf0, sem0), (ibuf1, sbuf1, sem1))

        def run_half(is_high):
            lo = half if is_high else 0

            def task_body(t, carry):
                col = t * _NW + wid

                def fire(ch, b):
                    ib, sb, sem = bufs[b]
                    pltpu.async_copy(
                        idx_hbm.at[col, pl.ds(ch * _CH, _CH)], ib, sem)
                    pltpu.async_copy(
                        src_hbm.at[col, pl.ds(ch * _CH, _CH)], sb, sem)

                def drain(ch, b):
                    ib, sb, sem = bufs[b]
                    pltpu.make_async_copy(
                        idx_hbm.at[col, pl.ds(ch * _CH, _CH)], ib, sem).wait()
                    pltpu.make_async_copy(
                        src_hbm.at[col, pl.ds(ch * _CH, _CH)], sb, sem).wait()

                fire(0, 0)

                @plsc.parallel_loop(0, half // 16, 1, unroll=_UNROLL)
                def zero_body(i):
                    acc[pl.ds(i * 16, 16)] = zeros16

                for ch in range(n_chunks):
                    b = ch % 2
                    if ch + 1 < n_chunks:
                        fire(ch + 1, 1 - b)
                    drain(ch, b)
                    ib, sb, _ = bufs[b]

                    @plsc.parallel_loop(0, _CH // 16, 1, unroll=_UNROLL)
                    def vec_body(k, ib=ib, sb=sb):
                        iv = ib[pl.ds(k * 16, 16)]
                        sv = sb[pl.ds(k * 16, 16)]
                        if is_high:
                            local = iv - half
                            msk = iv >= half
                        else:
                            local = iv
                            msk = iv < half
                        plsc.addupdate_scatter(acc, [local], sv, mask=msk)

                pltpu.sync_copy(acc, delta_hbm.at[col, pl.ds(lo, half)])
                return carry

            lax.fori_loop(0, cols_per_worker, task_body, 0)

        run_half(False)
        run_half(True)

    return scatter_kernel(idx_t, src_t)


def _transpose2(idx, src, g, dg):
    n, _ = idx.shape
    bn = 4096

    def body(i_ref, s_ref, it_ref, st_ref):
        it_ref[...] = i_ref[...].T
        st_ref[...] = s_ref[...].T

    return pl.pallas_call(
        body,
        grid=(n // bn,),
        in_specs=[
            pl.BlockSpec((bn, dg), lambda i, g=g: (i, g)),
            pl.BlockSpec((bn, dg), lambda i, g=g: (i, g)),
        ],
        out_specs=[
            pl.BlockSpec((dg, bn), lambda i: (0, i)),
            pl.BlockSpec((dg, bn), lambda i: (0, i)),
        ],
        out_shape=[
            jax.ShapeDtypeStruct((dg, n), jnp.int32),
            jax.ShapeDtypeStruct((dg, n), jnp.float32),
        ],
    )(idx, src)


def _combine_init(inp, d1):
    m_rows, d_cols = inp.shape
    dg = d_cols // 2
    bm = 4096

    def body(inp_ref, d1_ref, out_ref):
        out_ref[:, :dg] = inp_ref[:, :dg] + d1_ref[...].T
        out_ref[:, dg:] = inp_ref[:, dg:]

    return pl.pallas_call(
        body,
        grid=(m_rows // bm,),
        in_specs=[
            pl.BlockSpec((bm, d_cols), lambda i: (i, 0)),
            pl.BlockSpec((dg, bm), lambda i: (0, i)),
        ],
        out_specs=pl.BlockSpec((bm, d_cols), lambda i: (i, 0)),
        out_shape=jax.ShapeDtypeStruct((m_rows, d_cols), jnp.float32),
    )(inp, d1)


def _combine_update(out1, d2):
    m_rows, d_cols = out1.shape
    dg = d_cols // 2
    bm = 4096

    def body(o_ref, d2_ref, out_ref):
        out_ref[...] = o_ref[...] + d2_ref[...].T

    return pl.pallas_call(
        body,
        grid=(m_rows // bm,),
        in_specs=[
            pl.BlockSpec((bm, dg), lambda i: (i, 1)),
            pl.BlockSpec((dg, bm), lambda i: (0, i)),
        ],
        out_specs=pl.BlockSpec((bm, dg), lambda i: (i, 1)),
        out_shape=jax.ShapeDtypeStruct((m_rows, d_cols), jnp.float32),
        input_output_aliases={0: 0},
    )(out1, d2)


def kernel(inp, idx, src):
    m_rows, d_cols = inp.shape
    dg = d_cols // 2
    idx = idx.astype(jnp.int32)
    i1t, s1t = _transpose2(idx, src, 0, dg)
    i2t, s2t = _transpose2(idx, src, 1, dg)
    d1 = _sc_scatter(i1t, s1t, m_rows)
    d2 = _sc_scatter(i2t, s2t, m_rows)
    out1 = _combine_init(inp, d1)
    return _combine_update(out1, d2)

# --- scband reference (transcript-rebuilt; emitter-appended) ---
"""Pipeline reference for scband-net-88210038326459 (READ-ONLY COPY).

The authoritative reference and input builder live on the scoring server;
editing this copy changes nothing except your own understanding.
"""

import jax, jax.numpy as jnp
import numpy as np

M, D = 131072, 256
N = 65536

def setup_inputs(seed: int = 0) -> dict:
    key = jax.random.key(seed)
    k1, k2, k3 = jax.random.split(key, 3)
    inp = jax.random.normal(k1, (M, D), dtype=jnp.float32)
    idx = jax.random.randint(k2, (N, D), 0, M, dtype=jnp.int64) if jax.config.jax_enable_x64 else jax.random.randint(k2, (N, D), 0, M, dtype=jnp.int32)
    src = jax.random.normal(k3, (N, D), dtype=jnp.float32)
    return {"inp": inp, "idx": idx, "src": src}

def reference(inp, idx, src):
    # torch.scatter_add(inp, 0, idx, src):
    #   out[idx[i, j], j] += src[i, j]  for i in range(idx.shape[0]), j in range(idx.shape[1])
    cols = jnp.arange(idx.shape[1])[None, :]
    out = inp.at[idx, cols].add(src[: idx.shape[0], : idx.shape[1]])
    return out

if False:  # reference __main__ guard neutralized (emitter)
    inputs = setup_inputs()
    out = reference(**inputs)
    print(out.shape, out.dtype)

if __name__ == "__main__":
    import jax
    _d = setup_inputs()
    print(jax.jit(kernel)(*tuple(_d.values())))

</pallas_src>

<mosaic_0001>
#map = affine_map<(d0, d1) -> (0, 0)>
module attributes {stable_mosaic.version = 14 : i64} {
  func.func @scatter_kernel(%arg0: i32, %arg1: i32, %arg2: memref<128x65536xi32, #tpu.memory_space<hbm>>, %arg3: memref<128x65536xf32, #tpu.memory_space<hbm>>, %arg4: memref<128x131072xf32, #tpu.memory_space<hbm>>, %arg5: memref<65536xf32, #tpu.memory_space<vmem>>, %arg6: memref<8192xi32, #tpu.memory_space<vmem>>, %arg7: memref<8192xf32, #tpu.memory_space<vmem>>, %arg8: memref<8192xi32, #tpu.memory_space<vmem>>, %arg9: memref<8192xf32, #tpu.memory_space<vmem>>, %arg10: memref<!tpu.dma_semaphore, #tpu.memory_space<semaphore_mem>>, %arg11: memref<!tpu.dma_semaphore, #tpu.memory_space<semaphore_mem>>) attributes {dimension_semantics = [#tpu.dimension_semantics<core_parallel>, #tpu.dimension_semantics<subcore_parallel>], iteration_bounds = array<i64: 2, 16>, scalar_prefetch = 0 : i64, scratch_operands = 7 : i64, tpu.core_type = #tpu.core_type<sc_vector_subcore>, window_params = [{transform_indices = #map}, {transform_indices = #map}, {transform_indices = #map}]} {
    %mul3A = arith.constant 2 : i32
    %mul3A_0 = arith.muli %arg1, %mul3A : i32
    %add3A = arith.addi %mul3A_0, %arg0 : i32
    %broadcast_in_dim3A = arith.constant 0.000000e+00 : f32
    %broadcast_in_dim3A_1 = vector.broadcast %broadcast_in_dim3A : f32 to vector<16xf32>
    %scan3A = arith.constant 0 : i32
    %scan3A_2 = arith.constant 0 : i32
    %scan3A_3 = arith.constant 4 : i32
    %scan3A_4 = arith.addi %scan3A_2, %scan3A_3 : i32
    %scan3A_5 = arith.constant 1 : i32
    scf.for %scan3A_13 = %scan3A_2 to %scan3A_4 step %scan3A_5  : i32 {
      %mul3A_14 = arith.constant 32 : i32
      %mul3A_15 = arith.muli %scan3A_13, %mul3A_14 : i32
      %add3A_16 = arith.addi %mul3A_15, %add3A : i32
      %dma_start3A = arith.constant 0 : i32
      %dma_start3A_17 = tpu.memref_slice %arg2[%add3A_16, %dma_start3A] : memref<128x65536xi32, #tpu.memory_space<hbm>> -> memref<1x8192xi32, #tpu.memory_space<hbm>>
      %dma_start3A_18 = tpu.memref_squeeze %dma_start3A_17 : memref<1x8192xi32, #tpu.memory_space<hbm>> -> memref<8192xi32, #tpu.memory_space<hbm>>
      %dma_start3A_19 = arith.constant 0 : i32
      %dma_start3A_20 = tpu.memref_slice %arg2[%add3A_16, %dma_start3A_19] : memref<128x65536xi32, #tpu.memory_space<hbm>> -> memref<1x8192xi32, #tpu.memory_space<hbm>>
      %dma_start3A_21 = tpu.memref_squeeze %dma_start3A_20 : memref<1x8192xi32, #tpu.memory_space<hbm>> -> memref<8192xi32, #tpu.memory_space<hbm>>
      tpu.enqueue_dma source(%dma_start3A_21 : memref<8192xi32, #tpu.memory_space<hbm>>) target(%arg6 : memref<8192xi32, #tpu.memory_space<vmem>>) target_semaphore(%arg10 : memref<!tpu.dma_semaphore, #tpu.memory_space<semaphore_mem>>)
      %dma_start3A_22 = arith.constant 0 : i32
      %dma_start3A_23 = tpu.memref_slice %arg3[%add3A_16, %dma_start3A_22] : memref<128x65536xf32, #tpu.memory_space<hbm>> -> memref<1x8192xf32, #tpu.memory_space<hbm>>
      %dma_start3A_24 = tpu.memref_squeeze %dma_start3A_23 : memref<1x8192xf32, #tpu.memory_space<hbm>> -> memref<8192xf32, #tpu.memory_space<hbm>>
      %dma_start3A_25 = arith.constant 0 : i32
      %dma_start3A_26 = tpu.memref_slice %arg3[%add3A_16, %dma_start3A_25] : memref<128x65536xf32, #tpu.memory_space<hbm>> -> memref<1x8192xf32, #tpu.memory_space<hbm>>
      %dma_start3A_27 = tpu.memref_squeeze %dma_start3A_26 : memref<1x8192xf32, #tpu.memory_space<hbm>> -> memref<8192xf32, #tpu.memory_space<hbm>>
      tpu.enqueue_dma source(%dma_start3A_27 : memref<8192xf32, #tpu.memory_space<hbm>>) target(%arg7 : memref<8192xf32, #tpu.memory_space<vmem>>) target_semaphore(%arg10 : memref<!tpu.dma_semaphore, #tpu.memory_space<semaphore_mem>>)
      %parallel_loop3A = arith.constant 0 : i32
      %parallel_loop3A_28 = arith.constant 4096 : i32
      %parallel_loop3A_29 = arith.constant 1 : i32
      scf.for %parallel_loop3A_233 = %parallel_loop3A to %parallel_loop3A_28 step %parallel_loop3A_29  : i32 {
        %parallel_loop3A_234 = arith.constant 16 : i32
        %parallel_loop3A_235 = arith.muli %parallel_loop3A_233, %parallel_loop3A_234 : i32
        %parallel_loop3A_236 = arith.index_cast %parallel_loop3A_235 : i32 to index
        %parallel_loop3A_237 = tpu.vector_load %arg5[%parallel_loop3A_236] {strides = array<i32>} : memref<65536xf32, #tpu.memory_space<vmem>>, vector<16xf32>,
        tpu.vector_store %arg5[%parallel_loop3A_236], %broadcast_in_dim3A_1 {strides = array<i32>} : memref<65536xf32, #tpu.memory_space<vmem>>, vector<16xf32>,
      } {sc.loop_unroll_factor = 8 : i64, sc.parallel_access}
      %dma_start3A_30 = arith.constant 8192 : i32
      %dma_start3A_31 = tpu.memref_slice %arg2[%add3A_16, %dma_start3A_30] : memref<128x65536xi32, #tpu.memory_space<hbm>> -> memref<1x8192xi32, #tpu.memory_space<hbm>>
      %dma_start3A_32 = tpu.memref_squeeze %dma_start3A_31 : memref<1x8192xi32, #tpu.memory_space<hbm>> -> memref<8192xi32, #tpu.memory_space<hbm>>
      %dma_start3A_33 = arith.constant 8192 : i32
      %dma_start3A_34 = tpu.memref_slice %arg2[%add3A_16, %dma_start3A_33] : memref<128x65536xi32, #tpu.memory_space<hbm>> -> memref<1x8192xi32, #tpu.memory_space<hbm>>
      %dma_start3A_35 = tpu.memref_squeeze %dma_start3A_34 : memref<1x8192xi32, #tpu.memory_space<hbm>> -> memref<8192xi32, #tpu.memory_space<hbm>>
      tpu.enqueue_dma source(%dma_start3A_35 : memref<8192xi32, #tpu.memory_space<hbm>>) target(%arg8 : memref<8192xi32, #tpu.memory_space<vmem>>) target_semaphore(%arg11 : memref<!tpu.dma_semaphore, #tpu.memory_space<semaphore_mem>>)
      %dma_start3A_36 = arith.constant 8192 : i32
      %dma_start3A_37 = tpu.memref_slice %arg3[%add3A_16, %dma_start3A_36] : memref<128x65536xf32, #tpu.memory_space<hbm>> -> memref<1x8192xf32, #tpu.memory_space<hbm>>
      %dma_start3A_38 = tpu.memref_squeeze %dma_start3A_37 : memref<1x8192xf32, #tpu.memory_space<hbm>> -> memref<8192xf32, #tpu.memory_space<hbm>>
      %dma_start3A_39 = arith.constant 8192 : i32
      %dma_start3A_40 = tpu.memref_slice %arg3[%add3A_16, %dma_start3A_39] : memref<128x65536xf32, #tpu.memory_space<hbm>> -> memref<1x8192xf32, #tpu.memory_space<hbm>>
      %dma_start3A_41 = tpu.memref_squeeze %dma_start3A_40 : memref<1x8192xf32, #tpu.memory_space<hbm>> -> memref<8192xf32, #tpu.memory_space<hbm>>
      tpu.enqueue_dma source(%dma_start3A_41 : memref<8192xf32, #tpu.memory_space<hbm>>) target(%arg9 : memref<8192xf32, #tpu.memory_space<vmem>>) target_semaphore(%arg11 : memref<!tpu.dma_semaphore, #tpu.memory_space<semaphore_mem>>)
      %dma_wait3A = arith.constant 0 : i32
      %dma_wait3A_42 = tpu.memref_slice %arg2[%add3A_16, %dma_wait3A] : memref<128x65536xi32, #tpu.memory_space<hbm>> -> memref<1x8192xi32, #tpu.memory_space<hbm>>
      %dma_wait3A_43 = tpu.memref_squeeze %dma_wait3A_42 : memref<1x8192xi32, #tpu.memory_space<hbm>> -> memref<8192xi32, #tpu.memory_space<hbm>>
      %dma_wait3A_44 = arith.constant 0 : i32
      %dma_wait3A_45 = tpu.memref_slice %arg2[%add3A_16, %dma_wait3A_44] : memref<128x65536xi32, #tpu.memory_space<hbm>> -> memref<1x8192xi32, #tpu.memory_space<hbm>>
      %dma_wait3A_46 = tpu.memref_squeeze %dma_wait3A_45 : memref<1x8192xi32, #tpu.memory_space<hbm>> -> memref<8192xi32, #tpu.memory_space<hbm>>
      tpu.wait_dma2 semaphore(%arg10 : memref<!tpu.dma_semaphore, #tpu.memory_space<semaphore_mem>>) src(%dma_wait3A_46 : memref<8192xi32, #tpu.memory_space<hbm>>) dst(%arg6 : memref<8192xi32, #tpu.memory_space<vmem>>)
      %dma_wait3A_47 = arith.constant 0 : i32
      %dma_wait3A_48 = tpu.memref_slice %arg3[%add3A_16, %dma_wait3A_47] : memref<128x65536xf32, #tpu.memory_space<hbm>> -> memref<1x8192xf32, #tpu.memory_space<hbm>>
      %dma_wait3A_49 = tpu.memref_squeeze %dma_wait3A_48 : memref<1x8192xf32, #tpu.memory_space<hbm>> -> memref<8192xf32, #tpu.memory_space<hbm>>
      %dma_wait3A_50 = arith.constant 0 : i32
      %dma_wait3A_51 = tpu.memref_slice %arg3[%add3A_16, %dma_wait3A_50] : memref<128x65536xf32, #tpu.memory_space<hbm>> -> memref<1x8192xf32, #tpu.memory_space<hbm>>
      %dma_wait3A_52 = tpu.memref_squeeze %dma_wait3A_51 : memref<1x8192xf32, #tpu.memory_space<hbm>> -> memref<8192xf32, #tpu.memory_space<hbm>>
      tpu.wait_dma2 semaphore(%arg10 : memref<!tpu.dma_semaphore, #tpu.memory_space<semaphore_mem>>) src(%dma_wait3A_52 : memref<8192xf32, #tpu.memory_space<hbm>>) dst(%arg7 : memref<8192xf32, #tpu.memory_space<vmem>>)
      %parallel_loop3A_53 = arith.constant 0 : i32
      %parallel_loop3A_54 = arith.constant 512 : i32
      %parallel_loop3A_55 = arith.constant 1 : i32
      scf.for %parallel_loop3A_233 = %parallel_loop3A_53 to %parallel_loop3A_54 step %parallel_loop3A_55  : i32 {
        %parallel_loop3A_234 = arith.constant 16 : i32
        %parallel_loop3A_235 = arith.muli %parallel_loop3A_233, %parallel_loop3A_234 : i32
        %parallel_loop3A_236 = arith.index_cast %parallel_loop3A_235 : i32 to index
        %parallel_loop3A_237 = tpu.vector_load %arg6[%parallel_loop3A_236] {strides = array<i32>} : memref<8192xi32, #tpu.memory_space<vmem>>, vector<16xi32>,
        %parallel_loop3A_238 = arith.constant 16 : i32
        %parallel_loop3A_239 = arith.muli %parallel_loop3A_233, %parallel_loop3A_238 : i32
        %parallel_loop3A_240 = arith.index_cast %parallel_loop3A_239 : i32 to index
        %parallel_loop3A_241 = tpu.vector_load %arg7[%parallel_loop3A_240] {strides = array<i32>} : memref<8192xf32, #tpu.memory_space<vmem>>, vector<16xf32>,
        %parallel_loop3A_242 = arith.constant 65536 : i32
        %parallel_loop3A_243 = vector.broadcast %parallel_loop3A_242 : i32 to vector<16xi32>
        %parallel_loop3A_244 = arith.cmpi slt, %parallel_loop3A_237, %parallel_loop3A_243 : vector<16xi32>
        tpu.vector_store_idx %arg5[%parallel_loop3A_237], %parallel_loop3A_241 masked %parallel_loop3A_244 {add = true} : memref<65536xf32, #tpu.memory_space<vmem>>[vector<16xi32>], vector<16xf32>, vector<16xi1>
      } {sc.loop_unroll_factor = 8 : i64, sc.parallel_access}
      %dma_start3A_56 = arith.constant 16384 : i32
      %dma_start3A_57 = tpu.memref_slice %arg2[%add3A_16, %dma_start3A_56] : memref<128x65536xi32, #tpu.memory_space<hbm>> -> memref<1x8192xi32, #tpu.memory_space<hbm>>
      %dma_start3A_58 = tpu.memref_squeeze %dma_start3A_57 : memref<1x8192xi32, #tpu.memory_space<hbm>> -> memref<8192xi32, #tpu.memory_space<hbm>>
      %dma_start3A_59 = arith.constant 16384 : i32
      %dma_start3A_60 = tpu.memref_slice %arg2[%add3A_16, %dma_start3A_59] : memref<128x65536xi32, #tpu.memory_space<hbm>> -> memref<1x8192xi32, #tpu.memory_space<hbm>>
      %dma_start3A_61 = tpu.memref_squeeze %dma_start3A_60 : memref<1x8192xi32, #tpu.memory_space<hbm>> -> memref<8192xi32, #tpu.memory_space<hbm>>
      tpu.enqueue_dma source(%dma_start3A_61 : memref<8192xi32, #tpu.memory_space<hbm>>) target(%arg6 : memref<8192xi32, #tpu.memory_space<vmem>>) target_semaphore(%arg10 : memref<!tpu.dma_semaphore, #tpu.memory_space<semaphore_mem>>)
      %dma_start3A_62 = arith.constant 16384 : i32
      %dma_start3A_63 = tpu.memref_slice %arg3[%add3A_16, %dma_start3A_62] : memref<128x65536xf32, #tpu.memory_space<hbm>> -> memref<1x8192xf32, #tpu.memory_space<hbm>>
      %dma_start3A_64 = tpu.memref_squeeze %dma_start3A_63 : memref<1x8192xf32, #tpu.memory_space<hbm>> -> memref<8192xf32, #tpu.memory_space<hbm>>
      %dma_start3A_65 = arith.constant 16384 : i32
      %dma_start3A_66 = tpu.memref_slice %arg3[%add3A_16, %dma_start3A_65] : memref<128x65536xf32, #tpu.memory_space<hbm>> -> memref<1x8192xf32, #tpu.memory_space<hbm>>
      %dma_start3A_67 = tpu.memref_squeeze %dma_start3A_66 : memref<1x8192xf32, #tpu.memory_space<hbm>> -> memref<8192xf32, #tpu.memory_space<hbm>>
      tpu.enqueue_dma source(%dma_start3A_67 : memref<8192xf32, #tpu.memory_space<hbm>>) target(%arg7 : memref<8192xf32, #tpu.memory_space<vmem>>) target_semaphore(%arg10 : memref<!tpu.dma_semaphore, #tpu.memory_space<semaphore_mem>>)
      %dma_wait3A_68 = arith.constant 8192 : i32
      %dma_wait3A_69 = tpu.memref_slice %arg2[%add3A_16, %dma_wait3A_68] : memref<128x65536xi32, #tpu.memory_space<hbm>> -> memref<1x8192xi32, #tpu.memory_space<hbm>>
      %dma_wait3A_70 = tpu.memref_squeeze %dma_wait3A_69 : memref<1x8192xi32, #tpu.memory_space<hbm>> -> memref<8192xi32, #tpu.memory_space<hbm>>
      %dma_wait3A_71 = arith.constant 8192 : i32
      %dma_wait3A_72 = tpu.memref_slice %arg2[%add3A_16, %dma_wait3A_71] : memref<128x65536xi32, #tpu.memory_space<hbm>> -> memref<1x8192xi32, #tpu.memory_space<hbm>>
      %dma_wait3A_73 = tpu.memref_squeeze %dma_wait3A_72 : memref<1x8192xi32, #tpu.memory_space<hbm>> -> memref<8192xi32, #tpu.memory_space<hbm>>
      tpu.wait_dma2 semaphore(%arg11 : memref<!tpu.dma_semaphore, #tpu.memory_space<semaphore_mem>>) src(%dma_wait3A_73 : memref<8192xi32, #tpu.memory_space<hbm>>) dst(%arg8 : memref<8192xi32, #tpu.memory_space<vmem>>)
      %dma_wait3A_74 = arith.constant 8192 : i32
      %dma_wait3A_75 = tpu.memref_slice %arg3[%add3A_16, %dma_wait3A_74] : memref<128x65536xf32, #tpu.memory_space<hbm>> -> memref<1x8192xf32, #tpu.memory_space<hbm>>
      %dma_wait3A_76 = tpu.memref_squeeze %dma_wait3A_75 : memref<1x8192xf32, #tpu.memory_space<hbm>> -> memref<8192xf32, #tpu.memory_space<hbm>>
      %dma_wait3A_77 = arith.constant 8192 : i32
      %dma_wait3A_78 = tpu.memref_slice %arg3[%add3A_16, %dma_wait3A_77] : memref<128x65536xf32, #tpu.memory_space<hbm>> -> memref<1x8192xf32, #tpu.memory_space<hbm>>
      %dma_wait3A_79 = tpu.memref_squeeze %dma_wait3A_78 : memref<1x8192xf32, #tpu.memory_space<hbm>> -> memref<8192xf32, #tpu.memory_space<hbm>>
      tpu.wait_dma2 semaphore(%arg11 : memref<!tpu.dma_semaphore, #tpu.memory_space<semaphore_mem>>) src(%dma_wait3A_79 : memref<8192xf32, #tpu.memory_space<hbm>>) dst(%arg9 : memref<8192xf32, #tpu.memory_space<vmem>>)
      %parallel_loop3A_80 = arith.constant 0 : i32
      %parallel_loop3A_81 = arith.constant 512 : i32
      %parallel_loop3A_82 = arith.constant 1 : i32
      scf.for %parallel_loop3A_233 = %parallel_loop3A_80 to %parallel_loop3A_81 step %parallel_loop3A_82  : i32 {
        %parallel_loop3A_234 = arith.constant 16 : i32
        %parallel_loop3A_235 = arith.muli %parallel_loop3A_233, %parallel_loop3A_234 : i32
        %parallel_loop3A_236 = arith.index_cast %parallel_loop3A_235 : i32 to index
        %parallel_loop3A_237 = tpu.vector_load %arg8[%parallel_loop3A_236] {strides = array<i32>} : memref<8192xi32, #tpu.memory_space<vmem>>, vector<16xi32>,
        %parallel_loop3A_238 = arith.constant 16 : i32
        %parallel_loop3A_239 = arith.muli %parallel_loop3A_233, %parallel_loop3A_238 : i32
        %parallel_loop3A_240 = arith.index_cast %parallel_loop3A_239 : i32 to index
        %parallel_loop3A_241 = tpu.vector_load %arg9[%parallel_loop3A_240] {strides = array<i32>} : memref<8192xf32, #tpu.memory_space<vmem>>, vector<16xf32>,
        %parallel_loop3A_242 = arith.constant 65536 : i32
        %parallel_loop3A_243 = vector.broadcast %parallel_loop3A_242 : i32 to vector<16xi32>
        %parallel_loop3A_244 = arith.cmpi slt, %parallel_loop3A_237, %parallel_loop3A_243 : vector<16xi32>
        tpu.vector_store_idx %arg5[%parallel_loop3A_237], %parallel_loop3A_241 masked %parallel_loop3A_244 {add = true} : memref<65536xf32, #tpu.memory_space<vmem>>[vector<16xi32>], vector<16xf32>, vector<16xi1>
      } {sc.loop_unroll_factor = 8 : i64, sc.parallel_access}
      %dma_start3A_83 = arith.constant 24576 : i32
      %dma_start3A_84 = tpu.memref_slice %arg2[%add3A_16, %dma_start3A_83] : memref<128x65536xi32, #tpu.memory_space<hbm>> -> memref<1x8192xi32, #tpu.memory_space<hbm>>
      %dma_start3A_85 = tpu.memref_squeeze %dma_start3A_84 : memref<1x8192xi32, #tpu.memory_space<hbm>> -> memref<8192xi32, #tpu.memory_space<hbm>>
      %dma_start3A_86 = arith.constant 24576 : i32
      %dma_start3A_87 = tpu.memref_slice %arg2[%add3A_16, %dma_start3A_86] : memref<128x65536xi32, #tpu.memory_space<hbm>> -> memref<1x8192xi32, #tpu.memory_space<hbm>>
      %dma_start3A_88 = tpu.memref_squeeze %dma_start3A_87 : memref<1x8192xi32, #tpu.memory_space<hbm>> -> memref<8192xi32, #tpu.memory_space<hbm>>
      tpu.enqueue_dma source(%dma_start3A_88 : memref<8192xi32, #tpu.memory_space<hbm>>) target(%arg8 : memref<8192xi32, #tpu.memory_space<vmem>>) target_semaphore(%arg11 : memref<!tpu.dma_semaphore, #tpu.memory_space<semaphore_mem>>)
      %dma_start3A_89 = arith.constant 24576 : i32
      %dma_start3A_90 = tpu.memref_slice %arg3[%add3A_16, %dma_start3A_89] : memref<128x65536xf32, #tpu.memory_space<hbm>> -> memref<1x8192xf32, #tpu.memory_space<hbm>>
      %dma_start3A_91 = tpu.memref_squeeze %dma_start3A_90 : memref<1x8192xf32, #tpu.memory_space<hbm>> -> memref<8192xf32, #tpu.memory_space<hbm>>
      %dma_start3A_92 = arith.constant 24576 : i32
      %dma_start3A_93 = tpu.memref_slice %arg3[%add3A_16, %dma_start3A_92] : memref<128x65536xf32, #tpu.memory_space<hbm>> -> memref<1x8192xf32, #tpu.memory_space<hbm>>
      %dma_start3A_94 = tpu.memref_squeeze %dma_start3A_93 : memref<1x8192xf32, #tpu.memory_space<hbm>> -> memref<8192xf32, #tpu.memory_space<hbm>>
      tpu.enqueue_dma source(%dma_start3A_94 : memref<8192xf32, #tpu.memory_space<hbm>>) target(%arg9 : memref<8192xf32, #tpu.memory_space<vmem>>) target_semaphore(%arg11 : memref<!tpu.dma_semaphore, #tpu.memory_space<semaphore_mem>>)
      %dma_wait3A_95 = arith.constant 16384 : i32
      %dma_wait3A_96 = tpu.memref_slice %arg2[%add3A_16, %dma_wait3A_95] : memref<128x65536xi32, #tpu.memory_space<hbm>> -> memref<1x8192xi32, #tpu.memory_space<hbm>>
      %dma_wait3A_97 = tpu.memref_squeeze %dma_wait3A_96 : memref<1x8192xi32, #tpu.memory_space<hbm>> -> memref<8192xi32, #tpu.memory_space<hbm>>
      %dma_wait3A_98 = arith.constant 16384 : i32
      %dma_wait3A_99 = tpu.memref_slice %arg2[%add3A_16, %dma_wait3A_98] : memref<128x65536xi32, #tpu.memory_space<hbm>> -> memref<1x8192xi32, #tpu.memory_space<hbm>>
      %dma_wait3A_100 = tpu.memref_squeeze %dma_wait3A_99 : memref<1x8192xi32, #tpu.memory_space<hbm>> -> memref<8192xi32, #tpu.memory_space<hbm>>
      tpu.wait_dma2 semaphore(%arg10 : memref<!tpu.dma_semaphore, #tpu.memory_space<semaphore_mem>>) src(%dma_wait3A_100 : memref<8192xi32, #tpu.memory_space<hbm>>) dst(%arg6 : memref<8192xi32, #tpu.memory_space<vmem>>)
      %dma_wait3A_101 = arith.constant 16384 : i32
      %dma_wait3A_102 = tpu.memref_slice %arg3[%add3A_16, %dma_wait3A_101] : memref<128x65536xf32, #tpu.memory_space<hbm>> -> memref<1x8192xf32, #tpu.memory_space<hbm>>
      %dma_wait3A_103 = tpu.memref_squeeze %dma_wait3A_102 : memref<1x8192xf32, #tpu.memory_space<hbm>> -> memref<8192xf32, #tpu.memory_space<hbm>>
      %dma_wait3A_104 = arith.constant 16384 : i32
      %dma_wait3A_105 = tpu.memref_slice %arg3[%add3A_16, %dma_wait3A_104] : memref<128x65536xf32, #tpu.memory_space<hbm>> -> memref<1x8192xf32, #tpu.memory_space<hbm>>
      %dma_wait3A_106 = tpu.memref_squeeze %dma_wait3A_105 : memref<1x8192xf32, #tpu.memory_space<hbm>> -> memref<8192xf32, #tpu.memory_space<hbm>>
      tpu.wait_dma2 semaphore(%arg10 : memref<!tpu.dma_semaphore, #tpu.memory_space<semaphore_mem>>) src(%dma_wait3A_106 : memref<8192xf32, #tpu.memory_space<hbm>>) dst(%arg7 : memref<8192xf32, #tpu.memory_space<vmem>>)
      %parallel_loop3A_107 = arith.constant 0 : i32
      %parallel_loop3A_108 = arith.constant 512 : i32
      %parallel_loop3A_109 = arith.constant 1 : i32
      scf.for %parallel_loop3A_233 = %parallel_loop3A_107 to %parallel_loop3A_108 step %parallel_loop3A_109  : i32 {
        %parallel_loop3A_234 = arith.constant 16 : i32
        %parallel_loop3A_235 = arith.muli %parallel_loop3A_233, %parallel_loop3A_234 : i32
        %parallel_loop3A_236 = arith.index_cast %parallel_loop3A_235 : i32 to index
        %parallel_loop3A_237 = tpu.vector_load %arg6[%parallel_loop3A_236] {strides = array<i32>} : memref<8192xi32, #tpu.memory_space<vmem>>, vector<16xi32>,
        %parallel_loop3A_238 = arith.constant 16 : i32
        %parallel_loop3A_239 = arith.muli %parallel_loop3A_233, %parallel_loop3A_238 : i32
        %parallel_loop3A_240 = arith.index_cast %parallel_loop3A_239 : i32 to index
        %parallel_loop3A_241 = tpu.vector_load %arg7[%parallel_loop3A_240] {strides = array<i32>} : memref<8192xf32, #tpu.memory_space<vmem>>, vector<16xf32>,
        %parallel_loop3A_242 = arith.constant 65536 : i32
        %parallel_loop3A_243 = vector.broadcast %parallel_loop3A_242 : i32 to vector<16xi32>
        %parallel_loop3A_244 = arith.cmpi slt, %parallel_loop3A_237, %parallel_loop3A_243 : vector<16xi32>
        tpu.vector_store_idx %arg5[%parallel_loop3A_237], %parallel_loop3A_241 masked %parallel_loop3A_244 {add = true} : memref<65536xf32, #tpu.memory_space<vmem>>[vector<16xi32>], vector<16xf32>, vector<16xi1>
      } {sc.loop_unroll_factor = 8 : i64, sc.parallel_access}
      %dma_start3A_110 = arith.constant 32768 : i32
      %dma_start3A_111 = tpu.memref_slice %arg2[%add3A_16, %dma_start3A_110] : memref<128x65536xi32, #tpu.memory_space<hbm>> -> memref<1x8192xi32, #tpu.memory_space<hbm>>
      %dma_start3A_112 = tpu.memref_squeeze %dma_start3A_111 : memref<1x8192xi32, #tpu.memory_space<hbm>> -> memref<8192xi32, #tpu.memory_space<hbm>>
      %dma_start3A_113 = arith.constant 32768 : i32
      %dma_start3A_114 = tpu.memref_slice %arg2[%add3A_16, %dma_start3A_113] : memref<128x65536xi32, #tpu.memory_space<hbm>> -> memref<1x8192xi32, #tpu.memory_space<hbm>>
      %dma_start3A_115 = tpu.memref_squeeze %dma_start3A_114 : memref<1x8192xi32, #tpu.memory_space<hbm>> -> memref<8192xi32, #tpu.memory_space<hbm>>
      tpu.enqueue_dma source(%dma_start3A_115 : memref<8192xi32, #tpu.memory_space<hbm>>) target(%arg6 : memref<8192xi32, #tpu.memory_space<vmem>>) target_semaphore(%arg10 : memref<!tpu.dma_semaphore, #tpu.memory_space<semaphore_mem>>)
      %dma_start3A_116 = arith.constant 32768 : i32
      %dma_start3A_117 = tpu.memref_slice %arg3[%add3A_16, %dma_start3A_116] : memref<128x65536xf32, #tpu.memory_space<hbm>> -> memref<1x8192xf32, #tpu.memory_space<hbm>>
      %dma_start3A_118 = tpu.memref_squeeze %dma_start3A_117 : memref<1x8192xf32, #tpu.memory_space<hbm>> -> memref<8192xf32, #tpu.memory_space<hbm>>
      %dma_start3A_119 = arith.constant 32768 : i32
      %dma_start3A_120 = tpu.memref_slice %arg3[%add3A_16, %dma_start3A_119] : memref<128x65536xf32, #tpu.memory_space<hbm>> -> memref<1x8192xf32, #tpu.memory_space<hbm>>
      %dma_start3A_121 = tpu.memref_squeeze %dma_start3A_120 : memref<1x8192xf32, #tpu.memory_space<hbm>> -> memref<8192xf32, #tpu.memory_space<hbm>>
      tpu.enqueue_dma source(%dma_start3A_121 : memref<8192xf32, #tpu.memory_space<hbm>>) target(%arg7 : memref<8192xf32, #tpu.memory_space<vmem>>) target_semaphore(%arg10 : memref<!tpu.dma_semaphore, #tpu.memory_space<semaphore_mem>>)
      %dma_wait3A_122 = arith.constant 24576 : i32
      %dma_wait3A_123 = tpu.memref_slice %arg2[%add3A_16, %dma_wait3A_122] : memref<128x65536xi32, #tpu.memory_space<hbm>> -> memref<1x8192xi32, #tpu.memory_space<hbm>>
      %dma_wait3A_124 = tpu.memref_squeeze %dma_wait3A_123 : memref<1x8192xi32, #tpu.memory_space<hbm>> -> memref<8192xi32, #tpu.memory_space<hbm>>
      %dma_wait3A_125 = arith.constant 24576 : i32
      %dma_wait3A_126 = tpu.memref_slice %arg2[%add3A_16, %dma_wait3A_125] : memref<128x65536xi32, #tpu.memory_space<hbm>> -> memref<1x8192xi32, #tpu.memory_space<hbm>>
      %dma_wait3A_127 = tpu.memref_squeeze %dma_wait3A_126 : memref<1x8192xi32, #tpu.memory_space<hbm>> -> memref<8192xi32, #tpu.memory_space<hbm>>
      tpu.wait_dma2 semaphore(%arg11 : memref<!tpu.dma_semaphore, #tpu.memory_space<semaphore_mem>>) src(%dma_wait3A_127 : memref<8192xi32, #tpu.memory_space<hbm>>) dst(%arg8 : memref<8192xi32, #tpu.memory_space<vmem>>)
      %dma_wait3A_128 = arith.constant 24576 : i32
      %dma_wait3A_129 = tpu.memref_slice %arg3[%add3A_16, %dma_wait3A_128] : memref<128x65536xf32, #tpu.memory_space<hbm>> -> memref<1x8192xf32, #tpu.memory_space<hbm>>
      %dma_wait3A_130 = tpu.memref_squeeze %dma_wait3A_129 : memref<1x8192xf32, #tpu.memory_space<hbm>> -> memref<8192xf32, #tpu.memory_space<hbm>>
      %dma_wait3A_131 = arith.constant 24576 : i32
      %dma_wait3A_132 = tpu.memref_slice %arg3[%add3A_16, %dma_wait3A_131] : memref<128x65536xf32, #tpu.memory_space<hbm>> -> memref<1x8192xf32, #tpu.memory_space<hbm>>
      %dma_wait3A_133 = tpu.memref_squeeze %dma_wait3A_132 : memref<1x8192xf32, #tpu.memory_space<hbm>> -> memref<8192xf32, #tpu.memory_space<hbm>>
      tpu.wait_dma2 semaphore(%arg11 : memref<!tpu.dma_semaphore, #tpu.memory_space<semaphore_mem>>) src(%dma_wait3A_133 : memref<8192xf32, #tpu.memory_space<hbm>>) dst(%arg9 : memref<8192xf32, #tpu.memory_space<vmem>>)
      %parallel_loop3A_134 = arith.constant 0 : i32
      %parallel_loop3A_135 = arith.constant 512 : i32
      %parallel_loop3A_136 = arith.constant 1 : i32
      scf.for %parallel_loop3A_233 = %parallel_loop3A_134 to %parallel_loop3A_135 step %parallel_loop3A_136  : i32 {
        %parallel_loop3A_234 = arith.constant 16 : i32
        %parallel_loop3A_235 = arith.muli %parallel_loop3A_233, %parallel_loop3A_234 : i32
        %parallel_loop3A_236 = arith.index_cast %parallel_loop3A_235 : i32 to index
        %parallel_loop3A_237 = tpu.vector_load %arg8[%parallel_loop3A_236] {strides = array<i32>} : memref<8192xi32, #tpu.memory_space<vmem>>, vector<16xi32>,
        %parallel_loop3A_238 = arith.constant 16 : i32
        %parallel_loop3A_239 = arith.muli %parallel_loop3A_233, %parallel_loop3A_238 : i32
        %parallel_loop3A_240 = arith.index_cast %parallel_loop3A_239 : i32 to index
        %parallel_loop3A_241 = tpu.vector_load %arg9[%parallel_loop3A_240] {strides = array<i32>} : memref<8192xf32, #tpu.memory_space<vmem>>, vector<16xf32>,
        %parallel_loop3A_242 = arith.constant 65536 : i32
        %parallel_loop3A_243 = vector.broadcast %parallel_loop3A_242 : i32 to vector<16xi32>
        %parallel_loop3A_244 = arith.cmpi slt, %parallel_loop3A_237, %parallel_loop3A_243 : vector<16xi32>
        tpu.vector_store_idx %arg5[%parallel_loop3A_237], %parallel_loop3A_241 masked %parallel_loop3A_244 {add = true} : memref<65536xf32, #tpu.memory_space<vmem>>[vector<16xi32>], vector<16xf32>, vector<16xi1>
      } {sc.loop_unroll_factor = 8 : i64, sc.parallel_access}
      %dma_start3A_137 = arith.constant 40960 : i32
      %dma_start3A_138 = tpu.memref_slice %arg2[%add3A_16, %dma_start3A_137] : memref<128x65536xi32, #tpu.memory_space<hbm>> -> memref<1x8192xi32, #tpu.memory_space<hbm>>
      %dma_start3A_139 = tpu.memref_squeeze %dma_start3A_138 : memref<1x8192xi32, #tpu.memory_space<hbm>> -> memref<8192xi32, #tpu.memory_space<hbm>>
      %dma_start3A_140 = arith.constant 40960 : i32
      %dma_start3A_141 = tpu.memref_slice %arg2[%add3A_16, %dma_start3A_140] : memref<128x65536xi32, #tpu.memory_space<hbm>> -> memref<1x8192xi32, #tpu.memory_space<hbm>>
      %dma_start3A_142 = tpu.memref_squeeze %dma_start3A_141 : memref<1x8192xi32, #tpu.memory_space<hbm>> -> memref<8192xi32, #tpu.memory_space<hbm>>
      tpu.enqueue_dma source(%dma_start3A_142 : memref<8192xi32, #tpu.memory_space<hbm>>) target(%arg8 : memref<8192xi32, #tpu.memory_space<vmem>>) target_semaphore(%arg11 : memref<!tpu.dma_semaphore, #tpu.memory_space<semaphore_mem>>)
      %dma_start3A_143 = arith.constant 40960 : i32
      %dma_start3A_144 = tpu.memref_slice %arg3[%add3A_16, %dma_start3A_143] : memref<128x65536xf32, #tpu.memory_space<hbm>> -> memref<1x8192xf32, #tpu.memory_space<hbm>>
      %dma_start3A_145 = tpu.memref_squeeze %dma_start3A_144 : memref<1x8192xf32, #tpu.memory_space<hbm>> -> memref<8192xf32, #tpu.memory_space<hbm>>
      %dma_start3A_146 = arith.constant 40960 : i32
      %dma_start3A_147 = tpu.memref_slice %arg3[%add3A_16, %dma_start3A_146] : memref<128x65536xf32, #tpu.memory_space<hbm>> -> memref<1x8192xf32, #tpu.memory_space<hbm>>
      %dma_start3A_148 = tpu.memref_squeeze %dma_start3A_147 : memref<1x8192xf32, #tpu.memory_space<hbm>> -> memref<8192xf32, #tpu.memory_space<hbm>>
      tpu.enqueue_dma source(%dma_start3A_148 : memref<8192xf32, #tpu.memory_space<hbm>>) target(%arg9 : memref<8192xf32, #tpu.memory_space<vmem>>) target_semaphore(%arg11 : memref<!tpu.dma_semaphore, #tpu.memory_space<semaphore_mem>>)
      %dma_wait3A_149 = arith.constant 32768 : i32
      %dma_wait3A_150 = tpu.memref_slice %arg2[%add3A_16, %dma_wait3A_149] : memref<128x65536xi32, #tpu.memory_space<hbm>> -> memref<1x8192xi32, #tpu.memory_space<hbm>>
      %dma_wait3A_151 = tpu.memref_squeeze %dma_wait3A_150 : memref<1x8192xi32, #tpu.memory_space<hbm>> -> memref<8192xi32, #tpu.memory_space<hbm>>
      %dma_wait3A_152 = arith.constant 32768 : i32
      %dma_wait3A_153 = tpu.memref_slice %arg2[%add3A_16, %dma_wait3A_152] : memref<128x65536xi32, #tpu.memory_space<hbm>> -> memref<1x8192xi32, #tpu.memory_space<hbm>>
      %dma_wait3A_154 = tpu.memref_squeeze %dma_wait3A_153 : memref<1x8192xi32, #tpu.memory_space<hbm>> -> memref<8192xi32, #tpu.memory_space<hbm>>
      tpu.wait_dma2 semaphore(%arg10 : memref<!tpu.dma_semaphore, #tpu.memory_space<semaphore_mem>>) src(%dma_wait3A_154 : memref<8192xi32, #tpu.memory_space<hbm>>) dst(%arg6 : memref<8192xi32, #tpu.memory_space<vmem>>)
      %dma_wait3A_155 = arith.constant 32768 : i32
      %dma_wait3A_156 = tpu.memref_slice %arg3[%add3A_16, %dma_wait3A_155] : memref<128x65536xf32, #tpu.memory_space<hbm>> -> memref<1x8192xf32, #tpu.memory_space<hbm>>
      %dma_wait3A_157 = tpu.memref_squeeze %dma_wait3A_156 : memref<1x8192xf32, #tpu.memory_space<hbm>> -> memref<8192xf32, #tpu.memory_space<hbm>>
      %dma_wait3A_158 = arith.constant 32768 : i32
      %dma_wait3A_159 = tpu.memref_slice %arg3[%add3A_16, %dma_wait3A_158] : memref<128x65536xf32, #tpu.memory_space<hbm>> -> memref<1x8192xf32, #tpu.memory_space<hbm>>
      %dma_wait3A_160 = tpu.memref_squeeze %dma_wait3A_159 : memref<1x8192xf32, #tpu.memory_space<hbm>> -> memref<8192xf32, #tpu.memory_space<hbm>>
      tpu.wait_dma2 semaphore(%arg10 : memref<!tpu.dma_semaphore, #tpu.memory_space<semaphore_mem>>) src(%dma_wait3A_160 : memref<8192xf32, #tpu.memory_space<hbm>>) dst(%arg7 : memref<8192xf32, #tpu.memory_space<vmem>>)
      %parallel_loop3A_161 = arith.constant 0 : i32
      %parallel_loop3A_162 = arith.constant 512 : i32
      %parallel_loop3A_163 = arith.constant 1 : i32
      scf.for %parallel_loop3A_233 = %parallel_loop3A_161 to %parallel_loop3A_162 step %parallel_loop3A_163  : i32 {
        %parallel_loop3A_234 = arith.constant 16 : i32
        %parallel_loop3A_235 = arith.muli %parallel_loop3A_233, %parallel_loop3A_234 : i32
        %parallel_loop3A_236 = arith.index_cast %parallel_loop3A_235 : i32 to index
        %parallel_loop3A_237 = tpu.vector_load %arg6[%parallel_loop3A_236] {strides = array<i32>} : memref<8192xi32, #tpu.memory_space<vmem>>, vector<16xi32>,
        %parallel_loop3A_238 = arith.constant 16 : i32
        %parallel_loop3A_239 = arith.muli %parallel_loop3A_233, %parallel_loop3A_238 : i32
        %parallel_loop3A_240 = arith.index_cast %parallel_loop3A_239 : i32 to index
        %parallel_loop3A_241 = tpu.vector_load %arg7[%parallel_loop3A_240] {strides = array<i32>} : memref<8192xf32, #tpu.memory_space<vmem>>, vector<16xf32>,
        %parallel_loop3A_242 = arith.constant 65536 : i32
        %parallel_loop3A_243 = vector.broadcast %parallel_loop3A_242 : i32 to vector<16xi32>
        %parallel_loop3A_244 = arith.cmpi slt, %parallel_loop3A_237, %parallel_loop3A_243 : vector<16xi32>
        tpu.vector_store_idx %arg5[%parallel_loop3A_237], %parallel_loop3A_241 masked %parallel_loop3A_244 {add = true} : memref<65536xf32, #tpu.memory_space<vmem>>[vector<16xi32>], vector<16xf32>, vector<16xi1>
      } {sc.loop_unroll_factor = 8 : i64, sc.parallel_access}
      %dma_start3A_164 = arith.constant 49152 : i32
      %dma_start3A_165 = tpu.memref_slice %arg2[%add3A_16, %dma_start3A_164] : memref<128x65536xi32, #tpu.memory_space<hbm>> -> memref<1x8192xi32, #tpu.memory_space<hbm>>
      %dma_start3A_166 = tpu.memref_squeeze %dma_start3A_165 : memref<1x8192xi32, #tpu.memory_space<hbm>> -> memref<8192xi32, #tpu.memory_space<hbm>>
      %dma_start3A_167 = arith.constant 49152 : i32
      %dma_start3A_168 = tpu.memref_slice %arg2[%add3A_16, %dma_start3A_167] : memref<128x65536xi32, #tpu.memory_space<hbm>> -> memref<1x8192xi32, #tpu.memory_space<hbm>>
      %dma_start3A_169 = tpu.memref_squeeze %dma_start3A_168 : memref<1x8192xi32, #tpu.memory_space<hbm>> -> memref<8192xi32, #tpu.memory_space<hbm>>
      tpu.enqueue_dma source(%dma_start3A_169 : memref<8192xi32, #tpu.memory_space<hbm>>) target(%arg6 : memref<8192xi32, #tpu.memory_space<vmem>>) target_semaphore(%arg10 : memref<!tpu.dma_semaphore, #tpu.memory_space<semaphore_mem>>)
      %dma_start3A_170 = arith.constant 49152 : i32
      %dma_start3A_171 = tpu.memref_slice %arg3[%add3A_16, %dma_start3A_170] : memref<128x65536xf32, #tpu.memory_space<hbm>> -> memref<1x8192xf32, #tpu.memory_space<hbm>>
      %dma_start3A_172 = tpu.memref_squeeze %dma_start3A_171 : memref<1x8192xf32, #tpu.memory_space<hbm>> -> memref<8192xf32, #tpu.memory_space<hbm>>
      %dma_start3A_173 = arith.constant 49152 : i32
      %dma_start3A_174 = tpu.memref_slice %arg3[%add3A_16, %dma_start3A_173] : memref<128x65536xf32, #tpu.memory_space<hbm>> -> memref<1x8192xf32, #tpu.memory_space<hbm>>
      %dma_start3A_175 = tpu.memref_squeeze %dma_start3A_174 : memref<1x8192xf32, #tpu.memory_space<hbm>> -> memref<8192xf32, #tpu.memory_space<hbm>>
      tpu.enqueue_dma source(%dma_start3A_175 : memref<8192xf32, #tpu.memory_space<hbm>>) target(%arg7 : memref<8192xf32, #tpu.memory_space<vmem>>) target_semaphore(%arg10 : memref<!tpu.dma_semaphore, #tpu.memory_space<semaphore_mem>>)
      %dma_wait3A_176 = arith.constant 40960 : i32
      %dma_wait3A_177 = tpu.memref_slice %arg2[%add3A_16, %dma_wait3A_176] : memref<128x65536xi32, #tpu.memory_space<hbm>> -> memref<1x8192xi32, #tpu.memory_space<hbm>>
      %dma_wait3A_178 = tpu.memref_squeeze %dma_wait3A_177 : memref<1x8192xi32, #tpu.memory_space<hbm>> -> memref<8192xi32, #tpu.memory_space<hbm>>
      %dma_wait3A_179 = arith.constant 40960 : i32
      %dma_wait3A_180 = tpu.memref_slice %arg2[%add3A_16, %dma_wait3A_179] : memref<128x65536xi32, #tpu.memory_space<hbm>> -> memref<1x8192xi32, #tpu.memory_space<hbm>>
      %dma_wait3A_181 = tpu.memref_squeeze %dma_wait3A_180 : memref<1x8192xi32, #tpu.memory_space<hbm>> -> memref<8192xi32, #tpu.memory_space<hbm>>
      tpu.wait_dma2 semaphore(%arg11 : memref<!tpu.dma_semaphore, #tpu.memory_space<semaphore_mem>>) src(%dma_wait3A_181 : memref<8192xi32, #tpu.memory_space<hbm>>) dst(%arg8 : memref<8192xi32, #tpu.memory_space<vmem>>)
      %dma_wait3A_182 = arith.constant 40960 : i32
      %dma_wait3A_183 = tpu.memref_slice %arg3[%add3A_16, %dma_wait3A_182] : memref<128x65536xf32, #tpu.memory_space<hbm>> -> memref<1x8192xf32, #tpu.memory_space<hbm>>
      %dma_wait3A_184 = tpu.memref_squeeze %dma_wait3A_183 : memref<1x8192xf32, #tpu.memory_space<hbm>> -> memref<8192xf32, #tpu.memory_space<hbm>>
      %dma_wait3A_185 = arith.constant 40960 : i32
      %dma_wait3A_186 = tpu.memref_slice %arg3[%add3A_16, %dma_wait3A_185] : memref<128x65536xf32, #tpu.memory_space<hbm>> -> memref<1x8192xf32, #tpu.memory_space<hbm>>
      %dma_wait3A_187 = tpu.memref_squeeze %dma_wait3A_186 : memref<1x8192xf32, #tpu.memory_space<hbm>> -> memref<8192xf32, #tpu.memory_space<hbm>>
      tpu.wait_dma2 semaphore(%arg11 : memref<!tpu.dma_semaphore, #tpu.memory_space<semaphore_mem>>) src(%dma_wait3A_187 : memref<8192xf32, #tpu.memory_space<hbm>>) dst(%arg9 : memref<8192xf32, #tpu.memory_space<vmem>>)
      %parallel_loop3A_188 = arith.constant 0 : i32
      %parallel_loop3A_189 = arith.constant 512 : i32
      %parallel_loop3A_190 = arith.constant 1 : i32
      scf.for %parallel_loop3A_233 = %parallel_loop3A_188 to %parallel_loop3A_189 step %parallel_loop3A_190  : i32 {
        %parallel_loop3A_234 = arith.constant 16 : i32
        %parallel_loop3A_235 = arith.muli %parallel_loop3A_233, %parallel_loop3A_234 : i32
        %parallel_loop3A_236 = arith.index_cast %parallel_loop3A_235 : i32 to index
        %parallel_loop3A_237 = tpu.vector_load %arg8[%parallel_loop3A_236] {strides = array<i32>} : memref<8192xi32, #tpu.memory_space<vmem>>, vector<16xi32>,
        %parallel_loop3A_238 = arith.constant 16 : i32
        %parallel_loop3A_239 = arith.muli %parallel_loop3A_233, %parallel_loop3A_238 : i32
        %parallel_loop3A_240 = arith.index_cast %parallel_loop3A_239 : i32 to index
        %parallel_loop3A_241 = tpu.vector_load %arg9[%parallel_loop3A_240] {strides = array<i32>} : memref<8192xf32, #tpu.memory_space<vmem>>, vector<16xf32>,
        %parallel_loop3A_242 = arith.constant 65536 : i32
        %parallel_loop3A_243 = vector.broadcast %parallel_loop3A_242 : i32 to vector<16xi32>
        %parallel_loop3A_244 = arith.cmpi slt, %parallel_loop3A_237, %parallel_loop3A_243 : vector<16xi32>
        tpu.vector_store_idx %arg5[%parallel_loop3A_237], %parallel_loop3A_241 masked %parallel_loop3A_244 {add = true} : memref<65536xf32, #tpu.memory_space<vmem>>[vector<16xi32>], vector<16xf32>, vector<16xi1>
      } {sc.loop_unroll_factor = 8 : i64, sc.parallel_access}
      %dma_start3A_191 = arith.constant 57344 : i32
      %dma_start3A_192 = tpu.memref_slice %arg2[%add3A_16, %dma_start3A_191] : memref<128x65536xi32, #tpu.memory_space<hbm>> -> memref<1x8192xi32, #tpu.memory_space<hbm>>
      %dma_start3A_193 = tpu.memref_squeeze %dma_start3A_192 : memref<1x8192xi32, #tpu.memory_space<hbm>> -> memref<8192xi32, #tpu.memory_space<hbm>>
      %dma_start3A_194 = arith.constant 57344 : i32
      %dma_start3A_195 = tpu.memref_slice %arg2[%add3A_16, %dma_start3A_194] : memref<128x65536xi32, #tpu.memory_space<hbm>> -> memref<1x8192xi32, #tpu.memory_space<hbm>>
      %dma_start3A_196 = tpu.memref_squeeze %dma_start3A_195 : memref<1x8192xi32, #tpu.memory_space<hbm>> -> memref<8192xi32, #tpu.memory_space<hbm>>
      tpu.enqueue_dma source(%dma_start3A_196 : memref<8192xi32, #tpu.memory_space<hbm>>) target(%arg8 : memref<8192xi32, #tpu.memory_space<vmem>>) target_semaphore(%arg11 : memref<!tpu.dma_semaphore, #tpu.memory_space<semaphore_mem>>)
      %dma_start3A_197 = arith.constant 57344 : i32
      %dma_start3A_198 = tpu.memref_slice %arg3[%add3A_16, %dma_start3A_197] : memref<128x65536xf32, #tpu.memory_space<hbm>> -> memref<1x8192xf32, #tpu.memory_space<hbm>>
      %dma_start3A_199 = tpu.memref_squeeze %dma_start3A_198 : memref<1x8192xf32, #tpu.memory_space<hbm>> -> memref<8192xf32, #tpu.memory_space<hbm>>
      %dma_start3A_200 = arith.constant 57344 : i32
      %dma_start3A_201 = tpu.memref_slice %arg3[%add3A_16, %dma_start3A_200] : memref<128x65536xf32, #tpu.memory_space<hbm>> -> memref<1x8192xf32, #tpu.memory_space<hbm>>
      %dma_start3A_202 = tpu.memref_squeeze %dma_start3A_201 : memref<1x8192xf32, #tpu.memory_space<hbm>> -> memref<8192xf32, #tpu.memory_space<hbm>>
      tpu.enqueue_dma source(%dma_start3A_202 : memref<8192xf32, #tpu.memory_space<hbm>>) target(%arg9 : memref<8192xf32, #tpu.memory_space<vmem>>) target_semaphore(%arg11 : memref<!tpu.dma_semaphore, #tpu.memory_space<semaphore_mem>>)
      %dma_wait3A_203 = arith.constant 49152 : i32
      %dma_wait3A_204 = tpu.memref_slice %arg2[%add3A_16, %dma_wait3A_203] : memref<128x65536xi32, #tpu.memory_space<hbm>> -> memref<1x8192xi32, #tpu.memory_space<hbm>>
      %dma_wait3A_205 = tpu.memref_squeeze %dma_wait3A_204 : memref<1x8192xi32, #tpu.memory_space<hbm>> -> memref<8192xi32, #tpu.memory_space<hbm>>
      %dma_wait3A_206 = arith.constant 49152 : i32
      %dma_wait3A_207 = tpu.memref_slice %arg2[%add3A_16, %dma_wait3A_206] : memref<128x65536xi32, #tpu.memory_space<hbm>> -> memref<1x8192xi32, #tpu.memory_space<hbm>>
      %dma_wait3A_208 = tpu.memref_squeeze %dma_wait3A_207 : memref<1x8192xi32, #tpu.memory_space<hbm>> -> memref<8192xi32, #tpu.memory_space<hbm>>
      tpu.wait_dma2 semaphore(%arg10 : memref<!tpu.dma_semaphore, #tpu.memory_space<semaphore_mem>>) src(%dma_wait3A_208 : memref<8192xi32, #tpu.memory_space<hbm>>) dst(%arg6 : memref<8192xi32, #tpu.memory_space<vmem>>)
      %dma_wait3A_209 = arith.constant 49152 : i32
      %dma_wait3A_210 = tpu.memref_slice %arg3[%add3A_16, %dma_wait3A_209] : memref<128x65536xf32, #tpu.memory_space<hbm>> -> memref<1x8192xf32, #tpu.memory_space<hbm>>
      %dma_wait3A_211 = tpu.memref_squeeze %dma_wait3A_210 : memref<1x8192xf32, #tpu.memory_space<hbm>> -> memref<8192xf32, #tpu.memory_space<hbm>>
      %dma_wait3A_212 = arith.constant 49152 : i32
      %dma_wait3A_213 = tpu.memref_slice %arg3[%add3A_16, %dma_wait3A_212] : memref<128x65536xf32, #tpu.memory_space<hbm>> -> memref<1x8192xf32, #tpu.memory_space<hbm>>
      %dma_wait3A_214 = tpu.memref_squeeze %dma_wait3A_213 : memref<1x8192xf32, #tpu.memory_space<hbm>> -> memref<8192xf32, #tpu.memory_space<hbm>>
      tpu.wait_dma2 semaphore(%arg10 : memref<!tpu.dma_semaphore, #tpu.memory_space<semaphore_mem>>) src(%dma_wait3A_214 : memref<8192xf32, #tpu.memory_space<hbm>>) dst(%arg7 : memref<8192xf32, #tpu.memory_space<vmem>>)
      %parallel_loop3A_215 = arith.constant 0 : i32
      %parallel_loop3A_216 = arith.constant 512 : i32
      %parallel_loop3A_217 = arith.constant 1 : i32
      scf.for %parallel_loop3A_233 = %parallel_loop3A_215 to %parallel_loop3A_216 step %parallel_loop3A_217  : i32 {
        %parallel_loop3A_234 = arith.constant 16 : i32
        %parallel_loop3A_235 = arith.muli %parallel_loop3A_233, %parallel_loop3A_234 : i32
        %parallel_loop3A_236 = arith.index_cast %parallel_loop3A_235 : i32 to index
        %parallel_loop3A_237 = tpu.vector_load %arg6[%parallel_loop3A_236] {strides = array<i32>} : memref<8192xi32, #tpu.memory_space<vmem>>, vector<16xi32>,
        %parallel_loop3A_238 = arith.constant 16 : i32
        %parallel_loop3A_239 = arith.muli %parallel_loop3A_233, %parallel_loop3A_238 : i32
        %parallel_loop3A_240 = arith.index_cast %parallel_loop3A_239 : i32 to index
        %parallel_loop3A_241 = tpu.vector_load %arg7[%parallel_loop3A_240] {strides = array<i32>} : memref<8192xf32, #tpu.memory_space<vmem>>, vector<16xf32>,
        %parallel_loop3A_242 = arith.constant 65536 : i32
        %parallel_loop3A_243 = vector.broadcast %parallel_loop3A_242 : i32 to vector<16xi32>
        %parallel_loop3A_244 = arith.cmpi slt, %parallel_loop3A_237, %parallel_loop3A_243 : vector<16xi32>
        tpu.vector_store_idx %arg5[%parallel_loop3A_237], %parallel_loop3A_241 masked %parallel_loop3A_244 {add = true} : memref<65536xf32, #tpu.memory_space<vmem>>[vector<16xi32>], vector<16xf32>, vector<16xi1>
      } {sc.loop_unroll_factor = 8 : i64, sc.parallel_access}
      %dma_wait3A_218 = arith.constant 57344 : i32
      %dma_wait3A_219 = tpu.memref_slice %arg2[%add3A_16, %dma_wait3A_218] : memref<128x65536xi32, #tpu.memory_space<hbm>> -> memref<1x8192xi32, #tpu.memory_space<hbm>>
      %dma_wait3A_220 = tpu.memref_squeeze %dma_wait3A_219 : memref<1x8192xi32, #tpu.memory_space<hbm>> -> memref<8192xi32, #tpu.memory_space<hbm>>
      %dma_wait3A_221 = arith.constant 57344 : i32
      %dma_wait3A_222 = tpu.memref_slice %arg2[%add3A_16, %dma_wait3A_221] : memref<128x65536xi32, #tpu.memory_space<hbm>> -> memref<1x8192xi32, #tpu.memory_space<hbm>>
      %dma_wait3A_223 = tpu.memref_squeeze %dma_wait3A_222 : memref<1x8192xi32, #tpu.memory_space<hbm>> -> memref<8192xi32, #tpu.memory_space<hbm>>
      tpu.wait_dma2 semaphore(%arg11 : memref<!tpu.dma_semaphore, #tpu.memory_space<semaphore_mem>>) src(%dma_wait3A_223 : memref<8192xi32, #tpu.memory_space<hbm>>) dst(%arg8 : memref<8192xi32, #tpu.memory_space<vmem>>)
      %dma_wait3A_224 = arith.constant 57344 : i32
      %dma_wait3A_225 = tpu.memref_slice %arg3[%add3A_16, %dma_wait3A_224] : memref<128x65536xf32, #tpu.memory_space<hbm>> -> memref<1x8192xf32, #tpu.memory_space<hbm>>
      %dma_wait3A_226 = tpu.memref_squeeze %dma_wait3A_225 : memref<1x8192xf32, #tpu.memory_space<hbm>> -> memref<8192xf32, #tpu.memory_space<hbm>>
      %dma_wait3A_227 = arith.constant 57344 : i32
      %dma_wait3A_228 = tpu.memref_slice %arg3[%add3A_16, %dma_wait3A_227] : memref<128x65536xf32, #tpu.memory_space<hbm>> -> memref<1x8192xf32, #tpu.memory_space<hbm>>
      %dma_wait3A_229 = tpu.memref_squeeze %dma_wait3A_228 : memref<1x8192xf32, #tpu.memory_space<hbm>> -> memref<8192xf32, #tpu.memory_space<hbm>>
      tpu.wait_dma2 semaphore(%arg11 : memref<!tpu.dma_semaphore, #tpu.memory_space<semaphore_mem>>) src(%dma_wait3A_229 : memref<8192xf32, #tpu.memory_space<hbm>>) dst(%arg9 : memref<8192xf32, #tpu.memory_space<vmem>>)
      %parallel_loop3A_230 = arith.constant 0 : i32
      %parallel_loop3A_231 = arith.constant 512 : i32
      %parallel_loop3A_232 = arith.constant 1 : i32
      scf.for %parallel_loop3A_233 = %parallel_loop3A_230 to %parallel_loop3A_231 step %parallel_loop3A_232  : i32 {
        %parallel_loop3A_234 = arith.constant 16 : i32
        %parallel_loop3A_235 = arith.muli %parallel_loop3A_233, %parallel_loop3A_234 : i32
        %parallel_loop3A_236 = arith.index_cast %parallel_loop3A_235 : i32 to index
        %parallel_loop3A_237 = tpu.vector_load %arg8[%parallel_loop3A_236] {strides = array<i32>} : memref<8192xi32, #tpu.memory_space<vmem>>, vector<16xi32>,
        %parallel_loop3A_238 = arith.constant 16 : i32
        %parallel_loop3A_239 = arith.muli %parallel_loop3A_233, %parallel_loop3A_238 : i32
        %parallel_loop3A_240 = arith.index_cast %parallel_loop3A_239 : i32 to index
        %parallel_loop3A_241 = tpu.vector_load %arg9[%parallel_loop3A_240] {strides = array<i32>} : memref<8192xf32, #tpu.memory_space<vmem>>, vector<16xf32>,
        %parallel_loop3A_242 = arith.constant 65536 : i32
        %parallel_loop3A_243 = vector.broadcast %parallel_loop3A_242 : i32 to vector<16xi32>
        %parallel_loop3A_244 = arith.cmpi slt, %parallel_loop3A_237, %parallel_loop3A_243 : vector<16xi32>
        tpu.vector_store_idx %arg5[%parallel_loop3A_237], %parallel_loop3A_241 masked %parallel_loop3A_244 {add = true} : memref<65536xf32, #tpu.memory_space<vmem>>[vector<16xi32>], vector<16xf32>, vector<16xi1>
      } {sc.loop_unroll_factor = 8 : i64, sc.parallel_access}
      "tpu.region"() ({
        %run_scoped3A = tpu.sem_alloc : memref<!tpu.dma_semaphore, #tpu.memory_space<semaphore_mem>>
        %dma_start3A_233 = arith.constant 0 : i32
        %dma_start3A_234 = tpu.memref_slice %arg4[%add3A_16, %dma_start3A_233] : memref<128x131072xf32, #tpu.memory_space<hbm>> -> memref<1x65536xf32, #tpu.memory_space<hbm>>
        %dma_start3A_235 = tpu.memref_squeeze %dma_start3A_234 : memref<1x65536xf32, #tpu.memory_space<hbm>> -> memref<65536xf32, #tpu.memory_space<hbm>>
        %dma_start3A_236 = arith.constant 0 : i32
        %dma_start3A_237 = tpu.memref_slice %arg4[%add3A_16, %dma_start3A_236] : memref<128x131072xf32, #tpu.memory_space<hbm>> -> memref<1x65536xf32, #tpu.memory_space<hbm>>
        %dma_start3A_238 = tpu.memref_squeeze %dma_start3A_237 : memref<1x65536xf32, #tpu.memory_space<hbm>> -> memref<65536xf32, #tpu.memory_space<hbm>>
        tpu.enqueue_dma source(%arg5 : memref<65536xf32, #tpu.memory_space<vmem>>) target(%dma_start3A_238 : memref<65536xf32, #tpu.memory_space<hbm>>) target_semaphore(%run_scoped3A : memref<!tpu.dma_semaphore, #tpu.memory_space<semaphore_mem>>)
        %dma_wait3A_239 = arith.constant 0 : i32
        %dma_wait3A_240 = tpu.memref_slice %arg4[%add3A_16, %dma_wait3A_239] : memref<128x131072xf32, #tpu.memory_space<hbm>> -> memref<1x65536xf32, #tpu.memory_space<hbm>>
        %dma_wait3A_241 = tpu.memref_squeeze %dma_wait3A_240 : memref<1x65536xf32, #tpu.memory_space<hbm>> -> memref<65536xf32, #tpu.memory_space<hbm>>
        %dma_wait3A_242 = arith.constant 0 : i32
        %dma_wait3A_243 = tpu.memref_slice %arg4[%add3A_16, %dma_wait3A_242] : memref<128x131072xf32, #tpu.memory_space<hbm>> -> memref<1x65536xf32, #tpu.memory_space<hbm>>
        %dma_wait3A_244 = tpu.memref_squeeze %dma_wait3A_243 : memref<1x65536xf32, #tpu.memory_space<hbm>> -> memref<65536xf32, #tpu.memory_space<hbm>>
        tpu.wait_dma2 semaphore(%run_scoped3A : memref<!tpu.dma_semaphore, #tpu.memory_space<semaphore_mem>>) src(%arg5 : memref<65536xf32, #tpu.memory_space<vmem>>) dst(%dma_wait3A_244 : memref<65536xf32, #tpu.memory_space<hbm>>)
        tpu.yield
      }) : () -> ()
    }
    %scan3A_6 = arith.constant 4 : i32
    %scan3A_7 = arith.constant 0 : i32
    %scan3A_8 = arith.constant 0 : i32
    %scan3A_9 = arith.constant 4 : i32
    %scan3A_10 = arith.addi %scan3A_8, %scan3A_9 : i32
    %scan3A_11 = arith.constant 1 : i32
    scf.for %scan3A_13 = %scan3A_8 to %scan3A_10 step %scan3A_11  : i32 {
      %mul3A_14 = arith.constant 32 : i32
      %mul3A_15 = arith.muli %scan3A_13, %mul3A_14 : i32
      %add3A_16 = arith.addi %mul3A_15, %add3A : i32
      %dma_start3A = arith.constant 0 : i32
      %dma_start3A_17 = tpu.memref_slice %arg2[%add3A_16, %dma_start3A] : memref<128x65536xi32, #tpu.memory_space<hbm>> -> memref<1x8192xi32, #tpu.memory_space<hbm>>
      %dma_start3A_18 = tpu.memref_squeeze %dma_start3A_17 : memref<1x8192xi32, #tpu.memory_space<hbm>> -> memref<8192xi32, #tpu.memory_space<hbm>>
      %dma_start3A_19 = arith.constant 0 : i32
      %dma_start3A_20 = tpu.memref_slice %arg2[%add3A_16, %dma_start3A_19] : memref<128x65536xi32, #tpu.memory_space<hbm>> -> memref<1x8192xi32, #tpu.memory_space<hbm>>
      %dma_start3A_21 = tpu.memref_squeeze %dma_start3A_20 : memref<1x8192xi32, #tpu.memory_space<hbm>> -> memref<8192xi32, #tpu.memory_space<hbm>>
      tpu.enqueue_dma source(%dma_start3A_21 : memref<8192xi32, #tpu.memory_space<hbm>>) target(%arg6 : memref<8192xi32, #tpu.memory_space<vmem>>) target_semaphore(%arg10 : memref<!tpu.dma_semaphore, #tpu.memory_space<semaphore_mem>>)
      %dma_start3A_22 = arith.constant 0 : i32
      %dma_start3A_23 = tpu.memref_slice %arg3[%add3A_16, %dma_start3A_22] : memref<128x65536xf32, #tpu.memory_space<hbm>> -> memref<1x8192xf32, #tpu.memory_space<hbm>>
      %dma_start3A_24 = tpu.memref_squeeze %dma_start3A_23 : memref<1x8192xf32, #tpu.memory_space<hbm>> -> memref<8192xf32, #tpu.memory_space<hbm>>
      %dma_start3A_25 = arith.constant 0 : i32
      %dma_start3A_26 = tpu.memref_slice %arg3[%add3A_16, %dma_start3A_25] : memref<128x65536xf32, #tpu.memory_space<hbm>> -> memref<1x8192xf32, #tpu.memory_space<hbm>>
      %dma_start3A_27 = tpu.memref_squeeze %dma_start3A_26 : memref<1x8192xf32, #tpu.memory_space<hbm>> -> memref<8192xf32, #tpu.memory_space<hbm>>
      tpu.enqueue_dma source(%dma_start3A_27 : memref<8192xf32, #tpu.memory_space<hbm>>) target(%arg7 : memref<8192xf32, #tpu.memory_space<vmem>>) target_semaphore(%arg10 : memref<!tpu.dma_semaphore, #tpu.memory_space<semaphore_mem>>)
      %parallel_loop3A = arith.constant 0 : i32
      %parallel_loop3A_28 = arith.constant 4096 : i32
      %parallel_loop3A_29 = arith.constant 1 : i32
      scf.for %parallel_loop3A_233 = %parallel_loop3A to %parallel_loop3A_28 step %parallel_loop3A_29  : i32 {
        %parallel_loop3A_234 = arith.constant 16 : i32
        %parallel_loop3A_235 = arith.muli %parallel_loop3A_233, %parallel_loop3A_234 : i32
        %parallel_loop3A_236 = arith.index_cast %parallel_loop3A_235 : i32 to index
        %parallel_loop3A_237 = tpu.vector_load %arg5[%parallel_loop3A_236] {strides = array<i32>} : memref<65536xf32, #tpu.memory_space<vmem>>, vector<16xf32>,
        tpu.vector_store %arg5[%parallel_loop3A_236], %broadcast_in_dim3A_1 {strides = array<i32>} : memref<65536xf32, #tpu.memory_space<vmem>>, vector<16xf32>,
      } {sc.loop_unroll_factor = 8 : i64, sc.parallel_access}
      %dma_start3A_30 = arith.constant 8192 : i32
      %dma_start3A_31 = tpu.memref_slice %arg2[%add3A_16, %dma_start3A_30] : memref<128x65536xi32, #tpu.memory_space<hbm>> -> memref<1x8192xi32, #tpu.memory_space<hbm>>
      %dma_start3A_32 = tpu.memref_squeeze %dma_start3A_31 : memref<1x8192xi32, #tpu.memory_space<hbm>> -> memref<8192xi32, #tpu.memory_space<hbm>>
      %dma_start3A_33 = arith.constant 8192 : i32
      %dma_start3A_34 = tpu.memref_slice %arg2[%add3A_16, %dma_start3A_33] : memref<128x65536xi32, #tpu.memory_space<hbm>> -> memref<1x8192xi32, #tpu.memory_space<hbm>>
      %dma_start3A_35 = tpu.memref_squeeze %dma_start3A_34 : memref<1x8192xi32, #tpu.memory_space<hbm>> -> memref<8192xi32, #tpu.memory_space<hbm>>
      tpu.enqueue_dma source(%dma_start3A_35 : memref<8192xi32, #tpu.memory_space<hbm>>) target(%arg8 : memref<8192xi32, #tpu.memory_space<vmem>>) target_semaphore(%arg11 : memref<!tpu.dma_semaphore, #tpu.memory_space<semaphore_mem>>)
      %dma_start3A_36 = arith.constant 8192 : i32
      %dma_start3A_37 = tpu.memref_slice %arg3[%add3A_16, %dma_start3A_36] : memref<128x65536xf32, #tpu.memory_space<hbm>> -> memref<1x8192xf32, #tpu.memory_space<hbm>>
      %dma_start3A_38 = tpu.memref_squeeze %dma_start3A_37 : memref<1x8192xf32, #tpu.memory_space<hbm>> -> memref<8192xf32, #tpu.memory_space<hbm>>
      %dma_start3A_39 = arith.constant 8192 : i32
      %dma_start3A_40 = tpu.memref_slice %arg3[%add3A_16, %dma_start3A_39] : memref<128x65536xf32, #tpu.memory_space<hbm>> -> memref<1x8192xf32, #tpu.memory_space<hbm>>
      %dma_start3A_41 = tpu.memref_squeeze %dma_start3A_40 : memref<1x8192xf32, #tpu.memory_space<hbm>> -> memref<8192xf32, #tpu.memory_space<hbm>>
      tpu.enqueue_dma source(%dma_start3A_41 : memref<8192xf32, #tpu.memory_space<hbm>>) target(%arg9 : memref<8192xf32, #tpu.memory_space<vmem>>) target_semaphore(%arg11 : memref<!tpu.dma_semaphore, #tpu.memory_space<semaphore_mem>>)
      %dma_wait3A = arith.constant 0 : i32
      %dma_wait3A_42 = tpu.memref_slice %arg2[%add3A_16, %dma_wait3A] : memref<128x65536xi32, #tpu.memory_space<hbm>> -> memref<1x8192xi32, #tpu.memory_space<hbm>>
      %dma_wait3A_43 = tpu.memref_squeeze %dma_wait3A_42 : memref<1x8192xi32, #tpu.memory_space<hbm>> -> memref<8192xi32, #tpu.memory_space<hbm>>
      %dma_wait3A_44 = arith.constant 0 : i32
      %dma_wait3A_45 = tpu.memref_slice %arg2[%add3A_16, %dma_wait3A_44] : memref<128x65536xi32, #tpu.memory_space<hbm>> -> memref<1x8192xi32, #tpu.memory_space<hbm>>
      %dma_wait3A_46 = tpu.memref_squeeze %dma_wait3A_45 : memref<1x8192xi32, #tpu.memory_space<hbm>> -> memref<8192xi32, #tpu.memory_space<hbm>>
      tpu.wait_dma2 semaphore(%arg10 : memref<!tpu.dma_semaphore, #tpu.memory_space<semaphore_mem>>) src(%dma_wait3A_46 : memref<8192xi32, #tpu.memory_space<hbm>>) dst(%arg6 : memref<8192xi32, #tpu.memory_space<vmem>>)
      %dma_wait3A_47 = arith.constant 0 : i32
      %dma_wait3A_48 = tpu.memref_slice %arg3[%add3A_16, %dma_wait3A_47] : memref<128x65536xf32, #tpu.memory_space<hbm>> -> memref<1x8192xf32, #tpu.memory_space<hbm>>
      %dma_wait3A_49 = tpu.memref_squeeze %dma_wait3A_48 : memref<1x8192xf32, #tpu.memory_space<hbm>> -> memref<8192xf32, #tpu.memory_space<hbm>>
      %dma_wait3A_50 = arith.constant 0 : i32
      %dma_wait3A_51 = tpu.memref_slice %arg3[%add3A_16, %dma_wait3A_50] : memref<128x65536xf32, #tpu.memory_space<hbm>> -> memref<1x8192xf32, #tpu.memory_space<hbm>>
      %dma_wait3A_52 = tpu.memref_squeeze %dma_wait3A_51 : memref<1x8192xf32, #tpu.memory_space<hbm>> -> memref<8192xf32, #tpu.memory_space<hbm>>
      tpu.wait_dma2 semaphore(%arg10 : memref<!tpu.dma_semaphore, #tpu.memory_space<semaphore_mem>>) src(%dma_wait3A_52 : memref<8192xf32, #tpu.memory_space<hbm>>) dst(%arg7 : memref<8192xf32, #tpu.memory_space<vmem>>)
      %parallel_loop3A_53 = arith.constant 0 : i32
      %parallel_loop3A_54 = arith.constant 512 : i32
      %parallel_loop3A_55 = arith.constant 1 : i32
      scf.for %parallel_loop3A_233 = %parallel_loop3A_53 to %parallel_loop3A_54 step %parallel_loop3A_55  : i32 {
        %parallel_loop3A_234 = arith.constant 16 : i32
        %parallel_loop3A_235 = arith.muli %parallel_loop3A_233, %parallel_loop3A_234 : i32
        %parallel_loop3A_236 = arith.index_cast %parallel_loop3A_235 : i32 to index
        %parallel_loop3A_237 = tpu.vector_load %arg6[%parallel_loop3A_236] {strides = array<i32>} : memref<8192xi32, #tpu.memory_space<vmem>>, vector<16xi32>,
        %parallel_loop3A_238 = arith.constant 16 : i32
        %parallel_loop3A_239 = arith.muli %parallel_loop3A_233, %parallel_loop3A_238 : i32
        %parallel_loop3A_240 = arith.index_cast %parallel_loop3A_239 : i32 to index
        %parallel_loop3A_241 = tpu.vector_load %arg7[%parallel_loop3A_240] {strides = array<i32>} : memref<8192xf32, #tpu.memory_space<vmem>>, vector<16xf32>,
        %parallel_loop3A_242 = arith.constant 65536 : i32
        %parallel_loop3A_243 = vector.broadcast %parallel_loop3A_242 : i32 to vector<16xi32>
        %parallel_loop3A_244 = arith.subi %parallel_loop3A_237, %parallel_loop3A_243 : vector<16xi32>
        %parallel_loop3A_245 = arith.constant 65536 : i32
        %parallel_loop3A_246 = vector.broadcast %parallel_loop3A_245 : i32 to vector<16xi32>
        %parallel_loop3A_247 = arith.cmpi sge, %parallel_loop3A_237, %parallel_loop3A_246 : vector<16xi32>
        tpu.vector_store_idx %arg5[%parallel_loop3A_244], %parallel_loop3A_241 masked %parallel_loop3A_247 {add = true} : memref<65536xf32, #tpu.memory_space<vmem>>[vector<16xi32>], vector<16xf32>, vector<16xi1>
      } {sc.loop_unroll_factor = 8 : i64, sc.parallel_access}
      %dma_start3A_56 = arith.constant 16384 : i32
      %dma_start3A_57 = tpu.memref_slice %arg2[%add3A_16, %dma_start3A_56] : memref<128x65536xi32, #tpu.memory_space<hbm>> -> memref<1x8192xi32, #tpu.memory_space<hbm>>
      %dma_start3A_58 = tpu.memref_squeeze %dma_start3A_57 : memref<1x8192xi32, #tpu.memory_space<hbm>> -> memref<8192xi32, #tpu.memory_space<hbm>>
      %dma_start3A_59 = arith.constant 16384 : i32
      %dma_start3A_60 = tpu.memref_slice %arg2[%add3A_16, %dma_start3A_59] : memref<128x65536xi32, #tpu.memory_space<hbm>> -> memref<1x8192xi32, #tpu.memory_space<hbm>>
      %dma_start3A_61 = tpu.memref_squeeze %dma_start3A_60 : memref<1x8192xi32, #tpu.memory_space<hbm>> -> memref<8192xi32, #tpu.memory_space<hbm>>
      tpu.enqueue_dma source(%dma_start3A_61 : memref<8192xi32, #tpu.memory_space<hbm>>) target(%arg6 : memref<8192xi32, #tpu.memory_space<vmem>>) target_semaphore(%arg10 : memref<!tpu.dma_semaphore, #tpu.memory_space<semaphore_mem>>)
      %dma_start3A_62 = arith.constant 16384 : i32
      %dma_start3A_63 = tpu.memref_slice %arg3[%add3A_16, %dma_start3A_62] : memref<128x65536xf32, #tpu.memory_space<hbm>> -> memref<1x8192xf32, #tpu.memory_space<hbm>>
      %dma_start3A_64 = tpu.memref_squeeze %dma_start3A_63 : memref<1x8192xf32, #tpu.memory_space<hbm>> -> memref<8192xf32, #tpu.memory_space<hbm>>
      %dma_start3A_65 = arith.constant 16384 : i32
      %dma_start3A_66 = tpu.memref_slice %arg3[%add3A_16, %dma_start3A_65] : memref<128x65536xf32, #tpu.memory_space<hbm>> -> memref<1x8192xf32, #tpu.memory_space<hbm>>
      %dma_start3A_67 = tpu.memref_squeeze %dma_start3A_66 : memref<1x8192xf32, #tpu.memory_space<hbm>> -> memref<8192xf32, #tpu.memory_space<hbm>>
      tpu.enqueue_dma source(%dma_start3A_67 : memref<8192xf32, #tpu.memory_space<hbm>>) target(%arg7 : memref<8192xf32, #tpu.memory_space<vmem>>) target_semaphore(%arg10 : memref<!tpu.dma_semaphore, #tpu.memory_space<semaphore_mem>>)
      %dma_wait3A_68 = arith.constant 8192 : i32
      %dma_wait3A_69 = tpu.memref_slice %arg2[%add3A_16, %dma_wait3A_68] : memref<128x65536xi32, #tpu.memory_space<hbm>> -> memref<1x8192xi32, #tpu.memory_space<hbm>>
      %dma_wait3A_70 = tpu.memref_squeeze %dma_wait3A_69 : memref<1x8192xi32, #tpu.memory_space<hbm>> -> memref<8192xi32, #tpu.memory_space<hbm>>
      %dma_wait3A_71 = arith.constant 8192 : i32
      %dma_wait3A_72 = tpu.memref_slice %arg2[%add3A_16, %dma_wait3A_71] : memref<128x65536xi32, #tpu.memory_space<hbm>> -> memref<1x8192xi32, #tpu.memory_space<hbm>>
      %dma_wait3A_73 = tpu.memref_squeeze %dma_wait3A_72 : memref<1x8192xi32, #tpu.memory_space<hbm>> -> memref<8192xi32, #tpu.memory_space<hbm>>
      tpu.wait_dma2 semaphore(%arg11 : memref<!tpu.dma_semaphore, #tpu.memory_space<semaphore_mem>>) src(%dma_wait3A_73 : memref<8192xi32, #tpu.memory_space<hbm>>) dst(%arg8 : memref<8192xi32, #tpu.memory_space<vmem>>)
      %dma_wait3A_74 = arith.constant 8192 : i32
      %dma_wait3A_75 = tpu.memref_slice %arg3[%add3A_16, %dma_wait3A_74] : memref<128x65536xf32, #tpu.memory_space<hbm>> -> memref<1x8192xf32, #tpu.memory_space<hbm>>
      %dma_wait3A_76 = tpu.memref_squeeze %dma_wait3A_75 : memref<1x8192xf32, #tpu.memory_space<hbm>> -> memref<8192xf32, #tpu.memory_space<hbm>>
      %dma_wait3A_77 = arith.constant 8192 : i32
      %dma_wait3A_78 = tpu.memref_slice %arg3[%add3A_16, %dma_wait3A_77] : memref<128x65536xf32, #tpu.memory_space<hbm>> -> memref<1x8192xf32, #tpu.memory_space<hbm>>
      %dma_wait3A_79 = tpu.memref_squeeze %dma_wait3A_78 : memref<1x8192xf32, #tpu.memory_space<hbm>> -> memref<8192xf32, #tpu.memory_space<hbm>>
      tpu.wait_dma2 semaphore(%arg11 : memref<!tpu.dma_semaphore, #tpu.memory_space<semaphore_mem>>) src(%dma_wait3A_79 : memref<8192xf32, #tpu.memory_space<hbm>>) dst(%arg9 : memref<8192xf32, #tpu.memory_space<vmem>>)
      %parallel_loop3A_80 = arith.constant 0 : i32
      %parallel_loop3A_81 = arith.constant 512 : i32
      %parallel_loop3A_82 = arith.constant 1 : i32
      scf.for %parallel_loop3A_233 = %parallel_loop3A_80 to %parallel_loop3A_81 step %parallel_loop3A_82  : i32 {
        %parallel_loop3A_234 = arith.constant 16 : i32
        %parallel_loop3A_235 = arith.muli %parallel_loop3A_233, %parallel_loop3A_234 : i32
        %parallel_loop3A_236 = arith.index_cast %parallel_loop3A_235 : i32 to index
        %parallel_loop3A_237 = tpu.vector_load %arg8[%parallel_loop3A_236] {strides = array<i32>} : memref<8192xi32, #tpu.memory_space<vmem>>, vector<16xi32>,
        %parallel_loop3A_238 = arith.constant 16 : i32
        %parallel_loop3A_239 = arith.muli %parallel_loop3A_233, %parallel_loop3A_238 : i32
        %parallel_loop3A_240 = arith.index_cast %parallel_loop3A_239 : i32 to index
        %parallel_loop3A_241 = tpu.vector_load %arg9[%parallel_loop3A_240] {strides = array<i32>} : memref<8192xf32, #tpu.memory_space<vmem>>, vector<16xf32>,
        %parallel_loop3A_242 = arith.constant 65536 : i32
        %parallel_loop3A_243 = vector.broadcast %parallel_loop3A_242 : i32 to vector<16xi32>
        %parallel_loop3A_244 = arith.subi %parallel_loop3A_237, %parallel_loop3A_243 : vector<16xi32>
        %parallel_loop3A_245 = arith.constant 65536 : i32
        %parallel_loop3A_246 = vector.broadcast %parallel_loop3A_245 : i32 to vector<16xi32>
        %parallel_loop3A_247 = arith.cmpi sge, %parallel_loop3A_237, %parallel_loop3A_246 : vector<16xi32>
        tpu.vector_store_idx %arg5[%parallel_loop3A_244], %parallel_loop3A_241 masked %parallel_loop3A_247 {add = true} : memref<65536xf32, #tpu.memory_space<vmem>>[vector<16xi32>], vector<16xf32>, vector<16xi1>
      } {sc.loop_unroll_factor = 8 : i64, sc.parallel_access}
      %dma_start3A_83 = arith.constant 24576 : i32
      %dma_start3A_84 = tpu.memref_slice %arg2[%add3A_16, %dma_start3A_83] : memref<128x65536xi32, #tpu.memory_space<hbm>> -> memref<1x8192xi32, #tpu.memory_space<hbm>>
      %dma_start3A_85 = tpu.memref_squeeze %dma_start3A_84 : memref<1x8192xi32, #tpu.memory_space<hbm>> -> memref<8192xi32, #tpu.memory_space<hbm>>
      %dma_start3A_86 = arith.constant 24576 : i32
      %dma_start3A_87 = tpu.memref_slice %arg2[%add3A_16, %dma_start3A_86] : memref<128x65536xi32, #tpu.memory_space<hbm>> -> memref<1x8192xi32, #tpu.memory_space<hbm>>
      %dma_start3A_88 = tpu.memref_squeeze %dma_start3A_87 : memref<1x8192xi32, #tpu.memory_space<hbm>> -> memref<8192xi32, #tpu.memory_space<hbm>>
      tpu.enqueue_dma source(%dma_start3A_88 : memref<8192xi32, #tpu.memory_space<hbm>>) target(%arg8 : memref<8192xi32, #tpu.memory_space<vmem>>) target_semaphore(%arg11 : memref<!tpu.dma_semaphore, #tpu.memory_space<semaphore_mem>>)
      %dma_start3A_89 = arith.constant 24576 : i32
      %dma_start3A_90 = tpu.memref_slice %arg3[%add3A_16, %dma_start3A_89] : memref<128x65536xf32, #tpu.memory_space<hbm>> -> memref<1x8192xf32, #tpu.memory_space<hbm>>
      %dma_start3A_91 = tpu.memref_squeeze %dma_start3A_90 : memref<1x8192xf32, #tpu.memory_space<hbm>> -> memref<8192xf32, #tpu.memory_space<hbm>>
      %dma_start3A_92 = arith.constant 24576 : i32
      %dma_start3A_93 = tpu.memref_slice %arg3[%add3A_16, %dma_start3A_92] : memref<128x65536xf32, #tpu.memory_space<hbm>> -> memref<1x8192xf32, #tpu.memory_space<hbm>>
      %dma_start3A_94 = tpu.memref_squeeze %dma_start3A_93 : memref<1x8192xf32, #tpu.memory_space<hbm>> -> memref<8192xf32, #tpu.memory_space<hbm>>
      tpu.enqueue_dma source(%dma_start3A_94 : memref<8192xf32, #tpu.memory_space<hbm>>) target(%arg9 : memref<8192xf32, #tpu.memory_space<vmem>>) target_semaphore(%arg11 : memref<!tpu.dma_semaphore, #tpu.memory_space<semaphore_mem>>)
      %dma_wait3A_95 = arith.constant 16384 : i32
      %dma_wait3A_96 = tpu.memref_slice %arg2[%add3A_16, %dma_wait3A_95] : memref<128x65536xi32, #tpu.memory_space<hbm>> -> memref<1x8192xi32, #tpu.memory_space<hbm>>
      %dma_wait3A_97 = tpu.memref_squeeze %dma_wait3A_96 : memref<1x8192xi32, #tpu.memory_space<hbm>> -> memref<8192xi32, #tpu.memory_space<hbm>>
      %dma_wait3A_98 = arith.constant 16384 : i32
      %dma_wait3A_99 = tpu.memref_slice %arg2[%add3A_16, %dma_wait3A_98] : memref<128x65536xi32, #tpu.memory_space<hbm>> -> memref<1x8192xi32, #tpu.memory_space<hbm>>
      %dma_wait3A_100 = tpu.memref_squeeze %dma_wait3A_99 : memref<1x8192xi32, #tpu.memory_space<hbm>> -> memref<8192xi32, #tpu.memory_space<hbm>>
      tpu.wait_dma2 semaphore(%arg10 : memref<!tpu.dma_semaphore, #tpu.memory_space<semaphore_mem>>) src(%dma_wait3A_100 : memref<8192xi32, #tpu.memory_space<hbm>>) dst(%arg6 : memref<8192xi32, #tpu.memory_space<vmem>>)
      %dma_wait3A_101 = arith.constant 16384 : i32
      %dma_wait3A_102 = tpu.memref_slice %arg3[%add3A_16, %dma_wait3A_101] : memref<128x65536xf32, #tpu.memory_space<hbm>> -> memref<1x8192xf32, #tpu.memory_space<hbm>>
      %dma_wait3A_103 = tpu.memref_squeeze %dma_wait3A_102 : memref<1x8192xf32, #tpu.memory_space<hbm>> -> memref<8192xf32, #tpu.memory_space<hbm>>
      %dma_wait3A_104 = arith.constant 16384 : i32
      %dma_wait3A_105 = tpu.memref_slice %arg3[%add3A_16, %dma_wait3A_104] : memref<128x65536xf32, #tpu.memory_space<hbm>> -> memref<1x8192xf32, #tpu.memory_space<hbm>>
      %dma_wait3A_106 = tpu.memref_squeeze %dma_wait3A_105 : memref<1x8192xf32, #tpu.memory_space<hbm>> -> memref<8192xf32, #tpu.memory_space<hbm>>
      tpu.wait_dma2 semaphore(%arg10 : memref<!tpu.dma_semaphore, #tpu.memory_space<semaphore_mem>>) src(%dma_wait3A_106 : memref<8192xf32, #tpu.memory_space<hbm>>) dst(%arg7 : memref<8192xf32, #tpu.memory_space<vmem>>)
      %parallel_loop3A_107 = arith.constant 0 : i32
      %parallel_loop3A_108 = arith.constant 512 : i32
      %parallel_loop3A_109 = arith.constant 1 : i32
      scf.for %parallel_loop3A_233 = %parallel_loop3A_107 to %parallel_loop3A_108 step %parallel_loop3A_109  : i32 {
        %parallel_loop3A_234 = arith.constant 16 : i32
        %parallel_loop3A_235 = arith.muli %parallel_loop3A_233, %parallel_loop3A_234 : i32
        %parallel_loop3A_236 = arith.index_cast %parallel_loop3A_235 : i32 to index
        %parallel_loop3A_237 = tpu.vector_load %arg6[%parallel_loop3A_236] {strides = array<i32>} : memref<8192xi32, #tpu.memory_space<vmem>>, vector<16xi32>,
        %parallel_loop3A_238 = arith.constant 16 : i32
        %parallel_loop3A_239 = arith.muli %parallel_loop3A_233, %parallel_loop3A_238 : i32
        %parallel_loop3A_240 = arith.index_cast %parallel_loop3A_239 : i32 to index
        %parallel_loop3A_241 = tpu.vector_load %arg7[%parallel_loop3A_240] {strides = array<i32>} : memref<8192xf32, #tpu.memory_space<vmem>>, vector<16xf32>,
        %parallel_loop3A_242 = arith.constant 65536 : i32
        %parallel_loop3A_243 = vector.broadcast %parallel_loop3A_242 : i32 to vector<16xi32>
        %parallel_loop3A_244 = arith.subi %parallel_loop3A_237, %parallel_loop3A_243 : vector<16xi32>
        %parallel_loop3A_245 = arith.constant 65536 : i32
        %parallel_loop3A_246 = vector.broadcast %parallel_loop3A_245 : i32 to vector<16xi32>
        %parallel_loop3A_247 = arith.cmpi sge, %parallel_loop3A_237, %parallel_loop3A_246 : vector<16xi32>
        tpu.vector_store_idx %arg5[%parallel_loop3A_244], %parallel_loop3A_241 masked %parallel_loop3A_247 {add = true} : memref<65536xf32, #tpu.memory_space<vmem>>[vector<16xi32>], vector<16xf32>, vector<16xi1>
      } {sc.loop_unroll_factor = 8 : i64, sc.parallel_access}
      %dma_start3A_110 = arith.constant 32768 : i32
      %dma_start3A_111 = tpu.memref_slice %arg2[%add3A_16, %dma_start3A_110] : memref<128x65536xi32, #tpu.memory_space<hbm>> -> memref<1x8192xi32, #tpu.memory_space<hbm>>
      %dma_start3A_112 = tpu.memref_squeeze %dma_start3A_111 : memref<1x8192xi32, #tpu.memory_space<hbm>> -> memref<8192xi32, #tpu.memory_space<hbm>>
      %dma_start3A_113 = arith.constant 32768 : i32
      %dma_start3A_114 = tpu.memref_slice %arg2[%add3A_16, %dma_start3A_113] : memref<128x65536xi32, #tpu.memory_space<hbm>> -> memref<1x8192xi32, #tpu.memory_space<hbm>>
      %dma_start3A_115 = tpu.memref_squeeze %dma_start3A_114 : memref<1x8192xi32, #tpu.memory_space<hbm>> -> memref<8192xi32, #tpu.memory_space<hbm>>
      tpu.enqueue_dma source(%dma_start3A_115 : memref<8192xi32, #tpu.memory_space<hbm>>) target(%arg6 : memref<8192xi32, #tpu.memory_space<vmem>>) target_semaphore(%arg10 : memref<!tpu.dma_semaphore, #tpu.memory_space<semaphore_mem>>)
      %dma_start3A_116 = arith.constant 32768 : i32
      %dma_start3A_117 = tpu.memref_slice %arg3[%add3A_16, %dma_start3A_116] : memref<128x65536xf32, #tpu.memory_space<hbm>> -> memref<1x8192xf32, #tpu.memory_space<hbm>>
      %dma_start3A_118 = tpu.memref_squeeze %dma_start3A_117 : memref<1x8192xf32, #tpu.memory_space<hbm>> -> memref<8192xf32, #tpu.memory_space<hbm>>
      %dma_start3A_119 = arith.constant 32768 : i32
      %dma_start3A_120 = tpu.memref_slice %arg3[%add3A_16, %dma_start3A_119] : memref<128x65536xf32, #tpu.memory_space<hbm>> -> memref<1x8192xf32, #tpu.memory_space<hbm>>
      %dma_start3A_121 = tpu.memref_squeeze %dma_start3A_120 : memref<1x8192xf32, #tpu.memory_space<hbm>> -> memref<8192xf32, #tpu.memory_space<hbm>>
      tpu.enqueue_dma source(%dma_start3A_121 : memref<8192xf32, #tpu.memory_space<hbm>>) target(%arg7 : memref<8192xf32, #tpu.memory_space<vmem>>) target_semaphore(%arg10 : memref<!tpu.dma_semaphore, #tpu.memory_space<semaphore_mem>>)
      %dma_wait3A_122 = arith.constant 24576 : i32
      %dma_wait3A_123 = tpu.memref_slice %arg2[%add3A_16, %dma_wait3A_122] : memref<128x65536xi32, #tpu.memory_space<hbm>> -> memref<1x8192xi32, #tpu.memory_space<hbm>>
      %dma_wait3A_124 = tpu.memref_squeeze %dma_wait3A_123 : memref<1x8192xi32, #tpu.memory_space<hbm>> -> memref<8192xi32, #tpu.memory_space<hbm>>
      %dma_wait3A_125 = arith.constant 24576 : i32
      %dma_wait3A_126 = tpu.memref_slice %arg2[%add3A_16, %dma_wait3A_125] : memref<128x65536xi32, #tpu.memory_space<hbm>> -> memref<1x8192xi32, #tpu.memory_space<hbm>>
      %dma_wait3A_127 = tpu.memref_squeeze %dma_wait3A_126 : memref<1x8192xi32, #tpu.memory_space<hbm>> -> memref<8192xi32, #tpu.memory_space<hbm>>
      tpu.wait_dma2 semaphore(%arg11 : memref<!tpu.dma_semaphore, #tpu.memory_space<semaphore_mem>>) src(%dma_wait3A_127 : memref<8192xi32, #tpu.memory_space<hbm>>) dst(%arg8 : memref<8192xi32, #tpu.memory_space<vmem>>)
      %dma_wait3A_128 = arith.constant 24576 : i32
      %dma_wait3A_129 = tpu.memref_slice %arg3[%add3A_16, %dma_wait3A_128] : memref<128x65536xf32, #tpu.memory_space<hbm>> -> memref<1x8192xf32, #tpu.memory_space<hbm>>
      %dma_wait3A_130 = tpu.memref_squeeze %dma_wait3A_129 : memref<1x8192xf32, #tpu.memory_space<hbm>> -> memref<8192xf32, #tpu.memory_space<hbm>>
      %dma_wait3A_131 = arith.constant 24576 : i32
      %dma_wait3A_132 = tpu.memref_slice %arg3[%add3A_16, %dma_wait3A_131] : memref<128x65536xf32, #tpu.memory_space<hbm>> -> memref<1x8192xf32, #tpu.memory_space<hbm>>
      %dma_wait3A_133 = tpu.memref_squeeze %dma_wait3A_132 : memref<1x8192xf32, #tpu.memory_space<hbm>> -> memref<8192xf32, #tpu.memory_space<hbm>>
      tpu.wait_dma2 semaphore(%arg11 : memref<!tpu.dma_semaphore, #tpu.memory_space<semaphore_mem>>) src(%dma_wait3A_133 : memref<8192xf32, #tpu.memory_space<hbm>>) dst(%arg9 : memref<8192xf32, #tpu.memory_space<vmem>>)
      %parallel_loop3A_134 = arith.constant 0 : i32
      %parallel_loop3A_135 = arith.constant 512 : i32
      %parallel_loop3A_136 = arith.constant 1 : i32
      scf.for %parallel_loop3A_233 = %parallel_loop3A_134 to %parallel_loop3A_135 step %parallel_loop3A_136  : i32 {
        %parallel_loop3A_234 = arith.constant 16 : i32
        %parallel_loop3A_235 = arith.muli %parallel_loop3A_233, %parallel_loop3A_234 : i32
        %parallel_loop3A_236 = arith.index_cast %parallel_loop3A_235 : i32 to index
        %parallel_loop3A_237 = tpu.vector_load %arg8[%parallel_loop3A_236] {strides = array<i32>} : memref<8192xi32, #tpu.memory_space<vmem>>, vector<16xi32>,
        %parallel_loop3A_238 = arith.constant 16 : i32
        %parallel_loop3A_239 = arith.muli %parallel_loop3A_233, %parallel_loop3A_238 : i32
        %parallel_loop3A_240 = arith.index_cast %parallel_loop3A_239 : i32 to index
        %parallel_loop3A_241 = tpu.vector_load %arg9[%parallel_loop3A_240] {strides = array<i32>} : memref<8192xf32, #tpu.memory_space<vmem>>, vector<16xf32>,
        %parallel_loop3A_242 = arith.constant 65536 : i32
        %parallel_loop3A_243 = vector.broadcast %parallel_loop3A_242 : i32 to vector<16xi32>
        %parallel_loop3A_244 = arith.subi %parallel_loop3A_237, %parallel_loop3A_243 : vector<16xi32>
        %parallel_loop3A_245 = arith.constant 65536 : i32
        %parallel_loop3A_246 = vector.broadcast %parallel_loop3A_245 : i32 to vector<16xi32>
        %parallel_loop3A_247 = arith.cmpi sge, %parallel_loop3A_237, %parallel_loop3A_246 : vector<16xi32>
        tpu.vector_store_idx %arg5[%parallel_loop3A_244], %parallel_loop3A_241 masked %parallel_loop3A_247 {add = true} : memref<65536xf32, #tpu.memory_space<vmem>>[vector<16xi32>], vector<16xf32>, vector<16xi1>
      } {sc.loop_unroll_factor = 8 : i64, sc.parallel_access}
      %dma_start3A_137 = arith.constant 40960 : i32
      %dma_start3A_138 = tpu.memref_slice %arg2[%add3A_16, %dma_start3A_137] : memref<128x65536xi32, #tpu.memory_space<hbm>> -> memref<1x8192xi32, #tpu.memory_space<hbm>>
      %dma_start3A_139 = tpu.memref_squeeze %dma_start3A_138 : memref<1x8192xi32, #tpu.memory_space<hbm>> -> memref<8192xi32, #tpu.memory_space<hbm>>
      %dma_start3A_140 = arith.constant 40960 : i32
      %dma_start3A_141 = tpu.memref_slice %arg2[%add3A_16, %dma_start3A_140] : memref<128x65536xi32, #tpu.memory_space<hbm>> -> memref<1x8192xi32, #tpu.memory_space<hbm>>
      %dma_start3A_142 = tpu.memref_squeeze %dma_start3A_141 : memref<1x8192xi32, #tpu.memory_space<hbm>> -> memref<8192xi32, #tpu.memory_space<hbm>>
      tpu.enqueue_dma source(%dma_start3A_142 : memref<8192xi32, #tpu.memory_space<hbm>>) target(%arg8 : memref<8192xi32, #tpu.memory_space<vmem>>) target_semaphore(%arg11 : memref<!tpu.dma_semaphore, #tpu.memory_space<semaphore_mem>>)
      %dma_start3A_143 = arith.constant 40960 : i32
      %dma_start3A_144 = tpu.memref_slice %arg3[%add3A_16, %dma_start3A_143] : memref<128x65536xf32, #tpu.memory_space<hbm>> -> memref<1x8192xf32, #tpu.memory_space<hbm>>
      %dma_start3A_145 = tpu.memref_squeeze %dma_start3A_144 : memref<1x8192xf32, #tpu.memory_space<hbm>> -> memref<8192xf32, #tpu.memory_space<hbm>>
      %dma_start3A_146 = arith.constant 40960 : i32
      %dma_start3A_147 = tpu.memref_slice %arg3[%add3A_16, %dma_start3A_146] : memref<128x65536xf32, #tpu.memory_space<hbm>> -> memref<1x8192xf32, #tpu.memory_space<hbm>>
      %dma_start3A_148 = tpu.memref_squeeze %dma_start3A_147 : memref<1x8192xf32, #tpu.memory_space<hbm>> -> memref<8192xf32, #tpu.memory_space<hbm>>
      tpu.enqueue_dma source(%dma_start3A_148 : memref<8192xf32, #tpu.memory_space<hbm>>) target(%arg9 : memref<8192xf32, #tpu.memory_space<vmem>>) target_semaphore(%arg11 : memref<!tpu.dma_semaphore, #tpu.memory_space<semaphore_mem>>)
      %dma_wait3A_149 = arith.constant 32768 : i32
      %dma_wait3A_150 = tpu.memref_slice %arg2[%add3A_16, %dma_wait3A_149] : memref<128x65536xi32, #tpu.memory_space<hbm>> -> memref<1x8192xi32, #tpu.memory_space<hbm>>
      %dma_wait3A_151 = tpu.memref_squeeze %dma_wait3A_150 : memref<1x8192xi32, #tpu.memory_space<hbm>> -> memref<8192xi32, #tpu.memory_space<hbm>>
      %dma_wait3A_152 = arith.constant 32768 : i32
      %dma_wait3A_153 = tpu.memref_slice %arg2[%add3A_16, %dma_wait3A_152] : memref<128x65536xi32, #tpu.memory_space<hbm>> -> memref<1x8192xi32, #tpu.memory_space<hbm>>
      %dma_wait3A_154 = tpu.memref_squeeze %dma_wait3A_153 : memref<1x8192xi32, #tpu.memory_space<hbm>> -> memref<8192xi32, #tpu.memory_space<hbm>>
      tpu.wait_dma2 semaphore(%arg10 : memref<!tpu.dma_semaphore, #tpu.memory_space<semaphore_mem>>) src(%dma_wait3A_154 : memref<8192xi32, #tpu.memory_space<hbm>>) dst(%arg6 : memref<8192xi32, #tpu.memory_space<vmem>>)
      %dma_wait3A_155 = arith.constant 32768 : i32
      %dma_wait3A_156 = tpu.memref_slice %arg3[%add3A_16, %dma_wait3A_155] : memref<128x65536xf32, #tpu.memory_space<hbm>> -> memref<1x8192xf32, #tpu.memory_space<hbm>>
      %dma_wait3A_157 = tpu.memref_squeeze %dma_wait3A_156 : memref<1x8192xf32, #tpu.memory_space<hbm>> -> memref<8192xf32, #tpu.memory_space<hbm>>
      %dma_wait3A_158 = arith.constant 32768 : i32
      %dma_wait3A_159 = tpu.memref_slice %arg3[%add3A_16, %dma_wait3A_158] : memref<128x65536xf32, #tpu.memory_space<hbm>> -> memref<1x8192xf32, #tpu.memory_space<hbm>>
      %dma_wait3A_160 = tpu.memref_squeeze %dma_wait3A_159 : memref<1x8192xf32, #tpu.memory_space<hbm>> -> memref<8192xf32, #tpu.memory_space<hbm>>
      tpu.wait_dma2 semaphore(%arg10 : memref<!tpu.dma_semaphore, #tpu.memory_space<semaphore_mem>>) src(%dma_wait3A_160 : memref<8192xf32, #tpu.memory_space<hbm>>) dst(%arg7 : memref<8192xf32, #tpu.memory_space<vmem>>)
      %parallel_loop3A_161 = arith.constant 0 : i32
      %parallel_loop3A_162 = arith.constant 512 : i32
      %parallel_loop3A_163 = arith.constant 1 : i32
      scf.for %parallel_loop3A_233 = %parallel_loop3A_161 to %parallel_loop3A_162 step %parallel_loop3A_163  : i32 {
        %parallel_loop3A_234 = arith.constant 16 : i32
        %parallel_loop3A_235 = arith.muli %parallel_loop3A_233, %parallel_loop3A_234 : i32
        %parallel_loop3A_236 = arith.index_cast %parallel_loop3A_235 : i32 to index
        %parallel_loop3A_237 = tpu.vector_load %arg6[%parallel_loop3A_236] {strides = array<i32>} : memref<8192xi32, #tpu.memory_space<vmem>>, vector<16xi32>,
        %parallel_loop3A_238 = arith.constant 16 : i32
        %parallel_loop3A_239 = arith.muli %parallel_loop3A_233, %parallel_loop3A_238 : i32
        %parallel_loop3A_240 = arith.index_cast %parallel_loop3A_239 : i32 to index
        %parallel_loop3A_241 = tpu.vector_load %arg7[%parallel_loop3A_240] {strides = array<i32>} : memref<8192xf32, #tpu.memory_space<vmem>>, vector<16xf32>,
        %parallel_loop3A_242 = arith.constant 65536 : i32
        %parallel_loop3A_243 = vector.broadcast %parallel_loop3A_242 : i32 to vector<16xi32>
        %parallel_loop3A_244 = arith.subi %parallel_loop3A_237, %parallel_loop3A_243 : vector<16xi32>
        %parallel_loop3A_245 = arith.constant 65536 : i32
        %parallel_loop3A_246 = vector.broadcast %parallel_loop3A_245 : i32 to vector<16xi32>
        %parallel_loop3A_247 = arith.cmpi sge, %parallel_loop3A_237, %parallel_loop3A_246 : vector<16xi32>
        tpu.vector_store_idx %arg5[%parallel_loop3A_244], %parallel_loop3A_241 masked %parallel_loop3A_247 {add = true} : memref<65536xf32, #tpu.memory_space<vmem>>[vector<16xi32>], vector<16xf32>, vector<16xi1>
      } {sc.loop_unroll_factor = 8 : i64, sc.parallel_access}
      %dma_start3A_164 = arith.constant 49152 : i32
      %dma_start3A_165 = tpu.memref_slice %arg2[%add3A_16, %dma_start3A_164] : memref<128x65536xi32, #tpu.memory_space<hbm>> -> memref<1x8192xi32, #tpu.memory_space<hbm>>
      %dma_start3A_166 = tpu.memref_squeeze %dma_start3A_165 : memref<1x8192xi32, #tpu.memory_space<hbm>> -> memref<8192xi32, #tpu.memory_space<hbm>>
      %dma_start3A_167 = arith.constant 49152 : i32
      %dma_start3A_168 = tpu.memref_slice %arg2[%add3A_16, %dma_start3A_167] : memref<128x65536xi32, #tpu.memory_space<hbm>> -> memref<1x8192xi32, #tpu.memory_space<hbm>>
      %dma_start3A_169 = tpu.memref_squeeze %dma_start3A_168 : memref<1x8192xi32, #tpu.memory_space<hbm>> -> memref<8192xi32, #tpu.memory_space<hbm>>
      tpu.enqueue_dma source(%dma_start3A_169 : memref<8192xi32, #tpu.memory_space<hbm>>) target(%arg6 : memref<8192xi32, #tpu.memory_space<vmem>>) target_semaphore(%arg10 : memref<!tpu.dma_semaphore, #tpu.memory_space<semaphore_mem>>)
      %dma_start3A_170 = arith.constant 49152 : i32
      %dma_start3A_171 = tpu.memref_slice %arg3[%add3A_16, %dma_start3A_170] : memref<128x65536xf32, #tpu.memory_space<hbm>> -> memref<1x8192xf32, #tpu.memory_space<hbm>>
      %dma_start3A_172 = tpu.memref_squeeze %dma_start3A_171 : memref<1x8192xf32, #tpu.memory_space<hbm>> -> memref<8192xf32, #tpu.memory_space<hbm>>
      %dma_start3A_173 = arith.constant 49152 : i32
      %dma_start3A_174 = tpu.memref_slice %arg3[%add3A_16, %dma_start3A_173] : memref<128x65536xf32, #tpu.memory_space<hbm>> -> memref<1x8192xf32, #tpu.memory_space<hbm>>
      %dma_start3A_175 = tpu.memref_squeeze %dma_start3A_174 : memref<1x8192xf32, #tpu.memory_space<hbm>> -> memref<8192xf32, #tpu.memory_space<hbm>>
      tpu.enqueue_dma source(%dma_start3A_175 : memref<8192xf32, #tpu.memory_space<hbm>>) target(%arg7 : memref<8192xf32, #tpu.memory_space<vmem>>) target_semaphore(%arg10 : memref<!tpu.dma_semaphore, #tpu.memory_space<semaphore_mem>>)
      %dma_wait3A_176 = arith.constant 40960 : i32
      %dma_wait3A_177 = tpu.memref_slice %arg2[%add3A_16, %dma_wait3A_176] : memref<128x65536xi32, #tpu.memory_space<hbm>> -> memref<1x8192xi32, #tpu.memory_space<hbm>>
      %dma_wait3A_178 = tpu.memref_squeeze %dma_wait3A_177 : memref<1x8192xi32, #tpu.memory_space<hbm>> -> memref<8192xi32, #tpu.memory_space<hbm>>
      %dma_wait3A_179 = arith.constant 40960 : i32
      %dma_wait3A_180 = tpu.memref_slice %arg2[%add3A_16, %dma_wait3A_179] : memref<128x65536xi32, #tpu.memory_space<hbm>> -> memref<1x8192xi32, #tpu.memory_space<hbm>>
      %dma_wait3A_181 = tpu.memref_squeeze %dma_wait3A_180 : memref<1x8192xi32, #tpu.memory_space<hbm>> -> memref<8192xi32, #tpu.memory_space<hbm>>
      tpu.wait_dma2 semaphore(%arg11 : memref<!tpu.dma_semaphore, #tpu.memory_space<semaphore_mem>>) src(%dma_wait3A_181 : memref<8192xi32, #tpu.memory_space<hbm>>) dst(%arg8 : memref<8192xi32, #tpu.memory_space<vmem>>)
      %dma_wait3A_182 = arith.constant 40960 : i32
      %dma_wait3A_183 = tpu.memref_slice %arg3[%add3A_16, %dma_wait3A_182] : memref<128x65536xf32, #tpu.memory_space<hbm>> -> memref<1x8192xf32, #tpu.memory_space<hbm>>
      %dma_wait3A_184 = tpu.memref_squeeze %dma_wait3A_183 : memref<1x8192xf32, #tpu.memory_space<hbm>> -> memref<8192xf32, #tpu.memory_space<hbm>>
      %dma_wait3A_185 = arith.constant 40960 : i32
      %dma_wait3A_186 = tpu.memref_slice %arg3[%add3A_16, %dma_wait3A_185] : memref<128x65536xf32, #tpu.memory_space<hbm>> -> memref<1x8192xf32, #tpu.memory_space<hbm>>
      %dma_wait3A_187 = tpu.memref_squeeze %dma_wait3A_186 : memref<1x8192xf32, #tpu.memory_space<hbm>> -> memref<8192xf32, #tpu.memory_space<hbm>>
      tpu.wait_dma2 semaphore(%arg11 : memref<!tpu.dma_semaphore, #tpu.memory_space<semaphore_mem>>) src(%dma_wait3A_187 : memref<8192xf32, #tpu.memory_space<hbm>>) dst(%arg9 : memref<8192xf32, #tpu.memory_space<vmem>>)
      %parallel_loop3A_188 = arith.constant 0 : i32
      %parallel_loop3A_189 = arith.constant 512 : i32
      %parallel_loop3A_190 = arith.constant 1 : i32
      scf.for %parallel_loop3A_233 = %parallel_loop3A_188 to %parallel_loop3A_189 step %parallel_loop3A_190  : i32 {
        %parallel_loop3A_234 = arith.constant 16 : i32
        %parallel_loop3A_235 = arith.muli %parallel_loop3A_233, %parallel_loop3A_234 : i32
        %parallel_loop3A_236 = arith.index_cast %parallel_loop3A_235 : i32 to index
        %parallel_loop3A_237 = tpu.vector_load %arg8[%parallel_loop3A_236] {strides = array<i32>} : memref<8192xi32, #tpu.memory_space<vmem>>, vector<16xi32>,
        %parallel_loop3A_238 = arith.constant 16 : i32
        %parallel_loop3A_239 = arith.muli %parallel_loop3A_233, %parallel_loop3A_238 : i32
        %parallel_loop3A_240 = arith.index_cast %parallel_loop3A_239 : i32 to index
        %parallel_loop3A_241 = tpu.vector_load %arg9[%parallel_loop3A_240] {strides = array<i32>} : memref<8192xf32, #tpu.memory_space<vmem>>, vector<16xf32>,
        %parallel_loop3A_242 = arith.constant 65536 : i32
        %parallel_loop3A_243 = vector.broadcast %parallel_loop3A_242 : i32 to vector<16xi32>
        %parallel_loop3A_244 = arith.subi %parallel_loop3A_237, %parallel_loop3A_243 : vector<16xi32>
        %parallel_loop3A_245 = arith.constant 65536 : i32
        %parallel_loop3A_246 = vector.broadcast %parallel_loop3A_245 : i32 to vector<16xi32>
        %parallel_loop3A_247 = arith.cmpi sge, %parallel_loop3A_237, %parallel_loop3A_246 : vector<16xi32>
        tpu.vector_store_idx %arg5[%parallel_loop3A_244], %parallel_loop3A_241 masked %parallel_loop3A_247 {add = true} : memref<65536xf32, #tpu.memory_space<vmem>>[vector<16xi32>], vector<16xf32>, vector<16xi1>
      } {sc.loop_unroll_factor = 8 : i64, sc.parallel_access}
      %dma_start3A_191 = arith.constant 57344 : i32
      %dma_start3A_192 = tpu.memref_slice %arg2[%add3A_16, %dma_start3A_191] : memref<128x65536xi32, #tpu.memory_space<hbm>> -> memref<1x8192xi32, #tpu.memory_space<hbm>>
      %dma_start3A_193 = tpu.memref_squeeze %dma_start3A_192 : memref<1x8192xi32, #tpu.memory_space<hbm>> -> memref<8192xi32, #tpu.memory_space<hbm>>
      %dma_start3A_194 = arith.constant 57344 : i32
      %dma_start3A_195 = tpu.memref_slice %arg2[%add3A_16, %dma_start3A_194] : memref<128x65536xi32, #tpu.memory_space<hbm>> -> memref<1x8192xi32, #tpu.memory_space<hbm>>
      %dma_start3A_196 = tpu.memref_squeeze %dma_start3A_195 : memref<1x8192xi32, #tpu.memory_space<hbm>> -> memref<8192xi32, #tpu.memory_space<hbm>>
      tpu.enqueue_dma source(%dma_start3A_196 : memref<8192xi32, #tpu.memory_space<hbm>>) target(%arg8 : memref<8192xi32, #tpu.memory_space<vmem>>) target_semaphore(%arg11 : memref<!tpu.dma_semaphore, #tpu.memory_space<semaphore_mem>>)
      %dma_start3A_197 = arith.constant 57344 : i32
      %dma_start3A_198 = tpu.memref_slice %arg3[%add3A_16, %dma_start3A_197] : memref<128x65536xf32, #tpu.memory_space<hbm>> -> memref<1x8192xf32, #tpu.memory_space<hbm>>
      %dma_start3A_199 = tpu.memref_squeeze %dma_start3A_198 : memref<1x8192xf32, #tpu.memory_space<hbm>> -> memref<8192xf32, #tpu.memory_space<hbm>>
      %dma_start3A_200 = arith.constant 57344 : i32
      %dma_start3A_201 = tpu.memref_slice %arg3[%add3A_16, %dma_start3A_200] : memref<128x65536xf32, #tpu.memory_space<hbm>> -> memref<1x8192xf32, #tpu.memory_space<hbm>>
      %dma_start3A_202 = tpu.memref_squeeze %dma_start3A_201 : memref<1x8192xf32, #tpu.memory_space<hbm>> -> memref<8192xf32, #tpu.memory_space<hbm>>
      tpu.enqueue_dma source(%dma_start3A_202 : memref<8192xf32, #tpu.memory_space<hbm>>) target(%arg9 : memref<8192xf32, #tpu.memory_space<vmem>>) target_semaphore(%arg11 : memref<!tpu.dma_semaphore, #tpu.memory_space<semaphore_mem>>)
      %dma_wait3A_203 = arith.constant 49152 : i32
      %dma_wait3A_204 = tpu.memref_slice %arg2[%add3A_16, %dma_wait3A_203] : memref<128x65536xi32, #tpu.memory_space<hbm>> -> memref<1x8192xi32, #tpu.memory_space<hbm>>
      %dma_wait3A_205 = tpu.memref_squeeze %dma_wait3A_204 : memref<1x8192xi32, #tpu.memory_space<hbm>> -> memref<8192xi32, #tpu.memory_space<hbm>>
      %dma_wait3A_206 = arith.constant 49152 : i32
      %dma_wait3A_207 = tpu.memref_slice %arg2[%add3A_16, %dma_wait3A_206] : memref<128x65536xi32, #tpu.memory_space<hbm>> -> memref<1x8192xi32, #tpu.memory_space<hbm>>
      %dma_wait3A_208 = tpu.memref_squeeze %dma_wait3A_207 : memref<1x8192xi32, #tpu.memory_space<hbm>> -> memref<8192xi32, #tpu.memory_space<hbm>>
      tpu.wait_dma2 semaphore(%arg10 : memref<!tpu.dma_semaphore, #tpu.memory_space<semaphore_mem>>) src(%dma_wait3A_208 : memref<8192xi32, #tpu.memory_space<hbm>>) dst(%arg6 : memref<8192xi32, #tpu.memory_space<vmem>>)
      %dma_wait3A_209 = arith.constant 49152 : i32
      %dma_wait3A_210 = tpu.memref_slice %arg3[%add3A_16, %dma_wait3A_209] : memref<128x65536xf32, #tpu.memory_space<hbm>> -> memref<1x8192xf32, #tpu.memory_space<hbm>>
      %dma_wait3A_211 = tpu.memref_squeeze %dma_wait3A_210 : memref<1x8192xf32, #tpu.memory_space<hbm>> -> memref<8192xf32, #tpu.memory_space<hbm>>
      %dma_wait3A_212 = arith.constant 49152 : i32
      %dma_wait3A_213 = tpu.memref_slice %arg3[%add3A_16, %dma_wait3A_212] : memref<128x65536xf32, #tpu.memory_space<hbm>> -> memref<1x8192xf32, #tpu.memory_space<hbm>>
      %dma_wait3A_214 = tpu.memref_squeeze %dma_wait3A_213 : memref<1x8192xf32, #tpu.memory_space<hbm>> -> memref<8192xf32, #tpu.memory_space<hbm>>
      tpu.wait_dma2 semaphore(%arg10 : memref<!tpu.dma_semaphore, #tpu.memory_space<semaphore_mem>>) src(%dma_wait3A_214 : memref<8192xf32, #tpu.memory_space<hbm>>) dst(%arg7 : memref<8192xf32, #tpu.memory_space<vmem>>)
      %parallel_loop3A_215 = arith.constant 0 : i32
      %parallel_loop3A_216 = arith.constant 512 : i32
      %parallel_loop3A_217 = arith.constant 1 : i32
      scf.for %parallel_loop3A_233 = %parallel_loop3A_215 to %parallel_loop3A_216 step %parallel_loop3A_217  : i32 {
        %parallel_loop3A_234 = arith.constant 16 : i32
        %parallel_loop3A_235 = arith.muli %parallel_loop3A_233, %parallel_loop3A_234 : i32
        %parallel_loop3A_236 = arith.index_cast %parallel_loop3A_235 : i32 to index
        %parallel_loop3A_237 = tpu.vector_load %arg6[%parallel_loop3A_236] {strides = array<i32>} : memref<8192xi32, #tpu.memory_space<vmem>>, vector<16xi32>,
        %parallel_loop3A_238 = arith.constant 16 : i32
        %parallel_loop3A_239 = arith.muli %parallel_loop3A_233, %parallel_loop3A_238 : i32
        %parallel_loop3A_240 = arith.index_cast %parallel_loop3A_239 : i32 to index
        %parallel_loop3A_241 = tpu.vector_load %arg7[%parallel_loop3A_240] {strides = array<i32>} : memref<8192xf32, #tpu.memory_space<vmem>>, vector<16xf32>,
        %parallel_loop3A_242 = arith.constant 65536 : i32
        %parallel_loop3A_243 = vector.broadcast %parallel_loop3A_242 : i32 to vector<16xi32>
        %parallel_loop3A_244 = arith.subi %parallel_loop3A_237, %parallel_loop3A_243 : vector<16xi32>
        %parallel_loop3A_245 = arith.constant 65536 : i32
        %parallel_loop3A_246 = vector.broadcast %parallel_loop3A_245 : i32 to vector<16xi32>
        %parallel_loop3A_247 = arith.cmpi sge, %parallel_loop3A_237, %parallel_loop3A_246 : vector<16xi32>
        tpu.vector_store_idx %arg5[%parallel_loop3A_244], %parallel_loop3A_241 masked %parallel_loop3A_247 {add = true} : memref<65536xf32, #tpu.memory_space<vmem>>[vector<16xi32>], vector<16xf32>, vector<16xi1>
      } {sc.loop_unroll_factor = 8 : i64, sc.parallel_access}
      %dma_wait3A_218 = arith.constant 57344 : i32
      %dma_wait3A_219 = tpu.memref_slice %arg2[%add3A_16, %dma_wait3A_218] : memref<128x65536xi32, #tpu.memory_space<hbm>> -> memref<1x8192xi32, #tpu.memory_space<hbm>>
      %dma_wait3A_220 = tpu.memref_squeeze %dma_wait3A_219 : memref<1x8192xi32, #tpu.memory_space<hbm>> -> memref<8192xi32, #tpu.memory_space<hbm>>
      %dma_wait3A_221 = arith.constant 57344 : i32
      %dma_wait3A_222 = tpu.memref_slice %arg2[%add3A_16, %dma_wait3A_221] : memref<128x65536xi32, #tpu.memory_space<hbm>> -> memref<1x8192xi32, #tpu.memory_space<hbm>>
      %dma_wait3A_223 = tpu.memref_squeeze %dma_wait3A_222 : memref<1x8192xi32, #tpu.memory_space<hbm>> -> memref<8192xi32, #tpu.memory_space<hbm>>
      tpu.wait_dma2 semaphore(%arg11 : memref<!tpu.dma_semaphore, #tpu.memory_space<semaphore_mem>>) src(%dma_wait3A_223 : memref<8192xi32, #tpu.memory_space<hbm>>) dst(%arg8 : memref<8192xi32, #tpu.memory_space<vmem>>)
      %dma_wait3A_224 = arith.constant 57344 : i32
      %dma_wait3A_225 = tpu.memref_slice %arg3[%add3A_16, %dma_wait3A_224] : memref<128x65536xf32, #tpu.memory_space<hbm>> -> memref<1x8192xf32, #tpu.memory_space<hbm>>
      %dma_wait3A_226 = tpu.memref_squeeze %dma_wait3A_225 : memref<1x8192xf32, #tpu.memory_space<hbm>> -> memref<8192xf32, #tpu.memory_space<hbm>>
      %dma_wait3A_227 = arith.constant 57344 : i32
      %dma_wait3A_228 = tpu.memref_slice %arg3[%add3A_16, %dma_wait3A_227] : memref<128x65536xf32, #tpu.memory_space<hbm>> -> memref<1x8192xf32, #tpu.memory_space<hbm>>
      %dma_wait3A_229 = tpu.memref_squeeze %dma_wait3A_228 : memref<1x8192xf32, #tpu.memory_space<hbm>> -> memref<8192xf32, #tpu.memory_space<hbm>>
      tpu.wait_dma2 semaphore(%arg11 : memref<!tpu.dma_semaphore, #tpu.memory_space<semaphore_mem>>) src(%dma_wait3A_229 : memref<8192xf32, #tpu.memory_space<hbm>>) dst(%arg9 : memref<8192xf32, #tpu.memory_space<vmem>>)
      %parallel_loop3A_230 = arith.constant 0 : i32
      %parallel_loop3A_231 = arith.constant 512 : i32
      %parallel_loop3A_232 = arith.constant 1 : i32
      scf.for %parallel_loop3A_233 = %parallel_loop3A_230 to %parallel_loop3A_231 step %parallel_loop3A_232  : i32 {
        %parallel_loop3A_234 = arith.constant 16 : i32
        %parallel_loop3A_235 = arith.muli %parallel_loop3A_233, %parallel_loop3A_234 : i32
        %parallel_loop3A_236 = arith.index_cast %parallel_loop3A_235 : i32 to index
        %parallel_loop3A_237 = tpu.vector_load %arg8[%parallel_loop3A_236] {strides = array<i32>} : memref<8192xi32, #tpu.memory_space<vmem>>, vector<16xi32>,
        %parallel_loop3A_238 = arith.constant 16 : i32
        %parallel_loop3A_239 = arith.muli %parallel_loop3A_233, %parallel_loop3A_238 : i32
        %parallel_loop3A_240 = arith.index_cast %parallel_loop3A_239 : i32 to index
        %parallel_loop3A_241 = tpu.vector_load %arg9[%parallel_loop3A_240] {strides = array<i32>} : memref<8192xf32, #tpu.memory_space<vmem>>, vector<16xf32>,
        %parallel_loop3A_242 = arith.constant 65536 : i32
        %parallel_loop3A_243 = vector.broadcast %parallel_loop3A_242 : i32 to vector<16xi32>
        %parallel_loop3A_244 = arith.subi %parallel_loop3A_237, %parallel_loop3A_243 : vector<16xi32>
        %parallel_loop3A_245 = arith.constant 65536 : i32
        %parallel_loop3A_246 = vector.broadcast %parallel_loop3A_245 : i32 to vector<16xi32>
        %parallel_loop3A_247 = arith.cmpi sge, %parallel_loop3A_237, %parallel_loop3A_246 : vector<16xi32>
        tpu.vector_store_idx %arg5[%parallel_loop3A_244], %parallel_loop3A_241 masked %parallel_loop3A_247 {add = true} : memref<65536xf32, #tpu.memory_space<vmem>>[vector<16xi32>], vector<16xf32>, vector<16xi1>
      } {sc.loop_unroll_factor = 8 : i64, sc.parallel_access}
      "tpu.region"() ({
        %run_scoped3A = tpu.sem_alloc : memref<!tpu.dma_semaphore, #tpu.memory_space<semaphore_mem>>
        %dma_start3A_233 = arith.constant 65536 : i32
        %dma_start3A_234 = tpu.memref_slice %arg4[%add3A_16, %dma_start3A_233] : memref<128x131072xf32, #tpu.memory_space<hbm>> -> memref<1x65536xf32, #tpu.memory_space<hbm>>
        %dma_start3A_235 = tpu.memref_squeeze %dma_start3A_234 : memref<1x65536xf32, #tpu.memory_space<hbm>> -> memref<65536xf32, #tpu.memory_space<hbm>>
        %dma_start3A_236 = arith.constant 65536 : i32
        %dma_start3A_237 = tpu.memref_slice %arg4[%add3A_16, %dma_start3A_236] : memref<128x131072xf32, #tpu.memory_space<hbm>> -> memref<1x65536xf32, #tpu.memory_space<hbm>>
        %dma_start3A_238 = tpu.memref_squeeze %dma_start3A_237 : memref<1x65536xf32, #tpu.memory_space<hbm>> -> memref<65536xf32, #tpu.memory_space<hbm>>
        tpu.enqueue_dma source(%arg5 : memref<65536xf32, #tpu.memory_space<vmem>>) target(%dma_start3A_238 : memref<65536xf32, #tpu.memory_space<hbm>>) target_semaphore(%run_scoped3A : memref<!tpu.dma_semaphore, #tpu.memory_space<semaphore_mem>>)
        %dma_wait3A_239 = arith.constant 65536 : i32
        %dma_wait3A_240 = tpu.memref_slice %arg4[%add3A_16, %dma_wait3A_239] : memref<128x131072xf32, #tpu.memory_space<hbm>> -> memref<1x65536xf32, #tpu.memory_space<hbm>>
        %dma_wait3A_241 = tpu.memref_squeeze %dma_wait3A_240 : memref<1x65536xf32, #tpu.memory_space<hbm>> -> memref<65536xf32, #tpu.memory_space<hbm>>
        %dma_wait3A_242 = arith.constant 65536 : i32
        %dma_wait3A_243 = tpu.memref_slice %arg4[%add3A_16, %dma_wait3A_242] : memref<128x131072xf32, #tpu.memory_space<hbm>> -> memref<1x65536xf32, #tpu.memory_space<hbm>>
        %dma_wait3A_244 = tpu.memref_squeeze %dma_wait3A_243 : memref<1x65536xf32, #tpu.memory_space<hbm>> -> memref<65536xf32, #tpu.memory_space<hbm>>
        tpu.wait_dma2 semaphore(%run_scoped3A : memref<!tpu.dma_semaphore, #tpu.memory_space<semaphore_mem>>) src(%arg5 : memref<65536xf32, #tpu.memory_space<vmem>>) dst(%dma_wait3A_244 : memref<65536xf32, #tpu.memory_space<hbm>>)
        tpu.yield
      }) : () -> ()
    }
    %scan3A_12 = arith.constant 4 : i32
    return
  }
}

#map = affine_map<(d0, d1) -> (0, 0)>
module attributes {stable_mosaic.version = 14 : i64} {
  func.func @scatter_kernel(%arg0: i32, %arg1: i32, %arg2: memref<128x65536xi32, #tpu.memory_space<hbm>>, %arg3: memref<128x65536xf32, #tpu.memory_space<hbm>>, %arg4: memref<128x131072xf32, #tpu.memory_space<hbm>>, %arg5: memref<65536xf32, #tpu.memory_space<vmem>>, %arg6: memref<8192xi32, #tpu.memory_space<vmem>>, %arg7: memref<8192xf32, #tpu.memory_space<vmem>>, %arg8: memref<8192xi32, #tpu.memory_space<vmem>>, %arg9: memref<8192xf32, #tpu.memory_space<vmem>>, %arg10: memref<!tpu.dma_semaphore, #tpu.memory_space<semaphore_mem>>, %arg11: memref<!tpu.dma_semaphore, #tpu.memory_space<semaphore_mem>>) attributes {dimension_semantics = [#tpu.dimension_semantics<core_parallel>, #tpu.dimension_semantics<subcore_parallel>], iteration_bounds = array<i64: 2, 16>, scalar_prefetch = 0 : i64, scratch_operands = 7 : i64, tpu.core_type = #tpu.core_type<sc_vector_subcore>, window_params = [{transform_indices = #map}, {transform_indices = #map}, {transform_indices = #map}]} {
    %mul3A = arith.constant 2 : i32
    %mul3A_0 = arith.muli %arg1, %mul3A : i32
    %add3A = arith.addi %mul3A_0, %arg0 : i32
    %broadcast_in_dim3A = arith.constant 0.000000e+00 : f32
    %broadcast_in_dim3A_1 = vector.broadcast %broadcast_in_dim3A : f32 to vector<16xf32>
    %scan3A = arith.constant 0 : i32
    %scan3A_2 = arith.constant 0 : i32
    %scan3A_3 = arith.constant 4 : i32
    %scan3A_4 = arith.addi %scan3A_2, %scan3A_3 : i32
    %scan3A_5 = arith.constant 1 : i32
    scf.for %scan3A_13 = %scan3A_2 to %scan3A_4 step %scan3A_5  : i32 {
      %mul3A_14 = arith.constant 32 : i32
      %mul3A_15 = arith.muli %scan3A_13, %mul3A_14 : i32
      %add3A_16 = arith.addi %mul3A_15, %add3A : i32
      %dma_start3A = arith.constant 0 : i32
      %dma_start3A_17 = tpu.memref_slice %arg2[%add3A_16, %dma_start3A] : memref<128x65536xi32, #tpu.memory_space<hbm>> -> memref<1x8192xi32, #tpu.memory_space<hbm>>
      %dma_start3A_18 = tpu.memref_squeeze %dma_start3A_17 : memref<1x8192xi32, #tpu.memory_space<hbm>> -> memref<8192xi32, #tpu.memory_space<hbm>>
      %dma_start3A_19 = arith.constant 0 : i32
      %dma_start3A_20 = tpu.memref_slice %arg2[%add3A_16, %dma_start3A_19] : memref<128x65536xi32, #tpu.memory_space<hbm>> -> memref<1x8192xi32, #tpu.memory_space<hbm>>
      %dma_start3A_21 = tpu.memref_squeeze %dma_start3A_20 : memref<1x8192xi32, #tpu.memory_space<hbm>> -> memref<8192xi32, #tpu.memory_space<hbm>>
      tpu.enqueue_dma source(%dma_start3A_21 : memref<8192xi32, #tpu.memory_space<hbm>>) target(%arg6 : memref<8192xi32, #tpu.memory_space<vmem>>) target_semaphore(%arg10 : memref<!tpu.dma_semaphore, #tpu.memory_space<semaphore_mem>>)
      %dma_start3A_22 = arith.constant 0 : i32
      %dma_start3A_23 = tpu.memref_slice %arg3[%add3A_16, %dma_start3A_22] : memref<128x65536xf32, #tpu.memory_space<hbm>> -> memref<1x8192xf32, #tpu.memory_space<hbm>>
      %dma_start3A_24 = tpu.memref_squeeze %dma_start3A_23 : memref<1x8192xf32, #tpu.memory_space<hbm>> -> memref<8192xf32, #tpu.memory_space<hbm>>
      %dma_start3A_25 = arith.constant 0 : i32
      %dma_start3A_26 = tpu.memref_slice %arg3[%add3A_16, %dma_start3A_25] : memref<128x65536xf32, #tpu.memory_space<hbm>> -> memref<1x8192xf32, #tpu.memory_space<hbm>>
      %dma_start3A_27 = tpu.memref_squeeze %dma_start3A_26 : memref<1x8192xf32, #tpu.memory_space<hbm>> -> memref<8192xf32, #tpu.memory_space<hbm>>
      tpu.enqueue_dma source(%dma_start3A_27 : memref<8192xf32, #tpu.memory_space<hbm>>) target(%arg7 : memref<8192xf32, #tpu.memory_space<vmem>>) target_semaphore(%arg10 : memref<!tpu.dma_semaphore, #tpu.memory_space<semaphore_mem>>)
      %parallel_loop3A = arith.constant 0 : i32
      %parallel_loop3A_28 = arith.constant 4096 : i32
      %parallel_loop3A_29 = arith.constant 1 : i32
      scf.for %parallel_loop3A_233 = %parallel_loop3A to %parallel_loop3A_28 step %parallel_loop3A_29  : i32 {
        %parallel_loop3A_234 = arith.constant 16 : i32
        %parallel_loop3A_235 = arith.muli %parallel_loop3A_233, %parallel_loop3A_234 : i32
        %parallel_loop3A_236 = arith.index_cast %parallel_loop3A_235 : i32 to index
        %parallel_loop3A_237 = tpu.vector_load %arg5[%parallel_loop3A_236] {strides = array<i32>} : memref<65536xf32, #tpu.memory_space<vmem>>, vector<16xf32>,
        tpu.vector_store %arg5[%parallel_loop3A_236], %broadcast_in_dim3A_1 {strides = array<i32>} : memref<65536xf32, #tpu.memory_space<vmem>>, vector<16xf32>,
      } {sc.loop_unroll_factor = 8 : i64, sc.parallel_access}
      %dma_start3A_30 = arith.constant 8192 : i32
      %dma_start3A_31 = tpu.memref_slice %arg2[%add3A_16, %dma_start3A_30] : memref<128x65536xi32, #tpu.memory_space<hbm>> -> memref<1x8192xi32, #tpu.memory_space<hbm>>
      %dma_start3A_32 = tpu.memref_squeeze %dma_start3A_31 : memref<1x8192xi32, #tpu.memory_space<hbm>> -> memref<8192xi32, #tpu.memory_space<hbm>>
      %dma_start3A_33 = arith.constant 8192 : i32
      %dma_start3A_34 = tpu.memref_slice %arg2[%add3A_16, %dma_start3A_33] : memref<128x65536xi32, #tpu.memory_space<hbm>> -> memref<1x8192xi32, #tpu.memory_space<hbm>>
      %dma_start3A_35 = tpu.memref_squeeze %dma_start3A_34 : memref<1x8192xi32, #tpu.memory_space<hbm>> -> memref<8192xi32, #tpu.memory_space<hbm>>
      tpu.enqueue_dma source(%dma_start3A_35 : memref<8192xi32, #tpu.memory_space<hbm>>) target(%arg8 : memref<8192xi32, #tpu.memory_space<vmem>>) target_semaphore(%arg11 : memref<!tpu.dma_semaphore, #tpu.memory_space<semaphore_mem>>)
      %dma_start3A_36 = arith.constant 8192 : i32
      %dma_start3A_37 = tpu.memref_slice %arg3[%add3A_16, %dma_start3A_36] : memref<128x65536xf32, #tpu.memory_space<hbm>> -> memref<1x8192xf32, #tpu.memory_space<hbm>>
      %dma_start3A_38 = tpu.memref_squeeze %dma_start3A_37 : memref<1x8192xf32, #tpu.memory_space<hbm>> -> memref<8192xf32, #tpu.memory_space<hbm>>
      %dma_start3A_39 = arith.constant 8192 : i32
      %dma_start3A_40 = tpu.memref_slice %arg3[%add3A_16, %dma_start3A_39] : memref<128x65536xf32, #tpu.memory_space<hbm>> -> memref<1x8192xf32, #tpu.memory_space<hbm>>
      %dma_start3A_41 = tpu.memref_squeeze %dma_start3A_40 : memref<1x8192xf32, #tpu.memory_space<hbm>> -> memref<8192xf32, #tpu.memory_space<hbm>>
      tpu.enqueue_dma source(%dma_start3A_41 : memref<8192xf32, #tpu.memory_space<hbm>>) target(%arg9 : memref<8192xf32, #tpu.memory_space<vmem>>) target_semaphore(%arg11 : memref<!tpu.dma_semaphore, #tpu.memory_space<semaphore_mem>>)
      %dma_wait3A = arith.constant 0 : i32
      %dma_wait3A_42 = tpu.memref_slice %arg2[%add3A_16, %dma_wait3A] : memref<128x65536xi32, #tpu.memory_space<hbm>> -> memref<1x8192xi32, #tpu.memory_space<hbm>>
      %dma_wait3A_43 = tpu.memref_squeeze %dma_wait3A_42 : memref<1x8192xi32, #tpu.memory_space<hbm>> -> memref<8192xi32, #tpu.memory_space<hbm>>
      %dma_wait3A_44 = arith.constant 0 : i32
      %dma_wait3A_45 = tpu.memref_slice %arg2[%add3A_16, %dma_wait3A_44] : memref<128x65536xi32, #tpu.memory_space<hbm>> -> memref<1x8192xi32, #tpu.memory_space<hbm>>
      %dma_wait3A_46 = tpu.memref_squeeze %dma_wait3A_45 : memref<1x8192xi32, #tpu.memory_space<hbm>> -> memref<8192xi32, #tpu.memory_space<hbm>>
      tpu.wait_dma2 semaphore(%arg10 : memref<!tpu.dma_semaphore, #tpu.memory_space<semaphore_mem>>) src(%dma_wait3A_46 : memref<8192xi32, #tpu.memory_space<hbm>>) dst(%arg6 : memref<8192xi32, #tpu.memory_space<vmem>>)
      %dma_wait3A_47 = arith.constant 0 : i32
      %dma_wait3A_48 = tpu.memref_slice %arg3[%add3A_16, %dma_wait3A_47] : memref<128x65536xf32, #tpu.memory_space<hbm>> -> memref<1x8192xf32, #tpu.memory_space<hbm>>
      %dma_wait3A_49 = tpu.memref_squeeze %dma_wait3A_48 : memref<1x8192xf32, #tpu.memory_space<hbm>> -> memref<8192xf32, #tpu.memory_space<hbm>>
      %dma_wait3A_50 = arith.constant 0 : i32
      %dma_wait3A_51 = tpu.memref_slice %arg3[%add3A_16, %dma_wait3A_50] : memref<128x65536xf32, #tpu.memory_space<hbm>> -> memref<1x8192xf32, #tpu.memory_space<hbm>>
      %dma_wait3A_52 = tpu.memref_squeeze %dma_wait3A_51 : memref<1x8192xf32, #tpu.memory_space<hbm>> -> memref<8192xf32, #tpu.memory_space<hbm>>
      tpu.wait_dma2 semaphore(%arg10 : memref<!tpu.dma_semaphore, #tpu.memory_space<semaphore_mem>>) src(%dma_wait3A_52 : memref<8192xf32, #tpu.memory_space<hbm>>) dst(%arg7 : memref<8192xf32, #tpu.memory_space<vmem>>)
      %parallel_loop3A_53 = arith.constant 0 : i32
      %parallel_loop3A_54 = arith.constant 512 : i32
      %parallel_loop3A_55 = arith.constant 1 : i32
      scf.for %parallel_loop3A_233 = %parallel_loop3A_53 to %parallel_loop3A_54 step %parallel_loop3A_55  : i32 {
        %parallel_loop3A_234 = arith.constant 16 : i32
        %parallel_loop3A_235 = arith.muli %parallel_loop3A_233, %parallel_loop3A_234 : i32
        %parallel_loop3A_236 = arith.index_cast %parallel_loop3A_235 : i32 to index
        %parallel_loop3A_237 = tpu.vector_load %arg6[%parallel_loop3A_236] {strides = array<i32>} : memref<8192xi32, #tpu.memory_space<vmem>>, vector<16xi32>,
        %parallel_loop3A_238 = arith.constant 16 : i32
        %parallel_loop3A_239 = arith.muli %parallel_loop3A_233, %parallel_loop3A_238 : i32
        %parallel_loop3A_240 = arith.index_cast %parallel_loop3A_239 : i32 to index
        %parallel_loop3A_241 = tpu.vector_load %arg7[%parallel_loop3A_240] {strides = array<i32>} : memref<8192xf32, #tpu.memory_space<vmem>>, vector<16xf32>,
        %parallel_loop3A_242 = arith.constant 65536 : i32
        %parallel_loop3A_243 = vector.broadcast %parallel_loop3A_242 : i32 to vector<16xi32>
        %parallel_loop3A_244 = arith.cmpi slt, %parallel_loop3A_237, %parallel_loop3A_243 : vector<16xi32>
        tpu.vector_store_idx %arg5[%parallel_loop3A_237], %parallel_loop3A_241 masked %parallel_loop3A_244 {add = true} : memref<65536xf32, #tpu.memory_space<vmem>>[vector<16xi32>], vector<16xf32>, vector<16xi1>
      } {sc.loop_unroll_factor = 8 : i64, sc.parallel_access}
      %dma_start3A_56 = arith.constant 16384 : i32
      %dma_start3A_57 = tpu.memref_slice %arg2[%add3A_16, %dma_start3A_56] : memref<128x65536xi32, #tpu.memory_space<hbm>> -> memref<1x8192xi32, #tpu.memory_space<hbm>>
      %dma_start3A_58 = tpu.memref_squeeze %dma_start3A_57 : memref<1x8192xi32, #tpu.memory_space<hbm>> -> memref<8192xi32, #tpu.memory_space<hbm>>
      %dma_start3A_59 = arith.constant 16384 : i32
      %dma_start3A_60 = tpu.memref_slice %arg2[%add3A_16, %dma_start3A_59] : memref<128x65536xi32, #tpu.memory_space<hbm>> -> memref<1x8192xi32, #tpu.memory_space<hbm>>
      %dma_start3A_61 = tpu.memref_squeeze %dma_start3A_60 : memref<1x8192xi32, #tpu.memory_space<hbm>> -> memref<8192xi32, #tpu.memory_space<hbm>>
      tpu.enqueue_dma source(%dma_start3A_61 : memref<8192xi32, #tpu.memory_space<hbm>>) target(%arg6 : memref<8192xi32, #tpu.memory_space<vmem>>) target_semaphore(%arg10 : memref<!tpu.dma_semaphore, #tpu.memory_space<semaphore_mem>>)
      %dma_start3A_62 = arith.constant 16384 : i32
      %dma_start3A_63 = tpu.memref_slice %arg3[%add3A_16, %dma_start3A_62] : memref<128x65536xf32, #tpu.memory_space<hbm>> -> memref<1x8192xf32, #tpu.memory_space<hbm>>
      %dma_start3A_64 = tpu.memref_squeeze %dma_start3A_63 : memref<1x8192xf32, #tpu.memory_space<hbm>> -> memref<8192xf32, #tpu.memory_space<hbm>>
      %dma_start3A_65 = arith.constant 16384 : i32
      %dma_start3A_66 = tpu.memref_slice %arg3[%add3A_16, %dma_start3A_65] : memref<128x65536xf32, #tpu.memory_space<hbm>> -> memref<1x8192xf32, #tpu.memory_space<hbm>>
      %dma_start3A_67 = tpu.memref_squeeze %dma_start3A_66 : memref<1x8192xf32, #tpu.memory_space<hbm>> -> memref<8192xf32, #tpu.memory_space<hbm>>
      tpu.enqueue_dma source(%dma_start3A_67 : memref<8192xf32, #tpu.memory_space<hbm>>) target(%arg7 : memref<8192xf32, #tpu.memory_space<vmem>>) target_semaphore(%arg10 : memref<!tpu.dma_semaphore, #tpu.memory_space<semaphore_mem>>)
      %dma_wait3A_68 = arith.constant 8192 : i32
      %dma_wait3A_69 = tpu.memref_slice %arg2[%add3A_16, %dma_wait3A_68] : memref<128x65536xi32, #tpu.memory_space<hbm>> -> memref<1x8192xi32, #tpu.memory_space<hbm>>
      %dma_wait3A_70 = tpu.memref_squeeze %dma_wait3A_69 : memref<1x8192xi32, #tpu.memory_space<hbm>> -> memref<8192xi32, #tpu.memory_space<hbm>>
      %dma_wait3A_71 = arith.constant 8192 : i32
      %dma_wait3A_72 = tpu.memref_slice %arg2[%add3A_16, %dma_wait3A_71] : memref<128x65536xi32, #tpu.memory_space<hbm>> -> memref<1x8192xi32, #tpu.memory_space<hbm>>
      %dma_wait3A_73 = tpu.memref_squeeze %dma_wait3A_72 : memref<1x8192xi32, #tpu.memory_space<hbm>> -> memref<8192xi32, #tpu.memory_space<hbm>>
      tpu.wait_dma2 semaphore(%arg11 : memref<!tpu.dma_semaphore, #tpu.memory_space<semaphore_mem>>) src(%dma_wait3A_73 : memref<8192xi32, #tpu.memory_space<hbm>>) dst(%arg8 : memref<8192xi32, #tpu.memory_space<vmem>>)
      %dma_wait3A_74 = arith.constant 8192 : i32
      %dma_wait3A_75 = tpu.memref_slice %arg3[%add3A_16, %dma_wait3A_74] : memref<128x65536xf32, #tpu.memory_space<hbm>> -> memref<1x8192xf32, #tpu.memory_space<hbm>>
      %dma_wait3A_76 = tpu.memref_squeeze %dma_wait3A_75 : memref<1x8192xf32, #tpu.memory_space<hbm>> -> memref<8192xf32, #tpu.memory_space<hbm>>
      %dma_wait3A_77 = arith.constant 8192 : i32
      %dma_wait3A_78 = tpu.memref_slice %arg3[%add3A_16, %dma_wait3A_77] : memref<128x65536xf32, #tpu.memory_space<hbm>> -> memref<1x8192xf32, #tpu.memory_space<hbm>>
      %dma_wait3A_79 = tpu.memref_squeeze %dma_wait3A_78 : memref<1x8192xf32, #tpu.memory_space<hbm>> -> memref<8192xf32, #tpu.memory_space<hbm>>
      tpu.wait_dma2 semaphore(%arg11 : memref<!tpu.dma_semaphore, #tpu.memory_space<semaphore_mem>>) src(%dma_wait3A_79 : memref<8192xf32, #tpu.memory_space<hbm>>) dst(%arg9 : memref<8192xf32, #tpu.memory_space<vmem>>)
      %parallel_loop3A_80 = arith.constant 0 : i32
      %parallel_loop3A_81 = arith.constant 512 : i32
      %parallel_loop3A_82 = arith.constant 1 : i32
      scf.for %parallel_loop3A_233 = %parallel_loop3A_80 to %parallel_loop3A_81 step %parallel_loop3A_82  : i32 {
        %parallel_loop3A_234 = arith.constant 16 : i32
        %parallel_loop3A_235 = arith.muli %parallel_loop3A_233, %parallel_loop3A_234 : i32
        %parallel_loop3A_236 = arith.index_cast %parallel_loop3A_235 : i32 to index
        %parallel_loop3A_237 = tpu.vector_load %arg8[%parallel_loop3A_236] {strides = array<i32>} : memref<8192xi32, #tpu.memory_space<vmem>>, vector<16xi32>,
        %parallel_loop3A_238 = arith.constant 16 : i32
        %parallel_loop3A_239 = arith.muli %parallel_loop3A_233, %parallel_loop3A_238 : i32
        %parallel_loop3A_240 = arith.index_cast %parallel_loop3A_239 : i32 to index
        %parallel_loop3A_241 = tpu.vector_load %arg9[%parallel_loop3A_240] {strides = array<i32>} : memref<8192xf32, #tpu.memory_space<vmem>>, vector<16xf32>,
        %parallel_loop3A_242 = arith.constant 65536 : i32
        %parallel_loop3A_243 = vector.broadcast %parallel_loop3A_242 : i32 to vector<16xi32>
        %parallel_loop3A_244 = arith.cmpi slt, %parallel_loop3A_237, %parallel_loop3A_243 : vector<16xi32>
        tpu.vector_store_idx %arg5[%parallel_loop3A_237], %parallel_loop3A_241 masked %parallel_loop3A_244 {add = true} : memref<65536xf32, #tpu.memory_space<vmem>>[vector<16xi32>], vector<16xf32>, vector<16xi1>
      } {sc.loop_unroll_factor = 8 : i64, sc.parallel_access}
      %dma_start3A_83 = arith.constant 24576 : i32
      %dma_start3A_84 = tpu.memref_slice %arg2[%add3A_16, %dma_start3A_83] : memref<128x65536xi32, #tpu.memory_space<hbm>> -> memref<1x8192xi32, #tpu.memory_space<hbm>>
      %dma_start3A_85 = tpu.memref_squeeze %dma_start3A_84 : memref<1x8192xi32, #tpu.memory_space<hbm>> -> memref<8192xi32, #tpu.memory_space<hbm>>
      %dma_start3A_86 = arith.constant 24576 : i32
      %dma_start3A_87 = tpu.memref_slice %arg2[%add3A_16, %dma_start3A_86] : memref<128x65536xi32, #tpu.memory_space<hbm>> -> memref<1x8192xi32, #tpu.memory_space<hbm>>
      %dma_start3A_88 = tpu.memref_squeeze %dma_start3A_87 : memref<1x8192xi32, #tpu.memory_space<hbm>> -> memref<8192xi32, #tpu.memory_space<hbm>>
      tpu.enqueue_dma source(%dma_start3A_88 : memref<8192xi32, #tpu.memory_space<hbm>>) target(%arg8 : memref<8192xi32, #tpu.memory_space<vmem>>) target_semaphore(%arg11 : memref<!tpu.dma_semaphore, #tpu.memory_space<semaphore_mem>>)
      %dma_start3A_89 = arith.constant 24576 : i32
      %dma_start3A_90 = tpu.memref_slice %arg3[%add3A_16, %dma_start3A_89] : memref<128x65536xf32, #tpu.memory_space<hbm>> -> memref<1x8192xf32, #tpu.memory_space<hbm>>
      %dma_start3A_91 = tpu.memref_squeeze %dma_start3A_90 : memref<1x8192xf32, #tpu.memory_space<hbm>> -> memref<8192xf32, #tpu.memory_space<hbm>>
      %dma_start3A_92 = arith.constant 24576 : i32
      %dma_start3A_93 = tpu.memref_slice %arg3[%add3A_16, %dma_start3A_92] : memref<128x65536xf32, #tpu.memory_space<hbm>> -> memref<1x8192xf32, #tpu.memory_space<hbm>>
      %dma_start3A_94 = tpu.memref_squeeze %dma_start3A_93 : memref<1x8192xf32, #tpu.memory_space<hbm>> -> memref<8192xf32, #tpu.memory_space<hbm>>
      tpu.enqueue_dma source(%dma_start3A_94 : memref<8192xf32, #tpu.memory_space<hbm>>) target(%arg9 : memref<8192xf32, #tpu.memory_space<vmem>>) target_semaphore(%arg11 : memref<!tpu.dma_semaphore, #tpu.memory_space<semaphore_mem>>)
      %dma_wait3A_95 = arith.constant 16384 : i32
      %dma_wait3A_96 = tpu.memref_slice %arg2[%add3A_16, %dma_wait3A_95] : memref<128x65536xi32, #tpu.memory_space<hbm>> -> memref<1x8192xi32, #tpu.memory_space<hbm>>
      %dma_wait3A_97 = tpu.memref_squeeze %dma_wait3A_96 : memref<1x8192xi32, #tpu.memory_space<hbm>> -> memref<8192xi32, #tpu.memory_space<hbm>>
      %dma_wait3A_98 = arith.constant 16384 : i32
      %dma_wait3A_99 = tpu.memref_slice %arg2[%add3A_16, %dma_wait3A_98] : memref<128x65536xi32, #tpu.memory_space<hbm>> -> memref<1x8192xi32, #tpu.memory_space<hbm>>
      %dma_wait3A_100 = tpu.memref_squeeze %dma_wait3A_99 : memref<1x8192xi32, #tpu.memory_space<hbm>> -> memref<8192xi32, #tpu.memory_space<hbm>>
      tpu.wait_dma2 semaphore(%arg10 : memref<!tpu.dma_semaphore, #tpu.memory_space<semaphore_mem>>) src(%dma_wait3A_100 : memref<8192xi32, #tpu.memory_space<hbm>>) dst(%arg6 : memref<8192xi32, #tpu.memory_space<vmem>>)
      %dma_wait3A_101 = arith.constant 16384 : i32
      %dma_wait3A_102 = tpu.memref_slice %arg3[%add3A_16, %dma_wait3A_101] : memref<128x65536xf32, #tpu.memory_space<hbm>> -> memref<1x8192xf32, #tpu.memory_space<hbm>>
      %dma_wait3A_103 = tpu.memref_squeeze %dma_wait3A_102 : memref<1x8192xf32, #tpu.memory_space<hbm>> -> memref<8192xf32, #tpu.memory_space<hbm>>
      %dma_wait3A_104 = arith.constant 16384 : i32
      %dma_wait3A_105 = tpu.memref_slice %arg3[%add3A_16, %dma_wait3A_104] : memref<128x65536xf32, #tpu.memory_space<hbm>> -> memref<1x8192xf32, #tpu.memory_space<hbm>>
      %dma_wait3A_106 = tpu.memref_squeeze %dma_wait3A_105 : memref<1x8192xf32, #tpu.memory_space<hbm>> -> memref<8192xf32, #tpu.memory_space<hbm>>
      tpu.wait_dma2 semaphore(%arg10 : memref<!tpu.dma_semaphore, #tpu.memory_space<semaphore_mem>>) src(%dma_wait3A_106 : memref<8192xf32, #tpu.memory_space<hbm>>) dst(%arg7 : memref<8192xf32, #tpu.memory_space<vmem>>)
      %parallel_loop3A_107 = arith.constant 0 : i32
      %parallel_loop3A_108 = arith.constant 512 : i32
      %parallel_loop3A_109 = arith.constant 1 : i32
      scf.for %parallel_loop3A_233 = %parallel_loop3A_107 to %parallel_loop3A_108 step %parallel_loop3A_109  : i32 {
        %parallel_loop3A_234 = arith.constant 16 : i32
        %parallel_loop3A_235 = arith.muli %parallel_loop3A_233, %parallel_loop3A_234 : i32
        %parallel_loop3A_236 = arith.index_cast %parallel_loop3A_235 : i32 to index
        %parallel_loop3A_237 = tpu.vector_load %arg6[%parallel_loop3A_236] {strides = array<i32>} : memref<8192xi32, #tpu.memory_space<vmem>>, vector<16xi32>,
        %parallel_loop3A_238 = arith.constant 16 : i32
        %parallel_loop3A_239 = arith.muli %parallel_loop3A_233, %parallel_loop3A_238 : i32
        %parallel_loop3A_240 = arith.index_cast %parallel_loop3A_239 : i32 to index
        %parallel_loop3A_241 = tpu.vector_load %arg7[%parallel_loop3A_240] {strides = array<i32>} : memref<8192xf32, #tpu.memory_space<vmem>>, vector<16xf32>,
        %parallel_loop3A_242 = arith.constant 65536 : i32
        %parallel_loop3A_243 = vector.broadcast %parallel_loop3A_242 : i32 to vector<16xi32>
        %parallel_loop3A_244 = arith.cmpi slt, %parallel_loop3A_237, %parallel_loop3A_243 : vector<16xi32>
        tpu.vector_store_idx %arg5[%parallel_loop3A_237], %parallel_loop3A_241 masked %parallel_loop3A_244 {add = true} : memref<65536xf32, #tpu.memory_space<vmem>>[vector<16xi32>], vector<16xf32>, vector<16xi1>
      } {sc.loop_unroll_factor = 8 : i64, sc.parallel_access}
      %dma_start3A_110 = arith.constant 32768 : i32
      %dma_start3A_111 = tpu.memref_slice %arg2[%add3A_16, %dma_start3A_110] : memref<128x65536xi32, #tpu.memory_space<hbm>> -> memref<1x8192xi32, #tpu.memory_space<hbm>>
      %dma_start3A_112 = tpu.memref_squeeze %dma_start3A_111 : memref<1x8192xi32, #tpu.memory_space<hbm>> -> memref<8192xi32, #tpu.memory_space<hbm>>
      %dma_start3A_113 = arith.constant 32768 : i32
      %dma_start3A_114 = tpu.memref_slice %arg2[%add3A_16, %dma_start3A_113] : memref<128x65536xi32, #tpu.memory_space<hbm>> -> memref<1x8192xi32, #tpu.memory_space<hbm>>
      %dma_start3A_115 = tpu.memref_squeeze %dma_start3A_114 : memref<1x8192xi32, #tpu.memory_space<hbm>> -> memref<8192xi32, #tpu.memory_space<hbm>>
      tpu.enqueue_dma source(%dma_start3A_115 : memref<8192xi32, #tpu.memory_space<hbm>>) target(%arg6 : memref<8192xi32, #tpu.memory_space<vmem>>) target_semaphore(%arg10 : memref<!tpu.dma_semaphore, #tpu.memory_space<semaphore_mem>>)
      %dma_start3A_116 = arith.constant 32768 : i32
      %dma_start3A_117 = tpu.memref_slice %arg3[%add3A_16, %dma_start3A_116] : memref<128x65536xf32, #tpu.memory_space<hbm>> -> memref<1x8192xf32, #tpu.memory_space<hbm>>
      %dma_start3A_118 = tpu.memref_squeeze %dma_start3A_117 : memref<1x8192xf32, #tpu.memory_space<hbm>> -> memref<8192xf32, #tpu.memory_space<hbm>>
      %dma_start3A_119 = arith.constant 32768 : i32
      %dma_start3A_120 = tpu.memref_slice %arg3[%add3A_16, %dma_start3A_119] : memref<128x65536xf32, #tpu.memory_space<hbm>> -> memref<1x8192xf32, #tpu.memory_space<hbm>>
      %dma_start3A_121 = tpu.memref_squeeze %dma_start3A_120 : memref<1x8192xf32, #tpu.memory_space<hbm>> -> memref<8192xf32, #tpu.memory_space<hbm>>
      tpu.enqueue_dma source(%dma_start3A_121 : memref<8192xf32, #tpu.memory_space<hbm>>) target(%arg7 : memref<8192xf32, #tpu.memory_space<vmem>>) target_semaphore(%arg10 : memref<!tpu.dma_semaphore, #tpu.memory_space<semaphore_mem>>)
      %dma_wait3A_122 = arith.constant 24576 : i32
      %dma_wait3A_123 = tpu.memref_slice %arg2[%add3A_16, %dma_wait3A_122] : memref<128x65536xi32, #tpu.memory_space<hbm>> -> memref<1x8192xi32, #tpu.memory_space<hbm>>
      %dma_wait3A_124 = tpu.memref_squeeze %dma_wait3A_123 : memref<1x8192xi32, #tpu.memory_space<hbm>> -> memref<8192xi32, #tpu.memory_space<hbm>>
      %dma_wait3A_125 = arith.constant 24576 : i32
      %dma_wait3A_126 = tpu.memref_slice %arg2[%add3A_16, %dma_wait3A_125] : memref<128x65536xi32, #tpu.memory_space<hbm>> -> memref<1x8192xi32, #tpu.memory_space<hbm>>
      %dma_wait3A_127 = tpu.memref_squeeze %dma_wait3A_126 : memref<1x8192xi32, #tpu.memory_space<hbm>> -> memref<8192xi32, #tpu.memory_space<hbm>>
      tpu.wait_dma2 semaphore(%arg11 : memref<!tpu.dma_semaphore, #tpu.memory_space<semaphore_mem>>) src(%dma_wait3A_127 : memref<8192xi32, #tpu.memory_space<hbm>>) dst(%arg8 : memref<8192xi32, #tpu.memory_space<vmem>>)
      %dma_wait3A_128 = arith.constant 24576 : i32
      %dma_wait3A_129 = tpu.memref_slice %arg3[%add3A_16, %dma_wait3A_128] : memref<128x65536xf32, #tpu.memory_space<hbm>> -> memref<1x8192xf32, #tpu.memory_space<hbm>>
      %dma_wait3A_130 = tpu.memref_squeeze %dma_wait3A_129 : memref<1x8192xf32, #tpu.memory_space<hbm>> -> memref<8192xf32, #tpu.memory_space<hbm>>
      %dma_wait3A_131 = arith.constant 24576 : i32
      %dma_wait3A_132 = tpu.memref_slice %arg3[%add3A_16, %dma_wait3A_131] : memref<128x65536xf32, #tpu.memory_space<hbm>> -> memref<1x8192xf32, #tpu.memory_space<hbm>>
      %dma_wait3A_133 = tpu.memref_squeeze %dma_wait3A_132 : memref<1x8192xf32, #tpu.memory_space<hbm>> -> memref<8192xf32, #tpu.memory_space<hbm>>
      tpu.wait_dma2 semaphore(%arg11 : memref<!tpu.dma_semaphore, #tpu.memory_space<semaphore_mem>>) src(%dma_wait3A_133 : memref<8192xf32, #tpu.memory_space<hbm>>) dst(%arg9 : memref<8192xf32, #tpu.memory_space<vmem>>)
      %parallel_loop3A_134 = arith.constant 0 : i32
      %parallel_loop3A_135 = arith.constant 512 : i32
      %parallel_loop3A_136 = arith.constant 1 : i32
      scf.for %parallel_loop3A_233 = %parallel_loop3A_134 to %parallel_loop3A_135 step %parallel_loop3A_136  : i32 {
        %parallel_loop3A_234 = arith.constant 16 : i32
        %parallel_loop3A_235 = arith.muli %parallel_loop3A_233, %parallel_loop3A_234 : i32
        %parallel_loop3A_236 = arith.index_cast %parallel_loop3A_235 : i32 to index
        %parallel_loop3A_237 = tpu.vector_load %arg8[%parallel_loop3A_236] {strides = array<i32>} : memref<8192xi32, #tpu.memory_space<vmem>>, vector<16xi32>,
        %parallel_loop3A_238 = arith.constant 16 : i32
        %parallel_loop3A_239 = arith.muli %parallel_loop3A_233, %parallel_loop3A_238 : i32
        %parallel_loop3A_240 = arith.index_cast %parallel_loop3A_239 : i32 to index
        %parallel_loop3A_241 = tpu.vector_load %arg9[%parallel_loop3A_240] {strides = array<i32>} : memref<8192xf32, #tpu.memory_space<vmem>>, vector<16xf32>,
        %parallel_loop3A_242 = arith.constant 65536 : i32
        %parallel_loop3A_243 = vector.broadcast %parallel_loop3A_242 : i32 to vector<16xi32>
        %parallel_loop3A_244 = arith.cmpi slt, %parallel_loop3A_237, %parallel_loop3A_243 : vector<16xi32>
        tpu.vector_store_idx %arg5[%parallel_loop3A_237], %parallel_loop3A_241 masked %parallel_loop3A_244 {add = true} : memref<65536xf32, #tpu.memory_space<vmem>>[vector<16xi32>], vector<16xf32>, vector<16xi1>
      } {sc.loop_unroll_factor = 8 : i64, sc.parallel_access}
      %dma_start3A_137 = arith.constant 40960 : i32
      %dma_start3A_138 = tpu.memref_slice %arg2[%add3A_16, %dma_start3A_137] : memref<128x65536xi32, #tpu.memory_space<hbm>> -> memref<1x8192xi32, #tpu.memory_space<hbm>>
      %dma_start3A_139 = tpu.memref_squeeze %dma_start3A_138 : memref<1x8192xi32, #tpu.memory_space<hbm>> -> memref<8192xi32, #tpu.memory_space<hbm>>
      %dma_start3A_140 = arith.constant 40960 : i32
      %dma_start3A_141 = tpu.memref_slice %arg2[%add3A_16, %dma_start3A_140] : memref<128x65536xi32, #tpu.memory_space<hbm>> -> memref<1x8192xi32, #tpu.memory_space<hbm>>
      %dma_start3A_142 = tpu.memref_squeeze %dma_start3A_141 : memref<1x8192xi32, #tpu.memory_space<hbm>> -> memref<8192xi32, #tpu.memory_space<hbm>>
      tpu.enqueue_dma source(%dma_start3A_142 : memref<8192xi32, #tpu.memory_space<hbm>>) target(%arg8 : memref<8192xi32, #tpu.memory_space<vmem>>) target_semaphore(%arg11 : memref<!tpu.dma_semaphore, #tpu.memory_space<semaphore_mem>>)
      %dma_start3A_143 = arith.constant 40960 : i32
      %dma_start3A_144 = tpu.memref_slice %arg3[%add3A_16, %dma_start3A_143] : memref<128x65536xf32, #tpu.memory_space<hbm>> -> memref<1x8192xf32, #tpu.memory_space<hbm>>
      %dma_start3A_145 = tpu.memref_squeeze %dma_start3A_144 : memref<1x8192xf32, #tpu.memory_space<hbm>> -> memref<8192xf32, #tpu.memory_space<hbm>>
      %dma_start3A_146 = arith.constant 40960 : i32
      %dma_start3A_147 = tpu.memref_slice %arg3[%add3A_16, %dma_start3A_146] : memref<128x65536xf32, #tpu.memory_space<hbm>> -> memref<1x8192xf32, #tpu.memory_space<hbm>>
      %dma_start3A_148 = tpu.memref_squeeze %dma_start3A_147 : memref<1x8192xf32, #tpu.memory_space<hbm>> -> memref<8192xf32, #tpu.memory_space<hbm>>
      tpu.enqueue_dma source(%dma_start3A_148 : memref<8192xf32, #tpu.memory_space<hbm>>) target(%arg9 : memref<8192xf32, #tpu.memory_space<vmem>>) target_semaphore(%arg11 : memref<!tpu.dma_semaphore, #tpu.memory_space<semaphore_mem>>)
      %dma_wait3A_149 = arith.constant 32768 : i32
      %dma_wait3A_150 = tpu.memref_slice %arg2[%add3A_16, %dma_wait3A_149] : memref<128x65536xi32, #tpu.memory_space<hbm>> -> memref<1x8192xi32, #tpu.memory_space<hbm>>
      %dma_wait3A_151 = tpu.memref_squeeze %dma_wait3A_150 : memref<1x8192xi32, #tpu.memory_space<hbm>> -> memref<8192xi32, #tpu.memory_space<hbm>>
      %dma_wait3A_152 = arith.constant 32768 : i32
      %dma_wait3A_153 = tpu.memref_slice %arg2[%add3A_16, %dma_wait3A_152] : memref<128x65536xi32, #tpu.memory_space<hbm>> -> memref<1x8192xi32, #tpu.memory_space<hbm>>
      %dma_wait3A_154 = tpu.memref_squeeze %dma_wait3A_153 : memref<1x8192xi32, #tpu.memory_space<hbm>> -> memref<8192xi32, #tpu.memory_space<hbm>>
      tpu.wait_dma2 semaphore(%arg10 : memref<!tpu.dma_semaphore, #tpu.memory_space<semaphore_mem>>) src(%dma_wait3A_154 : memref<8192xi32, #tpu.memory_space<hbm>>) dst(%arg6 : memref<8192xi32, #tpu.memory_space<vmem>>)
      %dma_wait3A_155 = arith.constant 32768 : i32
      %dma_wait3A_156 = tpu.memref_slice %arg3[%add3A_16, %dma_wait3A_155] : memref<128x65536xf32, #tpu.memory_space<hbm>> -> memref<1x8192xf32, #tpu.memory_space<hbm>>
      %dma_wait3A_157 = tpu.memref_squeeze %dma_wait3A_156 : memref<1x8192xf32, #tpu.memory_space<hbm>> -> memref<8192xf32, #tpu.memory_space<hbm>>
      %dma_wait3A_158 = arith.constant 32768 : i32
      %dma_wait3A_159 = tpu.memref_slice %arg3[%add3A_16, %dma_wait3A_158] : memref<128x65536xf32, #tpu.memory_space<hbm>> -> memref<1x8192xf32, #tpu.memory_space<hbm>>
      %dma_wait3A_160 = tpu.memref_squeeze %dma_wait3A_159 : memref<1x8192xf32, #tpu.memory_space<hbm>> -> memref<8192xf32, #tpu.memory_space<hbm>>
      tpu.wait_dma2 semaphore(%arg10 : memref<!tpu.dma_semaphore, #tpu.memory_space<semaphore_mem>>) src(%dma_wait3A_160 : memref<8192xf32, #tpu.memory_space<hbm>>) dst(%arg7 : memref<8192xf32, #tpu.memory_space<vmem>>)
      %parallel_loop3A_161 = arith.constant 0 : i32
      %parallel_loop3A_162 = arith.constant 512 : i32
      %parallel_loop3A_163 = arith.constant 1 : i32
      scf.for %parallel_loop3A_233 = %parallel_loop3A_161 to %parallel_loop3A_162 step %parallel_loop3A_163  : i32 {
        %parallel_loop3A_234 = arith.constant 16 : i32
        %parallel_loop3A_235 = arith.muli %parallel_loop3A_233, %parallel_loop3A_234 : i32
        %parallel_loop3A_236 = arith.index_cast %parallel_loop3A_235 : i32 to index
        %parallel_loop3A_237 = tpu.vector_load %arg6[%parallel_loop3A_236] {strides = array<i32>} : memref<8192xi32, #tpu.memory_space<vmem>>, vector<16xi32>,
        %parallel_loop3A_238 = arith.constant 16 : i32
        %parallel_loop3A_239 = arith.muli %parallel_loop3A_233, %parallel_loop3A_238 : i32
        %parallel_loop3A_240 = arith.index_cast %parallel_loop3A_239 : i32 to index
        %parallel_loop3A_241 = tpu.vector_load %arg7[%parallel_loop3A_240] {strides = array<i32>} : memref<8192xf32, #tpu.memory_space<vmem>>, vector<16xf32>,
        %parallel_loop3A_242 = arith.constant 65536 : i32
        %parallel_loop3A_243 = vector.broadcast %parallel_loop3A_242 : i32 to vector<16xi32>
        %parallel_loop3A_244 = arith.cmpi slt, %parallel_loop3A_237, %parallel_loop3A_243 : vector<16xi32>
        tpu.vector_store_idx %arg5[%parallel_loop3A_237], %parallel_loop3A_241 masked %parallel_loop3A_244 {add = true} : memref<65536xf32, #tpu.memory_space<vmem>>[vector<16xi32>], vector<16xf32>, vector<16xi1>
      } {sc.loop_unroll_factor = 8 : i64, sc.parallel_access}
      %dma_start3A_164 = arith.constant 49152 : i32
      %dma_start3A_165 = tpu.memref_slice %arg2[%add3A_16, %dma_start3A_164] : memref<128x65536xi32, #tpu.memory_space<hbm>> -> memref<1x8192xi32, #tpu.memory_space<hbm>>
      %dma_start3A_166 = tpu.memref_squeeze %dma_start3A_165 : memref<1x8192xi32, #tpu.memory_space<hbm>> -> memref<8192xi32, #tpu.memory_space<hbm>>
      %dma_start3A_167 = arith.constant 49152 : i32
      %dma_start3A_168 = tpu.memref_slice %arg2[%add3A_16, %dma_start3A_167] : memref<128x65536xi32, #tpu.memory_space<hbm>> -> memref<1x8192xi32, #tpu.memory_space<hbm>>
      %dma_start3A_169 = tpu.memref_squeeze %dma_start3A_168 : memref<1x8192xi32, #tpu.memory_space<hbm>> -> memref<8192xi32, #tpu.memory_space<hbm>>
      tpu.enqueue_dma source(%dma_start3A_169 : memref<8192xi32, #tpu.memory_space<hbm>>) target(%arg6 : memref<8192xi32, #tpu.memory_space<vmem>>) target_semaphore(%arg10 : memref<!tpu.dma_semaphore, #tpu.memory_space<semaphore_mem>>)
      %dma_start3A_170 = arith.constant 49152 : i32
      %dma_start3A_171 = tpu.memref_slice %arg3[%add3A_16, %dma_start3A_170] : memref<128x65536xf32, #tpu.memory_space<hbm>> -> memref<1x8192xf32, #tpu.memory_space<hbm>>
      %dma_start3A_172 = tpu.memref_squeeze %dma_start3A_171 : memref<1x8192xf32, #tpu.memory_space<hbm>> -> memref<8192xf32, #tpu.memory_space<hbm>>
      %dma_start3A_173 = arith.constant 49152 : i32
      %dma_start3A_174 = tpu.memref_slice %arg3[%add3A_16, %dma_start3A_173] : memref<128x65536xf32, #tpu.memory_space<hbm>> -> memref<1x8192xf32, #tpu.memory_space<hbm>>
      %dma_start3A_175 = tpu.memref_squeeze %dma_start3A_174 : memref<1x8192xf32, #tpu.memory_space<hbm>> -> memref<8192xf32, #tpu.memory_space<hbm>>
      tpu.enqueue_dma source(%dma_start3A_175 : memref<8192xf32, #tpu.memory_space<hbm>>) target(%arg7 : memref<8192xf32, #tpu.memory_space<vmem>>) target_semaphore(%arg10 : memref<!tpu.dma_semaphore, #tpu.memory_space<semaphore_mem>>)
      %dma_wait3A_176 = arith.constant 40960 : i32
      %dma_wait3A_177 = tpu.memref_slice %arg2[%add3A_16, %dma_wait3A_176] : memref<128x65536xi32, #tpu.memory_space<hbm>> -> memref<1x8192xi32, #tpu.memory_space<hbm>>
      %dma_wait3A_178 = tpu.memref_squeeze %dma_wait3A_177 : memref<1x8192xi32, #tpu.memory_space<hbm>> -> memref<8192xi32, #tpu.memory_space<hbm>>
      %dma_wait3A_179 = arith.constant 40960 : i32
      %dma_wait3A_180 = tpu.memref_slice %arg2[%add3A_16, %dma_wait3A_179] : memref<128x65536xi32, #tpu.memory_space<hbm>> -> memref<1x8192xi32, #tpu.memory_space<hbm>>
      %dma_wait3A_181 = tpu.memref_squeeze %dma_wait3A_180 : memref<1x8192xi32, #tpu.memory_space<hbm>> -> memref<8192xi32, #tpu.memory_space<hbm>>
      tpu.wait_dma2 semaphore(%arg11 : memref<!tpu.dma_semaphore, #tpu.memory_space<semaphore_mem>>) src(%dma_wait3A_181 : memref<8192xi32, #tpu.memory_space<hbm>>) dst(%arg8 : memref<8192xi32, #tpu.memory_space<vmem>>)
      %dma_wait3A_182 = arith.constant 40960 : i32
      %dma_wait3A_183 = tpu.memref_slice %arg3[%add3A_16, %dma_wait3A_182] : memref<128x65536xf32, #tpu.memory_space<hbm>> -> memref<1x8192xf32, #tpu.memory_space<hbm>>
      %dma_wait3A_184 = tpu.memref_squeeze %dma_wait3A_183 : memref<1x8192xf32, #tpu.memory_space<hbm>> -> memref<8192xf32, #tpu.memory_space<hbm>>
      %dma_wait3A_185 = arith.constant 40960 : i32
      %dma_wait3A_186 = tpu.memref_slice %arg3[%add3A_16, %dma_wait3A_185] : memref<128x65536xf32, #tpu.memory_space<hbm>> -> memref<1x8192xf32, #tpu.memory_space<hbm>>
      %dma_wait3A_187 = tpu.memref_squeeze %dma_wait3A_186 : memref<1x8192xf32, #tpu.memory_space<hbm>> -> memref<8192xf32, #tpu.memory_space<hbm>>
      tpu.wait_dma2 semaphore(%arg11 : memref<!tpu.dma_semaphore, #tpu.memory_space<semaphore_mem>>) src(%dma_wait3A_187 : memref<8192xf32, #tpu.memory_space<hbm>>) dst(%arg9 : memref<8192xf32, #tpu.memory_space<vmem>>)
      %parallel_loop3A_188 = arith.constant 0 : i32
      %parallel_loop3A_189 = arith.constant 512 : i32
      %parallel_loop3A_190 = arith.constant 1 : i32
      scf.for %parallel_loop3A_233 = %parallel_loop3A_188 to %parallel_loop3A_189 step %parallel_loop3A_190  : i32 {
        %parallel_loop3A_234 = arith.constant 16 : i32
        %parallel_loop3A_235 = arith.muli %parallel_loop3A_233, %parallel_loop3A_234 : i32
        %parallel_loop3A_236 = arith.index_cast %parallel_loop3A_235 : i32 to index
        %parallel_loop3A_237 = tpu.vector_load %arg8[%parallel_loop3A_236] {strides = array<i32>} : memref<8192xi32, #tpu.memory_space<vmem>>, vector<16xi32>,
        %parallel_loop3A_238 = arith.constant 16 : i32
        %parallel_loop3A_239 = arith.muli %parallel_loop3A_233, %parallel_loop3A_238 : i32
        %parallel_loop3A_240 = arith.index_cast %parallel_loop3A_239 : i32 to index
        %parallel_loop3A_241 = tpu.vector_load %arg9[%parallel_loop3A_240] {strides = array<i32>} : memref<8192xf32, #tpu.memory_space<vmem>>, vector<16xf32>,
        %parallel_loop3A_242 = arith.constant 65536 : i32
        %parallel_loop3A_243 = vector.broadcast %parallel_loop3A_242 : i32 to vector<16xi32>
        %parallel_loop3A_244 = arith.cmpi slt, %parallel_loop3A_237, %parallel_loop3A_243 : vector<16xi32>
        tpu.vector_store_idx %arg5[%parallel_loop3A_237], %parallel_loop3A_241 masked %parallel_loop3A_244 {add = true} : memref<65536xf32, #tpu.memory_space<vmem>>[vector<16xi32>], vector<16xf32>, vector<16xi1>
      } {sc.loop_unroll_factor = 8 : i64, sc.parallel_access}
      %dma_start3A_191 = arith.constant 57344 : i32
      %dma_start3A_192 = tpu.memref_slice %arg2[%add3A_16, %dma_start3A_191] : memref<128x65536xi32, #tpu.memory_space<hbm>> -> memref<1x8192xi32, #tpu.memory_space<hbm>>
      %dma_start3A_193 = tpu.memref_squeeze %dma_start3A_192 : memref<1x8192xi32, #tpu.memory_space<hbm>> -> memref<8192xi32, #tpu.memory_space<hbm>>
      %dma_start3A_194 = arith.constant 57344 : i32
      %dma_start3A_195 = tpu.memref_slice %arg2[%add3A_16, %dma_start3A_194] : memref<128x65536xi32, #tpu.memory_space<hbm>> -> memref<1x8192xi32, #tpu.memory_space<hbm>>
      %dma_start3A_196 = tpu.memref_squeeze %dma_start3A_195 : memref<1x8192xi32, #tpu.memory_space<hbm>> -> memref<8192xi32, #tpu.memory_space<hbm>>
      tpu.enqueue_dma source(%dma_start3A_196 : memref<8192xi32, #tpu.memory_space<hbm>>) target(%arg8 : memref<8192xi32, #tpu.memory_space<vmem>>) target_semaphore(%arg11 : memref<!tpu.dma_semaphore, #tpu.memory_space<semaphore_mem>>)
      %dma_start3A_197 = arith.constant 57344 : i32
      %dma_start3A_198 = tpu.memref_slice %arg3[%add3A_16, %dma_start3A_197] : memref<128x65536xf32, #tpu.memory_space<hbm>> -> memref<1x8192xf32, #tpu.memory_space<hbm>>
      %dma_start3A_199 = tpu.memref_squeeze %dma_start3A_198 : memref<1x8192xf32, #tpu.memory_space<hbm>> -> memref<8192xf32, #tpu.memory_space<hbm>>
      %dma_start3A_200 = arith.constant 57344 : i32
      %dma_start3A_201 = tpu.memref_slice %arg3[%add3A_16, %dma_start3A_200] : memref<128x65536xf32, #tpu.memory_space<hbm>> -> memref<1x8192xf32, #tpu.memory_space<hbm>>
      %dma_start3A_202 = tpu.memref_squeeze %dma_start3A_201 : memref<1x8192xf32, #tpu.memory_space<hbm>> -> memref<8192xf32, #tpu.memory_space<hbm>>
      tpu.enqueue_dma source(%dma_start3A_202 : memref<8192xf32, #tpu.memory_space<hbm>>) target(%arg9 : memref<8192xf32, #tpu.memory_space<vmem>>) target_semaphore(%arg11 : memref<!tpu.dma_semaphore, #tpu.memory_space<semaphore_mem>>)
      %dma_wait3A_203 = arith.constant 49152 : i32
      %dma_wait3A_204 = tpu.memref_slice %arg2[%add3A_16, %dma_wait3A_203] : memref<128x65536xi32, #tpu.memory_space<hbm>> -> memref<1x8192xi32, #tpu.memory_space<hbm>>
      %dma_wait3A_205 = tpu.memref_squeeze %dma_wait3A_204 : memref<1x8192xi32, #tpu.memory_space<hbm>> -> memref<8192xi32, #tpu.memory_space<hbm>>
      %dma_wait3A_206 = arith.constant 49152 : i32
      %dma_wait3A_207 = tpu.memref_slice %arg2[%add3A_16, %dma_wait3A_206] : memref<128x65536xi32, #tpu.memory_space<hbm>> -> memref<1x8192xi32, #tpu.memory_space<hbm>>
      %dma_wait3A_208 = tpu.memref_squeeze %dma_wait3A_207 : memref<1x8192xi32, #tpu.memory_space<hbm>> -> memref<8192xi32, #tpu.memory_space<hbm>>
      tpu.wait_dma2 semaphore(%arg10 : memref<!tpu.dma_semaphore, #tpu.memory_space<semaphore_mem>>) src(%dma_wait3A_208 : memref<8192xi32, #tpu.memory_space<hbm>>) dst(%arg6 : memref<8192xi32, #tpu.memory_space<vmem>>)
      %dma_wait3A_209 = arith.constant 49152 : i32
      %dma_wait3A_210 = tpu.memref_slice %arg3[%add3A_16, %dma_wait3A_209] : memref<128x65536xf32, #tpu.memory_space<hbm>> -> memref<1x8192xf32, #tpu.memory_space<hbm>>
      %dma_wait3A_211 = tpu.memref_squeeze %dma_wait3A_210 : memref<1x8192xf32, #tpu.memory_space<hbm>> -> memref<8192xf32, #tpu.memory_space<hbm>>
      %dma_wait3A_212 = arith.constant 49152 : i32
      %dma_wait3A_213 = tpu.memref_slice %arg3[%add3A_16, %dma_wait3A_212] : memref<128x65536xf32, #tpu.memory_space<hbm>> -> memref<1x8192xf32, #tpu.memory_space<hbm>>
      %dma_wait3A_214 = tpu.memref_squeeze %dma_wait3A_213 : memref<1x8192xf32, #tpu.memory_space<hbm>> -> memref<8192xf32, #tpu.memory_space<hbm>>
      tpu.wait_dma2 semaphore(%arg10 : memref<!tpu.dma_semaphore, #tpu.memory_space<semaphore_mem>>) src(%dma_wait3A_214 : memref<8192xf32, #tpu.memory_space<hbm>>) dst(%arg7 : memref<8192xf32, #tpu.memory_space<vmem>>)
      %parallel_loop3A_215 = arith.constant 0 : i32
      %parallel_loop3A_216 = arith.constant 512 : i32
      %parallel_loop3A_217 = arith.constant 1 : i32
      scf.for %parallel_loop3A_233 = %parallel_loop3A_215 to %parallel_loop3A_216 step %parallel_loop3A_217  : i32 {
        %parallel_loop3A_234 = arith.constant 16 : i32
        %parallel_loop3A_235 = arith.muli %parallel_loop3A_233, %parallel_loop3A_234 : i32
        %parallel_loop3A_236 = arith.index_cast %parallel_loop3A_235 : i32 to index
        %parallel_loop3A_237 = tpu.vector_load %arg6[%parallel_loop3A_236] {strides = array<i32>} : memref<8192xi32, #tpu.memory_space<vmem>>, vector<16xi32>,
        %parallel_loop3A_238 = arith.constant 16 : i32
        %parallel_loop3A_239 = arith.muli %parallel_loop3A_233, %parallel_loop3A_238 : i32
        %parallel_loop3A_240 = arith.index_cast %parallel_loop3A_239 : i32 to index
        %parallel_loop3A_241 = tpu.vector_load %arg7[%parallel_loop3A_240] {strides = array<i32>} : memref<8192xf32, #tpu.memory_space<vmem>>, vector<16xf32>,
        %parallel_loop3A_242 = arith.constant 65536 : i32
        %parallel_loop3A_243 = vector.broadcast %parallel_loop3A_242 : i32 to vector<16xi32>
        %parallel_loop3A_244 = arith.cmpi slt, %parallel_loop3A_237, %parallel_loop3A_243 : vector<16xi32>
        tpu.vector_store_idx %arg5[%parallel_loop3A_237], %parallel_loop3A_241 masked %parallel_loop3A_244 {add = true} : memref<65536xf32, #tpu.memory_space<vmem>>[vector<16xi32>], vector<16xf32>, vector<16xi1>
      } {sc.loop_unroll_factor = 8 : i64, sc.parallel_access}
      %dma_wait3A_218 = arith.constant 57344 : i32
      %dma_wait3A_219 = tpu.memref_slice %arg2[%add3A_16, %dma_wait3A_218] : memref<128x65536xi32, #tpu.memory_space<hbm>> -> memref<1x8192xi32, #tpu.memory_space<hbm>>
      %dma_wait3A_220 = tpu.memref_squeeze %dma_wait3A_219 : memref<1x8192xi32, #tpu.memory_space<hbm>> -> memref<8192xi32, #tpu.memory_space<hbm>>
      %dma_wait3A_221 = arith.constant 57344 : i32
      %dma_wait3A_222 = tpu.memref_slice %arg2[%add3A_16, %dma_wait3A_221] : memref<128x65536xi32, #tpu.memory_space<hbm>> -> memref<1x8192xi32, #tpu.memory_space<hbm>>
      %dma_wait3A_223 = tpu.memref_squeeze %dma_wait3A_222 : memref<1x8192xi32, #tpu.memory_space<hbm>> -> memref<8192xi32, #tpu.memory_space<hbm>>
      tpu.wait_dma2 semaphore(%arg11 : memref<!tpu.dma_semaphore, #tpu.memory_space<semaphore_mem>>) src(%dma_wait3A_223 : memref<8192xi32, #tpu.memory_space<hbm>>) dst(%arg8 : memref<8192xi32, #tpu.memory_space<vmem>>)
      %dma_wait3A_224 = arith.constant 57344 : i32
      %dma_wait3A_225 = tpu.memref_slice %arg3[%add3A_16, %dma_wait3A_224] : memref<128x65536xf32, #tpu.memory_space<hbm>> -> memref<1x8192xf32, #tpu.memory_space<hbm>>
      %dma_wait3A_226 = tpu.memref_squeeze %dma_wait3A_225 : memref<1x8192xf32, #tpu.memory_space<hbm>> -> memref<8192xf32, #tpu.memory_space<hbm>>
      %dma_wait3A_227 = arith.constant 57344 : i32
      %dma_wait3A_228 = tpu.memref_slice %arg3[%add3A_16, %dma_wait3A_227] : memref<128x65536xf32, #tpu.memory_space<hbm>> -> memref<1x8192xf32, #tpu.memory_space<hbm>>
      %dma_wait3A_229 = tpu.memref_squeeze %dma_wait3A_228 : memref<1x8192xf32, #tpu.memory_space<hbm>> -> memref<8192xf32, #tpu.memory_space<hbm>>
      tpu.wait_dma2 semaphore(%arg11 : memref<!tpu.dma_semaphore, #tpu.memory_space<semaphore_mem>>) src(%dma_wait3A_229 : memref<8192xf32, #tpu.memory_space<hbm>>) dst(%arg9 : memref<8192xf32, #tpu.memory_space<vmem>>)
      %parallel_loop3A_230 = arith.constant 0 : i32
      %parallel_loop3A_231 = arith.constant 512 : i32
      %parallel_loop3A_232 = arith.constant 1 : i32
      scf.for %parallel_loop3A_233 = %parallel_loop3A_230 to %parallel_loop3A_231 step %parallel_loop3A_232  : i32 {
        %parallel_loop3A_234 = arith.constant 16 : i32
        %parallel_loop3A_235 = arith.muli %parallel_loop3A_233, %parallel_loop3A_234 : i32
        %parallel_loop3A_236 = arith.index_cast %parallel_loop3A_235 : i32 to index
        %parallel_loop3A_237 = tpu.vector_load %arg8[%parallel_loop3A_236] {strides = array<i32>} : memref<8192xi32, #tpu.memory_space<vmem>>, vector<16xi32>,
        %parallel_loop3A_238 = arith.constant 16 : i32
        %parallel_loop3A_239 = arith.muli %parallel_loop3A_233, %parallel_loop3A_238 : i32
        %parallel_loop3A_240 = arith.index_cast %parallel_loop3A_239 : i32 to index
        %parallel_loop3A_241 = tpu.vector_load %arg9[%parallel_loop3A_240] {strides = array<i32>} : memref<8192xf32, #tpu.memory_space<vmem>>, vector<16xf32>,
        %parallel_loop3A_242 = arith.constant 65536 : i32
        %parallel_loop3A_243 = vector.broadcast %parallel_loop3A_242 : i32 to vector<16xi32>
        %parallel_loop3A_244 = arith.cmpi slt, %parallel_loop3A_237, %parallel_loop3A_243 : vector<16xi32>
        tpu.vector_store_idx %arg5[%parallel_loop3A_237], %parallel_loop3A_241 masked %parallel_loop3A_244 {add = true} : memref<65536xf32, #tpu.memory_space<vmem>>[vector<16xi32>], vector<16xf32>, vector<16xi1>
      } {sc.loop_unroll_factor = 8 : i64, sc.parallel_access}
      "tpu.region"() ({
        %run_scoped3A = tpu.sem_alloc : memref<!tpu.dma_semaphore, #tpu.memory_space<semaphore_mem>>
        %dma_start3A_233 = arith.constant 0 : i32
        %dma_start3A_234 = tpu.memref_slice %arg4[%add3A_16, %dma_start3A_233] : memref<128x131072xf32, #tpu.memory_space<hbm>> -> memref<1x65536xf32, #tpu.memory_space<hbm>>
        %dma_start3A_235 = tpu.memref_squeeze %dma_start3A_234 : memref<1x65536xf32, #tpu.memory_space<hbm>> -> memref<65536xf32, #tpu.memory_space<hbm>>
        %dma_start3A_236 = arith.constant 0 : i32
        %dma_start3A_237 = tpu.memref_slice %arg4[%add3A_16, %dma_start3A_236] : memref<128x131072xf32, #tpu.memory_space<hbm>> -> memref<1x65536xf32, #tpu.memory_space<hbm>>
        %dma_start3A_238 = tpu.memref_squeeze %dma_start3A_237 : memref<1x65536xf32, #tpu.memory_space<hbm>> -> memref<65536xf32, #tpu.memory_space<hbm>>
        tpu.enqueue_dma source(%arg5 : memref<65536xf32, #tpu.memory_space<vmem>>) target(%dma_start3A_238 : memref<65536xf32, #tpu.memory_space<hbm>>) target_semaphore(%run_scoped3A : memref<!tpu.dma_semaphore, #tpu.memory_space<semaphore_mem>>)
        %dma_wait3A_239 = arith.constant 0 : i32
        %dma_wait3A_240 = tpu.memref_slice %arg4[%add3A_16, %dma_wait3A_239] : memref<128x131072xf32, #tpu.memory_space<hbm>> -> memref<1x65536xf32, #tpu.memory_space<hbm>>
        %dma_wait3A_241 = tpu.memref_squeeze %dma_wait3A_240 : memref<1x65536xf32, #tpu.memory_space<hbm>> -> memref<65536xf32, #tpu.memory_space<hbm>>
        %dma_wait3A_242 = arith.constant 0 : i32
        %dma_wait3A_243 = tpu.memref_slice %arg4[%add3A_16, %dma_wait3A_242] : memref<128x131072xf32, #tpu.memory_space<hbm>> -> memref<1x65536xf32, #tpu.memory_space<hbm>>
        %dma_wait3A_244 = tpu.memref_squeeze %dma_wait3A_243 : memref<1x65536xf32, #tpu.memory_space<hbm>> -> memref<65536xf32, #tpu.memory_space<hbm>>
        tpu.wait_dma2 semaphore(%run_scoped3A : memref<!tpu.dma_semaphore, #tpu.memory_space<semaphore_mem>>) src(%arg5 : memref<65536xf32, #tpu.memory_space<vmem>>) dst(%dma_wait3A_244 : memref<65536xf32, #tpu.memory_space<hbm>>)
        tpu.yield
      }) : () -> ()
    }
    %scan3A_6 = arith.constant 4 : i32
    %scan3A_7 = arith.constant 0 : i32
    %scan3A_8 = arith.constant 0 : i32
    %scan3A_9 = arith.constant 4 : i32
    %scan3A_10 = arith.addi %scan3A_8, %scan3A_9 : i32
    %scan3A_11 = arith.constant 1 : i32
    scf.for %scan3A_13 = %scan3A_8 to %scan3A_10 step %scan3A_11  : i32 {
      %mul3A_14 = arith.constant 32 : i32
      %mul3A_15 = arith.muli %scan3A_13, %mul3A_14 : i32
      %add3A_16 = arith.addi %mul3A_15, %add3A : i32
      %dma_start3A = arith.constant 0 : i32
      %dma_start3A_17 = tpu.memref_slice %arg2[%add3A_16, %dma_start3A] : memref<128x65536xi32, #tpu.memory_space<hbm>> -> memref<1x8192xi32, #tpu.memory_space<hbm>>
      %dma_start3A_18 = tpu.memref_squeeze %dma_start3A_17 : memref<1x8192xi32, #tpu.memory_space<hbm>> -> memref<8192xi32, #tpu.memory_space<hbm>>
      %dma_start3A_19 = arith.constant 0 : i32
      %dma_start3A_20 = tpu.memref_slice %arg2[%add3A_16, %dma_start3A_19] : memref<128x65536xi32, #tpu.memory_space<hbm>> -> memref<1x8192xi32, #tpu.memory_space<hbm>>
      %dma_start3A_21 = tpu.memref_squeeze %dma_start3A_20 : memref<1x8192xi32, #tpu.memory_space<hbm>> -> memref<8192xi32, #tpu.memory_space<hbm>>
      tpu.enqueue_dma source(%dma_start3A_21 : memref<8192xi32, #tpu.memory_space<hbm>>) target(%arg6 : memref<8192xi32, #tpu.memory_space<vmem>>) target_semaphore(%arg10 : memref<!tpu.dma_semaphore, #tpu.memory_space<semaphore_mem>>)
      %dma_start3A_22 = arith.constant 0 : i32
      %dma_start3A_23 = tpu.memref_slice %arg3[%add3A_16, %dma_start3A_22] : memref<128x65536xf32, #tpu.memory_space<hbm>> -> memref<1x8192xf32, #tpu.memory_space<hbm>>
      %dma_start3A_24 = tpu.memref_squeeze %dma_start3A_23 : memref<1x8192xf32, #tpu.memory_space<hbm>> -> memref<8192xf32, #tpu.memory_space<hbm>>
      %dma_start3A_25 = arith.constant 0 : i32
      %dma_start3A_26 = tpu.memref_slice %arg3[%add3A_16, %dma_start3A_25] : memref<128x65536xf32, #tpu.memory_space<hbm>> -> memref<1x8192xf32, #tpu.memory_space<hbm>>
      %dma_start3A_27 = tpu.memref_squeeze %dma_start3A_26 : memref<1x8192xf32, #tpu.memory_space<hbm>> -> memref<8192xf32, #tpu.memory_space<hbm>>
      tpu.enqueue_dma source(%dma_start3A_27 : memref<8192xf32, #tpu.memory_space<hbm>>) target(%arg7 : memref<8192xf32, #tpu.memory_space<vmem>>) target_semaphore(%arg10 : memref<!tpu.dma_semaphore, #tpu.memory_space<semaphore_mem>>)
      %parallel_loop3A = arith.constant 0 : i32
      %parallel_loop3A_28 = arith.constant 4096 : i32
      %parallel_loop3A_29 = arith.constant 1 : i32
      scf.for %parallel_loop3A_233 = %parallel_loop3A to %parallel_loop3A_28 step %parallel_loop3A_29  : i32 {
        %parallel_loop3A_234 = arith.constant 16 : i32
        %parallel_loop3A_235 = arith.muli %parallel_loop3A_233, %parallel_loop3A_234 : i32
        %parallel_loop3A_236 = arith.index_cast %parallel_loop3A_235 : i32 to index
        %parallel_loop3A_237 = tpu.vector_load %arg5[%parallel_loop3A_236] {strides = array<i32>} : memref<65536xf32, #tpu.memory_space<vmem>>, vector<16xf32>,
        tpu.vector_store %arg5[%parallel_loop3A_236], %broadcast_in_dim3A_1 {strides = array<i32>} : memref<65536xf32, #tpu.memory_space<vmem>>, vector<16xf32>,
      } {sc.loop_unroll_factor = 8 : i64, sc.parallel_access}
      %dma_start3A_30 = arith.constant 8192 : i32
      %dma_start3A_31 = tpu.memref_slice %arg2[%add3A_16, %dma_start3A_30] : memref<128x65536xi32, #tpu.memory_space<hbm>> -> memref<1x8192xi32, #tpu.memory_space<hbm>>
      %dma_start3A_32 = tpu.memref_squeeze %dma_start3A_31 : memref<1x8192xi32, #tpu.memory_space<hbm>> -> memref<8192xi32, #tpu.memory_space<hbm>>
      %dma_start3A_33 = arith.constant 8192 : i32
      %dma_start3A_34 = tpu.memref_slice %arg2[%add3A_16, %dma_start3A_33] : memref<128x65536xi32, #tpu.memory_space<hbm>> -> memref<1x8192xi32, #tpu.memory_space<hbm>>
      %dma_start3A_35 = tpu.memref_squeeze %dma_start3A_34 : memref<1x8192xi32, #tpu.memory_space<hbm>> -> memref<8192xi32, #tpu.memory_space<hbm>>
      tpu.enqueue_dma source(%dma_start3A_35 : memref<8192xi32, #tpu.memory_space<hbm>>) target(%arg8 : memref<8192xi32, #tpu.memory_space<vmem>>) target_semaphore(%arg11 : memref<!tpu.dma_semaphore, #tpu.memory_space<semaphore_mem>>)
      %dma_start3A_36 = arith.constant 8192 : i32
      %dma_start3A_37 = tpu.memref_slice %arg3[%add3A_16, %dma_start3A_36] : memref<128x65536xf32, #tpu.memory_space<hbm>> -> memref<1x8192xf32, #tpu.memory_space<hbm>>
      %dma_start3A_38 = tpu.memref_squeeze %dma_start3A_37 : memref<1x8192xf32, #tpu.memory_space<hbm>> -> memref<8192xf32, #tpu.memory_space<hbm>>
      %dma_start3A_39 = arith.constant 8192 : i32
      %dma_start3A_40 = tpu.memref_slice %arg3[%add3A_16, %dma_start3A_39] : memref<128x65536xf32, #tpu.memory_space<hbm>> -> memref<1x8192xf32, #tpu.memory_space<hbm>>
      %dma_start3A_41 = tpu.memref_squeeze %dma_start3A_40 : memref<1x8192xf32, #tpu.memory_space<hbm>> -> memref<8192xf32, #tpu.memory_space<hbm>>
      tpu.enqueue_dma source(%dma_start3A_41 : memref<8192xf32, #tpu.memory_space<hbm>>) target(%arg9 : memref<8192xf32, #tpu.memory_space<vmem>>) target_semaphore(%arg11 : memref<!tpu.dma_semaphore, #tpu.memory_space<semaphore_mem>>)
      %dma_wait3A = arith.constant 0 : i32
      %dma_wait3A_42 = tpu.memref_slice %arg2[%add3A_16, %dma_wait3A] : memref<128x65536xi32, #tpu.memory_space<hbm>> -> memref<1x8192xi32, #tpu.memory_space<hbm>>
      %dma_wait3A_43 = tpu.memref_squeeze %dma_wait3A_42 : memref<1x8192xi32, #tpu.memory_space<hbm>> -> memref<8192xi32, #tpu.memory_space<hbm>>
      %dma_wait3A_44 = arith.constant 0 : i32
      %dma_wait3A_45 = tpu.memref_slice %arg2[%add3A_16, %dma_wait3A_44] : memref<128x65536xi32, #tpu.memory_space<hbm>> -> memref<1x8192xi32, #tpu.memory_space<hbm>>
      %dma_wait3A_46 = tpu.memref_squeeze %dma_wait3A_45 : memref<1x8192xi32, #tpu.memory_space<hbm>> -> memref<8192xi32, #tpu.memory_space<hbm>>
      tpu.wait_dma2 semaphore(%arg10 : memref<!tpu.dma_semaphore, #tpu.memory_space<semaphore_mem>>) src(%dma_wait3A_46 : memref<8192xi32, #tpu.memory_space<hbm>>) dst(%arg6 : memref<8192xi32, #tpu.memory_space<vmem>>)
      %dma_wait3A_47 = arith.constant 0 : i32
      %dma_wait3A_48 = tpu.memref_slice %arg3[%add3A_16, %dma_wait3A_47] : memref<128x65536xf32, #tpu.memory_space<hbm>> -> memref<1x8192xf32, #tpu.memory_space<hbm>>
      %dma_wait3A_49 = tpu.memref_squeeze %dma_wait3A_48 : memref<1x8192xf32, #tpu.memory_space<hbm>> -> memref<8192xf32, #tpu.memory_space<hbm>>
      %dma_wait3A_50 = arith.constant 0 : i32
      %dma_wait3A_51 = tpu.memref_slice %arg3[%add3A_16, %dma_wait3A_50] : memref<128x65536xf32, #tpu.memory_space<hbm>> -> memref<1x8192xf32, #tpu.memory_space<hbm>>
      %dma_wait3A_52 = tpu.memref_squeeze %dma_wait3A_51 : memref<1x8192xf32, #tpu.memory_space<hbm>> -> memref<8192xf32, #tpu.memory_space<hbm>>
      tpu.wait_dma2 semaphore(%arg10 : memref<!tpu.dma_semaphore, #tpu.memory_space<semaphore_mem>>) src(%dma_wait3A_52 : memref<8192xf32, #tpu.memory_space<hbm>>) dst(%arg7 : memref<8192xf32, #tpu.memory_space<vmem>>)
      %parallel_loop3A_53 = arith.constant 0 : i32
      %parallel_loop3A_54 = arith.constant 512 : i32
      %parallel_loop3A_55 = arith.constant 1 : i32
      scf.for %parallel_loop3A_233 = %parallel_loop3A_53 to %parallel_loop3A_54 step %parallel_loop3A_55  : i32 {
        %parallel_loop3A_234 = arith.constant 16 : i32
        %parallel_loop3A_235 = arith.muli %parallel_loop3A_233, %parallel_loop3A_234 : i32
        %parallel_loop3A_236 = arith.index_cast %parallel_loop3A_235 : i32 to index
        %parallel_loop3A_237 = tpu.vector_load %arg6[%parallel_loop3A_236] {strides = array<i32>} : memref<8192xi32, #tpu.memory_space<vmem>>, vector<16xi32>,
        %parallel_loop3A_238 = arith.constant 16 : i32
        %parallel_loop3A_239 = arith.muli %parallel_loop3A_233, %parallel_loop3A_238 : i32
        %parallel_loop3A_240 = arith.index_cast %parallel_loop3A_239 : i32 to index
        %parallel_loop3A_241 = tpu.vector_load %arg7[%parallel_loop3A_240] {strides = array<i32>} : memref<8192xf32, #tpu.memory_space<vmem>>, vector<16xf32>,
        %parallel_loop3A_242 = arith.constant 65536 : i32
        %parallel_loop3A_243 = vector.broadcast %parallel_loop3A_242 : i32 to vector<16xi32>
        %parallel_loop3A_244 = arith.subi %parallel_loop3A_237, %parallel_loop3A_243 : vector<16xi32>
        %parallel_loop3A_245 = arith.constant 65536 : i32
        %parallel_loop3A_246 = vector.broadcast %parallel_loop3A_245 : i32 to vector<16xi32>
        %parallel_loop3A_247 = arith.cmpi sge, %parallel_loop3A_237, %parallel_loop3A_246 : vector<16xi32>
        tpu.vector_store_idx %arg5[%parallel_loop3A_244], %parallel_loop3A_241 masked %parallel_loop3A_247 {add = true} : memref<65536xf32, #tpu.memory_space<vmem>>[vector<16xi32>], vector<16xf32>, vector<16xi1>
      } {sc.loop_unroll_factor = 8 : i64, sc.parallel_access}
      %dma_start3A_56 = arith.constant 16384 : i32
      %dma_start3A_57 = tpu.memref_slice %arg2[%add3A_16, %dma_start3A_56] : memref<128x65536xi32, #tpu.memory_space<hbm>> -> memref<1x8192xi32, #tpu.memory_space<hbm>>
      %dma_start3A_58 = tpu.memref_squeeze %dma_start3A_57 : memref<1x8192xi32, #tpu.memory_space<hbm>> -> memref<8192xi32, #tpu.memory_space<hbm>>
      %dma_start3A_59 = arith.constant 16384 : i32
      %dma_start3A_60 = tpu.memref_slice %arg2[%add3A_16, %dma_start3A_59] : memref<128x65536xi32, #tpu.memory_space<hbm>> -> memref<1x8192xi32, #tpu.memory_space<hbm>>
      %dma_start3A_61 = tpu.memref_squeeze %dma_start3A_60 : memref<1x8192xi32, #tpu.memory_space<hbm>> -> memref<8192xi32, #tpu.memory_space<hbm>>
      tpu.enqueue_dma source(%dma_start3A_61 : memref<8192xi32, #tpu.memory_space<hbm>>) target(%arg6 : memref<8192xi32, #tpu.memory_space<vmem>>) target_semaphore(%arg10 : memref<!tpu.dma_semaphore, #tpu.memory_space<semaphore_mem>>)
      %dma_start3A_62 = arith.constant 16384 : i32
      %dma_start3A_63 = tpu.memref_slice %arg3[%add3A_16, %dma_start3A_62] : memref<128x65536xf32, #tpu.memory_space<hbm>> -> memref<1x8192xf32, #tpu.memory_space<hbm>>
      %dma_start3A_64 = tpu.memref_squeeze %dma_start3A_63 : memref<1x8192xf32, #tpu.memory_space<hbm>> -> memref<8192xf32, #tpu.memory_space<hbm>>
      %dma_start3A_65 = arith.constant 16384 : i32
      %dma_start3A_66 = tpu.memref_slice %arg3[%add3A_16, %dma_start3A_65] : memref<128x65536xf32, #tpu.memory_space<hbm>> -> memref<1x8192xf32, #tpu.memory_space<hbm>>
      %dma_start3A_67 = tpu.memref_squeeze %dma_start3A_66 : memref<1x8192xf32, #tpu.memory_space<hbm>> -> memref<8192xf32, #tpu.memory_space<hbm>>
      tpu.enqueue_dma source(%dma_start3A_67 : memref<8192xf32, #tpu.memory_space<hbm>>) target(%arg7 : memref<8192xf32, #tpu.memory_space<vmem>>) target_semaphore(%arg10 : memref<!tpu.dma_semaphore, #tpu.memory_space<semaphore_mem>>)
      %dma_wait3A_68 = arith.constant 8192 : i32
      %dma_wait3A_69 = tpu.memref_slice %arg2[%add3A_16, %dma_wait3A_68] : memref<128x65536xi32, #tpu.memory_space<hbm>> -> memref<1x8192xi32, #tpu.memory_space<hbm>>
      %dma_wait3A_70 = tpu.memref_squeeze %dma_wait3A_69 : memref<1x8192xi32, #tpu.memory_space<hbm>> -> memref<8192xi32, #tpu.memory_space<hbm>>
      %dma_wait3A_71 = arith.constant 8192 : i32
      %dma_wait3A_72 = tpu.memref_slice %arg2[%add3A_16, %dma_wait3A_71] : memref<128x65536xi32, #tpu.memory_space<hbm>> -> memref<1x8192xi32, #tpu.memory_space<hbm>>
      %dma_wait3A_73 = tpu.memref_squeeze %dma_wait3A_72 : memref<1x8192xi32, #tpu.memory_space<hbm>> -> memref<8192xi32, #tpu.memory_space<hbm>>
      tpu.wait_dma2 semaphore(%arg11 : memref<!tpu.dma_semaphore, #tpu.memory_space<semaphore_mem>>) src(%dma_wait3A_73 : memref<8192xi32, #tpu.memory_space<hbm>>) dst(%arg8 : memref<8192xi32, #tpu.memory_space<vmem>>)
      %dma_wait3A_74 = arith.constant 8192 : i32
      %dma_wait3A_75 = tpu.memref_slice %arg3[%add3A_16, %dma_wait3A_74] : memref<128x65536xf32, #tpu.memory_space<hbm>> -> memref<1x8192xf32, #tpu.memory_space<hbm>>
      %dma_wait3A_76 = tpu.memref_squeeze %dma_wait3A_75 : memref<1x8192xf32, #tpu.memory_space<hbm>> -> memref<8192xf32, #tpu.memory_space<hbm>>
      %dma_wait3A_77 = arith.constant 8192 : i32
      %dma_wait3A_78 = tpu.memref_slice %arg3[%add3A_16, %dma_wait3A_77] : memref<128x65536xf32, #tpu.memory_space<hbm>> -> memref<1x8192xf32, #tpu.memory_space<hbm>>
      %dma_wait3A_79 = tpu.memref_squeeze %dma_wait3A_78 : memref<1x8192xf32, #tpu.memory_space<hbm>> -> memref<8192xf32, #tpu.memory_space<hbm>>
      tpu.wait_dma2 semaphore(%arg11 : memref<!tpu.dma_semaphore, #tpu.memory_space<semaphore_mem>>) src(%dma_wait3A_79 : memref<8192xf32, #tpu.memory_space<hbm>>) dst(%arg9 : memref<8192xf32, #tpu.memory_space<vmem>>)
      %parallel_loop3A_80 = arith.constant 0 : i32
      %parallel_loop3A_81 = arith.constant 512 : i32
      %parallel_loop3A_82 = arith.constant 1 : i32
      scf.for %parallel_loop3A_233 = %parallel_loop3A_80 to %parallel_loop3A_81 step %parallel_loop3A_82  : i32 {
        %parallel_loop3A_234 = arith.constant 16 : i32
        %parallel_loop3A_235 = arith.muli %parallel_loop3A_233, %parallel_loop3A_234 : i32
        %parallel_loop3A_236 = arith.index_cast %parallel_loop3A_235 : i32 to index
        %parallel_loop3A_237 = tpu.vector_load %arg8[%parallel_loop3A_236] {strides = array<i32>} : memref<8192xi32, #tpu.memory_space<vmem>>, vector<16xi32>,
        %parallel_loop3A_238 = arith.constant 16 : i32
        %parallel_loop3A_239 = arith.muli %parallel_loop3A_233, %parallel_loop3A_238 : i32
        %parallel_loop3A_240 = arith.index_cast %parallel_loop3A_239 : i32 to index
        %parallel_loop3A_241 = tpu.vector_load %arg9[%parallel_loop3A_240] {strides = array<i32>} : memref<8192xf32, #tpu.memory_space<vmem>>, vector<16xf32>,
        %parallel_loop3A_242 = arith.constant 65536 : i32
        %parallel_loop3A_243 = vector.broadcast %parallel_loop3A_242 : i32 to vector<16xi32>
        %parallel_loop3A_244 = arith.subi %parallel_loop3A_237, %parallel_loop3A_243 : vector<16xi32>
        %parallel_loop3A_245 = arith.constant 65536 : i32
        %parallel_loop3A_246 = vector.broadcast %parallel_loop3A_245 : i32 to vector<16xi32>
        %parallel_loop3A_247 = arith.cmpi sge, %parallel_loop3A_237, %parallel_loop3A_246 : vector<16xi32>
        tpu.vector_store_idx %arg5[%parallel_loop3A_244], %parallel_loop3A_241 masked %parallel_loop3A_247 {add = true} : memref<65536xf32, #tpu.memory_space<vmem>>[vector<16xi32>], vector<16xf32>, vector<16xi1>
      } {sc.loop_unroll_factor = 8 : i64, sc.parallel_access}
      %dma_start3A_83 = arith.constant 24576 : i32
      %dma_start3A_84 = tpu.memref_slice %arg2[%add3A_16, %dma_start3A_83] : memref<128x65536xi32, #tpu.memory_space<hbm>> -> memref<1x8192xi32, #tpu.memory_space<hbm>>
      %dma_start3A_85 = tpu.memref_squeeze %dma_start3A_84 : memref<1x8192xi32, #tpu.memory_space<hbm>> -> memref<8192xi32, #tpu.memory_space<hbm>>
      %dma_start3A_86 = arith.constant 24576 : i32
      %dma_start3A_87 = tpu.memref_slice %arg2[%add3A_16, %dma_start3A_86] : memref<128x65536xi32, #tpu.memory_space<hbm>> -> memref<1x8192xi32, #tpu.memory_space<hbm>>
      %dma_start3A_88 = tpu.memref_squeeze %dma_start3A_87 : memref<1x8192xi32, #tpu.memory_space<hbm>> -> memref<8192xi32, #tpu.memory_space<hbm>>
      tpu.enqueue_dma source(%dma_start3A_88 : memref<8192xi32, #tpu.memory_space<hbm>>) target(%arg8 : memref<8192xi32, #tpu.memory_space<vmem>>) target_semaphore(%arg11 : memref<!tpu.dma_semaphore, #tpu.memory_space<semaphore_mem>>)
      %dma_start3A_89 = arith.constant 24576 : i32
      %dma_start3A_90 = tpu.memref_slice %arg3[%add3A_16, %dma_start3A_89] : memref<128x65536xf32, #tpu.memory_space<hbm>> -> memref<1x8192xf32, #tpu.memory_space<hbm>>
      %dma_start3A_91 = tpu.memref_squeeze %dma_start3A_90 : memref<1x8192xf32, #tpu.memory_space<hbm>> -> memref<8192xf32, #tpu.memory_space<hbm>>
      %dma_start3A_92 = arith.constant 24576 : i32
      %dma_start3A_93 = tpu.memref_slice %arg3[%add3A_16, %dma_start3A_92] : memref<128x65536xf32, #tpu.memory_space<hbm>> -> memref<1x8192xf32, #tpu.memory_space<hbm>>
      %dma_start3A_94 = tpu.memref_squeeze %dma_start3A_93 : memref<1x8192xf32, #tpu.memory_space<hbm>> -> memref<8192xf32, #tpu.memory_space<hbm>>
      tpu.enqueue_dma source(%dma_start3A_94 : memref<8192xf32, #tpu.memory_space<hbm>>) target(%arg9 : memref<8192xf32, #tpu.memory_space<vmem>>) target_semaphore(%arg11 : memref<!tpu.dma_semaphore, #tpu.memory_space<semaphore_mem>>)
      %dma_wait3A_95 = arith.constant 16384 : i32
      %dma_wait3A_96 = tpu.memref_slice %arg2[%add3A_16, %dma_wait3A_95] : memref<128x65536xi32, #tpu.memory_space<hbm>> -> memref<1x8192xi32, #tpu.memory_space<hbm>>
      %dma_wait3A_97 = tpu.memref_squeeze %dma_wait3A_96 : memref<1x8192xi32, #tpu.memory_space<hbm>> -> memref<8192xi32, #tpu.memory_space<hbm>>
      %dma_wait3A_98 = arith.constant 16384 : i32
      %dma_wait3A_99 = tpu.memref_slice %arg2[%add3A_16, %dma_wait3A_98] : memref<128x65536xi32, #tpu.memory_space<hbm>> -> memref<1x8192xi32, #tpu.memory_space<hbm>>
      %dma_wait3A_100 = tpu.memref_squeeze %dma_wait3A_99 : memref<1x8192xi32, #tpu.memory_space<hbm>> -> memref<8192xi32, #tpu.memory_space<hbm>>
      tpu.wait_dma2 semaphore(%arg10 : memref<!tpu.dma_semaphore, #tpu.memory_space<semaphore_mem>>) src(%dma_wait3A_100 : memref<8192xi32, #tpu.memory_space<hbm>>) dst(%arg6 : memref<8192xi32, #tpu.memory_space<vmem>>)
      %dma_wait3A_101 = arith.constant 16384 : i32
      %dma_wait3A_102 = tpu.memref_slice %arg3[%add3A_16, %dma_wait3A_101] : memref<128x65536xf32, #tpu.memory_space<hbm>> -> memref<1x8192xf32, #tpu.memory_space<hbm>>
      %dma_wait3A_103 = tpu.memref_squeeze %dma_wait3A_102 : memref<1x8192xf32, #tpu.memory_space<hbm>> -> memref<8192xf32, #tpu.memory_space<hbm>>
      %dma_wait3A_104 = arith.constant 16384 : i32
      %dma_wait3A_105 = tpu.memref_slice %arg3[%add3A_16, %dma_wait3A_104] : memref<128x65536xf32, #tpu.memory_space<hbm>> -> memref<1x8192xf32, #tpu.memory_space<hbm>>
      %dma_wait3A_106 = tpu.memref_squeeze %dma_wait3A_105 : memref<1x8192xf32, #tpu.memory_space<hbm>> -> memref<8192xf32, #tpu.memory_space<hbm>>
      tpu.wait_dma2 semaphore(%arg10 : memref<!tpu.dma_semaphore, #tpu.memory_space<semaphore_mem>>) src(%dma_wait3A_106 : memref<8192xf32, #tpu.memory_space<hbm>>) dst(%arg7 : memref<8192xf32, #tpu.memory_space<vmem>>)
      %parallel_loop3A_107 = arith.constant 0 : i32
      %parallel_loop3A_108 = arith.constant 512 : i32
      %parallel_loop3A_109 = arith.constant 1 : i32
      scf.for %parallel_loop3A_233 = %parallel_loop3A_107 to %parallel_loop3A_108 step %parallel_loop3A_109  : i32 {
        %parallel_loop3A_234 = arith.constant 16 : i32
        %parallel_loop3A_235 = arith.muli %parallel_loop3A_233, %parallel_loop3A_234 : i32
        %parallel_loop3A_236 = arith.index_cast %parallel_loop3A_235 : i32 to index
        %parallel_loop3A_237 = tpu.vector_load %arg6[%parallel_loop3A_236] {strides = array<i32>} : memref<8192xi32, #tpu.memory_space<vmem>>, vector<16xi32>,
        %parallel_loop3A_238 = arith.constant 16 : i32
        %parallel_loop3A_239 = arith.muli %parallel_loop3A_233, %parallel_loop3A_238 : i32
        %parallel_loop3A_240 = arith.index_cast %parallel_loop3A_239 : i32 to index
        %parallel_loop3A_241 = tpu.vector_load %arg7[%parallel_loop3A_240] {strides = array<i32>} : memref<8192xf32, #tpu.memory_space<vmem>>, vector<16xf32>,
        %parallel_loop3A_242 = arith.constant 65536 : i32
        %parallel_loop3A_243 = vector.broadcast %parallel_loop3A_242 : i32 to vector<16xi32>
        %parallel_loop3A_244 = arith.subi %parallel_loop3A_237, %parallel_loop3A_243 : vector<16xi32>
        %parallel_loop3A_245 = arith.constant 65536 : i32
        %parallel_loop3A_246 = vector.broadcast %parallel_loop3A_245 : i32 to vector<16xi32>
        %parallel_loop3A_247 = arith.cmpi sge, %parallel_loop3A_237, %parallel_loop3A_246 : vector<16xi32>
        tpu.vector_store_idx %arg5[%parallel_loop3A_244], %parallel_loop3A_241 masked %parallel_loop3A_247 {add = true} : memref<65536xf32, #tpu.memory_space<vmem>>[vector<16xi32>], vector<16xf32>, vector<16xi1>
      } {sc.loop_unroll_factor = 8 : i64, sc.parallel_access}
      %dma_start3A_110 = arith.constant 32768 : i32
      %dma_start3A_111 = tpu.memref_slice %arg2[%add3A_16, %dma_start3A_110] : memref<128x65536xi32, #tpu.memory_space<hbm>> -> memref<1x8192xi32, #tpu.memory_space<hbm>>
      %dma_start3A_112 = tpu.memref_squeeze %dma_start3A_111 : memref<1x8192xi32, #tpu.memory_space<hbm>> -> memref<8192xi32, #tpu.memory_space<hbm>>
      %dma_start3A_113 = arith.constant 32768 : i32
      %dma_start3A_114 = tpu.memref_slice %arg2[%add3A_16, %dma_start3A_113] : memref<128x65536xi32, #tpu.memory_space<hbm>> -> memref<1x8192xi32, #tpu.memory_space<hbm>>
      %dma_start3A_115 = tpu.memref_squeeze %dma_start3A_114 : memref<1x8192xi32, #tpu.memory_space<hbm>> -> memref<8192xi32, #tpu.memory_space<hbm>>
      tpu.enqueue_dma source(%dma_start3A_115 : memref<8192xi32, #tpu.memory_space<hbm>>) target(%arg6 : memref<8192xi32, #tpu.memory_space<vmem>>) target_semaphore(%arg10 : memref<!tpu.dma_semaphore, #tpu.memory_space<semaphore_mem>>)
      %dma_start3A_116 = arith.constant 32768 : i32
      %dma_start3A_117 = tpu.memref_slice %arg3[%add3A_16, %dma_start3A_116] : memref<128x65536xf32, #tpu.memory_space<hbm>> -> memref<1x8192xf32, #tpu.memory_space<hbm>>
      %dma_start3A_118 = tpu.memref_squeeze %dma_start3A_117 : memref<1x8192xf32, #tpu.memory_space<hbm>> -> memref<8192xf32, #tpu.memory_space<hbm>>
      %dma_start3A_119 = arith.constant 32768 : i32
      %dma_start3A_120 = tpu.memref_slice %arg3[%add3A_16, %dma_start3A_119] : memref<128x65536xf32, #tpu.memory_space<hbm>> -> memref<1x8192xf32, #tpu.memory_space<hbm>>
      %dma_start3A_121 = tpu.memref_squeeze %dma_start3A_120 : memref<1x8192xf32, #tpu.memory_space<hbm>> -> memref<8192xf32, #tpu.memory_space<hbm>>
      tpu.enqueue_dma source(%dma_start3A_121 : memref<8192xf32, #tpu.memory_space<hbm>>) target(%arg7 : memref<8192xf32, #tpu.memory_space<vmem>>) target_semaphore(%arg10 : memref<!tpu.dma_semaphore, #tpu.memory_space<semaphore_mem>>)
      %dma_wait3A_122 = arith.constant 24576 : i32
      %dma_wait3A_123 = tpu.memref_slice %arg2[%add3A_16, %dma_wait3A_122] : memref<128x65536xi32, #tpu.memory_space<hbm>> -> memref<1x8192xi32, #tpu.memory_space<hbm>>
      %dma_wait3A_124 = tpu.memref_squeeze %dma_wait3A_123 : memref<1x8192xi32, #tpu.memory_space<hbm>> -> memref<8192xi32, #tpu.memory_space<hbm>>
      %dma_wait3A_125 = arith.constant 24576 : i32
      %dma_wait3A_126 = tpu.memref_slice %arg2[%add3A_16, %dma_wait3A_125] : memref<128x65536xi32, #tpu.memory_space<hbm>> -> memref<1x8192xi32, #tpu.memory_space<hbm>>
      %dma_wait3A_127 = tpu.memref_squeeze %dma_wait3A_126 : memref<1x8192xi32, #tpu.memory_space<hbm>> -> memref<8192xi32, #tpu.memory_space<hbm>>
      tpu.wait_dma2 semaphore(%arg11 : memref<!tpu.dma_semaphore, #tpu.memory_space<semaphore_mem>>) src(%dma_wait3A_127 : memref<8192xi32, #tpu.memory_space<hbm>>) dst(%arg8 : memref<8192xi32, #tpu.memory_space<vmem>>)
      %dma_wait3A_128 = arith.constant 24576 : i32
      %dma_wait3A_129 = tpu.memref_slice %arg3[%add3A_16, %dma_wait3A_128] : memref<128x65536xf32, #tpu.memory_space<hbm>> -> memref<1x8192xf32, #tpu.memory_space<hbm>>
      %dma_wait3A_130 = tpu.memref_squeeze %dma_wait3A_129 : memref<1x8192xf32, #tpu.memory_space<hbm>> -> memref<8192xf32, #tpu.memory_space<hbm>>
      %dma_wait3A_131 = arith.constant 24576 : i32
      %dma_wait3A_132 = tpu.memref_slice %arg3[%add3A_16, %dma_wait3A_131] : memref<128x65536xf32, #tpu.memory_space<hbm>> -> memref<1x8192xf32, #tpu.memory_space<hbm>>
      %dma_wait3A_133 = tpu.memref_squeeze %dma_wait3A_132 : memref<1x8192xf32, #tpu.memory_space<hbm>> -> memref<8192xf32, #tpu.memory_space<hbm>>
      tpu.wait_dma2 semaphore(%arg11 : memref<!tpu.dma_semaphore, #tpu.memory_space<semaphore_mem>>) src(%dma_wait3A_133 : memref<8192xf32, #tpu.memory_space<hbm>>) dst(%arg9 : memref<8192xf32, #tpu.memory_space<vmem>>)
      %parallel_loop3A_134 = arith.constant 0 : i32
      %parallel_loop3A_135 = arith.constant 512 : i32
      %parallel_loop3A_136 = arith.constant 1 : i32
      scf.for %parallel_loop3A_233 = %parallel_loop3A_134 to %parallel_loop3A_135 step %parallel_loop3A_136  : i32 {
        %parallel_loop3A_234 = arith.constant 16 : i32
        %parallel_loop3A_235 = arith.muli %parallel_loop3A_233, %parallel_loop3A_234 : i32
        %parallel_loop3A_236 = arith.index_cast %parallel_loop3A_235 : i32 to index
        %parallel_loop3A_237 = tpu.vector_load %arg8[%parallel_loop3A_236] {strides = array<i32>} : memref<8192xi32, #tpu.memory_space<vmem>>, vector<16xi32>,
        %parallel_loop3A_238 = arith.constant 16 : i32
        %parallel_loop3A_239 = arith.muli %parallel_loop3A_233, %parallel_loop3A_238 : i32
        %parallel_loop3A_240 = arith.index_cast %parallel_loop3A_239 : i32 to index
        %parallel_loop3A_241 = tpu.vector_load %arg9[%parallel_loop3A_240] {strides = array<i32>} : memref<8192xf32, #tpu.memory_space<vmem>>, vector<16xf32>,
        %parallel_loop3A_242 = arith.constant 65536 : i32
        %parallel_loop3A_243 = vector.broadcast %parallel_loop3A_242 : i32 to vector<16xi32>
        %parallel_loop3A_244 = arith.subi %parallel_loop3A_237, %parallel_loop3A_243 : vector<16xi32>
        %parallel_loop3A_245 = arith.constant 65536 : i32
        %parallel_loop3A_246 = vector.broadcast %parallel_loop3A_245 : i32 to vector<16xi32>
        %parallel_loop3A_247 = arith.cmpi sge, %parallel_loop3A_237, %parallel_loop3A_246 : vector<16xi32>
        tpu.vector_store_idx %arg5[%parallel_loop3A_244], %parallel_loop3A_241 masked %parallel_loop3A_247 {add = true} : memref<65536xf32, #tpu.memory_space<vmem>>[vector<16xi32>], vector<16xf32>, vector<16xi1>
      } {sc.loop_unroll_factor = 8 : i64, sc.parallel_access}
      %dma_start3A_137 = arith.constant 40960 : i32
      %dma_start3A_138 = tpu.memref_slice %arg2[%add3A_16, %dma_start3A_137] : memref<128x65536xi32, #tpu.memory_space<hbm>> -> memref<1x8192xi32, #tpu.memory_space<hbm>>
      %dma_start3A_139 = tpu.memref_squeeze %dma_start3A_138 : memref<1x8192xi32, #tpu.memory_space<hbm>> -> memref<8192xi32, #tpu.memory_space<hbm>>
      %dma_start3A_140 = arith.constant 40960 : i32
      %dma_start3A_141 = tpu.memref_slice %arg2[%add3A_16, %dma_start3A_140] : memref<128x65536xi32, #tpu.memory_space<hbm>> -> memref<1x8192xi32, #tpu.memory_space<hbm>>
      %dma_start3A_142 = tpu.memref_squeeze %dma_start3A_141 : memref<1x8192xi32, #tpu.memory_space<hbm>> -> memref<8192xi32, #tpu.memory_space<hbm>>
      tpu.enqueue_dma source(%dma_start3A_142 : memref<8192xi32, #tpu.memory_space<hbm>>) target(%arg8 : memref<8192xi32, #tpu.memory_space<vmem>>) target_semaphore(%arg11 : memref<!tpu.dma_semaphore, #tpu.memory_space<semaphore_mem>>)
      %dma_start3A_143 = arith.constant 40960 : i32
      %dma_start3A_144 = tpu.memref_slice %arg3[%add3A_16, %dma_start3A_143] : memref<128x65536xf32, #tpu.memory_space<hbm>> -> memref<1x8192xf32, #tpu.memory_space<hbm>>
      %dma_start3A_145 = tpu.memref_squeeze %dma_start3A_144 : memref<1x8192xf32, #tpu.memory_space<hbm>> -> memref<8192xf32, #tpu.memory_space<hbm>>
      %dma_start3A_146 = arith.constant 40960 : i32
      %dma_start3A_147 = tpu.memref_slice %arg3[%add3A_16, %dma_start3A_146] : memref<128x65536xf32, #tpu.memory_space<hbm>> -> memref<1x8192xf32, #tpu.memory_space<hbm>>
      %dma_start3A_148 = tpu.memref_squeeze %dma_start3A_147 : memref<1x8192xf32, #tpu.memory_space<hbm>> -> memref<8192xf32, #tpu.memory_space<hbm>>
      tpu.enqueue_dma source(%dma_start3A_148 : memref<8192xf32, #tpu.memory_space<hbm>>) target(%arg9 : memref<8192xf32, #tpu.memory_space<vmem>>) target_semaphore(%arg11 : memref<!tpu.dma_semaphore, #tpu.memory_space<semaphore_mem>>)
      %dma_wait3A_149 = arith.constant 32768 : i32
      %dma_wait3A_150 = tpu.memref_slice %arg2[%add3A_16, %dma_wait3A_149] : memref<128x65536xi32, #tpu.memory_space<hbm>> -> memref<1x8192xi32, #tpu.memory_space<hbm>>
      %dma_wait3A_151 = tpu.memref_squeeze %dma_wait3A_150 : memref<1x8192xi32, #tpu.memory_space<hbm>> -> memref<8192xi32, #tpu.memory_space<hbm>>
      %dma_wait3A_152 = arith.constant 32768 : i32
      %dma_wait3A_153 = tpu.memref_slice %arg2[%add3A_16, %dma_wait3A_152] : memref<128x65536xi32, #tpu.memory_space<hbm>> -> memref<1x8192xi32, #tpu.memory_space<hbm>>
      %dma_wait3A_154 = tpu.memref_squeeze %dma_wait3A_153 : memref<1x8192xi32, #tpu.memory_space<hbm>> -> memref<8192xi32, #tpu.memory_space<hbm>>
      tpu.wait_dma2 semaphore(%arg10 : memref<!tpu.dma_semaphore, #tpu.memory_space<semaphore_mem>>) src(%dma_wait3A_154 : memref<8192xi32, #tpu.memory_space<hbm>>) dst(%arg6 : memref<8192xi32, #tpu.memory_space<vmem>>)
      %dma_wait3A_155 = arith.constant 32768 : i32
      %dma_wait3A_156 = tpu.memref_slice %arg3[%add3A_16, %dma_wait3A_155] : memref<128x65536xf32, #tpu.memory_space<hbm>> -> memref<1x8192xf32, #tpu.memory_space<hbm>>
      %dma_wait3A_157 = tpu.memref_squeeze %dma_wait3A_156 : memref<1x8192xf32, #tpu.memory_space<hbm>> -> memref<8192xf32, #tpu.memory_space<hbm>>
      %dma_wait3A_158 = arith.constant 32768 : i32
      %dma_wait3A_159 = tpu.memref_slice %arg3[%add3A_16, %dma_wait3A_158] : memref<128x65536xf32, #tpu.memory_space<hbm>> -> memref<1x8192xf32, #tpu.memory_space<hbm>>
      %dma_wait3A_160 = tpu.memref_squeeze %dma_wait3A_159 : memref<1x8192xf32, #tpu.memory_space<hbm>> -> memref<8192xf32, #tpu.memory_space<hbm>>
      tpu.wait_dma2 semaphore(%arg10 : memref<!tpu.dma_semaphore, #tpu.memory_space<semaphore_mem>>) src(%dma_wait3A_160 : memref<8192xf32, #tpu.memory_space<hbm>>) dst(%arg7 : memref<8192xf32, #tpu.memory_space<vmem>>)
      %parallel_loop3A_161 = arith.constant 0 : i32
      %parallel_loop3A_162 = arith.constant 512 : i32
      %parallel_loop3A_163 = arith.constant 1 : i32
      scf.for %parallel_loop3A_233 = %parallel_loop3A_161 to %parallel_loop3A_162 step %parallel_loop3A_163  : i32 {
        %parallel_loop3A_234 = arith.constant 16 : i32
        %parallel_loop3A_235 = arith.muli %parallel_loop3A_233, %parallel_loop3A_234 : i32
        %parallel_loop3A_236 = arith.index_cast %parallel_loop3A_235 : i32 to index
        %parallel_loop3A_237 = tpu.vector_load %arg6[%parallel_loop3A_236] {strides = array<i32>} : memref<8192xi32, #tpu.memory_space<vmem>>, vector<16xi32>,
        %parallel_loop3A_238 = arith.constant 16 : i32
        %parallel_loop3A_239 = arith.muli %parallel_loop3A_233, %parallel_loop3A_238 : i32
        %parallel_loop3A_240 = arith.index_cast %parallel_loop3A_239 : i32 to index
        %parallel_loop3A_241 = tpu.vector_load %arg7[%parallel_loop3A_240] {strides = array<i32>} : memref<8192xf32, #tpu.memory_space<vmem>>, vector<16xf32>,
        %parallel_loop3A_242 = arith.constant 65536 : i32
        %parallel_loop3A_243 = vector.broadcast %parallel_loop3A_242 : i32 to vector<16xi32>
        %parallel_loop3A_244 = arith.subi %parallel_loop3A_237, %parallel_loop3A_243 : vector<16xi32>
        %parallel_loop3A_245 = arith.constant 65536 : i32
        %parallel_loop3A_246 = vector.broadcast %parallel_loop3A_245 : i32 to vector<16xi32>
        %parallel_loop3A_247 = arith.cmpi sge, %parallel_loop3A_237, %parallel_loop3A_246 : vector<16xi32>
        tpu.vector_store_idx %arg5[%parallel_loop3A_244], %parallel_loop3A_241 masked %parallel_loop3A_247 {add = true} : memref<65536xf32, #tpu.memory_space<vmem>>[vector<16xi32>], vector<16xf32>, vector<16xi1>
      } {sc.loop_unroll_factor = 8 : i64, sc.parallel_access}
      %dma_start3A_164 = arith.constant 49152 : i32
      %dma_start3A_165 = tpu.memref_slice %arg2[%add3A_16, %dma_start3A_164] : memref<128x65536xi32, #tpu.memory_space<hbm>> -> memref<1x8192xi32, #tpu.memory_space<hbm>>
      %dma_start3A_166 = tpu.memref_squeeze %dma_start3A_165 : memref<1x8192xi32, #tpu.memory_space<hbm>> -> memref<8192xi32, #tpu.memory_space<hbm>>
      %dma_start3A_167 = arith.constant 49152 : i32
      %dma_start3A_168 = tpu.memref_slice %arg2[%add3A_16, %dma_start3A_167] : memref<128x65536xi32, #tpu.memory_space<hbm>> -> memref<1x8192xi32, #tpu.memory_space<hbm>>
      %dma_start3A_169 = tpu.memref_squeeze %dma_start3A_168 : memref<1x8192xi32, #tpu.memory_space<hbm>> -> memref<8192xi32, #tpu.memory_space<hbm>>
      tpu.enqueue_dma source(%dma_start3A_169 : memref<8192xi32, #tpu.memory_space<hbm>>) target(%arg6 : memref<8192xi32, #tpu.memory_space<vmem>>) target_semaphore(%arg10 : memref<!tpu.dma_semaphore, #tpu.memory_space<semaphore_mem>>)
      %dma_start3A_170 = arith.constant 49152 : i32
      %dma_start3A_171 = tpu.memref_slice %arg3[%add3A_16, %dma_start3A_170] : memref<128x65536xf32, #tpu.memory_space<hbm>> -> memref<1x8192xf32, #tpu.memory_space<hbm>>
      %dma_start3A_172 = tpu.memref_squeeze %dma_start3A_171 : memref<1x8192xf32, #tpu.memory_space<hbm>> -> memref<8192xf32, #tpu.memory_space<hbm>>
      %dma_start3A_173 = arith.constant 49152 : i32
      %dma_start3A_174 = tpu.memref_slice %arg3[%add3A_16, %dma_start3A_173] : memref<128x65536xf32, #tpu.memory_space<hbm>> -> memref<1x8192xf32, #tpu.memory_space<hbm>>
      %dma_start3A_175 = tpu.memref_squeeze %dma_start3A_174 : memref<1x8192xf32, #tpu.memory_space<hbm>> -> memref<8192xf32, #tpu.memory_space<hbm>>
      tpu.enqueue_dma source(%dma_start3A_175 : memref<8192xf32, #tpu.memory_space<hbm>>) target(%arg7 : memref<8192xf32, #tpu.memory_space<vmem>>) target_semaphore(%arg10 : memref<!tpu.dma_semaphore, #tpu.memory_space<semaphore_mem>>)
      %dma_wait3A_176 = arith.constant 40960 : i32
      %dma_wait3A_177 = tpu.memref_slice %arg2[%add3A_16, %dma_wait3A_176] : memref<128x65536xi32, #tpu.memory_space<hbm>> -> memref<1x8192xi32, #tpu.memory_space<hbm>>
      %dma_wait3A_178 = tpu.memref_squeeze %dma_wait3A_177 : memref<1x8192xi32, #tpu.memory_space<hbm>> -> memref<8192xi32, #tpu.memory_space<hbm>>
      %dma_wait3A_179 = arith.constant 40960 : i32
      %dma_wait3A_180 = tpu.memref_slice %arg2[%add3A_16, %dma_wait3A_179] : memref<128x65536xi32, #tpu.memory_space<hbm>> -> memref<1x8192xi32, #tpu.memory_space<hbm>>
      %dma_wait3A_181 = tpu.memref_squeeze %dma_wait3A_180 : memref<1x8192xi32, #tpu.memory_space<hbm>> -> memref<8192xi32, #tpu.memory_space<hbm>>
      tpu.wait_dma2 semaphore(%arg11 : memref<!tpu.dma_semaphore, #tpu.memory_space<semaphore_mem>>) src(%dma_wait3A_181 : memref<8192xi32, #tpu.memory_space<hbm>>) dst(%arg8 : memref<8192xi32, #tpu.memory_space<vmem>>)
      %dma_wait3A_182 = arith.constant 40960 : i32
      %dma_wait3A_183 = tpu.memref_slice %arg3[%add3A_16, %dma_wait3A_182] : memref<128x65536xf32, #tpu.memory_space<hbm>> -> memref<1x8192xf32, #tpu.memory_space<hbm>>
      %dma_wait3A_184 = tpu.memref_squeeze %dma_wait3A_183 : memref<1x8192xf32, #tpu.memory_space<hbm>> -> memref<8192xf32, #tpu.memory_space<hbm>>
      %dma_wait3A_185 = arith.constant 40960 : i32
      %dma_wait3A_186 = tpu.memref_slice %arg3[%add3A_16, %dma_wait3A_185] : memref<128x65536xf32, #tpu.memory_space<hbm>> -> memref<1x8192xf32, #tpu.memory_space<hbm>>
      %dma_wait3A_187 = tpu.memref_squeeze %dma_wait3A_186 : memref<1x8192xf32, #tpu.memory_space<hbm>> -> memref<8192xf32, #tpu.memory_space<hbm>>
      tpu.wait_dma2 semaphore(%arg11 : memref<!tpu.dma_semaphore, #tpu.memory_space<semaphore_mem>>) src(%dma_wait3A_187 : memref<8192xf32, #tpu.memory_space<hbm>>) dst(%arg9 : memref<8192xf32, #tpu.memory_space<vmem>>)
      %parallel_loop3A_188 = arith.constant 0 : i32
      %parallel_loop3A_189 = arith.constant 512 : i32
      %parallel_loop3A_190 = arith.constant 1 : i32
      scf.for %parallel_loop3A_233 = %parallel_loop3A_188 to %parallel_loop3A_189 step %parallel_loop3A_190  : i32 {
        %parallel_loop3A_234 = arith.constant 16 : i32
        %parallel_loop3A_235 = arith.muli %parallel_loop3A_233, %parallel_loop3A_234 : i32
        %parallel_loop3A_236 = arith.index_cast %parallel_loop3A_235 : i32 to index
        %parallel_loop3A_237 = tpu.vector_load %arg8[%parallel_loop3A_236] {strides = array<i32>} : memref<8192xi32, #tpu.memory_space<vmem>>, vector<16xi32>,
        %parallel_loop3A_238 = arith.constant 16 : i32
        %parallel_loop3A_239 = arith.muli %parallel_loop3A_233, %parallel_loop3A_238 : i32
        %parallel_loop3A_240 = arith.index_cast %parallel_loop3A_239 : i32 to index
        %parallel_loop3A_241 = tpu.vector_load %arg9[%parallel_loop3A_240] {strides = array<i32>} : memref<8192xf32, #tpu.memory_space<vmem>>, vector<16xf32>,
        %parallel_loop3A_242 = arith.constant 65536 : i32
        %parallel_loop3A_243 = vector.broadcast %parallel_loop3A_242 : i32 to vector<16xi32>
        %parallel_loop3A_244 = arith.subi %parallel_loop3A_237, %parallel_loop3A_243 : vector<16xi32>
        %parallel_loop3A_245 = arith.constant 65536 : i32
        %parallel_loop3A_246 = vector.broadcast %parallel_loop3A_245 : i32 to vector<16xi32>
        %parallel_loop3A_247 = arith.cmpi sge, %parallel_loop3A_237, %parallel_loop3A_246 : vector<16xi32>
        tpu.vector_store_idx %arg5[%parallel_loop3A_244], %parallel_loop3A_241 masked %parallel_loop3A_247 {add = true} : memref<65536xf32, #tpu.memory_space<vmem>>[vector<16xi32>], vector<16xf32>, vector<16xi1>
      } {sc.loop_unroll_factor = 8 : i64, sc.parallel_access}
      %dma_start3A_191 = arith.constant 57344 : i32
      %dma_start3A_192 = tpu.memref_slice %arg2[%add3A_16, %dma_start3A_191] : memref<128x65536xi32, #tpu.memory_space<hbm>> -> memref<1x8192xi32, #tpu.memory_space<hbm>>
      %dma_start3A_193 = tpu.memref_squeeze %dma_start3A_192 : memref<1x8192xi32, #tpu.memory_space<hbm>> -> memref<8192xi32, #tpu.memory_space<hbm>>
      %dma_start3A_194 = arith.constant 57344 : i32
      %dma_start3A_195 = tpu.memref_slice %arg2[%add3A_16, %dma_start3A_194] : memref<128x65536xi32, #tpu.memory_space<hbm>> -> memref<1x8192xi32, #tpu.memory_space<hbm>>
      %dma_start3A_196 = tpu.memref_squeeze %dma_start3A_195 : memref<1x8192xi32, #tpu.memory_space<hbm>> -> memref<8192xi32, #tpu.memory_space<hbm>>
      tpu.enqueue_dma source(%dma_start3A_196 : memref<8192xi32, #tpu.memory_space<hbm>>) target(%arg8 : memref<8192xi32, #tpu.memory_space<vmem>>) target_semaphore(%arg11 : memref<!tpu.dma_semaphore, #tpu.memory_space<semaphore_mem>>)
      %dma_start3A_197 = arith.constant 57344 : i32
      %dma_start3A_198 = tpu.memref_slice %arg3[%add3A_16, %dma_start3A_197] : memref<128x65536xf32, #tpu.memory_space<hbm>> -> memref<1x8192xf32, #tpu.memory_space<hbm>>
      %dma_start3A_199 = tpu.memref_squeeze %dma_start3A_198 : memref<1x8192xf32, #tpu.memory_space<hbm>> -> memref<8192xf32, #tpu.memory_space<hbm>>
      %dma_start3A_200 = arith.constant 57344 : i32
      %dma_start3A_201 = tpu.memref_slice %arg3[%add3A_16, %dma_start3A_200] : memref<128x65536xf32, #tpu.memory_space<hbm>> -> memref<1x8192xf32, #tpu.memory_space<hbm>>
      %dma_start3A_202 = tpu.memref_squeeze %dma_start3A_201 : memref<1x8192xf32, #tpu.memory_space<hbm>> -> memref<8192xf32, #tpu.memory_space<hbm>>
      tpu.enqueue_dma source(%dma_start3A_202 : memref<8192xf32, #tpu.memory_space<hbm>>) target(%arg9 : memref<8192xf32, #tpu.memory_space<vmem>>) target_semaphore(%arg11 : memref<!tpu.dma_semaphore, #tpu.memory_space<semaphore_mem>>)
      %dma_wait3A_203 = arith.constant 49152 : i32
      %dma_wait3A_204 = tpu.memref_slice %arg2[%add3A_16, %dma_wait3A_203] : memref<128x65536xi32, #tpu.memory_space<hbm>> -> memref<1x8192xi32, #tpu.memory_space<hbm>>
      %dma_wait3A_205 = tpu.memref_squeeze %dma_wait3A_204 : memref<1x8192xi32, #tpu.memory_space<hbm>> -> memref<8192xi32, #tpu.memory_space<hbm>>
      %dma_wait3A_206 = arith.constant 49152 : i32
      %dma_wait3A_207 = tpu.memref_slice %arg2[%add3A_16, %dma_wait3A_206] : memref<128x65536xi32, #tpu.memory_space<hbm>> -> memref<1x8192xi32, #tpu.memory_space<hbm>>
      %dma_wait3A_208 = tpu.memref_squeeze %dma_wait3A_207 : memref<1x8192xi32, #tpu.memory_space<hbm>> -> memref<8192xi32, #tpu.memory_space<hbm>>
      tpu.wait_dma2 semaphore(%arg10 : memref<!tpu.dma_semaphore, #tpu.memory_space<semaphore_mem>>) src(%dma_wait3A_208 : memref<8192xi32, #tpu.memory_space<hbm>>) dst(%arg6 : memref<8192xi32, #tpu.memory_space<vmem>>)
      %dma_wait3A_209 = arith.constant 49152 : i32
      %dma_wait3A_210 = tpu.memref_slice %arg3[%add3A_16, %dma_wait3A_209] : memref<128x65536xf32, #tpu.memory_space<hbm>> -> memref<1x8192xf32, #tpu.memory_space<hbm>>
      %dma_wait3A_211 = tpu.memref_squeeze %dma_wait3A_210 : memref<1x8192xf32, #tpu.memory_space<hbm>> -> memref<8192xf32, #tpu.memory_space<hbm>>
      %dma_wait3A_212 = arith.constant 49152 : i32
      %dma_wait3A_213 = tpu.memref_slice %arg3[%add3A_16, %dma_wait3A_212] : memref<128x65536xf32, #tpu.memory_space<hbm>> -> memref<1x8192xf32, #tpu.memory_space<hbm>>
      %dma_wait3A_214 = tpu.memref_squeeze %dma_wait3A_213 : memref<1x8192xf32, #tpu.memory_space<hbm>> -> memref<8192xf32, #tpu.memory_space<hbm>>
      tpu.wait_dma2 semaphore(%arg10 : memref<!tpu.dma_semaphore, #tpu.memory_space<semaphore_mem>>) src(%dma_wait3A_214 : memref<8192xf32, #tpu.memory_space<hbm>>) dst(%arg7 : memref<8192xf32, #tpu.memory_space<vmem>>)
      %parallel_loop3A_215 = arith.constant 0 : i32
      %parallel_loop3A_216 = arith.constant 512 : i32
      %parallel_loop3A_217 = arith.constant 1 : i32
      scf.for %parallel_loop3A_233 = %parallel_loop3A_215 to %parallel_loop3A_216 step %parallel_loop3A_217  : i32 {
        %parallel_loop3A_234 = arith.constant 16 : i32
        %parallel_loop3A_235 = arith.muli %parallel_loop3A_233, %parallel_loop3A_234 : i32
        %parallel_loop3A_236 = arith.index_cast %parallel_loop3A_235 : i32 to index
        %parallel_loop3A_237 = tpu.vector_load %arg6[%parallel_loop3A_236] {strides = array<i32>} : memref<8192xi32, #tpu.memory_space<vmem>>, vector<16xi32>,
        %parallel_loop3A_238 = arith.constant 16 : i32
        %parallel_loop3A_239 = arith.muli %parallel_loop3A_233, %parallel_loop3A_238 : i32
        %parallel_loop3A_240 = arith.index_cast %parallel_loop3A_239 : i32 to index
        %parallel_loop3A_241 = tpu.vector_load %arg7[%parallel_loop3A_240] {strides = array<i32>} : memref<8192xf32, #tpu.memory_space<vmem>>, vector<16xf32>,
        %parallel_loop3A_242 = arith.constant 65536 : i32
        %parallel_loop3A_243 = vector.broadcast %parallel_loop3A_242 : i32 to vector<16xi32>
        %parallel_loop3A_244 = arith.subi %parallel_loop3A_237, %parallel_loop3A_243 : vector<16xi32>
        %parallel_loop3A_245 = arith.constant 65536 : i32
        %parallel_loop3A_246 = vector.broadcast %parallel_loop3A_245 : i32 to vector<16xi32>
        %parallel_loop3A_247 = arith.cmpi sge, %parallel_loop3A_237, %parallel_loop3A_246 : vector<16xi32>
        tpu.vector_store_idx %arg5[%parallel_loop3A_244], %parallel_loop3A_241 masked %parallel_loop3A_247 {add = true} : memref<65536xf32, #tpu.memory_space<vmem>>[vector<16xi32>], vector<16xf32>, vector<16xi1>
      } {sc.loop_unroll_factor = 8 : i64, sc.parallel_access}
      %dma_wait3A_218 = arith.constant 57344 : i32
      %dma_wait3A_219 = tpu.memref_slice %arg2[%add3A_16, %dma_wait3A_218] : memref<128x65536xi32, #tpu.memory_space<hbm>> -> memref<1x8192xi32, #tpu.memory_space<hbm>>
      %dma_wait3A_220 = tpu.memref_squeeze %dma_wait3A_219 : memref<1x8192xi32, #tpu.memory_space<hbm>> -> memref<8192xi32, #tpu.memory_space<hbm>>
      %dma_wait3A_221 = arith.constant 57344 : i32
      %dma_wait3A_222 = tpu.memref_slice %arg2[%add3A_16, %dma_wait3A_221] : memref<128x65536xi32, #tpu.memory_space<hbm>> -> memref<1x8192xi32, #tpu.memory_space<hbm>>
      %dma_wait3A_223 = tpu.memref_squeeze %dma_wait3A_222 : memref<1x8192xi32, #tpu.memory_space<hbm>> -> memref<8192xi32, #tpu.memory_space<hbm>>
      tpu.wait_dma2 semaphore(%arg11 : memref<!tpu.dma_semaphore, #tpu.memory_space<semaphore_mem>>) src(%dma_wait3A_223 : memref<8192xi32, #tpu.memory_space<hbm>>) dst(%arg8 : memref<8192xi32, #tpu.memory_space<vmem>>)
      %dma_wait3A_224 = arith.constant 57344 : i32
      %dma_wait3A_225 = tpu.memref_slice %arg3[%add3A_16, %dma_wait3A_224] : memref<128x65536xf32, #tpu.memory_space<hbm>> -> memref<1x8192xf32, #tpu.memory_space<hbm>>
      %dma_wait3A_226 = tpu.memref_squeeze %dma_wait3A_225 : memref<1x8192xf32, #tpu.memory_space<hbm>> -> memref<8192xf32, #tpu.memory_space<hbm>>
      %dma_wait3A_227 = arith.constant 57344 : i32
      %dma_wait3A_228 = tpu.memref_slice %arg3[%add3A_16, %dma_wait3A_227] : memref<128x65536xf32, #tpu.memory_space<hbm>> -> memref<1x8192xf32, #tpu.memory_space<hbm>>
      %dma_wait3A_229 = tpu.memref_squeeze %dma_wait3A_228 : memref<1x8192xf32, #tpu.memory_space<hbm>> -> memref<8192xf32, #tpu.memory_space<hbm>>
      tpu.wait_dma2 semaphore(%arg11 : memref<!tpu.dma_semaphore, #tpu.memory_space<semaphore_mem>>) src(%dma_wait3A_229 : memref<8192xf32, #tpu.memory_space<hbm>>) dst(%arg9 : memref<8192xf32, #tpu.memory_space<vmem>>)
      %parallel_loop3A_230 = arith.constant 0 : i32
      %parallel_loop3A_231 = arith.constant 512 : i32
      %parallel_loop3A_232 = arith.constant 1 : i32
      scf.for %parallel_loop3A_233 = %parallel_loop3A_230 to %parallel_loop3A_231 step %parallel_loop3A_232  : i32 {
        %parallel_loop3A_234 = arith.constant 16 : i32
        %parallel_loop3A_235 = arith.muli %parallel_loop3A_233, %parallel_loop3A_234 : i32
        %parallel_loop3A_236 = arith.index_cast %parallel_loop3A_235 : i32 to index
        %parallel_loop3A_237 = tpu.vector_load %arg8[%parallel_loop3A_236] {strides = array<i32>} : memref<8192xi32, #tpu.memory_space<vmem>>, vector<16xi32>,
        %parallel_loop3A_238 = arith.constant 16 : i32
        %parallel_loop3A_239 = arith.muli %parallel_loop3A_233, %parallel_loop3A_238 : i32
        %parallel_loop3A_240 = arith.index_cast %parallel_loop3A_239 : i32 to index
        %parallel_loop3A_241 = tpu.vector_load %arg9[%parallel_loop3A_240] {strides = array<i32>} : memref<8192xf32, #tpu.memory_space<vmem>>, vector<16xf32>,
        %parallel_loop3A_242 = arith.constant 65536 : i32
        %parallel_loop3A_243 = vector.broadcast %parallel_loop3A_242 : i32 to vector<16xi32>
        %parallel_loop3A_244 = arith.subi %parallel_loop3A_237, %parallel_loop3A_243 : vector<16xi32>
        %parallel_loop3A_245 = arith.constant 65536 : i32
        %parallel_loop3A_246 = vector.broadcast %parallel_loop3A_245 : i32 to vector<16xi32>
        %parallel_loop3A_247 = arith.cmpi sge, %parallel_loop3A_237, %parallel_loop3A_246 : vector<16xi32>
        tpu.vector_store_idx %arg5[%parallel_loop3A_244], %parallel_loop3A_241 masked %parallel_loop3A_247 {add = true} : memref<65536xf32, #tpu.memory_space<vmem>>[vector<16xi32>], vector<16xf32>, vector<16xi1>
      } {sc.loop_unroll_factor = 8 : i64, sc.parallel_access}
      "tpu.region"() ({
        %run_scoped3A = tpu.sem_alloc : memref<!tpu.dma_semaphore, #tpu.memory_space<semaphore_mem>>
        %dma_start3A_233 = arith.constant 65536 : i32
        %dma_start3A_234 = tpu.memref_slice %arg4[%add3A_16, %dma_start3A_233] : memref<128x131072xf32, #tpu.memory_space<hbm>> -> memref<1x65536xf32, #tpu.memory_space<hbm>>
        %dma_start3A_235 = tpu.memref_squeeze %dma_start3A_234 : memref<1x65536xf32, #tpu.memory_space<hbm>> -> memref<65536xf32, #tpu.memory_space<hbm>>
        %dma_start3A_236 = arith.constant 65536 : i32
        %dma_start3A_237 = tpu.memref_slice %arg4[%add3A_16, %dma_start3A_236] : memref<128x131072xf32, #tpu.memory_space<hbm>> -> memref<1x65536xf32, #tpu.memory_space<hbm>>
        %dma_start3A_238 = tpu.memref_squeeze %dma_start3A_237 : memref<1x65536xf32, #tpu.memory_space<hbm>> -> memref<65536xf32, #tpu.memory_space<hbm>>
        tpu.enqueue_dma source(%arg5 : memref<65536xf32, #tpu.memory_space<vmem>>) target(%dma_start3A_238 : memref<65536xf32, #tpu.memory_space<hbm>>) target_semaphore(%run_scoped3A : memref<!tpu.dma_semaphore, #tpu.memory_space<semaphore_mem>>)
        %dma_wait3A_239 = arith.constant 65536 : i32
        %dma_wait3A_240 = tpu.memref_slice %arg4[%add3A_16, %dma_wait3A_239] : memref<128x131072xf32, #tpu.memory_space<hbm>> -> memref<1x65536xf32, #tpu.memory_space<hbm>>
        %dma_wait3A_241 = tpu.memref_squeeze %dma_wait3A_240 : memref<1x65536xf32, #tpu.memory_space<hbm>> -> memref<65536xf32, #tpu.memory_space<hbm>>
        %dma_wait3A_242 = arith.constant 65536 : i32
        %dma_wait3A_243 = tpu.memref_slice %arg4[%add3A_16, %dma_wait3A_242] : memref<128x131072xf32, #tpu.memory_space<hbm>> -> memref<1x65536xf32, #tpu.memory_space<hbm>>
        %dma_wait3A_244 = tpu.memref_squeeze %dma_wait3A_243 : memref<1x65536xf32, #tpu.memory_space<hbm>> -> memref<65536xf32, #tpu.memory_space<hbm>>
        tpu.wait_dma2 semaphore(%run_scoped3A : memref<!tpu.dma_semaphore, #tpu.memory_space<semaphore_mem>>) src(%arg5 : memref<65536xf32, #tpu.memory_space<vmem>>) dst(%dma_wait3A_244 : memref<65536xf32, #tpu.memory_space<hbm>>)
        tpu.yield
      }) : () -> ()
    }
    %scan3A_12 = arith.constant 4 : i32
    return
  }
}

module attributes {stable_mosaic.version = 14 : i64} {
  func.func @body(%arg0: i32, %arg1: memref<4096x128xf32, #tpu.memory_space<vmem>>, %arg2: memref<128x4096xf32, #tpu.memory_space<vmem>>, %arg3: memref<4096x128xf32, #tpu.memory_space<vmem>>) attributes {dimension_semantics = [#tpu.dimension_semantics<arbitrary>], iteration_bounds = array<i64: 32>, scalar_prefetch = 0 : i64, scratch_operands = 0 : i64, tpu.core_type = #tpu.core_type<tc>, window_params = [{transform_indices = @transform_0, window_bounds = array<i64: 4096, 128>}, {transform_indices = @transform_1, window_bounds = array<i64: 128, 4096>}, {transform_indices = @transform_2, window_bounds = array<i64: 4096, 128>}]} {
    %get3A = arith.constant 0 : index
    %get3A_0 = arith.constant 0 : index
    %get3A_1 = vector.load %arg1[%get3A, %get3A_0] : memref<4096x128xf32, #tpu.memory_space<vmem>>, vector<4096x128xf32>
    %get3A_2 = arith.constant 0 : index
    %get3A_3 = arith.constant 0 : index
    %get3A_4 = vector.load %arg2[%get3A_2, %get3A_3] : memref<128x4096xf32, #tpu.memory_space<vmem>>, vector<128x4096xf32>
    %transpose3A = tpu.transpose %get3A_4, [1, 0] : vector<128x4096xf32> -> vector<4096x128xf32>
    %add3A = arith.addf %get3A_1, %transpose3A : vector<4096x128xf32>
    %swap3A = arith.constant 0 : index
    %swap3A_5 = arith.constant 0 : index
    %swap3A_6 = vector.load %arg3[%swap3A, %swap3A_5] : memref<4096x128xf32, #tpu.memory_space<vmem>>, vector<4096x128xf32>
    tpu.vector_store %arg3[%swap3A, %swap3A_5], %add3A {strides = array<i32>} : memref<4096x128xf32, #tpu.memory_space<vmem>>, vector<4096x128xf32>,
    return
  }
  func.func @transform_0(%arg0: i32) -> (i32, i32) {
    %c1_i32 = arith.constant 1 : i32
    %c0_i32 = arith.constant 0 : i32
    return %arg0, %c1_i32 : i32, i32
  }
  func.func @transform_1(%arg0: i32) -> (i32, i32) {
    %c0_i32 = arith.constant 0 : i32
    %c0_i32_0 = arith.constant 0 : i32
    return %c0_i32, %arg0 : i32, i32
  }
  func.func @transform_2(%arg0: i32) -> (i32, i32) {
    %c1_i32 = arith.constant 1 : i32
    %c0_i32 = arith.constant 0 : i32
    return %arg0, %c1_i32 : i32, i32
  }
}

module attributes {stable_mosaic.version = 14 : i64} {
  func.func @body(%arg0: i32, %arg1: memref<4096x128xi32, #tpu.memory_space<vmem>>, %arg2: memref<4096x128xf32, #tpu.memory_space<vmem>>, %arg3: memref<128x4096xi32, #tpu.memory_space<vmem>>, %arg4: memref<128x4096xf32, #tpu.memory_space<vmem>>) attributes {dimension_semantics = [#tpu.dimension_semantics<arbitrary>], iteration_bounds = array<i64: 16>, scalar_prefetch = 0 : i64, scratch_operands = 0 : i64, tpu.core_type = #tpu.core_type<tc>, window_params = [{transform_indices = @transform_0, window_bounds = array<i64: 4096, 128>}, {transform_indices = @transform_1, window_bounds = array<i64: 4096, 128>}, {transform_indices = @transform_2, window_bounds = array<i64: 128, 4096>}, {transform_indices = @transform_3, window_bounds = array<i64: 128, 4096>}]} {
    %get3A = arith.constant 0 : index
    %get3A_0 = arith.constant 0 : index
    %get3A_1 = vector.load %arg1[%get3A, %get3A_0] : memref<4096x128xi32, #tpu.memory_space<vmem>>, vector<4096x128xi32>
    %transpose3A = tpu.transpose %get3A_1, [1, 0] : vector<4096x128xi32> -> vector<128x4096xi32>
    %swap3A = arith.constant 0 : index
    %swap3A_2 = arith.constant 0 : index
    %swap3A_3 = vector.load %arg3[%swap3A, %swap3A_2] : memref<128x4096xi32, #tpu.memory_space<vmem>>, vector<128x4096xi32>
    tpu.vector_store %arg3[%swap3A, %swap3A_2], %transpose3A {strides = array<i32>} : memref<128x4096xi32, #tpu.memory_space<vmem>>, vector<128x4096xi32>,
    %get3A_4 = arith.constant 0 : index
    %get3A_5 = arith.constant 0 : index
    %get3A_6 = vector.load %arg2[%get3A_4, %get3A_5] : memref<4096x128xf32, #tpu.memory_space<vmem>>, vector<4096x128xf32>
    %transpose3A_7 = tpu.transpose %get3A_6, [1, 0] : vector<4096x128xf32> -> vector<128x4096xf32>
    %swap3A_8 = arith.constant 0 : index
    %swap3A_9 = arith.constant 0 : index
    %swap3A_10 = vector.load %arg4[%swap3A_8, %swap3A_9] : memref<128x4096xf32, #tpu.memory_space<vmem>>, vector<128x4096xf32>
    tpu.vector_store %arg4[%swap3A_8, %swap3A_9], %transpose3A_7 {strides = array<i32>} : memref<128x4096xf32, #tpu.memory_space<vmem>>, vector<128x4096xf32>,
    return
  }
  func.func @transform_0(%arg0: i32) -> (i32, i32) {
    %c1_i32 = arith.constant 1 : i32
    %c0_i32 = arith.constant 0 : i32
    return %arg0, %c1_i32 : i32, i32
  }
  func.func @transform_1(%arg0: i32) -> (i32, i32) {
    %c1_i32 = arith.constant 1 : i32
    %c0_i32 = arith.constant 0 : i32
    return %arg0, %c1_i32 : i32, i32
  }
  func.func @transform_2(%arg0: i32) -> (i32, i32) {
    %c0_i32 = arith.constant 0 : i32
    %c0_i32_0 = arith.constant 0 : i32
    return %c0_i32, %arg0 : i32, i32
  }
  func.func @transform_3(%arg0: i32) -> (i32, i32) {
    %c0_i32 = arith.constant 0 : i32
    %c0_i32_0 = arith.constant 0 : i32
    return %c0_i32, %arg0 : i32, i32
  }
}

module attributes {stable_mosaic.version = 14 : i64} {
  func.func @body(%arg0: i32, %arg1: memref<4096x128xi32, #tpu.memory_space<vmem>>, %arg2: memref<4096x128xf32, #tpu.memory_space<vmem>>, %arg3: memref<128x4096xi32, #tpu.memory_space<vmem>>, %arg4: memref<128x4096xf32, #tpu.memory_space<vmem>>) attributes {dimension_semantics = [#tpu.dimension_semantics<arbitrary>], iteration_bounds = array<i64: 16>, scalar_prefetch = 0 : i64, scratch_operands = 0 : i64, tpu.core_type = #tpu.core_type<tc>, window_params = [{transform_indices = @transform_0, window_bounds = array<i64: 4096, 128>}, {transform_indices = @transform_1, window_bounds = array<i64: 4096, 128>}, {transform_indices = @transform_2, window_bounds = array<i64: 128, 4096>}, {transform_indices = @transform_3, window_bounds = array<i64: 128, 4096>}]} {
    %get3A = arith.constant 0 : index
    %get3A_0 = arith.constant 0 : index
    %get3A_1 = vector.load %arg1[%get3A, %get3A_0] : memref<4096x128xi32, #tpu.memory_space<vmem>>, vector<4096x128xi32>
    %transpose3A = tpu.transpose %get3A_1, [1, 0] : vector<4096x128xi32> -> vector<128x4096xi32>
    %swap3A = arith.constant 0 : index
    %swap3A_2 = arith.constant 0 : index
    %swap3A_3 = vector.load %arg3[%swap3A, %swap3A_2] : memref<128x4096xi32, #tpu.memory_space<vmem>>, vector<128x4096xi32>
    tpu.vector_store %arg3[%swap3A, %swap3A_2], %transpose3A {strides = array<i32>} : memref<128x4096xi32, #tpu.memory_space<vmem>>, vector<128x4096xi32>,
    %get3A_4 = arith.constant 0 : index
    %get3A_5 = arith.constant 0 : index
    %get3A_6 = vector.load %arg2[%get3A_4, %get3A_5] : memref<4096x128xf32, #tpu.memory_space<vmem>>, vector<4096x128xf32>
    %transpose3A_7 = tpu.transpose %get3A_6, [1, 0] : vector<4096x128xf32> -> vector<128x4096xf32>
    %swap3A_8 = arith.constant 0 : index
    %swap3A_9 = arith.constant 0 : index
    %swap3A_10 = vector.load %arg4[%swap3A_8, %swap3A_9] : memref<128x4096xf32, #tpu.memory_space<vmem>>, vector<128x4096xf32>
    tpu.vector_store %arg4[%swap3A_8, %swap3A_9], %transpose3A_7 {strides = array<i32>} : memref<128x4096xf32, #tpu.memory_space<vmem>>, vector<128x4096xf32>,
    return
  }
  func.func @transform_0(%arg0: i32) -> (i32, i32) {
    %c0_i32 = arith.constant 0 : i32
    %c0_i32_0 = arith.constant 0 : i32
    return %arg0, %c0_i32 : i32, i32
  }
  func.func @transform_1(%arg0: i32) -> (i32, i32) {
    %c0_i32 = arith.constant 0 : i32
    %c0_i32_0 = arith.constant 0 : i32
    return %arg0, %c0_i32 : i32, i32
  }
  func.func @transform_2(%arg0: i32) -> (i32, i32) {
    %c0_i32 = arith.constant 0 : i32
    %c0_i32_0 = arith.constant 0 : i32
    return %c0_i32, %arg0 : i32, i32
  }
  func.func @transform_3(%arg0: i32) -> (i32, i32) {
    %c0_i32 = arith.constant 0 : i32
    %c0_i32_0 = arith.constant 0 : i32
    return %c0_i32, %arg0 : i32, i32
  }
}

module attributes {stable_mosaic.version = 14 : i64} {
  func.func @body(%arg0: i32, %arg1: memref<4096x256xf32, #tpu.memory_space<vmem>>, %arg2: memref<128x4096xf32, #tpu.memory_space<vmem>>, %arg3: memref<4096x256xf32, #tpu.memory_space<vmem>>) attributes {dimension_semantics = [#tpu.dimension_semantics<arbitrary>], iteration_bounds = array<i64: 32>, scalar_prefetch = 0 : i64, scratch_operands = 0 : i64, tpu.core_type = #tpu.core_type<tc>, window_params = [{transform_indices = @transform_0, window_bounds = array<i64: 4096, 256>}, {transform_indices = @transform_1, window_bounds = array<i64: 128, 4096>}, {transform_indices = @transform_2, window_bounds = array<i64: 4096, 256>}]} {
    %get3A = arith.constant 0 : index
    %get3A_0 = arith.constant 0 : index
    %get3A_1 = vector.load %arg1[%get3A, %get3A_0] : memref<4096x256xf32, #tpu.memory_space<vmem>>, vector<4096x128xf32>
    %get3A_2 = arith.constant 0 : index
    %get3A_3 = arith.constant 0 : index
    %get3A_4 = vector.load %arg2[%get3A_2, %get3A_3] : memref<128x4096xf32, #tpu.memory_space<vmem>>, vector<128x4096xf32>
    %transpose3A = tpu.transpose %get3A_4, [1, 0] : vector<128x4096xf32> -> vector<4096x128xf32>
    %add3A = arith.addf %get3A_1, %transpose3A : vector<4096x128xf32>
    %swap3A = arith.constant 0 : index
    %swap3A_5 = arith.constant 0 : index
    %swap3A_6 = vector.load %arg3[%swap3A, %swap3A_5] : memref<4096x256xf32, #tpu.memory_space<vmem>>, vector<4096x128xf32>
    tpu.vector_store %arg3[%swap3A, %swap3A_5], %add3A {strides = array<i32>} : memref<4096x256xf32, #tpu.memory_space<vmem>>, vector<4096x128xf32>,
    %get3A_7 = arith.constant 0 : index
    %get3A_8 = arith.constant 128 : index
    %get3A_9 = vector.load %arg1[%get3A_7, %get3A_8] : memref<4096x256xf32, #tpu.memory_space<vmem>>, vector<4096x128xf32>
    %swap3A_10 = arith.constant 0 : index
    %swap3A_11 = arith.constant 128 : index
    %swap3A_12 = vector.load %arg3[%swap3A_10, %swap3A_11] : memref<4096x256xf32, #tpu.memory_space<vmem>>, vector<4096x128xf32>
    tpu.vector_store %arg3[%swap3A_10, %swap3A_11], %get3A_9 {strides = array<i32>} : memref<4096x256xf32, #tpu.memory_space<vmem>>, vector<4096x128xf32>,
    return
  }
  func.func @transform_0(%arg0: i32) -> (i32, i32) {
    %c0_i32 = arith.constant 0 : i32
    %c0_i32_0 = arith.constant 0 : i32
    return %arg0, %c0_i32 : i32, i32
  }
  func.func @transform_1(%arg0: i32) -> (i32, i32) {
    %c0_i32 = arith.constant 0 : i32
    %c0_i32_0 = arith.constant 0 : i32
    return %c0_i32, %arg0 : i32, i32
  }
  func.func @transform_2(%arg0: i32) -> (i32, i32) {
    %c0_i32 = arith.constant 0 : i32
    %c0_i32_0 = arith.constant 0 : i32
    return %arg0, %c0_i32 : i32, i32
  }
}

</mosaic_0001>

<sc_bundles>
// kernel: kernel.11.cloned.1.call-start
scs
__scs_entry_jumppad:
0x0: {  	(pc) =	sbr.rel $0x88, $3  }
0x1: {  	(tag) =	ssettag $0x0;
	lr =	simm.s32 $0x1  }
0x2: {  	[smem:$0x3F9E] =	sst lr;
	_ =	strace $0xD0000000  }
0x3: {  	_ = 	snop  }
0x4: {  	_ = 	snop  }
0x5: {  	_ = 	snop  }
0x6: {  	_ = 	snop  }
0x7: {  	_ = 	snop  }
__scs_overlays_trampoline_lowered:
0x8: {  	[smem:$0x3FAD] =	sst s0  }
0x9: {  	[smem:$0x3FAE] =	sst s1  }
0xa: {  	[smem:$0x3FAF] =	sst s2  }
0xb: {  	[smem:$0x3FB0] =	sst s3  }
0xc: {  	[smem:$0x3FB1] =	sst s4  }
0xd: {  	[smem:$0x3FB2] =	sst s5  }
0xe: {  	[smem:$0x3FB3] =	sst s6  }
0xf: {  	[smem:$0x3FB4] =	sst s7  }
0x10: {  	[smem:$0x3FB5] =	sst s8  }
0x11: {  	[smem:$0x3FB6] =	sst s9;
	s0 =	simm.s32 @!p0 $0x0  }
0x12: {  	s1 =	sld [smem:$0x3F9C];
	s0 =	simm.s32 @p0 $0x1  }
0x13: {  	[smem:$0x3FB7] =	sst s0;
	s0 =	simm.s32 @!p1 $0x0  }
0x14: {  	s2 =	sld [smem:$0x3F9B];
	s0 =	simm.s32 @p1 $0x1  }
0x15: {  	[smem:$0x3FB8] =	sst s0;
	s0 =	simm.s32 @!p2 $0x0  }
0x16: {  	s3 =	sld [smem:$0x3FDB];
	s0 =	simm.s32 @p2 $0x1  }
0x17: {  	s4 =	simm.s32 $0x1BF5;
	[smem:$0x3FBA] =	sst s0  }
0x18: {  	s0 =	sld [smem:$0x3F9D];
	_ =	swait.ge [sflag:s4], $0x0  }
0x19: {  	s7 =	sld [smem:$0x3F9E]  }
0x1a: {  	s8 =	sadd.s32 $0xFFFFE003, lr  }
0x1b: {  	s9 =	sadd.s32 $0xFFFFFEF7, lr;
	s5 =	simm.s32 $0xFFFFFFFF;
	p2 =	slt.u32 s8, $0xFFFFF086  }
0x1c: {  	p1 =	slt.u32 s9, $0xF7A;
	s5 =	simm.s32 @!p2 $0x0  }
0x1d: {  	s5 =	simm.s32 @p1 $0x1;
	p0 =	seq.s32 s7, s2  }
0x1e: {  	s7 =	smul.u32 @!p0 $0xF7A, s2;
	p2 =	seq.s32 @!p0 s5, $0x0  }
0x1f: {  	s9 =	smul.u32 $0xF7A, s1;
	s8 =	simm.s32 @!p0 $0x1BF5;
	p2 =	por !p2, p0  }
0x20: {  	[sflag:s8] =	ssyncset.s32 @!p0 $0xFFFFF086;
	s6 =	sadd.s32 @!p0 s3, s7;
	s7 =	simm.s32 @!p0 $0x108  }
0x21: {  	s3 =	sadd.s32 s3, s9;
	s6 =	sadd.s32 @!p0 $0x88, s6;
	s7 =	simm.s32 @p2 $0x1082  }
0x22: {  	[simem:s7], [sflag:s8] =	dma.local @!p0 [hbm:s6], $0xF7A  }
0x23: {  	s9 =	sor.u32 $0xD0000000, s2;
	s6 =	simm.s32 $0x108;
	_ =	swait.ge @!p0 [sflag:s8], $0x0  }
0x24: {  	s3 =	sadd.s32 $0x88, s3;
	s6 =	simm.s32 @!p1 $0x1082;
	[sflag:s4] =	ssyncset.s32 $0xFFFFF086  }
0x25: {  	[simem:s6], [sflag:s4] =	dma.local [hbm:s3], $0xF7A  }
0x26: {  	[smem:$0x3F9E] =	sst s1;
	(tag) =	ssettag s2;
	_ =	strace s9  }
0x27: {  	s1 =	sld [smem:$0x3FAE]  }
0x28: {  	s2 =	sld [smem:$0x3FAF]  }
0x29: {  	s4 =	sld [smem:$0x3FB1]  }
0x2a: {  	p0 =	seq.s32 s5, $0x0;
	s5 =	sld [smem:$0x3FB2]  }
0x2b: {  	s6 =	sld [smem:$0x3FB3]  }
0x2c: {  	s7 =	sld [smem:$0x3FB4]  }
0x2d: {  	s3 =	simm.s32 $0x108;
	s8 =	sld [smem:$0x3FB5]  }
0x2e: {  	s3 =	simm.s32 @!p0 $0x1082;
	s9 =	sld [smem:$0x3FB6]  }
0x2f: {  	lr =	sadd.s32 s0, s3;
	s0 =	sld [smem:$0x3FAD]  }
0x30: {  	s3 =	sld [smem:$0x3FB0]  }
0x31: {  	[smem:$0x3FB9] =	sst s10  }
0x32: {  	s10 =	sld [smem:$0x3FB7];
	_ =	sdelay $0x3  }
0x33: {  	p0 =	seq.s32 s10, $0x1;
	s10 =	sld [smem:$0x3FB9];
	_ =	sdelay $0x3  }
0x34: {  	[smem:$0x3FB9] =	sst s10  }
0x35: {  	s10 =	sld [smem:$0x3FB8];
	_ =	sdelay $0x3  }
0x36: {  	p1 =	seq.s32 s10, $0x1;
	s10 =	sld [smem:$0x3FB9];
	_ =	sdelay $0x3  }
0x37: {  	[smem:$0x3FB9] =	sst s10  }
0x38: {  	s10 =	sld [smem:$0x3FBA]  }
0x39: {  	_ = 	snop;
	(pc) =	sbr.ind lr, $3  }
0x3a: {  	_ = 	snop  }
0x3b: {  	_ = 	snop  }
0x3c: {  	p2 =	seq.s32 s10, $0x1;
	s10 =	sld [smem:$0x3FB9]  }
0x3d: {  	_ =	shalt  }
0x3e: {  	_ =	shalt  }
0x3f: {  	_ =	shalt  }
0x40: {  	_ =	shalt  }
0x41: {  	_ =	shalt  }
0x42: {  	_ =	shalt  }
0x43: {  	_ =	shalt  }
0x44: {  	_ =	shalt  }
0x45: {  	_ =	shalt  }
0x46: {  	_ =	shalt  }
0x47: {  	_ =	shalt  }
0x48: {  	_ =	shalt  }
0x49: {  	_ =	shalt  }
0x4a: {  	_ =	shalt  }
0x4b: {  	_ =	shalt  }
0x4c: {  	_ =	shalt  }
0x4d: {  	_ =	shalt  }
0x4e: {  	_ =	shalt  }
0x4f: {  	_ =	shalt  }
0x50: {  	_ =	shalt  }
0x51: {  	_ =	shalt  }
0x52: {  	_ =	shalt  }
0x53: {  	_ =	shalt  }
0x54: {  	_ =	shalt  }
0x55: {  	_ =	shalt  }
0x56: {  	_ =	shalt  }
0x57: {  	_ =	shalt  }
0x58: {  	_ =	shalt  }
0x59: {  	_ =	shalt  }
0x5a: {  	_ =	shalt  }
0x5b: {  	_ =	shalt  }
0x5c: {  	_ =	shalt  }
0x5d: {  	_ =	shalt  }
0x5e: {  	_ =	shalt  }
0x5f: {  	_ =	shalt  }
0x60: {  	_ =	shalt  }
0x61: {  	_ =	shalt  }
0x62: {  	_ =	shalt  }
0x63: {  	_ =	shalt  }
0x64: {  	_ =	shalt  }
0x65: {  	_ =	shalt  }
0x66: {  	_ =	shalt  }
0x67: {  	_ =	shalt  }
0x68: {  	_ =	shalt  }
0x69: {  	_ =	shalt  }
0x6a: {  	_ =	shalt  }
0x6b: {  	_ =	shalt  }
0x6c: {  	_ =	shalt  }
0x6d: {  	_ =	shalt  }
0x6e: {  	_ =	shalt  }
0x6f: {  	_ =	shalt  }
0x70: {  	_ =	shalt  }
0x71: {  	_ =	shalt  }
0x72: {  	_ =	shalt  }
0x73: {  	_ =	shalt  }
0x74: {  	_ =	shalt  }
0x75: {  	_ =	shalt  }
0x76: {  	_ =	shalt  }
0x77: {  	_ =	shalt  }
0x78: {  	_ =	shalt  }
0x79: {  	_ =	shalt  }
0x7a: {  	_ =	shalt  }
0x7b: {  	_ =	shalt  }
0x7c: {  	_ =	shalt  }
0x7d: {  	_ =	shalt  }
0x7e: {  	_ =	shalt  }
0x7f: {  	_ =	shalt  }
0x80: {  	_ =	shalt  }
0x81: {  	_ =	shalt  }
0x82: {  	_ =	shalt  }
0x83: {  	_ =	shalt  }
0x84: {  	_ =	shalt  }
0x85: {  	_ =	shalt  }
0x86: {  	_ =	shalt  }
0x87: {  	_ =	shalt  }
.Lfunc_end0:
.L_simem_size_0:
called_computation.1_lowered:
.L_overlay_start_0:
0x88: {  	s2 =	sld [smem:$0x3FD9]  }
0x89: {  	s3 =	sld [smem:$0x3FFE];
	_ =	sdelay $0x1  }
0x8a: {  	s1 =	srdreg.scid  }
0x8b: {  	s0 =	sand.u32 $0x1, s1  }
0x8c: {  	s17 =	sshll.u32 s0, $0xA;
	s2 =	sadd.s32 s3, s2  }
0x8d: {  	s2 =	sadd.s32 s2, s17  }
0x8e: {  	[smem:$0x3FC5] =	sst s2  }
0x8f: {  	_ = 	snop  }
0x90: {  	(tm) =	ssettm $0x1  }
0x91: {  	s18 =	sld [smem:$0x3FFB];
	_ =	sdelay $0x3  }
0x92: {  	_ =	strace s18  }
0x93: {  	s2 =	sld [smem:$0x3FFC];
	_ =	sdelay $0x3  }
0x94: {  	_ =	strace s2  }
0x95: {  	s2 =	sld [smem:$0x3FFD];
	_ =	sdelay $0x3  }
0x96: {  	_ =	strace s2  }
0x97: {  	_ =	strace $0x8FFFFFFF  }
0x98: {  	s19 =	sld [smem:$0x3FDB];
	_ =	sdelay $0x1  }
0x99: {  	s20 =	simm.s32 $_scs_section_size  }
0x9a: {  	s4 =	simm.s32 $_size__tile_overlayer_lowered;
	s5 =	simm.s32 $_tile_overlayer_lowered  }
0x9b: {  	s6 =	simm.s32 $0x1BFF;
	s21 =	sshll.u32 s5, $0x1;
	s3 =	sadd.s32 s20, s19  }
0x9c: {  	s22 =	simm.s32 $0x0;
	s4 =	sshll.u32 s4, $0x1;
	s5 =	sadd.s32 s21, s3  }
0x9d: {  	[timem:s22], [sflag:s6] =	dma.local [hbm:s5], s4  }
0x9e: {  	_ =	swait.ge [sflag:s6], s4  }
0x9f: {  	s4 =	ssub.s32 $0x0, s4;
	[sflag:s6] =	ssyncset.done $0x0  }
0xa0: {  	[sflag:s6] =	ssyncadd.s32 s4;
	_ =	sdelay $0x1  }
0xa1: {  	s23 =	simm.s32 $0x1B8B  }
0xa2: {  	_ =	swait.ge [sflag:s23], $0x1  }
0xa3: {  	[sflag:s23] =	ssyncset.done $0x0  }
0xa4: {  	[sflag:s23] =	ssyncadd.s32 $0xFFFFFFFF  }
0xa5: {  	s4 =	sld [smem:$0x0]  }
0xa6: {  	s5 =	sand.u32 $0xFFFFFFFE, s1  }
0xa7: {  	p0 =	sne.s32 s1, s5  }
0xa8: {  	s5 =	sshll.u32 @p0 s5, $0xE  }
0xa9: {  	s5 =	sadd.s32 @p0 $0x11B8D, s5;
	s6 =	sshll.u32 @p0 s4, $0x11  }
0xaa: {  	s5 =	sor.u32 @p0 s6, s5  }
0xab: {  	[sflag:s5] =	ssyncadd.remote.s32 @p0 $0x1;
	_ =	sdelay $0x1  }
0xac: {  	s5 =	simm.s32 @p0 $0x1B8D  }
0xad: {  	_ =	swait.eq @p0 [sflag:s5], $0x1  }
0xae: {  	[sflag:s5] =	ssyncadd.s32 @p0 $0xFFFFFFFF  }
0xaf: {  	s6 =	sshll.u32 @!p0 s1, $0xE  }
0xb0: {  	s6 =	sor.u32 @!p0 $0x4000, s6;
	s5 =	simm.s32 @!p0 $0x1B8D  }
0xb1: {  	s4 =	sshll.u32 @!p0 s4, $0x11;
	s6 =	sadd.s32 @!p0 $0x11B8D, s6;
	_ =	swait.eq @!p0 [sflag:s5], $0x1  }
0xb2: {  	s4 =	sor.u32 @!p0 s4, s6;
	[sflag:s5] =	ssyncadd.s32 @!p0 $0xFFFFFFFF  }
0xb3: {  	s25 =	simm.s32 $0x1B8E;
	s24 =	sld [smem:$0x3FFE];
	[sflag:s4] =	ssyncadd.remote.s32 @!p0 $0x1  }
0xb4: {  	s26 =	simm.s32 $execute0_lowered;
	[smem:$0x3FD2] =	sst s25  }
0xb5: {  	s5 =	sshll.u32 s26, $0x1;
	_ =	strace $0x80000049;
	[dreg:$0x1] =	wrdreg $0xFFFFFFFF  }
0xb6: {  	s28 =	simm.s32 $_size_execute0_lowered;
	s3 =	sadd.s32 s3, s5;
	[dreg:$0x0] =	wrdreg $0x0  }
0xb7: {  	s5 =	sshll.u32 s28, $0x1;
	[dreg:$0x2] =	wrdreg s3  }
0xb8: {  	[dreg:$0x3] =	wrdreg s5  }
0xb9: {  	[dreg:$0x4] =	wrdreg $0xC0  }
0xba: {  	_ =	task [dreg:s22], $0x5FFFF  }
0xbb: {  	[dreg:$0x1] =	wrdreg $0xFFFFFFFF  }
0xbc: {  	[dreg:$0x0] =	wrdreg $0x60  }
0xbd: {  	[dreg:$0x2] =	wrdreg s24  }
0xbe: {  	[dreg:$0x3] =	wrdreg $0xA  }
0xbf: {  	_ =	task.clear_ibuf [dreg:s22], $0x4FFFF;
	_ =	strace $0x90000049  }
0xc0: {  	s29 =	simm.s32 $0xA;
	_ =	strace $0x8000004B  }
0xc1: {  	_ =	swait.ge [sflag:s29], $0x1  }
0xc2: {  	[sflag:s29] =	ssyncadd.s32 $0xFFFFFFFF  }
0xc3: {  	_ =	strace $0x9000004B  }
0xc4: {  	_ =	sfence  }
0xc5: {  	s30 =	sld [smem:$0x0];
	_ =	sdelay $0x2  }
0xc6: {  	s31 =	sshll.u32 s1, $0xD;
	s1 =	sshrl.u32 s1, $0x2  }
0xc7: {  	s4 =	sand.u32 $0x4000, s31;
	s1 =	sadd.s32 s1, s30  }
0xc8: {  	s0 =	sor.u32 s4, s0;
	s1 =	sshll.u32 s1, $0x11  }
0xc9: {  	s0 =	sor.u32 s1, s0  }
0xca: {  	s0 =	sadd.s32 $0x8F2B, s0  }
0xcb: {  	[sflag:s0] =	ssyncadd.remote.s32 $0x1  }
0xcc: {  	_ =	sfence.sel $0xFFFF  }
0xcd: {  	[dreg:$0x0] =	wrdreg $0xFFFFFFFF;
	(pc) =	sbr.abs _section_cstart, $3  }
0xce: {  	[dreg:$0x1] =	wrdreg $0xFFFFFFFF  }
0xcf: {  	_ =	task.clear_ibuf [dreg:s22], $0x2FFFF;
	_ =	strace $0x9FFFFFFF  }
0xd0: {  	(tm) =	ssettm $0x7FFFFFFF  }
0xd1: {  	_ =	shalt  }
tec
execute0_lowered:
.L_overlay_start_1:
0x0: {  	(tag) =	ssettag $0x1  }
0x1: {  	s8 =	rddreg [dreg:$0x0]  }
0x2: {  	s0 =	rddreg [dreg:$0x1];
	s2 =	simm.s32 $0x0  }
0x3: {  	s3 =	srdreg.scid;
	s1 =	stileid.u32;
	s11 =	simm.s32 $0x400  }
0x4: {  	s12 =	simm.s32 $0x10000;
	s13 =	simm.s32 $0x12000;
	s14 =	simm.s32 $0x14000  }
0x5: {  	s15 =	simm.s32 $0x16000;
	s16 =	simm.s32 $0x1;
	s17 =	simm.s32 $0x2  }
0x6: {  	s18 =	simm.s32 $0x3;
	s19 =	simm.s32 $0x0;
	[smem:$0x7FF] =	sst s2  }
0x7: {  	s5 =	sand.u32 $0x1, s3;
	s3 =	sshll.u32 s1, $0x1;
	s4 =	sadd.s32 $0x300C00, s8  }
0x8: {  	_ =	strace $0x8000004A;
	s7 =	ssub.s32 $0x2, s5;
	s6 =	sor.u32 s5, s3  }
0x9: {  	s5 =	sadd.s32 $0x400C00, s8;
	s9 =	sshrl.u32 s7, $0x1;
	s10 =	sshll.u32 s6, $0x7  }
0xa: {  	s6 =	sadd.s32 $0x500C00, s8;
	s8 =	sadd.s32 $0x510C00, s8;
	s9 =	ssub.s32 s7, s9  }
0xb: {  	v0 =	vimm.f32 $0.0e+00;
	s7 =	sand.u32 $0x380, s10;
	s10 =	simm.s32 $0x80;
	s9 =	smax.u32 s9, $0x1  }
.LBB2_1:
0xc: {  	s21 =	simm.s32 $0x0  }
.LBB2_2:
0xd: {  	s20 =	sshll.u32 s21, $0x5  }
0xe: {  	s20 =	sor.u32 s3, s20  }
0xf: {  	s20 =	sshrl.u32 s20, $0x3  }
0x10: {  	s22 =	sshll.u32 s20, $0x13  }
0x11: {  	s22 =	sor.u32 s7, s22  }
0x12: {  	s22 =	sshrl.u32 s22, $0x3  }
0x13: {  	s23 =	sadd.s32 s4, s22  }
0x14: {  	[tilespmem:s12], [sflag:$0x1] =	stream.strided.gather [hbm4b:s23+s10], $0x2000, s11, s10, $0x38;
	[tilespmem:$0x18000] =	vst v63  }
0x15: {  	s31 =	sadd.s32 s5, s22;
	s23 =	simm.s32 $0x40  }
0x16: {  	[tilespmem:s13], [sflag:$0x1] =	stream.strided.gather [hbm4b:s31+s10], $0x2000, s11, s10, $0x38;
	[tilespmem:$0x18000] =	vst v63  }
0x17: {  	[tilespmem:s23+$0xFFFFFFC0] =	vst v0  }
0x18: {  	[tilespmem:s23+$0x30] =	vst v0  }
0x19: {  	[tilespmem:s23+$0x20] =	vst v0  }
0x1a: {  	[tilespmem:s23+$0x10] =	vst v0  }
0x1b: {  	[tilespmem:s23+$0x0] =	vst v0  }
0x1c: {  	[tilespmem:s23+$0xFFFFFFF0] =	vst v0  }
0x1d: {  	s24 =	simm.s32 $0x0;
	[tilespmem:s23+$0xFFFFFFE0] =	vst v0  }
.LBB2_3:
0x1e: {  	s24 =	sadd.s32 $0x8, s24;
	[tilespmem:s23+$0xFFFFFFD0] =	vst v0;
	s23 =	sadd.s32 $0x80, s23  }
0x1f: {  	[tilespmem:s23+$0xFFFFFFC0] =	vst v0;
	p0 =	slt.u32 s24, $0xFF8  }
0x20: {  	[tilespmem:s23+$0x30] =	vst v0  }
.Ltmp0:
0x21: {  	[tilespmem:s23+$0x20] =	vst v0;
	(pc) =	sbr.rel @p0 .LBB2_3-.Ltmp0, $4  }
0x22: {  	[tilespmem:s23+$0x10] =	vst v0  }
0x23: {  	[tilespmem:s23+$0x0] =	vst v0  }
0x24: {  	[tilespmem:s23+$0xFFFFFFF0] =	vst v0  }
0x25: {  	[tilespmem:s23+$0xFFFFFFE0] =	vst v0  }
0x26: {  	s24 =	sor.u32 $0x2000, s22  }
0x27: {  	[tilespmem:s23+$0xFFFFFFD0] =	vst v0;
	s29 =	sadd.s32 s4, s24  }
0x28: {  	[tilespmem:s14], [sflag:$0x2] =	stream.strided.gather [hbm4b:s29+s10], $0x2000, s11, s10, $0x38;
	[tilespmem:$0x18000] =	vst v63  }
0x29: {  	s30 =	sadd.s32 s5, s24  }
0x2a: {  	[tilespmem:s15], [sflag:$0x2] =	stream.strided.gather [hbm4b:s30+s10], $0x2000, s11, s10, $0x38;
	[tilespmem:$0x18000] =	vst v63  }
0x2b: {  	_ =	swait.ge [sflag:s16], $0x2000  }
0x2c: {  	[sflag:s16] =	ssyncset.done $0x0  }
0x2d: {  	[sflag:s16] =	ssyncadd.s32 $0xFFFFE000  }
0x2e: {  	_ =	swait.ge [sflag:s16], $0x2000  }
0x2f: {  	[sflag:s16] =	ssyncset.done $0x0  }
0x30: {  	s31 =	simm.s32 $0x10040;
	[sflag:s16] =	ssyncadd.s32 $0xFFFFE000  }
0x31: {  	v1 =	vld [tilespmem:s31+$0x30]  }
0x32: {  	v2 =	vld [tilespmem:s31+$0xFFFFFFD0]  }
0x33: {  	v3 =	vld [tilespmem:s31+$0xFFFFFFE0]  }
0x34: {  	v4 =	vld [tilespmem:s31+$0xFFFFFFF0]  }
0x35: {  	v5 =	vld [tilespmem:s31+$0x0]  }
0x36: {  	s23 =	simm.s32 $0x12040;
	v6 =	vld [tilespmem:s31+$0x10]  }
0x37: {  	v7 =	vld [tilespmem:s23+$0x30]  }
0x38: {  	v9 =	vld [tilespmem:s31+$0xFFFFFFC0]  }
0x39: {  	v8 =	vld [tilespmem:s31+$0x20]  }
0x3a: {  	v10 =	vld [tilespmem:s23+$0xFFFFFFC0];
	vm0 =	vlt.s32 v1, $0x10000  }
0x3b: {  	v11 =	vld [tilespmem:s23+$0xFFFFFFD0]  }
0x3c: {  	v63 =	vld [tilespmem:s23+$0xFFFFFFF0];
	vm1 =	vlt.s32 v2, $0x10000  }
0x3d: {  	v12 =	vld [tilespmem:s23+$0x0];
	vm2 =	vlt.s32 v9, $0x10000  }
0x3e: {  	v13 =	vld [tilespmem:s23+$0x10];
	vm3 =	vlt.s32 v4, $0x10000  }
0x3f: {  	v14 =	vld [tilespmem:s23+$0x20];
	vm4 =	vlt.s32 v5, $0x10000  }
0x40: {  	vm5 =	vlt.s32 v6, $0x10000;
	[tilespmem:v1+s2+$0x0] =	vst.idx.add.f32.msk vm0, v7  }
0x41: {  	vm6 =	vlt.s32 v8, $0x10000;
	v1 =	vld [tilespmem:s23+$0xFFFFFFE0]  }
0x42: {  	vm15 =	vlt.s32 v3, $0x10000;
	[tilespmem:v2+s2+$0x0] =	vst.idx.add.f32.msk vm1, v11  }
0x43: {  	[tilespmem:v9+s2+$0x0] =	vst.idx.add.f32.msk vm2, v10  }
0x44: {  	[tilespmem:v4+s2+$0x0] =	vst.idx.add.f32.msk vm3, v63  }
0x45: {  	[tilespmem:v5+s2+$0x0] =	vst.idx.add.f32.msk vm4, v12  }
0x46: {  	[tilespmem:v6+s2+$0x0] =	vst.idx.add.f32.msk vm5, v13  }
0x47: {  	[tilespmem:v8+s2+$0x0] =	vst.idx.add.f32.msk vm6, v14  }
0x48: {  	s25 =	simm.s32 $0x100C0;
	s24 =	simm.s32 $0x0;
	[tilespmem:v3+s2+$0x0] =	vst.idx.add.f32.msk vm15, v1  }
.LBB2_5:
0x49: {  	v1 =	vld [tilespmem:s25+$0x30];
	s24 =	sadd.s32 $0x8, s24  }
0x4a: {  	v2 =	vld [tilespmem:s25+$0xFFFFFFD0];
	p0 =	slt.u32 s24, $0x1F8  }
0x4b: {  	v3 =	vld [tilespmem:s25+$0xFFFFFFE0]  }
0x4c: {  	v4 =	vld [tilespmem:s25+$0xFFFFFFF0]  }
0x4d: {  	v5 =	vld [tilespmem:s25+$0x0]  }
0x4e: {  	s23 =	sadd.s32 $0x80, s23;
	v6 =	vld [tilespmem:s25+$0x10];
	vm0 =	vlt.s32 v1, $0x10000  }
0x4f: {  	vm1 =	vlt.s32 v2, $0x10000;
	v7 =	vld [tilespmem:s23+$0x30]  }
0x50: {  	vm2 =	vlt.s32 v3, $0x10000;
	v8 =	vld [tilespmem:s25+$0x20]  }
0x51: {  	v9 =	vld [tilespmem:s25+$0xFFFFFFC0];
	vm3 =	vlt.s32 v4, $0x10000  }
0x52: {  	v10 =	vld [tilespmem:s23+$0xFFFFFFC0];
	vm4 =	vlt.s32 v5, $0x10000  }
0x53: {  	v11 =	vld [tilespmem:s23+$0xFFFFFFD0];
	vm5 =	vlt.s32 v6, $0x10000  }
0x54: {  	[tilespmem:v1+s2+$0x0] =	vst.idx.add.f32.msk vm0, v7  }
0x55: {  	v1 =	vld [tilespmem:s23+$0xFFFFFFE0];
	vm0 =	vlt.s32 v8, $0x10000  }
0x56: {  	vm6 =	vlt.s32 v9, $0x10000;
	v7 =	vld [tilespmem:s23+$0xFFFFFFF0]  }
0x57: {  	v12 =	vld [tilespmem:s23+$0x0]  }
0x58: {  	v13 =	vld [tilespmem:s23+$0x10]  }
0x59: {  	v14 =	vld [tilespmem:s23+$0x20]  }
0x5a: {  	[tilespmem:v2+s2+$0x0] =	vst.idx.add.f32.msk vm1, v11  }
0x5b: {  	[tilespmem:v3+s2+$0x0] =	vst.idx.add.f32.msk vm2, v1  }
.Ltmp1:
0x5c: {  	[tilespmem:v9+s2+$0x0] =	vst.idx.add.f32.msk vm6, v10;
	(pc) =	sbr.rel @p0 .LBB2_5-.Ltmp1, $4  }
0x5d: {  	[tilespmem:v4+s2+$0x0] =	vst.idx.add.f32.msk vm3, v7  }
0x5e: {  	[tilespmem:v5+s2+$0x0] =	vst.idx.add.f32.msk vm4, v12  }
0x5f: {  	[tilespmem:v6+s2+$0x0] =	vst.idx.add.f32.msk vm5, v13  }
0x60: {  	s25 =	sadd.s32 $0x80, s25;
	[tilespmem:v8+s2+$0x0] =	vst.idx.add.f32.msk vm0, v14  }
0x61: {  	s23 =	sor.u32 $0x4000, s22  }
0x62: {  	s24 =	sadd.s32 s4, s23  }
0x63: {  	[tilespmem:s12], [sflag:$0x1] =	stream.strided.gather [hbm4b:s24+s10], $0x2000, s11, s10, $0x38;
	[tilespmem:$0x18000] =	vst v63  }
0x64: {  	s23 =	sadd.s32 s5, s23  }
0x65: {  	[tilespmem:s13], [sflag:$0x1] =	stream.strided.gather [hbm4b:s23+s10], $0x2000, s11, s10, $0x38;
	[tilespmem:$0x18000] =	vst v63  }
0x66: {  	_ =	swait.ge [sflag:s17], $0x2000  }
0x67: {  	[sflag:s17] =	ssyncset.done $0x0  }
0x68: {  	[sflag:s17] =	ssyncadd.s32 $0xFFFFE000  }
0x69: {  	_ =	swait.ge [sflag:s17], $0x2000  }
0x6a: {  	[sflag:s17] =	ssyncset.done $0x0  }
0x6b: {  	s31 =	simm.s32 $0x14040;
	[sflag:s17] =	ssyncadd.s32 $0xFFFFE000  }
0x6c: {  	v1 =	vld [tilespmem:s31+$0x30]  }
0x6d: {  	v2 =	vld [tilespmem:s31+$0xFFFFFFD0]  }
0x6e: {  	v3 =	vld [tilespmem:s31+$0xFFFFFFE0]  }
0x6f: {  	v4 =	vld [tilespmem:s31+$0xFFFFFFF0]  }
0x70: {  	v5 =	vld [tilespmem:s31+$0x0]  }
0x71: {  	s23 =	simm.s32 $0x16040;
	v6 =	vld [tilespmem:s31+$0x10]  }
0x72: {  	v7 =	vld [tilespmem:s23+$0x30]  }
0x73: {  	v9 =	vld [tilespmem:s31+$0xFFFFFFC0]  }
0x74: {  	v8 =	vld [tilespmem:s31+$0x20]  }
0x75: {  	v10 =	vld [tilespmem:s23+$0xFFFFFFC0];
	vm0 =	vlt.s32 v1, $0x10000  }
0x76: {  	v11 =	vld [tilespmem:s23+$0xFFFFFFD0]  }
0x77: {  	v63 =	vld [tilespmem:s23+$0xFFFFFFF0];
	vm1 =	vlt.s32 v2, $0x10000  }
0x78: {  	v12 =	vld [tilespmem:s23+$0x0];
	vm2 =	vlt.s32 v9, $0x10000  }
0x79: {  	v13 =	vld [tilespmem:s23+$0x10];
	vm3 =	vlt.s32 v4, $0x10000  }
0x7a: {  	v14 =	vld [tilespmem:s23+$0x20];
	vm4 =	vlt.s32 v5, $0x10000  }
0x7b: {  	vm5 =	vlt.s32 v6, $0x10000;
	[tilespmem:v1+s2+$0x0] =	vst.idx.add.f32.msk vm0, v7  }
0x7c: {  	vm6 =	vlt.s32 v8, $0x10000;
	v1 =	vld [tilespmem:s23+$0xFFFFFFE0]  }
0x7d: {  	vm15 =	vlt.s32 v3, $0x10000;
	[tilespmem:v2+s2+$0x0] =	vst.idx.add.f32.msk vm1, v11  }
0x7e: {  	[tilespmem:v9+s2+$0x0] =	vst.idx.add.f32.msk vm2, v10  }
0x7f: {  	[tilespmem:v4+s2+$0x0] =	vst.idx.add.f32.msk vm3, v63  }
0x80: {  	[tilespmem:v5+s2+$0x0] =	vst.idx.add.f32.msk vm4, v12  }
0x81: {  	[tilespmem:v6+s2+$0x0] =	vst.idx.add.f32.msk vm5, v13  }
0x82: {  	[tilespmem:v8+s2+$0x0] =	vst.idx.add.f32.msk vm6, v14  }
0x83: {  	s25 =	simm.s32 $0x140C0;
	s24 =	simm.s32 $0x0;
	[tilespmem:v3+s2+$0x0] =	vst.idx.add.f32.msk vm15, v1  }
.LBB2_7:
0x84: {  	v1 =	vld [tilespmem:s25+$0x30];
	s24 =	sadd.s32 $0x8, s24  }
0x85: {  	v2 =	vld [tilespmem:s25+$0xFFFFFFD0];
	p0 =	slt.u32 s24, $0x1F8  }
0x86: {  	v3 =	vld [tilespmem:s25+$0xFFFFFFE0]  }
0x87: {  	v4 =	vld [tilespmem:s25+$0xFFFFFFF0]  }
0x88: {  	v5 =	vld [tilespmem:s25+$0x0]  }
0x89: {  	s23 =	sadd.s32 $0x80, s23;
	v6 =	vld [tilespmem:s25+$0x10];
	vm0 =	vlt.s32 v1, $0x10000  }
0x8a: {  	vm1 =	vlt.s32 v2, $0x10000;
	v7 =	vld [tilespmem:s23+$0x30]  }
0x8b: {  	vm2 =	vlt.s32 v3, $0x10000;
	v8 =	vld [tilespmem:s25+$0x20]  }
0x8c: {  	v9 =	vld [tilespmem:s25+$0xFFFFFFC0];
	vm3 =	vlt.s32 v4, $0x10000  }
0x8d: {  	v10 =	vld [tilespmem:s23+$0xFFFFFFC0];
	vm4 =	vlt.s32 v5, $0x10000  }
0x8e: {  	v11 =	vld [tilespmem:s23+$0xFFFFFFD0];
	vm5 =	vlt.s32 v6, $0x10000  }
0x8f: {  	[tilespmem:v1+s2+$0x0] =	vst.idx.add.f32.msk vm0, v7  }
0x90: {  	v1 =	vld [tilespmem:s23+$0xFFFFFFE0];
	vm0 =	vlt.s32 v8, $0x10000  }
0x91: {  	vm6 =	vlt.s32 v9, $0x10000;
	v7 =	vld [tilespmem:s23+$0xFFFFFFF0]  }
0x92: {  	v12 =	vld [tilespmem:s23+$0x0]  }
0x93: {  	v13 =	vld [tilespmem:s23+$0x10]  }
0x94: {  	v14 =	vld [tilespmem:s23+$0x20]  }
0x95: {  	[tilespmem:v2+s2+$0x0] =	vst.idx.add.f32.msk vm1, v11  }
0x96: {  	[tilespmem:v3+s2+$0x0] =	vst.idx.add.f32.msk vm2, v1  }
.Ltmp2:
0x97: {  	[tilespmem:v9+s2+$0x0] =	vst.idx.add.f32.msk vm6, v10;
	(pc) =	sbr.rel @p0 .LBB2_7-.Ltmp2, $4  }
0x98: {  	[tilespmem:v4+s2+$0x0] =	vst.idx.add.f32.msk vm3, v7  }
0x99: {  	[tilespmem:v5+s2+$0x0] =	vst.idx.add.f32.msk vm4, v12  }
0x9a: {  	[tilespmem:v6+s2+$0x0] =	vst.idx.add.f32.msk vm5, v13  }
0x9b: {  	s25 =	sadd.s32 $0x80, s25;
	[tilespmem:v8+s2+$0x0] =	vst.idx.add.f32.msk vm0, v14  }
0x9c: {  	s23 =	sor.u32 $0x6000, s22  }
0x9d: {  	s24 =	sadd.s32 s4, s23  }
0x9e: {  	[tilespmem:s14], [sflag:$0x2] =	stream.strided.gather [hbm4b:s24+s10], $0x2000, s11, s10, $0x38;
	[tilespmem:$0x18000] =	vst v63  }
0x9f: {  	s23 =	sadd.s32 s5, s23  }
0xa0: {  	[tilespmem:s15], [sflag:$0x2] =	stream.strided.gather [hbm4b:s23+s10], $0x2000, s11, s10, $0x38;
	[tilespmem:$0x18000] =	vst v63  }
0xa1: {  	_ =	swait.ge [sflag:s16], $0x2000  }
0xa2: {  	[sflag:s16] =	ssyncset.done $0x0  }
0xa3: {  	[sflag:s16] =	ssyncadd.s32 $0xFFFFE000  }
0xa4: {  	_ =	swait.ge [sflag:s16], $0x2000  }
0xa5: {  	[sflag:s16] =	ssyncset.done $0x0  }
0xa6: {  	s31 =	simm.s32 $0x10040;
	[sflag:s16] =	ssyncadd.s32 $0xFFFFE000  }
0xa7: {  	v1 =	vld [tilespmem:s31+$0x30]  }
0xa8: {  	v2 =	vld [tilespmem:s31+$0xFFFFFFD0]  }
0xa9: {  	v3 =	vld [tilespmem:s31+$0xFFFFFFE0]  }
0xaa: {  	v4 =	vld [tilespmem:s31+$0xFFFFFFF0]  }
0xab: {  	v5 =	vld [tilespmem:s31+$0x0]  }
0xac: {  	s23 =	simm.s32 $0x12040;
	v6 =	vld [tilespmem:s31+$0x10]  }
0xad: {  	v7 =	vld [tilespmem:s23+$0x30]  }
0xae: {  	v9 =	vld [tilespmem:s31+$0xFFFFFFC0]  }
0xaf: {  	v8 =	vld [tilespmem:s31+$0x20]  }
0xb0: {  	v10 =	vld [tilespmem:s23+$0xFFFFFFC0];
	vm0 =	vlt.s32 v1, $0x10000  }
0xb1: {  	v11 =	vld [tilespmem:s23+$0xFFFFFFD0]  }
0xb2: {  	v63 =	vld [tilespmem:s23+$0xFFFFFFF0];
	vm1 =	vlt.s32 v2, $0x10000  }
0xb3: {  	v12 =	vld [tilespmem:s23+$0x0];
	vm2 =	vlt.s32 v9, $0x10000  }
0xb4: {  	v13 =	vld [tilespmem:s23+$0x10];
	vm3 =	vlt.s32 v4, $0x10000  }
0xb5: {  	v14 =	vld [tilespmem:s23+$0x20];
	vm4 =	vlt.s32 v5, $0x10000  }
0xb6: {  	vm5 =	vlt.s32 v6, $0x10000;
	[tilespmem:v1+s2+$0x0] =	vst.idx.add.f32.msk vm0, v7  }
0xb7: {  	vm6 =	vlt.s32 v8, $0x10000;
	v1 =	vld [tilespmem:s23+$0xFFFFFFE0]  }
0xb8: {  	vm15 =	vlt.s32 v3, $0x10000;
	[tilespmem:v2+s2+$0x0] =	vst.idx.add.f32.msk vm1, v11  }
0xb9: {  	[tilespmem:v9+s2+$0x0] =	vst.idx.add.f32.msk vm2, v10  }
0xba: {  	[tilespmem:v4+s2+$0x0] =	vst.idx.add.f32.msk vm3, v63  }
0xbb: {  	[tilespmem:v5+s2+$0x0] =	vst.idx.add.f32.msk vm4, v12  }
0xbc: {  	[tilespmem:v6+s2+$0x0] =	vst.idx.add.f32.msk vm5, v13  }
0xbd: {  	[tilespmem:v8+s2+$0x0] =	vst.idx.add.f32.msk vm6, v14  }
0xbe: {  	s25 =	simm.s32 $0x100C0;
	s24 =	simm.s32 $0x0;
	[tilespmem:v3+s2+$0x0] =	vst.idx.add.f32.msk vm15, v1  }
.LBB2_9:
0xbf: {  	v1 =	vld [tilespmem:s25+$0x30];
	s24 =	sadd.s32 $0x8, s24  }
0xc0: {  	v2 =	vld [tilespmem:s25+$0xFFFFFFD0];
	p0 =	slt.u32 s24, $0x1F8  }
0xc1: {  	v3 =	vld [tilespmem:s25+$0xFFFFFFE0]  }
0xc2: {  	v4 =	vld [tilespmem:s25+$0xFFFFFFF0]  }
0xc3: {  	v5 =	vld [tilespmem:s25+$0x0]  }
0xc4: {  	s23 =	sadd.s32 $0x80, s23;
	v6 =	vld [tilespmem:s25+$0x10];
	vm0 =	vlt.s32 v1, $0x10000  }
0xc5: {  	vm1 =	vlt.s32 v2, $0x10000;
	v7 =	vld [tilespmem:s23+$0x30]  }
0xc6: {  	vm2 =	vlt.s32 v3, $0x10000;
	v8 =	vld [tilespmem:s25+$0x20]  }
0xc7: {  	v9 =	vld [tilespmem:s25+$0xFFFFFFC0];
	vm3 =	vlt.s32 v4, $0x10000  }
0xc8: {  	v10 =	vld [tilespmem:s23+$0xFFFFFFC0];
	vm4 =	vlt.s32 v5, $0x10000  }
0xc9: {  	v11 =	vld [tilespmem:s23+$0xFFFFFFD0];
	vm5 =	vlt.s32 v6, $0x10000  }
0xca: {  	[tilespmem:v1+s2+$0x0] =	vst.idx.add.f32.msk vm0, v7  }
0xcb: {  	v1 =	vld [tilespmem:s23+$0xFFFFFFE0];
	vm0 =	vlt.s32 v8, $0x10000  }
0xcc: {  	vm6 =	vlt.s32 v9, $0x10000;
	v7 =	vld [tilespmem:s23+$0xFFFFFFF0]  }
0xcd: {  	v12 =	vld [tilespmem:s23+$0x0]  }
0xce: {  	v13 =	vld [tilespmem:s23+$0x10]  }
0xcf: {  	v14 =	vld [tilespmem:s23+$0x20]  }
0xd0: {  	[tilespmem:v2+s2+$0x0] =	vst.idx.add.f32.msk vm1, v11  }
0xd1: {  	[tilespmem:v3+s2+$0x0] =	vst.idx.add.f32.msk vm2, v1  }
.Ltmp3:
0xd2: {  	[tilespmem:v9+s2+$0x0] =	vst.idx.add.f32.msk vm6, v10;
	(pc) =	sbr.rel @p0 .LBB2_9-.Ltmp3, $4  }
0xd3: {  	[tilespmem:v4+s2+$0x0] =	vst.idx.add.f32.msk vm3, v7  }
0xd4: {  	[tilespmem:v5+s2+$0x0] =	vst.idx.add.f32.msk vm4, v12  }
0xd5: {  	[tilespmem:v6+s2+$0x0] =	vst.idx.add.f32.msk vm5, v13  }
0xd6: {  	s25 =	sadd.s32 $0x80, s25;
	[tilespmem:v8+s2+$0x0] =	vst.idx.add.f32.msk vm0, v14  }
0xd7: {  	s23 =	sor.u32 $0x8000, s22  }
0xd8: {  	s24 =	sadd.s32 s4, s23  }
0xd9: {  	[tilespmem:s12], [sflag:$0x1] =	stream.strided.gather [hbm4b:s24+s10], $0x2000, s11, s10, $0x38;
	[tilespmem:$0x18000] =	vst v63  }
0xda: {  	s23 =	sadd.s32 s5, s23  }
0xdb: {  	[tilespmem:s13], [sflag:$0x1] =	stream.strided.gather [hbm4b:s23+s10], $0x2000, s11, s10, $0x38;
	[tilespmem:$0x18000] =	vst v63  }
0xdc: {  	_ =	swait.ge [sflag:s17], $0x2000  }
0xdd: {  	[sflag:s17] =	ssyncset.done $0x0  }
0xde: {  	[sflag:s17] =	ssyncadd.s32 $0xFFFFE000  }
0xdf: {  	_ =	swait.ge [sflag:s17], $0x2000  }
0xe0: {  	[sflag:s17] =	ssyncset.done $0x0  }
0xe1: {  	s31 =	simm.s32 $0x14040;
	[sflag:s17] =	ssyncadd.s32 $0xFFFFE000  }
0xe2: {  	v1 =	vld [tilespmem:s31+$0x30]  }
0xe3: {  	v2 =	vld [tilespmem:s31+$0xFFFFFFD0]  }
0xe4: {  	v3 =	vld [tilespmem:s31+$0xFFFFFFE0]  }
0xe5: {  	v4 =	vld [tilespmem:s31+$0xFFFFFFF0]  }
0xe6: {  	v5 =	vld [tilespmem:s31+$0x0]  }
0xe7: {  	s23 =	simm.s32 $0x16040;
	v6 =	vld [tilespmem:s31+$0x10]  }
0xe8: {  	v7 =	vld [tilespmem:s23+$0x30]  }
0xe9: {  	v9 =	vld [tilespmem:s31+$0xFFFFFFC0]  }
0xea: {  	v8 =	vld [tilespmem:s31+$0x20]  }
0xeb: {  	v10 =	vld [tilespmem:s23+$0xFFFFFFC0];
	vm0 =	vlt.s32 v1, $0x10000  }
0xec: {  	v11 =	vld [tilespmem:s23+$0xFFFFFFD0]  }
0xed: {  	v63 =	vld [tilespmem:s23+$0xFFFFFFF0];
	vm1 =	vlt.s32 v2, $0x10000  }
0xee: {  	v12 =	vld [tilespmem:s23+$0x0];
	vm2 =	vlt.s32 v9, $0x10000  }
0xef: {  	v13 =	vld [tilespmem:s23+$0x10];
	vm3 =	vlt.s32 v4, $0x10000  }
0xf0: {  	v14 =	vld [tilespmem:s23+$0x20];
	vm4 =	vlt.s32 v5, $0x10000  }
0xf1: {  	vm5 =	vlt.s32 v6, $0x10000;
	[tilespmem:v1+s2+$0x0] =	vst.idx.add.f32.msk vm0, v7  }
0xf2: {  	vm6 =	vlt.s32 v8, $0x10000;
	v1 =	vld [tilespmem:s23+$0xFFFFFFE0]  }
0xf3: {  	vm15 =	vlt.s32 v3, $0x10000;
	[tilespmem:v2+s2+$0x0] =	vst.idx.add.f32.msk vm1, v11  }
0xf4: {  	[tilespmem:v9+s2+$0x0] =	vst.idx.add.f32.msk vm2, v10  }
0xf5: {  	[tilespmem:v4+s2+$0x0] =	vst.idx.add.f32.msk vm3, v63  }
0xf6: {  	[tilespmem:v5+s2+$0x0] =	vst.idx.add.f32.msk vm4, v12  }
0xf7: {  	[tilespmem:v6+s2+$0x0] =	vst.idx.add.f32.msk vm5, v13  }
0xf8: {  	[tilespmem:v8+s2+$0x0] =	vst.idx.add.f32.msk vm6, v14  }
0xf9: {  	s25 =	simm.s32 $0x140C0;
	s24 =	simm.s32 $0x0;
	[tilespmem:v3+s2+$0x0] =	vst.idx.add.f32.msk vm15, v1  }
.LBB2_11:
0xfa: {  	v1 =	vld [tilespmem:s25+$0x30];
	s24 =	sadd.s32 $0x8, s24  }
0xfb: {  	v2 =	vld [tilespmem:s25+$0xFFFFFFD0];
	p0 =	slt.u32 s24, $0x1F8  }
0xfc: {  	v3 =	vld [tilespmem:s25+$0xFFFFFFE0]  }
0xfd: {  	v4 =	vld [tilespmem:s25+$0xFFFFFFF0]  }
0xfe: {  	v5 =	vld [tilespmem:s25+$0x0]  }
0xff: {  	s23 =	sadd.s32 $0x80, s23;
	v6 =	vld [tilespmem:s25+$0x10];
	vm0 =	vlt.s32 v1, $0x10000  }
0x100: {  	vm1 =	vlt.s32 v2, $0x10000;
	v7 =	vld [tilespmem:s23+$0x30]  }
0x101: {  	vm2 =	vlt.s32 v3, $0x10000;
	v8 =	vld [tilespmem:s25+$0x20]  }
0x102: {  	v9 =	vld [tilespmem:s25+$0xFFFFFFC0];
	vm3 =	vlt.s32 v4, $0x10000  }
0x103: {  	v10 =	vld [tilespmem:s23+$0xFFFFFFC0];
	vm4 =	vlt.s32 v5, $0x10000  }
0x104: {  	v11 =	vld [tilespmem:s23+$0xFFFFFFD0];
	vm5 =	vlt.s32 v6, $0x10000  }
0x105: {  	[tilespmem:v1+s2+$0x0] =	vst.idx.add.f32.msk vm0, v7  }
0x106: {  	v1 =	vld [tilespmem:s23+$0xFFFFFFE0];
	vm0 =	vlt.s32 v8, $0x10000  }
0x107: {  	vm6 =	vlt.s32 v9, $0x10000;
	v7 =	vld [tilespmem:s23+$0xFFFFFFF0]  }
0x108: {  	v12 =	vld [tilespmem:s23+$0x0]  }
0x109: {  	v13 =	vld [tilespmem:s23+$0x10]  }
0x10a: {  	v14 =	vld [tilespmem:s23+$0x20]  }
0x10b: {  	[tilespmem:v2+s2+$0x0] =	vst.idx.add.f32.msk vm1, v11  }
0x10c: {  	[tilespmem:v3+s2+$0x0] =	vst.idx.add.f32.msk vm2, v1  }
.Ltmp4:
0x10d: {  	[tilespmem:v9+s2+$0x0] =	vst.idx.add.f32.msk vm6, v10;
	(pc) =	sbr.rel @p0 .LBB2_11-.Ltmp4, $4  }
0x10e: {  	[tilespmem:v4+s2+$0x0] =	vst.idx.add.f32.msk vm3, v7  }
0x10f: {  	[tilespmem:v5+s2+$0x0] =	vst.idx.add.f32.msk vm4, v12  }
0x110: {  	[tilespmem:v6+s2+$0x0] =	vst.idx.add.f32.msk vm5, v13  }
0x111: {  	s25 =	sadd.s32 $0x80, s25;
	[tilespmem:v8+s2+$0x0] =	vst.idx.add.f32.msk vm0, v14  }
0x112: {  	s23 =	sor.u32 $0xA000, s22  }
0x113: {  	s24 =	sadd.s32 s4, s23  }
0x114: {  	[tilespmem:s14], [sflag:$0x2] =	stream.strided.gather [hbm4b:s24+s10], $0x2000, s11, s10, $0x38;
	[tilespmem:$0x18000] =	vst v63  }
0x115: {  	s23 =	sadd.s32 s5, s23  }
0x116: {  	[tilespmem:s15], [sflag:$0x2] =	stream.strided.gather [hbm4b:s23+s10], $0x2000, s11, s10, $0x38;
	[tilespmem:$0x18000] =	vst v63  }
0x117: {  	_ =	swait.ge [sflag:s16], $0x2000  }
0x118: {  	[sflag:s16] =	ssyncset.done $0x0  }
0x119: {  	[sflag:s16] =	ssyncadd.s32 $0xFFFFE000  }
0x11a: {  	_ =	swait.ge [sflag:s16], $0x2000  }
0x11b: {  	[sflag:s16] =	ssyncset.done $0x0  }
0x11c: {  	s31 =	simm.s32 $0x10040;
	[sflag:s16] =	ssyncadd.s32 $0xFFFFE000  }
0x11d: {  	v1 =	vld [tilespmem:s31+$0x30]  }
0x11e: {  	v2 =	vld [tilespmem:s31+$0xFFFFFFD0]  }
0x11f: {  	v3 =	vld [tilespmem:s31+$0xFFFFFFE0]  }
0x120: {  	v4 =	vld [tilespmem:s31+$0xFFFFFFF0]  }
0x121: {  	v5 =	vld [tilespmem:s31+$0x0]  }
0x122: {  	s23 =	simm.s32 $0x12040;
	v6 =	vld [tilespmem:s31+$0x10]  }
0x123: {  	v7 =	vld [tilespmem:s23+$0x30]  }
0x124: {  	v9 =	vld [tilespmem:s31+$0xFFFFFFC0]  }
0x125: {  	v8 =	vld [tilespmem:s31+$0x20]  }
0x126: {  	v10 =	vld [tilespmem:s23+$0xFFFFFFC0];
	vm0 =	vlt.s32 v1, $0x10000  }
0x127: {  	v11 =	vld [tilespmem:s23+$0xFFFFFFD0]  }
0x128: {  	v63 =	vld [tilespmem:s23+$0xFFFFFFF0];
	vm1 =	vlt.s32 v2, $0x10000  }
0x129: {  	v12 =	vld [tilespmem:s23+$0x0];
	vm2 =	vlt.s32 v9, $0x10000  }
0x12a: {  	v13 =	vld [tilespmem:s23+$0x10];
	vm3 =	vlt.s32 v4, $0x10000  }
0x12b: {  	v14 =	vld [tilespmem:s23+$0x20];
	vm4 =	vlt.s32 v5, $0x10000  }
0x12c: {  	vm5 =	vlt.s32 v6, $0x10000;
	[tilespmem:v1+s2+$0x0] =	vst.idx.add.f32.msk vm0, v7  }
0x12d: {  	vm6 =	vlt.s32 v8, $0x10000;
	v1 =	vld [tilespmem:s23+$0xFFFFFFE0]  }
0x12e: {  	vm15 =	vlt.s32 v3, $0x10000;
	[tilespmem:v2+s2+$0x0] =	vst.idx.add.f32.msk vm1, v11  }
0x12f: {  	[tilespmem:v9+s2+$0x0] =	vst.idx.add.f32.msk vm2, v10  }
0x130: {  	[tilespmem:v4+s2+$0x0] =	vst.idx.add.f32.msk vm3, v63  }
0x131: {  	[tilespmem:v5+s2+$0x0] =	vst.idx.add.f32.msk vm4, v12  }
0x132: {  	[tilespmem:v6+s2+$0x0] =	vst.idx.add.f32.msk vm5, v13  }
0x133: {  	[tilespmem:v8+s2+$0x0] =	vst.idx.add.f32.msk vm6, v14  }
0x134: {  	s25 =	simm.s32 $0x100C0;
	s24 =	simm.s32 $0x0;
	[tilespmem:v3+s2+$0x0] =	vst.idx.add.f32.msk vm15, v1  }
.LBB2_13:
0x135: {  	v1 =	vld [tilespmem:s25+$0x30];
	s24 =	sadd.s32 $0x8, s24  }
0x136: {  	v2 =	vld [tilespmem:s25+$0xFFFFFFD0];
	p0 =	slt.u32 s24, $0x1F8  }
0x137: {  	v3 =	vld [tilespmem:s25+$0xFFFFFFE0]  }
0x138: {  	v4 =	vld [tilespmem:s25+$0xFFFFFFF0]  }
0x139: {  	v5 =	vld [tilespmem:s25+$0x0]  }
0x13a: {  	s23 =	sadd.s32 $0x80, s23;
	v6 =	vld [tilespmem:s25+$0x10];
	vm0 =	vlt.s32 v1, $0x10000  }
0x13b: {  	vm1 =	vlt.s32 v2, $0x10000;
	v7 =	vld [tilespmem:s23+$0x30]  }
0x13c: {  	vm2 =	vlt.s32 v3, $0x10000;
	v8 =	vld [tilespmem:s25+$0x20]  }
0x13d: {  	v9 =	vld [tilespmem:s25+$0xFFFFFFC0];
	vm3 =	vlt.s32 v4, $0x10000  }
0x13e: {  	v10 =	vld [tilespmem:s23+$0xFFFFFFC0];
	vm4 =	vlt.s32 v5, $0x10000  }
0x13f: {  	v11 =	vld [tilespmem:s23+$0xFFFFFFD0];
	vm5 =	vlt.s32 v6, $0x10000  }
0x140: {  	[tilespmem:v1+s2+$0x0] =	vst.idx.add.f32.msk vm0, v7  }
0x141: {  	v1 =	vld [tilespmem:s23+$0xFFFFFFE0];
	vm0 =	vlt.s32 v8, $0x10000  }
0x142: {  	vm6 =	vlt.s32 v9, $0x10000;
	v7 =	vld [tilespmem:s23+$0xFFFFFFF0]  }
0x143: {  	v12 =	vld [tilespmem:s23+$0x0]  }
0x144: {  	v13 =	vld [tilespmem:s23+$0x10]  }
0x145: {  	v14 =	vld [tilespmem:s23+$0x20]  }
0x146: {  	[tilespmem:v2+s2+$0x0] =	vst.idx.add.f32.msk vm1, v11  }
0x147: {  	[tilespmem:v3+s2+$0x0] =	vst.idx.add.f32.msk vm2, v1  }
.Ltmp5:
0x148: {  	[tilespmem:v9+s2+$0x0] =	vst.idx.add.f32.msk vm6, v10;
	(pc) =	sbr.rel @p0 .LBB2_13-.Ltmp5, $4  }
0x149: {  	[tilespmem:v4+s2+$0x0] =	vst.idx.add.f32.msk vm3, v7  }
0x14a: {  	[tilespmem:v5+s2+$0x0] =	vst.idx.add.f32.msk vm4, v12  }
0x14b: {  	[tilespmem:v6+s2+$0x0] =	vst.idx.add.f32.msk vm5, v13  }
0x14c: {  	s25 =	sadd.s32 $0x80, s25;
	[tilespmem:v8+s2+$0x0] =	vst.idx.add.f32.msk vm0, v14  }
0x14d: {  	s23 =	sor.u32 $0xC000, s22  }
0x14e: {  	s24 =	sadd.s32 s4, s23  }
0x14f: {  	[tilespmem:s12], [sflag:$0x1] =	stream.strided.gather [hbm4b:s24+s10], $0x2000, s11, s10, $0x38;
	[tilespmem:$0x18000] =	vst v63  }
0x150: {  	s23 =	sadd.s32 s5, s23  }
0x151: {  	[tilespmem:s13], [sflag:$0x1] =	stream.strided.gather [hbm4b:s23+s10], $0x2000, s11, s10, $0x38;
	[tilespmem:$0x18000] =	vst v63  }
0x152: {  	_ =	swait.ge [sflag:s17], $0x2000  }
0x153: {  	[sflag:s17] =	ssyncset.done $0x0  }
0x154: {  	[sflag:s17] =	ssyncadd.s32 $0xFFFFE000  }
0x155: {  	_ =	swait.ge [sflag:s17], $0x2000  }
0x156: {  	[sflag:s17] =	ssyncset.done $0x0  }
0x157: {  	s31 =	simm.s32 $0x14040;
	[sflag:s17] =	ssyncadd.s32 $0xFFFFE000  }
0x158: {  	v1 =	vld [tilespmem:s31+$0x30]  }
0x159: {  	v2 =	vld [tilespmem:s31+$0xFFFFFFD0]  }
0x15a: {  	v3 =	vld [tilespmem:s31+$0xFFFFFFE0]  }
0x15b: {  	v4 =	vld [tilespmem:s31+$0xFFFFFFF0]  }
0x15c: {  	v5 =	vld [tilespmem:s31+$0x0]  }
0x15d: {  	s23 =	simm.s32 $0x16040;
	v6 =	vld [tilespmem:s31+$0x10]  }
0x15e: {  	v7 =	vld [tilespmem:s23+$0x30]  }
0x15f: {  	v9 =	vld [tilespmem:s31+$0xFFFFFFC0]  }
0x160: {  	v8 =	vld [tilespmem:s31+$0x20]  }
0x161: {  	v10 =	vld [tilespmem:s23+$0xFFFFFFC0];
	vm0 =	vlt.s32 v1, $0x10000  }
0x162: {  	v11 =	vld [tilespmem:s23+$0xFFFFFFD0]  }
0x163: {  	v63 =	vld [tilespmem:s23+$0xFFFFFFF0];
	vm1 =	vlt.s32 v2, $0x10000  }
0x164: {  	v12 =	vld [tilespmem:s23+$0x0];
	vm2 =	vlt.s32 v9, $0x10000  }
0x165: {  	v13 =	vld [tilespmem:s23+$0x10];
	vm3 =	vlt.s32 v4, $0x10000  }
0x166: {  	v14 =	vld [tilespmem:s23+$0x20];
	vm4 =	vlt.s32 v5, $0x10000  }
0x167: {  	vm5 =	vlt.s32 v6, $0x10000;
	[tilespmem:v1+s2+$0x0] =	vst.idx.add.f32.msk vm0, v7  }
0x168: {  	vm6 =	vlt.s32 v8, $0x10000;
	v1 =	vld [tilespmem:s23+$0xFFFFFFE0]  }
0x169: {  	vm15 =	vlt.s32 v3, $0x10000;
	[tilespmem:v2+s2+$0x0] =	vst.idx.add.f32.msk vm1, v11  }
0x16a: {  	[tilespmem:v9+s2+$0x0] =	vst.idx.add.f32.msk vm2, v10  }
0x16b: {  	[tilespmem:v4+s2+$0x0] =	vst.idx.add.f32.msk vm3, v63  }
0x16c: {  	[tilespmem:v5+s2+$0x0] =	vst.idx.add.f32.msk vm4, v12  }
0x16d: {  	[tilespmem:v6+s2+$0x0] =	vst.idx.add.f32.msk vm5, v13  }
0x16e: {  	[tilespmem:v8+s2+$0x0] =	vst.idx.add.f32.msk vm6, v14  }
0x16f: {  	s25 =	simm.s32 $0x140C0;
	s24 =	simm.s32 $0x0;
	[tilespmem:v3+s2+$0x0] =	vst.idx.add.f32.msk vm15, v1  }
.LBB2_15:
0x170: {  	v1 =	vld [tilespmem:s25+$0x30];
	s24 =	sadd.s32 $0x8, s24  }
0x171: {  	v2 =	vld [tilespmem:s25+$0xFFFFFFD0];
	p0 =	slt.u32 s24, $0x1F8  }
0x172: {  	v3 =	vld [tilespmem:s25+$0xFFFFFFE0]  }
0x173: {  	v4 =	vld [tilespmem:s25+$0xFFFFFFF0]  }
0x174: {  	v5 =	vld [tilespmem:s25+$0x0]  }
0x175: {  	s23 =	sadd.s32 $0x80, s23;
	v6 =	vld [tilespmem:s25+$0x10];
	vm0 =	vlt.s32 v1, $0x10000  }
0x176: {  	vm1 =	vlt.s32 v2, $0x10000;
	v7 =	vld [tilespmem:s23+$0x30]  }
0x177: {  	vm2 =	vlt.s32 v3, $0x10000;
	v8 =	vld [tilespmem:s25+$0x20]  }
0x178: {  	v9 =	vld [tilespmem:s25+$0xFFFFFFC0];
	vm3 =	vlt.s32 v4, $0x10000  }
0x179: {  	v10 =	vld [tilespmem:s23+$0xFFFFFFC0];
	vm4 =	vlt.s32 v5, $0x10000  }
0x17a: {  	v11 =	vld [tilespmem:s23+$0xFFFFFFD0];
	vm5 =	vlt.s32 v6, $0x10000  }
0x17b: {  	[tilespmem:v1+s2+$0x0] =	vst.idx.add.f32.msk vm0, v7  }
0x17c: {  	v1 =	vld [tilespmem:s23+$0xFFFFFFE0];
	vm0 =	vlt.s32 v8, $0x10000  }
0x17d: {  	vm6 =	vlt.s32 v9, $0x10000;
	v7 =	vld [tilespmem:s23+$0xFFFFFFF0]  }
0x17e: {  	v12 =	vld [tilespmem:s23+$0x0]  }
0x17f: {  	v13 =	vld [tilespmem:s23+$0x10]  }
0x180: {  	v14 =	vld [tilespmem:s23+$0x20]  }
0x181: {  	[tilespmem:v2+s2+$0x0] =	vst.idx.add.f32.msk vm1, v11  }
0x182: {  	[tilespmem:v3+s2+$0x0] =	vst.idx.add.f32.msk vm2, v1  }
.Ltmp6:
0x183: {  	[tilespmem:v9+s2+$0x0] =	vst.idx.add.f32.msk vm6, v10;
	(pc) =	sbr.rel @p0 .LBB2_15-.Ltmp6, $4  }
0x184: {  	[tilespmem:v4+s2+$0x0] =	vst.idx.add.f32.msk vm3, v7  }
0x185: {  	[tilespmem:v5+s2+$0x0] =	vst.idx.add.f32.msk vm4, v12  }
0x186: {  	[tilespmem:v6+s2+$0x0] =	vst.idx.add.f32.msk vm5, v13  }
0x187: {  	s25 =	sadd.s32 $0x80, s25;
	[tilespmem:v8+s2+$0x0] =	vst.idx.add.f32.msk vm0, v14  }
0x188: {  	s22 =	sor.u32 $0xE000, s22  }
0x189: {  	s23 =	sadd.s32 s4, s22  }
0x18a: {  	[tilespmem:s14], [sflag:$0x2] =	stream.strided.gather [hbm4b:s23+s10], $0x2000, s11, s10, $0x38;
	[tilespmem:$0x18000] =	vst v63  }
0x18b: {  	s22 =	sadd.s32 s5, s22  }
0x18c: {  	[tilespmem:s15], [sflag:$0x2] =	stream.strided.gather [hbm4b:s22+s10], $0x2000, s11, s10, $0x38;
	[tilespmem:$0x18000] =	vst v63  }
0x18d: {  	_ =	swait.ge [sflag:s16], $0x2000  }
0x18e: {  	[sflag:s16] =	ssyncset.done $0x0  }
0x18f: {  	[sflag:s16] =	ssyncadd.s32 $0xFFFFE000  }
0x190: {  	_ =	swait.ge [sflag:s16], $0x2000  }
0x191: {  	[sflag:s16] =	ssyncset.done $0x0  }
0x192: {  	s31 =	simm.s32 $0x10040;
	[sflag:s16] =	ssyncadd.s32 $0xFFFFE000  }
0x193: {  	v1 =	vld [tilespmem:s31+$0x30]  }
0x194: {  	v2 =	vld [tilespmem:s31+$0xFFFFFFD0]  }
0x195: {  	v3 =	vld [tilespmem:s31+$0xFFFFFFE0]  }
0x196: {  	v4 =	vld [tilespmem:s31+$0xFFFFFFF0]  }
0x197: {  	v5 =	vld [tilespmem:s31+$0x0]  }
0x198: {  	s22 =	simm.s32 $0x12040;
	v6 =	vld [tilespmem:s31+$0x10]  }
0x199: {  	v7 =	vld [tilespmem:s22+$0x30]  }
0x19a: {  	v9 =	vld [tilespmem:s31+$0xFFFFFFC0]  }
0x19b: {  	v8 =	vld [tilespmem:s31+$0x20]  }
0x19c: {  	v10 =	vld [tilespmem:s22+$0xFFFFFFC0];
	vm0 =	vlt.s32 v1, $0x10000  }
0x19d: {  	v11 =	vld [tilespmem:s22+$0xFFFFFFD0]  }
0x19e: {  	v63 =	vld [tilespmem:s22+$0xFFFFFFF0];
	vm1 =	vlt.s32 v2, $0x10000  }
0x19f: {  	v12 =	vld [tilespmem:s22+$0x0];
	vm2 =	vlt.s32 v9, $0x10000  }
0x1a0: {  	v13 =	vld [tilespmem:s22+$0x10];
	vm3 =	vlt.s32 v4, $0x10000  }
0x1a1: {  	v14 =	vld [tilespmem:s22+$0x20];
	vm4 =	vlt.s32 v5, $0x10000  }
0x1a2: {  	vm5 =	vlt.s32 v6, $0x10000;
	[tilespmem:v1+s2+$0x0] =	vst.idx.add.f32.msk vm0, v7  }
0x1a3: {  	vm6 =	vlt.s32 v8, $0x10000;
	v1 =	vld [tilespmem:s22+$0xFFFFFFE0]  }
0x1a4: {  	vm15 =	vlt.s32 v3, $0x10000;
	[tilespmem:v2+s2+$0x0] =	vst.idx.add.f32.msk vm1, v11  }
0x1a5: {  	[tilespmem:v9+s2+$0x0] =	vst.idx.add.f32.msk vm2, v10  }
0x1a6: {  	[tilespmem:v4+s2+$0x0] =	vst.idx.add.f32.msk vm3, v63  }
0x1a7: {  	[tilespmem:v5+s2+$0x0] =	vst.idx.add.f32.msk vm4, v12  }
0x1a8: {  	[tilespmem:v6+s2+$0x0] =	vst.idx.add.f32.msk vm5, v13  }
0x1a9: {  	[tilespmem:v8+s2+$0x0] =	vst.idx.add.f32.msk vm6, v14  }
0x1aa: {  	s24 =	simm.s32 $0x100C0;
	s23 =	simm.s32 $0x0;
	[tilespmem:v3+s2+$0x0] =	vst.idx.add.f32.msk vm15, v1  }
.LBB2_17:
0x1ab: {  	v1 =	vld [tilespmem:s24+$0x30];
	s23 =	sadd.s32 $0x8, s23  }
0x1ac: {  	v2 =	vld [tilespmem:s24+$0xFFFFFFD0];
	p0 =	slt.u32 s23, $0x1F8  }
0x1ad: {  	v3 =	vld [tilespmem:s24+$0xFFFFFFE0]  }
0x1ae: {  	v4 =	vld [tilespmem:s24+$0xFFFFFFF0]  }
0x1af: {  	v5 =	vld [tilespmem:s24+$0x0]  }
0x1b0: {  	s22 =	sadd.s32 $0x80, s22;
	v6 =	vld [tilespmem:s24+$0x10];
	vm0 =	vlt.s32 v1, $0x10000  }
0x1b1: {  	vm1 =	vlt.s32 v2, $0x10000;
	v7 =	vld [tilespmem:s22+$0x30]  }
0x1b2: {  	vm2 =	vlt.s32 v3, $0x10000;
	v8 =	vld [tilespmem:s24+$0x20]  }
0x1b3: {  	v9 =	vld [tilespmem:s24+$0xFFFFFFC0];
	vm3 =	vlt.s32 v4, $0x10000  }
0x1b4: {  	v10 =	vld [tilespmem:s22+$0xFFFFFFC0];
	vm4 =	vlt.s32 v5, $0x10000  }
0x1b5: {  	v11 =	vld [tilespmem:s22+$0xFFFFFFD0];
	vm5 =	vlt.s32 v6, $0x10000  }
0x1b6: {  	[tilespmem:v1+s2+$0x0] =	vst.idx.add.f32.msk vm0, v7  }
0x1b7: {  	v1 =	vld [tilespmem:s22+$0xFFFFFFE0];
	vm0 =	vlt.s32 v8, $0x10000  }
0x1b8: {  	vm6 =	vlt.s32 v9, $0x10000;
	v7 =	vld [tilespmem:s22+$0xFFFFFFF0]  }
0x1b9: {  	v12 =	vld [tilespmem:s22+$0x0]  }
0x1ba: {  	v13 =	vld [tilespmem:s22+$0x10]  }
0x1bb: {  	v14 =	vld [tilespmem:s22+$0x20]  }
0x1bc: {  	[tilespmem:v2+s2+$0x0] =	vst.idx.add.f32.msk vm1, v11  }
0x1bd: {  	[tilespmem:v3+s2+$0x0] =	vst.idx.add.f32.msk vm2, v1  }
.Ltmp7:
0x1be: {  	[tilespmem:v9+s2+$0x0] =	vst.idx.add.f32.msk vm6, v10;
	(pc) =	sbr.rel @p0 .LBB2_17-.Ltmp7, $4  }
0x1bf: {  	[tilespmem:v4+s2+$0x0] =	vst.idx.add.f32.msk vm3, v7  }
0x1c0: {  	[tilespmem:v5+s2+$0x0] =	vst.idx.add.f32.msk vm4, v12  }
0x1c1: {  	[tilespmem:v6+s2+$0x0] =	vst.idx.add.f32.msk vm5, v13  }
0x1c2: {  	s24 =	sadd.s32 $0x80, s24;
	[tilespmem:v8+s2+$0x0] =	vst.idx.add.f32.msk vm0, v14  }
0x1c3: {  	_ =	swait.ge [sflag:s17], $0x2000  }
0x1c4: {  	[sflag:s17] =	ssyncset.done $0x0  }
0x1c5: {  	[sflag:s17] =	ssyncadd.s32 $0xFFFFE000  }
0x1c6: {  	_ =	swait.ge [sflag:s17], $0x2000  }
0x1c7: {  	[sflag:s17] =	ssyncset.done $0x0  }
0x1c8: {  	s23 =	simm.s32 $0x14040;
	[sflag:s17] =	ssyncadd.s32 $0xFFFFE000  }
0x1c9: {  	v1 =	vld [tilespmem:s23+$0x30]  }
0x1ca: {  	v2 =	vld [tilespmem:s23+$0xFFFFFFD0]  }
0x1cb: {  	v3 =	vld [tilespmem:s23+$0xFFFFFFE0]  }
0x1cc: {  	v4 =	vld [tilespmem:s23+$0xFFFFFFF0]  }
0x1cd: {  	v5 =	vld [tilespmem:s23+$0x0]  }
0x1ce: {  	s22 =	simm.s32 $0x16040;
	v6 =	vld [tilespmem:s23+$0x10]  }
0x1cf: {  	v7 =	vld [tilespmem:s22+$0x30]  }
0x1d0: {  	v9 =	vld [tilespmem:s23+$0xFFFFFFC0]  }
0x1d1: {  	v8 =	vld [tilespmem:s23+$0x20]  }
0x1d2: {  	v10 =	vld [tilespmem:s22+$0xFFFFFFC0];
	vm0 =	vlt.s32 v1, $0x10000  }
0x1d3: {  	v11 =	vld [tilespmem:s22+$0xFFFFFFD0]  }
0x1d4: {  	v63 =	vld [tilespmem:s22+$0xFFFFFFF0];
	vm1 =	vlt.s32 v2, $0x10000  }
0x1d5: {  	v12 =	vld [tilespmem:s22+$0x0];
	vm2 =	vlt.s32 v9, $0x10000  }
0x1d6: {  	v13 =	vld [tilespmem:s22+$0x10];
	vm3 =	vlt.s32 v4, $0x10000  }
0x1d7: {  	v14 =	vld [tilespmem:s22+$0x20];
	vm4 =	vlt.s32 v5, $0x10000  }
0x1d8: {  	vm5 =	vlt.s32 v6, $0x10000;
	[tilespmem:v1+s2+$0x0] =	vst.idx.add.f32.msk vm0, v7  }
0x1d9: {  	vm6 =	vlt.s32 v8, $0x10000;
	v1 =	vld [tilespmem:s22+$0xFFFFFFE0]  }
0x1da: {  	vm15 =	vlt.s32 v3, $0x10000;
	[tilespmem:v2+s2+$0x0] =	vst.idx.add.f32.msk vm1, v11  }
0x1db: {  	[tilespmem:v9+s2+$0x0] =	vst.idx.add.f32.msk vm2, v10  }
0x1dc: {  	[tilespmem:v4+s2+$0x0] =	vst.idx.add.f32.msk vm3, v63  }
0x1dd: {  	[tilespmem:v5+s2+$0x0] =	vst.idx.add.f32.msk vm4, v12  }
0x1de: {  	[tilespmem:v6+s2+$0x0] =	vst.idx.add.f32.msk vm5, v13  }
0x1df: {  	[tilespmem:v8+s2+$0x0] =	vst.idx.add.f32.msk vm6, v14  }
0x1e0: {  	s24 =	simm.s32 $0x140C0;
	s23 =	simm.s32 $0x0;
	[tilespmem:v3+s2+$0x0] =	vst.idx.add.f32.msk vm15, v1  }
.LBB2_19:
0x1e1: {  	v1 =	vld [tilespmem:s24+$0x30];
	s23 =	sadd.s32 $0x8, s23  }
0x1e2: {  	v2 =	vld [tilespmem:s24+$0xFFFFFFD0];
	p0 =	slt.u32 s23, $0x1F8  }
0x1e3: {  	v3 =	vld [tilespmem:s24+$0xFFFFFFE0]  }
0x1e4: {  	v4 =	vld [tilespmem:s24+$0xFFFFFFF0]  }
0x1e5: {  	v5 =	vld [tilespmem:s24+$0x0]  }
0x1e6: {  	s22 =	sadd.s32 $0x80, s22;
	v6 =	vld [tilespmem:s24+$0x10];
	vm0 =	vlt.s32 v1, $0x10000  }
0x1e7: {  	vm1 =	vlt.s32 v2, $0x10000;
	v7 =	vld [tilespmem:s22+$0x30]  }
0x1e8: {  	vm2 =	vlt.s32 v3, $0x10000;
	v8 =	vld [tilespmem:s24+$0x20]  }
0x1e9: {  	v9 =	vld [tilespmem:s24+$0xFFFFFFC0];
	vm3 =	vlt.s32 v4, $0x10000  }
0x1ea: {  	v10 =	vld [tilespmem:s22+$0xFFFFFFC0];
	vm4 =	vlt.s32 v5, $0x10000  }
0x1eb: {  	v11 =	vld [tilespmem:s22+$0xFFFFFFD0];
	vm5 =	vlt.s32 v6, $0x10000  }
0x1ec: {  	[tilespmem:v1+s2+$0x0] =	vst.idx.add.f32.msk vm0, v7  }
0x1ed: {  	v1 =	vld [tilespmem:s22+$0xFFFFFFE0];
	vm0 =	vlt.s32 v8, $0x10000  }
0x1ee: {  	vm6 =	vlt.s32 v9, $0x10000;
	v7 =	vld [tilespmem:s22+$0xFFFFFFF0]  }
0x1ef: {  	v12 =	vld [tilespmem:s22+$0x0]  }
0x1f0: {  	v13 =	vld [tilespmem:s22+$0x10]  }
0x1f1: {  	v14 =	vld [tilespmem:s22+$0x20]  }
0x1f2: {  	[tilespmem:v2+s2+$0x0] =	vst.idx.add.f32.msk vm1, v11  }
0x1f3: {  	[tilespmem:v3+s2+$0x0] =	vst.idx.add.f32.msk vm2, v1  }
.Ltmp8:
0x1f4: {  	[tilespmem:v9+s2+$0x0] =	vst.idx.add.f32.msk vm6, v10;
	(pc) =	sbr.rel @p0 .LBB2_19-.Ltmp8, $4  }
0x1f5: {  	[tilespmem:v4+s2+$0x0] =	vst.idx.add.f32.msk vm3, v7  }
0x1f6: {  	[tilespmem:v5+s2+$0x0] =	vst.idx.add.f32.msk vm4, v12  }
0x1f7: {  	[tilespmem:v6+s2+$0x0] =	vst.idx.add.f32.msk vm5, v13  }
0x1f8: {  	s24 =	sadd.s32 $0x80, s24;
	[tilespmem:v8+s2+$0x0] =	vst.idx.add.f32.msk vm0, v14  }
0x1f9: {  	s20 =	sshll.u32 s20, $0x14  }
0x1fa: {  	s21 =	sadd.s32 $0x1, s21;
	s20 =	sor.u32 s7, s20  }
0x1fb: {  	p0 =	sne.s32 s21, $0x4;
	s20 =	sshrl.u32 s20, $0x3  }
.Ltmp9:
0x1fc: {  	s22 =	sadd.s32 s6, s20;
	s20 =	simm.s32 $0x0;
	(pc) =	sbr.rel @p0 .LBB2_2-.Ltmp9, $4  }
0x1fd: {  	[hbm4b:s22+s10] =	stream.strided.scatter [tilespmem:s20], [sflag:$0x3], $0x10000, s11, s10, $0x38;
	[tilespmem:$0x18000] =	vst v63  }
0x1fe: {  	_ =	swait.ge [sflag:s18], $0x10000  }
0x1ff: {  	[sflag:s18] =	ssyncset.done $0x0  }
0x200: {  	[sflag:s18] =	ssyncadd.s32 $0xFFFF0000  }
.LBB2_21:
0x201: {  	s21 =	sshll.u32 s20, $0x5  }
0x202: {  	s21 =	sor.u32 s3, s21  }
0x203: {  	s21 =	sshrl.u32 s21, $0x3  }
0x204: {  	s22 =	sshll.u32 s21, $0x13  }
0x205: {  	s22 =	sor.u32 s7, s22  }
0x206: {  	s22 =	sshrl.u32 s22, $0x3  }
0x207: {  	s23 =	sadd.s32 s4, s22  }
0x208: {  	[tilespmem:s12], [sflag:$0x1] =	stream.strided.gather [hbm4b:s23+s10], $0x2000, s11, s10, $0x38;
	[tilespmem:$0x18000] =	vst v63  }
0x209: {  	s31 =	sadd.s32 s5, s22;
	s23 =	simm.s32 $0x40  }
0x20a: {  	[tilespmem:s13], [sflag:$0x1] =	stream.strided.gather [hbm4b:s31+s10], $0x2000, s11, s10, $0x38;
	[tilespmem:$0x18000] =	vst v63  }
0x20b: {  	[tilespmem:s23+$0xFFFFFFC0] =	vst v0  }
0x20c: {  	[tilespmem:s23+$0x30] =	vst v0  }
0x20d: {  	[tilespmem:s23+$0x20] =	vst v0  }
0x20e: {  	[tilespmem:s23+$0x10] =	vst v0  }
0x20f: {  	[tilespmem:s23+$0x0] =	vst v0  }
0x210: {  	[tilespmem:s23+$0xFFFFFFF0] =	vst v0  }
0x211: {  	s24 =	simm.s32 $0x0;
	[tilespmem:s23+$0xFFFFFFE0] =	vst v0  }
.LBB2_22:
0x212: {  	s24 =	sadd.s32 $0x8, s24;
	[tilespmem:s23+$0xFFFFFFD0] =	vst v0;
	s23 =	sadd.s32 $0x80, s23  }
0x213: {  	[tilespmem:s23+$0xFFFFFFC0] =	vst v0;
	p0 =	slt.u32 s24, $0xFF8  }
0x214: {  	[tilespmem:s23+$0x30] =	vst v0  }
.Ltmp10:
0x215: {  	[tilespmem:s23+$0x20] =	vst v0;
	(pc) =	sbr.rel @p0 .LBB2_22-.Ltmp10, $4  }
0x216: {  	[tilespmem:s23+$0x10] =	vst v0  }
0x217: {  	[tilespmem:s23+$0x0] =	vst v0  }
0x218: {  	[tilespmem:s23+$0xFFFFFFF0] =	vst v0  }
0x219: {  	[tilespmem:s23+$0xFFFFFFE0] =	vst v0  }
0x21a: {  	s24 =	sor.u32 $0x2000, s22  }
0x21b: {  	[tilespmem:s23+$0xFFFFFFD0] =	vst v0;
	s29 =	sadd.s32 s4, s24  }
0x21c: {  	[tilespmem:s14], [sflag:$0x2] =	stream.strided.gather [hbm4b:s29+s10], $0x2000, s11, s10, $0x38;
	[tilespmem:$0x18000] =	vst v63  }
0x21d: {  	s30 =	sadd.s32 s5, s24  }
0x21e: {  	[tilespmem:s15], [sflag:$0x2] =	stream.strided.gather [hbm4b:s30+s10], $0x2000, s11, s10, $0x38;
	[tilespmem:$0x18000] =	vst v63  }
0x21f: {  	_ =	swait.ge [sflag:s16], $0x2000  }
0x220: {  	[sflag:s16] =	ssyncset.done $0x0  }
0x221: {  	[sflag:s16] =	ssyncadd.s32 $0xFFFFE000  }
0x222: {  	_ =	swait.ge [sflag:s16], $0x2000  }
0x223: {  	[sflag:s16] =	ssyncset.done $0x0  }
0x224: {  	s31 =	simm.s32 $0x10040;
	[sflag:s16] =	ssyncadd.s32 $0xFFFFE000  }
0x225: {  	v1 =	vld [tilespmem:s31+$0x30]  }
0x226: {  	v2 =	vld [tilespmem:s31+$0xFFFFFFD0]  }
0x227: {  	v3 =	vld [tilespmem:s31+$0xFFFFFFE0]  }
0x228: {  	v4 =	vld [tilespmem:s31+$0xFFFFFFF0]  }
0x229: {  	v5 =	vld [tilespmem:s31+$0x0]  }
0x22a: {  	v6 =	vld [tilespmem:s31+$0x10]  }
0x22b: {  	s23 =	simm.s32 $0x12040;
	v9 =	vld [tilespmem:s31+$0xFFFFFFC0]  }
0x22c: {  	v7 =	vld [tilespmem:s23+$0x30];
	vm0 =	vgt.s32 v1, $0xFFFF  }
0x22d: {  	v8 =	vld [tilespmem:s31+$0x20];
	v1 =	vadd.s32 $0xFFFF0000, v1  }
0x22e: {  	v10 =	vld [tilespmem:s23+$0xFFFFFFC0]  }
0x22f: {  	v11 =	vld [tilespmem:s23+$0xFFFFFFD0]  }
0x230: {  	v63 =	vld [tilespmem:s23+$0xFFFFFFF0];
	vm2 =	vgt.s32 v9, $0xFFFF  }
0x231: {  	v12 =	vld [tilespmem:s23+$0x0];
	vm1 =	vgt.s32 v2, $0xFFFF;
	v9 =	vadd.s32 $0xFFFF0000, v9  }
0x232: {  	vm3 =	vgt.s32 v4, $0xFFFF;
	[tilespmem:v1+s2+$0x0] =	vst.idx.add.f32.msk vm0, v7;
	v1 =	vadd.s32 $0xFFFF0000, v2  }
0x233: {  	v13 =	vld [tilespmem:s23+$0x10];
	v4 =	vadd.s32 $0xFFFF0000, v4;
	vm4 =	vgt.s32 v5, $0xFFFF  }
0x234: {  	v14 =	vld [tilespmem:s23+$0x20];
	v5 =	vadd.s32 $0xFFFF0000, v5;
	vm5 =	vgt.s32 v6, $0xFFFF  }
0x235: {  	vm15 =	vgt.s32 v3, $0xFFFF;
	v6 =	vadd.s32 $0xFFFF0000, v6;
	v2 =	vld [tilespmem:s23+$0xFFFFFFE0]  }
0x236: {  	v3 =	vadd.s32 $0xFFFF0000, v3;
	vm6 =	vgt.s32 v8, $0xFFFF;
	[tilespmem:v9+s2+$0x0] =	vst.idx.add.f32.msk vm2, v10  }
0x237: {  	[tilespmem:v1+s2+$0x0] =	vst.idx.add.f32.msk vm1, v11;
	v1 =	vadd.s32 $0xFFFF0000, v8  }
0x238: {  	[tilespmem:v4+s2+$0x0] =	vst.idx.add.f32.msk vm3, v63  }
0x239: {  	[tilespmem:v5+s2+$0x0] =	vst.idx.add.f32.msk vm4, v12  }
0x23a: {  	[tilespmem:v6+s2+$0x0] =	vst.idx.add.f32.msk vm5, v13  }
0x23b: {  	[tilespmem:v3+s2+$0x0] =	vst.idx.add.f32.msk vm15, v2  }
0x23c: {  	s25 =	simm.s32 $0x100C0;
	s24 =	simm.s32 $0x0;
	[tilespmem:v1+s2+$0x0] =	vst.idx.add.f32.msk vm6, v14  }
.LBB2_24:
0x23d: {  	v1 =	vld [tilespmem:s25+$0x30];
	s24 =	sadd.s32 $0x8, s24  }
0x23e: {  	v2 =	vld [tilespmem:s25+$0xFFFFFFD0];
	p0 =	slt.u32 s24, $0x1F8  }
0x23f: {  	v3 =	vld [tilespmem:s25+$0xFFFFFFE0]  }
0x240: {  	v4 =	vld [tilespmem:s25+$0xFFFFFFF0]  }
0x241: {  	v5 =	vld [tilespmem:s25+$0x0]  }
0x242: {  	s23 =	sadd.s32 $0x80, s23;
	v6 =	vld [tilespmem:s25+$0x10];
	vm3 =	vgt.s32 v1, $0xFFFF  }
0x243: {  	v1 =	vadd.s32 $0xFFFF0000, v1;
	vm0 =	vgt.s32 v2, $0xFFFF;
	v2 =	vadd.s32 $0xFFFF0000, v2;
	v7 =	vld [tilespmem:s23+$0x30]  }
0x244: {  	vm1 =	vgt.s32 v3, $0xFFFF;
	v3 =	vadd.s32 $0xFFFF0000, v3;
	v8 =	vld [tilespmem:s25+$0x20]  }
0x245: {  	v9 =	vld [tilespmem:s25+$0xFFFFFFC0];
	vm2 =	vgt.s32 v4, $0xFFFF;
	v4 =	vadd.s32 $0xFFFF0000, v4  }
0x246: {  	v10 =	vld [tilespmem:s23+$0xFFFFFFC0];
	vm4 =	vgt.s32 v5, $0xFFFF;
	v5 =	vadd.s32 $0xFFFF0000, v5  }
0x247: {  	v11 =	vld [tilespmem:s23+$0xFFFFFFD0];
	vm5 =	vgt.s32 v6, $0xFFFF;
	v6 =	vadd.s32 $0xFFFF0000, v6  }
0x248: {  	[tilespmem:v1+s2+$0x0] =	vst.idx.add.f32.msk vm3, v7  }
0x249: {  	v1 =	vld [tilespmem:s23+$0xFFFFFFE0];
	vm3 =	vgt.s32 v8, $0xFFFF;
	v7 =	vadd.s32 $0xFFFF0000, v8  }
0x24a: {  	vm6 =	vgt.s32 v9, $0xFFFF;
	v8 =	vadd.s32 $0xFFFF0000, v9;
	v9 =	vld [tilespmem:s23+$0xFFFFFFF0]  }
0x24b: {  	v12 =	vld [tilespmem:s23+$0x0]  }
0x24c: {  	v13 =	vld [tilespmem:s23+$0x10]  }
0x24d: {  	v14 =	vld [tilespmem:s23+$0x20]  }
0x24e: {  	[tilespmem:v2+s2+$0x0] =	vst.idx.add.f32.msk vm0, v11  }
0x24f: {  	[tilespmem:v3+s2+$0x0] =	vst.idx.add.f32.msk vm1, v1  }
.Ltmp11:
0x250: {  	[tilespmem:v8+s2+$0x0] =	vst.idx.add.f32.msk vm6, v10;
	(pc) =	sbr.rel @p0 .LBB2_24-.Ltmp11, $4  }
0x251: {  	[tilespmem:v4+s2+$0x0] =	vst.idx.add.f32.msk vm2, v9  }
0x252: {  	[tilespmem:v5+s2+$0x0] =	vst.idx.add.f32.msk vm4, v12  }
0x253: {  	[tilespmem:v6+s2+$0x0] =	vst.idx.add.f32.msk vm5, v13  }
0x254: {  	s25 =	sadd.s32 $0x80, s25;
	[tilespmem:v7+s2+$0x0] =	vst.idx.add.f32.msk vm3, v14  }
0x255: {  	s23 =	sor.u32 $0x4000, s22  }
0x256: {  	s24 =	sadd.s32 s4, s23  }
0x257: {  	[tilespmem:s12], [sflag:$0x1] =	stream.strided.gather [hbm4b:s24+s10], $0x2000, s11, s10, $0x38;
	[tilespmem:$0x18000] =	vst v63  }
0x258: {  	s23 =	sadd.s32 s5, s23  }
0x259: {  	[tilespmem:s13], [sflag:$0x1] =	stream.strided.gather [hbm4b:s23+s10], $0x2000, s11, s10, $0x38;
	[tilespmem:$0x18000] =	vst v63  }
0x25a: {  	_ =	swait.ge [sflag:s17], $0x2000  }
0x25b: {  	[sflag:s17] =	ssyncset.done $0x0  }
0x25c: {  	[sflag:s17] =	ssyncadd.s32 $0xFFFFE000  }
0x25d: {  	_ =	swait.ge [sflag:s17], $0x2000  }
0x25e: {  	[sflag:s17] =	ssyncset.done $0x0  }
0x25f: {  	s31 =	simm.s32 $0x14040;
	[sflag:s17] =	ssyncadd.s32 $0xFFFFE000  }
0x260: {  	v1 =	vld [tilespmem:s31+$0x30]  }
0x261: {  	v2 =	vld [tilespmem:s31+$0xFFFFFFD0]  }
0x262: {  	v3 =	vld [tilespmem:s31+$0xFFFFFFE0]  }
0x263: {  	v4 =	vld [tilespmem:s31+$0xFFFFFFF0]  }
0x264: {  	v5 =	vld [tilespmem:s31+$0x0]  }
0x265: {  	v6 =	vld [tilespmem:s31+$0x10]  }
0x266: {  	s23 =	simm.s32 $0x16040;
	v9 =	vld [tilespmem:s31+$0xFFFFFFC0]  }
0x267: {  	v7 =	vld [tilespmem:s23+$0x30];
	vm0 =	vgt.s32 v1, $0xFFFF  }
0x268: {  	v8 =	vld [tilespmem:s31+$0x20];
	v1 =	vadd.s32 $0xFFFF0000, v1  }
0x269: {  	v10 =	vld [tilespmem:s23+$0xFFFFFFC0]  }
0x26a: {  	v11 =	vld [tilespmem:s23+$0xFFFFFFD0]  }
0x26b: {  	v63 =	vld [tilespmem:s23+$0xFFFFFFF0];
	vm2 =	vgt.s32 v9, $0xFFFF  }
0x26c: {  	v12 =	vld [tilespmem:s23+$0x0];
	vm1 =	vgt.s32 v2, $0xFFFF;
	v9 =	vadd.s32 $0xFFFF0000, v9  }
0x26d: {  	vm3 =	vgt.s32 v4, $0xFFFF;
	[tilespmem:v1+s2+$0x0] =	vst.idx.add.f32.msk vm0, v7;
	v1 =	vadd.s32 $0xFFFF0000, v2  }
0x26e: {  	v13 =	vld [tilespmem:s23+$0x10];
	v4 =	vadd.s32 $0xFFFF0000, v4;
	vm4 =	vgt.s32 v5, $0xFFFF  }
0x26f: {  	v14 =	vld [tilespmem:s23+$0x20];
	v5 =	vadd.s32 $0xFFFF0000, v5;
	vm5 =	vgt.s32 v6, $0xFFFF  }
0x270: {  	vm15 =	vgt.s32 v3, $0xFFFF;
	v6 =	vadd.s32 $0xFFFF0000, v6;
	v2 =	vld [tilespmem:s23+$0xFFFFFFE0]  }
0x271: {  	v3 =	vadd.s32 $0xFFFF0000, v3;
	vm6 =	vgt.s32 v8, $0xFFFF;
	[tilespmem:v9+s2+$0x0] =	vst.idx.add.f32.msk vm2, v10  }
0x272: {  	[tilespmem:v1+s2+$0x0] =	vst.idx.add.f32.msk vm1, v11;
	v1 =	vadd.s32 $0xFFFF0000, v8  }
0x273: {  	[tilespmem:v4+s2+$0x0] =	vst.idx.add.f32.msk vm3, v63  }
0x274: {  	[tilespmem:v5+s2+$0x0] =	vst.idx.add.f32.msk vm4, v12  }
0x275: {  	[tilespmem:v6+s2+$0x0] =	vst.idx.add.f32.msk vm5, v13  }
0x276: {  	[tilespmem:v3+s2+$0x0] =	vst.idx.add.f32.msk vm15, v2  }
0x277: {  	s25 =	simm.s32 $0x140C0;
	s24 =	simm.s32 $0x0;
	[tilespmem:v1+s2+$0x0] =	vst.idx.add.f32.msk vm6, v14  }
.LBB2_26:
0x278: {  	v1 =	vld [tilespmem:s25+$0x30];
	s24 =	sadd.s32 $0x8, s24  }
0x279: {  	v2 =	vld [tilespmem:s25+$0xFFFFFFD0];
	p0 =	slt.u32 s24, $0x1F8  }
0x27a: {  	v3 =	vld [tilespmem:s25+$0xFFFFFFE0]  }
0x27b: {  	v4 =	vld [tilespmem:s25+$0xFFFFFFF0]  }
0x27c: {  	v5 =	vld [tilespmem:s25+$0x0]  }
0x27d: {  	s23 =	sadd.s32 $0x80, s23;
	v6 =	vld [tilespmem:s25+$0x10];
	vm3 =	vgt.s32 v1, $0xFFFF  }
0x27e: {  	v1 =	vadd.s32 $0xFFFF0000, v1;
	vm0 =	vgt.s32 v2, $0xFFFF;
	v2 =	vadd.s32 $0xFFFF0000, v2;
	v7 =	vld [tilespmem:s23+$0x30]  }
0x27f: {  	vm1 =	vgt.s32 v3, $0xFFFF;
	v3 =	vadd.s32 $0xFFFF0000, v3;
	v8 =	vld [tilespmem:s25+$0x20]  }
0x280: {  	v9 =	vld [tilespmem:s25+$0xFFFFFFC0];
	vm2 =	vgt.s32 v4, $0xFFFF;
	v4 =	vadd.s32 $0xFFFF0000, v4  }
0x281: {  	v10 =	vld [tilespmem:s23+$0xFFFFFFC0];
	vm4 =	vgt.s32 v5, $0xFFFF;
	v5 =	vadd.s32 $0xFFFF0000, v5  }
0x282: {  	v11 =	vld [tilespmem:s23+$0xFFFFFFD0];
	vm5 =	vgt.s32 v6, $0xFFFF;
	v6 =	vadd.s32 $0xFFFF0000, v6  }
0x283: {  	[tilespmem:v1+s2+$0x0] =	vst.idx.add.f32.msk vm3, v7  }
0x284: {  	v1 =	vld [tilespmem:s23+$0xFFFFFFE0];
	vm3 =	vgt.s32 v8, $0xFFFF;
	v7 =	vadd.s32 $0xFFFF0000, v8  }
0x285: {  	vm6 =	vgt.s32 v9, $0xFFFF;
	v8 =	vadd.s32 $0xFFFF0000, v9;
	v9 =	vld [tilespmem:s23+$0xFFFFFFF0]  }
0x286: {  	v12 =	vld [tilespmem:s23+$0x0]  }
0x287: {  	v13 =	vld [tilespmem:s23+$0x10]  }
0x288: {  	v14 =	vld [tilespmem:s23+$0x20]  }
0x289: {  	[tilespmem:v2+s2+$0x0] =	vst.idx.add.f32.msk vm0, v11  }
0x28a: {  	[tilespmem:v3+s2+$0x0] =	vst.idx.add.f32.msk vm1, v1  }
.Ltmp12:
0x28b: {  	[tilespmem:v8+s2+$0x0] =	vst.idx.add.f32.msk vm6, v10;
	(pc) =	sbr.rel @p0 .LBB2_26-.Ltmp12, $4  }
0x28c: {  	[tilespmem:v4+s2+$0x0] =	vst.idx.add.f32.msk vm2, v9  }
0x28d: {  	[tilespmem:v5+s2+$0x0] =	vst.idx.add.f32.msk vm4, v12  }
0x28e: {  	[tilespmem:v6+s2+$0x0] =	vst.idx.add.f32.msk vm5, v13  }
0x28f: {  	s25 =	sadd.s32 $0x80, s25;
	[tilespmem:v7+s2+$0x0] =	vst.idx.add.f32.msk vm3, v14  }
0x290: {  	s23 =	sor.u32 $0x6000, s22  }
0x291: {  	s24 =	sadd.s32 s4, s23  }
0x292: {  	[tilespmem:s14], [sflag:$0x2] =	stream.strided.gather [hbm4b:s24+s10], $0x2000, s11, s10, $0x38;
	[tilespmem:$0x18000] =	vst v63  }
0x293: {  	s23 =	sadd.s32 s5, s23  }
0x294: {  	[tilespmem:s15], [sflag:$0x2] =	stream.strided.gather [hbm4b:s23+s10], $0x2000, s11, s10, $0x38;
	[tilespmem:$0x18000] =	vst v63  }
0x295: {  	_ =	swait.ge [sflag:s16], $0x2000  }
0x296: {  	[sflag:s16] =	ssyncset.done $0x0  }
0x297: {  	[sflag:s16] =	ssyncadd.s32 $0xFFFFE000  }
0x298: {  	_ =	swait.ge [sflag:s16], $0x2000  }
0x299: {  	[sflag:s16] =	ssyncset.done $0x0  }
0x29a: {  	s31 =	simm.s32 $0x10040;
	[sflag:s16] =	ssyncadd.s32 $0xFFFFE000  }
0x29b: {  	v1 =	vld [tilespmem:s31+$0x30]  }
0x29c: {  	v2 =	vld [tilespmem:s31+$0xFFFFFFD0]  }
0x29d: {  	v3 =	vld [tilespmem:s31+$0xFFFFFFE0]  }
0x29e: {  	v4 =	vld [tilespmem:s31+$0xFFFFFFF0]  }
0x29f: {  	v5 =	vld [tilespmem:s31+$0x0]  }
0x2a0: {  	v6 =	vld [tilespmem:s31+$0x10]  }
0x2a1: {  	s23 =	simm.s32 $0x12040;
	v9 =	vld [tilespmem:s31+$0xFFFFFFC0]  }
0x2a2: {  	v7 =	vld [tilespmem:s23+$0x30];
	vm0 =	vgt.s32 v1, $0xFFFF  }
0x2a3: {  	v8 =	vld [tilespmem:s31+$0x20];
	v1 =	vadd.s32 $0xFFFF0000, v1  }
0x2a4: {  	v10 =	vld [tilespmem:s23+$0xFFFFFFC0]  }
0x2a5: {  	v11 =	vld [tilespmem:s23+$0xFFFFFFD0]  }
0x2a6: {  	v63 =	vld [tilespmem:s23+$0xFFFFFFF0];
	vm2 =	vgt.s32 v9, $0xFFFF  }
0x2a7: {  	v12 =	vld [tilespmem:s23+$0x0];
	vm1 =	vgt.s32 v2, $0xFFFF;
	v9 =	vadd.s32 $0xFFFF0000, v9  }
0x2a8: {  	vm3 =	vgt.s32 v4, $0xFFFF;
	[tilespmem:v1+s2+$0x0] =	vst.idx.add.f32.msk vm0, v7;
	v1 =	vadd.s32 $0xFFFF0000, v2  }
0x2a9: {  	v13 =	vld [tilespmem:s23+$0x10];
	v4 =	vadd.s32 $0xFFFF0000, v4;
	vm4 =	vgt.s32 v5, $0xFFFF  }
0x2aa: {  	v14 =	vld [tilespmem:s23+$0x20];
	v5 =	vadd.s32 $0xFFFF0000, v5;
	vm5 =	vgt.s32 v6, $0xFFFF  }
0x2ab: {  	vm15 =	vgt.s32 v3, $0xFFFF;
	v6 =	vadd.s32 $0xFFFF0000, v6;
	v2 =	vld [tilespmem:s23+$0xFFFFFFE0]  }
0x2ac: {  	v3 =	vadd.s32 $0xFFFF0000, v3;
	vm6 =	vgt.s32 v8, $0xFFFF;
	[tilespmem:v9+s2+$0x0] =	vst.idx.add.f32.msk vm2, v10  }
0x2ad: {  	[tilespmem:v1+s2+$0x0] =	vst.idx.add.f32.msk vm1, v11;
	v1 =	vadd.s32 $0xFFFF0000, v8  }
0x2ae: {  	[tilespmem:v4+s2+$0x0] =	vst.idx.add.f32.msk vm3, v63  }
0x2af: {  	[tilespmem:v5+s2+$0x0] =	vst.idx.add.f32.msk vm4, v12  }
0x2b0: {  	[tilespmem:v6+s2+$0x0] =	vst.idx.add.f32.msk vm5, v13  }
0x2b1: {  	[tilespmem:v3+s2+$0x0] =	vst.idx.add.f32.msk vm15, v2  }
0x2b2: {  	s25 =	simm.s32 $0x100C0;
	s24 =	simm.s32 $0x0;
	[tilespmem:v1+s2+$0x0] =	vst.idx.add.f32.msk vm6, v14  }
.LBB2_28:
0x2b3: {  	v1 =	vld [tilespmem:s25+$0x30];
	s24 =	sadd.s32 $0x8, s24  }
0x2b4: {  	v2 =	vld [tilespmem:s25+$0xFFFFFFD0];
	p0 =	slt.u32 s24, $0x1F8  }
0x2b5: {  	v3 =	vld [tilespmem:s25+$0xFFFFFFE0]  }
0x2b6: {  	v4 =	vld [tilespmem:s25+$0xFFFFFFF0]  }
0x2b7: {  	v5 =	vld [tilespmem:s25+$0x0]  }
0x2b8: {  	s23 =	sadd.s32 $0x80, s23;
	v6 =	vld [tilespmem:s25+$0x10];
	vm3 =	vgt.s32 v1, $0xFFFF  }
0x2b9: {  	v1 =	vadd.s32 $0xFFFF0000, v1;
	vm0 =	vgt.s32 v2, $0xFFFF;
	v2 =	vadd.s32 $0xFFFF0000, v2;
	v7 =	vld [tilespmem:s23+$0x30]  }
0x2ba: {  	vm1 =	vgt.s32 v3, $0xFFFF;
	v3 =	vadd.s32 $0xFFFF0000, v3;
	v8 =	vld [tilespmem:s25+$0x20]  }
0x2bb: {  	v9 =	vld [tilespmem:s25+$0xFFFFFFC0];
	vm2 =	vgt.s32 v4, $0xFFFF;
	v4 =	vadd.s32 $0xFFFF0000, v4  }
0x2bc: {  	v10 =	vld [tilespmem:s23+$0xFFFFFFC0];
	vm4 =	vgt.s32 v5, $0xFFFF;
	v5 =	vadd.s32 $0xFFFF0000, v5  }
0x2bd: {  	v11 =	vld [tilespmem:s23+$0xFFFFFFD0];
	vm5 =	vgt.s32 v6, $0xFFFF;
	v6 =	vadd.s32 $0xFFFF0000, v6  }
0x2be: {  	[tilespmem:v1+s2+$0x0] =	vst.idx.add.f32.msk vm3, v7  }
0x2bf: {  	v1 =	vld [tilespmem:s23+$0xFFFFFFE0];
	vm3 =	vgt.s32 v8, $0xFFFF;
	v7 =	vadd.s32 $0xFFFF0000, v8  }
0x2c0: {  	vm6 =	vgt.s32 v9, $0xFFFF;
	v8 =	vadd.s32 $0xFFFF0000, v9;
	v9 =	vld [tilespmem:s23+$0xFFFFFFF0]  }
0x2c1: {  	v12 =	vld [tilespmem:s23+$0x0]  }
0x2c2: {  	v13 =	vld [tilespmem:s23+$0x10]  }
0x2c3: {  	v14 =	vld [tilespmem:s23+$0x20]  }
0x2c4: {  	[tilespmem:v2+s2+$0x0] =	vst.idx.add.f32.msk vm0, v11  }
0x2c5: {  	[tilespmem:v3+s2+$0x0] =	vst.idx.add.f32.msk vm1, v1  }
.Ltmp13:
0x2c6: {  	[tilespmem:v8+s2+$0x0] =	vst.idx.add.f32.msk vm6, v10;
	(pc) =	sbr.rel @p0 .LBB2_28-.Ltmp13, $4  }
0x2c7: {  	[tilespmem:v4+s2+$0x0] =	vst.idx.add.f32.msk vm2, v9  }
0x2c8: {  	[tilespmem:v5+s2+$0x0] =	vst.idx.add.f32.msk vm4, v12  }
0x2c9: {  	[tilespmem:v6+s2+$0x0] =	vst.idx.add.f32.msk vm5, v13  }
0x2ca: {  	s25 =	sadd.s32 $0x80, s25;
	[tilespmem:v7+s2+$0x0] =	vst.idx.add.f32.msk vm3, v14  }
0x2cb: {  	s23 =	sor.u32 $0x8000, s22  }
0x2cc: {  	s24 =	sadd.s32 s4, s23  }
0x2cd: {  	[tilespmem:s12], [sflag:$0x1] =	stream.strided.gather [hbm4b:s24+s10], $0x2000, s11, s10, $0x38;
	[tilespmem:$0x18000] =	vst v63  }
0x2ce: {  	s23 =	sadd.s32 s5, s23  }
0x2cf: {  	[tilespmem:s13], [sflag:$0x1] =	stream.strided.gather [hbm4b:s23+s10], $0x2000, s11, s10, $0x38;
	[tilespmem:$0x18000] =	vst v63  }
0x2d0: {  	_ =	swait.ge [sflag:s17], $0x2000  }
0x2d1: {  	[sflag:s17] =	ssyncset.done $0x0  }
0x2d2: {  	[sflag:s17] =	ssyncadd.s32 $0xFFFFE000  }
0x2d3: {  	_ =	swait.ge [sflag:s17], $0x2000  }
0x2d4: {  	[sflag:s17] =	ssyncset.done $0x0  }
0x2d5: {  	s31 =	simm.s32 $0x14040;
	[sflag:s17] =	ssyncadd.s32 $0xFFFFE000  }
0x2d6: {  	v1 =	vld [tilespmem:s31+$0x30]  }
0x2d7: {  	v2 =	vld [tilespmem:s31+$0xFFFFFFD0]  }
0x2d8: {  	v3 =	vld [tilespmem:s31+$0xFFFFFFE0]  }
0x2d9: {  	v4 =	vld [tilespmem:s31+$0xFFFFFFF0]  }
0x2da: {  	v5 =	vld [tilespmem:s31+$0x0]  }
0x2db: {  	v6 =	vld [tilespmem:s31+$0x10]  }
0x2dc: {  	s23 =	simm.s32 $0x16040;
	v9 =	vld [tilespmem:s31+$0xFFFFFFC0]  }
0x2dd: {  	v7 =	vld [tilespmem:s23+$0x30];
	vm0 =	vgt.s32 v1, $0xFFFF  }
0x2de: {  	v8 =	vld [tilespmem:s31+$0x20];
	v1 =	vadd.s32 $0xFFFF0000, v1  }
0x2df: {  	v10 =	vld [tilespmem:s23+$0xFFFFFFC0]  }
0x2e0: {  	v11 =	vld [tilespmem:s23+$0xFFFFFFD0]  }
0x2e1: {  	v63 =	vld [tilespmem:s23+$0xFFFFFFF0];
	vm2 =	vgt.s32 v9, $0xFFFF  }
0x2e2: {  	v12 =	vld [tilespmem:s23+$0x0];
	vm1 =	vgt.s32 v2, $0xFFFF;
	v9 =	vadd.s32 $0xFFFF0000, v9  }
0x2e3: {  	vm3 =	vgt.s32 v4, $0xFFFF;
	[tilespmem:v1+s2+$0x0] =	vst.idx.add.f32.msk vm0, v7;
	v1 =	vadd.s32 $0xFFFF0000, v2  }
0x2e4: {  	v13 =	vld [tilespmem:s23+$0x10];
	v4 =	vadd.s32 $0xFFFF0000, v4;
	vm4 =	vgt.s32 v5, $0xFFFF  }
0x2e5: {  	v14 =	vld [tilespmem:s23+$0x20];
	v5 =	vadd.s32 $0xFFFF0000, v5;
	vm5 =	vgt.s32 v6, $0xFFFF  }
0x2e6: {  	vm15 =	vgt.s32 v3, $0xFFFF;
	v6 =	vadd.s32 $0xFFFF0000, v6;
	v2 =	vld [tilespmem:s23+$0xFFFFFFE0]  }
0x2e7: {  	v3 =	vadd.s32 $0xFFFF0000, v3;
	vm6 =	vgt.s32 v8, $0xFFFF;
	[tilespmem:v9+s2+$0x0] =	vst.idx.add.f32.msk vm2, v10  }
0x2e8: {  	[tilespmem:v1+s2+$0x0] =	vst.idx.add.f32.msk vm1, v11;
	v1 =	vadd.s32 $0xFFFF0000, v8  }
0x2e9: {  	[tilespmem:v4+s2+$0x0] =	vst.idx.add.f32.msk vm3, v63  }
0x2ea: {  	[tilespmem:v5+s2+$0x0] =	vst.idx.add.f32.msk vm4, v12  }
0x2eb: {  	[tilespmem:v6+s2+$0x0] =	vst.idx.add.f32.msk vm5, v13  }
0x2ec: {  	[tilespmem:v3+s2+$0x0] =	vst.idx.add.f32.msk vm15, v2  }
0x2ed: {  	s25 =	simm.s32 $0x140C0;
	s24 =	simm.s32 $0x0;
	[tilespmem:v1+s2+$0x0] =	vst.idx.add.f32.msk vm6, v14  }
.LBB2_30:
0x2ee: {  	v1 =	vld [tilespmem:s25+$0x30];
	s24 =	sadd.s32 $0x8, s24  }
0x2ef: {  	v2 =	vld [tilespmem:s25+$0xFFFFFFD0];
	p0 =	slt.u32 s24, $0x1F8  }
0x2f0: {  	v3 =	vld [tilespmem:s25+$0xFFFFFFE0]  }
0x2f1: {  	v4 =	vld [tilespmem:s25+$0xFFFFFFF0]  }
0x2f2: {  	v5 =	vld [tilespmem:s25+$0x0]  }
0x2f3: {  	s23 =	sadd.s32 $0x80, s23;
	v6 =	vld [tilespmem:s25+$0x10];
	vm3 =	vgt.s32 v1, $0xFFFF  }
0x2f4: {  	v1 =	vadd.s32 $0xFFFF0000, v1;
	vm0 =	vgt.s32 v2, $0xFFFF;
	v2 =	vadd.s32 $0xFFFF0000, v2;
	v7 =	vld [tilespmem:s23+$0x30]  }
0x2f5: {  	vm1 =	vgt.s32 v3, $0xFFFF;
	v3 =	vadd.s32 $0xFFFF0000, v3;
	v8 =	vld [tilespmem:s25+$0x20]  }
0x2f6: {  	v9 =	vld [tilespmem:s25+$0xFFFFFFC0];
	vm2 =	vgt.s32 v4, $0xFFFF;
	v4 =	vadd.s32 $0xFFFF0000, v4  }
0x2f7: {  	v10 =	vld [tilespmem:s23+$0xFFFFFFC0];
	vm4 =	vgt.s32 v5, $0xFFFF;
	v5 =	vadd.s32 $0xFFFF0000, v5  }
0x2f8: {  	v11 =	vld [tilespmem:s23+$0xFFFFFFD0];
	vm5 =	vgt.s32 v6, $0xFFFF;
	v6 =	vadd.s32 $0xFFFF0000, v6  }
0x2f9: {  	[tilespmem:v1+s2+$0x0] =	vst.idx.add.f32.msk vm3, v7  }
0x2fa: {  	v1 =	vld [tilespmem:s23+$0xFFFFFFE0];
	vm3 =	vgt.s32 v8, $0xFFFF;
	v7 =	vadd.s32 $0xFFFF0000, v8  }
0x2fb: {  	vm6 =	vgt.s32 v9, $0xFFFF;
	v8 =	vadd.s32 $0xFFFF0000, v9;
	v9 =	vld [tilespmem:s23+$0xFFFFFFF0]  }
0x2fc: {  	v12 =	vld [tilespmem:s23+$0x0]  }
0x2fd: {  	v13 =	vld [tilespmem:s23+$0x10]  }
0x2fe: {  	v14 =	vld [tilespmem:s23+$0x20]  }
0x2ff: {  	[tilespmem:v2+s2+$0x0] =	vst.idx.add.f32.msk vm0, v11  }
0x300: {  	[tilespmem:v3+s2+$0x0] =	vst.idx.add.f32.msk vm1, v1  }
.Ltmp14:
0x301: {  	[tilespmem:v8+s2+$0x0] =	vst.idx.add.f32.msk vm6, v10;
	(pc) =	sbr.rel @p0 .LBB2_30-.Ltmp14, $4  }
0x302: {  	[tilespmem:v4+s2+$0x0] =	vst.idx.add.f32.msk vm2, v9  }
0x303: {  	[tilespmem:v5+s2+$0x0] =	vst.idx.add.f32.msk vm4, v12  }
0x304: {  	[tilespmem:v6+s2+$0x0] =	vst.idx.add.f32.msk vm5, v13  }
0x305: {  	s25 =	sadd.s32 $0x80, s25;
	[tilespmem:v7+s2+$0x0] =	vst.idx.add.f32.msk vm3, v14  }
0x306: {  	s23 =	sor.u32 $0xA000, s22  }
0x307: {  	s24 =	sadd.s32 s4, s23  }
0x308: {  	[tilespmem:s14], [sflag:$0x2] =	stream.strided.gather [hbm4b:s24+s10], $0x2000, s11, s10, $0x38;
	[tilespmem:$0x18000] =	vst v63  }
0x309: {  	s23 =	sadd.s32 s5, s23  }
0x30a: {  	[tilespmem:s15], [sflag:$0x2] =	stream.strided.gather [hbm4b:s23+s10], $0x2000, s11, s10, $0x38;
	[tilespmem:$0x18000] =	vst v63  }
0x30b: {  	_ =	swait.ge [sflag:s16], $0x2000  }
0x30c: {  	[sflag:s16] =	ssyncset.done $0x0  }
0x30d: {  	[sflag:s16] =	ssyncadd.s32 $0xFFFFE000  }
0x30e: {  	_ =	swait.ge [sflag:s16], $0x2000  }
0x30f: {  	[sflag:s16] =	ssyncset.done $0x0  }
0x310: {  	s31 =	simm.s32 $0x10040;
	[sflag:s16] =	ssyncadd.s32 $0xFFFFE000  }
0x311: {  	v1 =	vld [tilespmem:s31+$0x30]  }
0x312: {  	v2 =	vld [tilespmem:s31+$0xFFFFFFD0]  }
0x313: {  	v3 =	vld [tilespmem:s31+$0xFFFFFFE0]  }
0x314: {  	v4 =	vld [tilespmem:s31+$0xFFFFFFF0]  }
0x315: {  	v5 =	vld [tilespmem:s31+$0x0]  }
0x316: {  	v6 =	vld [tilespmem:s31+$0x10]  }
0x317: {  	s23 =	simm.s32 $0x12040;
	v9 =	vld [tilespmem:s31+$0xFFFFFFC0]  }
0x318: {  	v7 =	vld [tilespmem:s23+$0x30];
	vm0 =	vgt.s32 v1, $0xFFFF  }
0x319: {  	v8 =	vld [tilespmem:s31+$0x20];
	v1 =	vadd.s32 $0xFFFF0000, v1  }
0x31a: {  	v10 =	vld [tilespmem:s23+$0xFFFFFFC0]  }
0x31b: {  	v11 =	vld [tilespmem:s23+$0xFFFFFFD0]  }
0x31c: {  	v63 =	vld [tilespmem:s23+$0xFFFFFFF0];
	vm2 =	vgt.s32 v9, $0xFFFF  }
0x31d: {  	v12 =	vld [tilespmem:s23+$0x0];
	vm1 =	vgt.s32 v2, $0xFFFF;
	v9 =	vadd.s32 $0xFFFF0000, v9  }
0x31e: {  	vm3 =	vgt.s32 v4, $0xFFFF;
	[tilespmem:v1+s2+$0x0] =	vst.idx.add.f32.msk vm0, v7;
	v1 =	vadd.s32 $0xFFFF0000, v2  }
0x31f: {  	v13 =	vld [tilespmem:s23+$0x10];
	v4 =	vadd.s32 $0xFFFF0000, v4;
	vm4 =	vgt.s32 v5, $0xFFFF  }
0x320: {  	v14 =	vld [tilespmem:s23+$0x20];
	v5 =	vadd.s32 $0xFFFF0000, v5;
	vm5 =	vgt.s32 v6, $0xFFFF  }
0x321: {  	vm15 =	vgt.s32 v3, $0xFFFF;
	v6 =	vadd.s32 $0xFFFF0000, v6;
	v2 =	vld [tilespmem:s23+$0xFFFFFFE0]  }
0x322: {  	v3 =	vadd.s32 $0xFFFF0000, v3;
	vm6 =	vgt.s32 v8, $0xFFFF;
	[tilespmem:v9+s2+$0x0] =	vst.idx.add.f32.msk vm2, v10  }
0x323: {  	[tilespmem:v1+s2+$0x0] =	vst.idx.add.f32.msk vm1, v11;
	v1 =	vadd.s32 $0xFFFF0000, v8  }
0x324: {  	[tilespmem:v4+s2+$0x0] =	vst.idx.add.f32.msk vm3, v63  }
0x325: {  	[tilespmem:v5+s2+$0x0] =	vst.idx.add.f32.msk vm4, v12  }
0x326: {  	[tilespmem:v6+s2+$0x0] =	vst.idx.add.f32.msk vm5, v13  }
0x327: {  	[tilespmem:v3+s2+$0x0] =	vst.idx.add.f32.msk vm15, v2  }
0x328: {  	s25 =	simm.s32 $0x100C0;
	s24 =	simm.s32 $0x0;
	[tilespmem:v1+s2+$0x0] =	vst.idx.add.f32.msk vm6, v14  }
.LBB2_32:
0x329: {  	v1 =	vld [tilespmem:s25+$0x30];
	s24 =	sadd.s32 $0x8, s24  }
0x32a: {  	v2 =	vld [tilespmem:s25+$0xFFFFFFD0];
	p0 =	slt.u32 s24, $0x1F8  }
0x32b: {  	v3 =	vld [tilespmem:s25+$0xFFFFFFE0]  }
0x32c: {  	v4 =	vld [tilespmem:s25+$0xFFFFFFF0]  }
0x32d: {  	v5 =	vld [tilespmem:s25+$0x0]  }
0x32e: {  	s23 =	sadd.s32 $0x80, s23;
	v6 =	vld [tilespmem:s25+$0x10];
	vm3 =	vgt.s32 v1, $0xFFFF  }
0x32f: {  	v1 =	vadd.s32 $0xFFFF0000, v1;
	vm0 =	vgt.s32 v2, $0xFFFF;
	v2 =	vadd.s32 $0xFFFF0000, v2;
	v7 =	vld [tilespmem:s23+$0x30]  }
0x330: {  	vm1 =	vgt.s32 v3, $0xFFFF;
	v3 =	vadd.s32 $0xFFFF0000, v3;
	v8 =	vld [tilespmem:s25+$0x20]  }
0x331: {  	v9 =	vld [tilespmem:s25+$0xFFFFFFC0];
	vm2 =	vgt.s32 v4, $0xFFFF;
	v4 =	vadd.s32 $0xFFFF0000, v4  }
0x332: {  	v10 =	vld [tilespmem:s23+$0xFFFFFFC0];
	vm4 =	vgt.s32 v5, $0xFFFF;
	v5 =	vadd.s32 $0xFFFF0000, v5  }
0x333: {  	v11 =	vld [tilespmem:s23+$0xFFFFFFD0];
	vm5 =	vgt.s32 v6, $0xFFFF;
	v6 =	vadd.s32 $0xFFFF0000, v6  }
0x334: {  	[tilespmem:v1+s2+$0x0] =	vst.idx.add.f32.msk vm3, v7  }
0x335: {  	v1 =	vld [tilespmem:s23+$0xFFFFFFE0];
	vm3 =	vgt.s32 v8, $0xFFFF;
	v7 =	vadd.s32 $0xFFFF0000, v8  }
0x336: {  	vm6 =	vgt.s32 v9, $0xFFFF;
	v8 =	vadd.s32 $0xFFFF0000, v9;
	v9 =	vld [tilespmem:s23+$0xFFFFFFF0]  }
0x337: {  	v12 =	vld [tilespmem:s23+$0x0]  }
0x338: {  	v13 =	vld [tilespmem:s23+$0x10]  }
0x339: {  	v14 =	vld [tilespmem:s23+$0x20]  }
0x33a: {  	[tilespmem:v2+s2+$0x0] =	vst.idx.add.f32.msk vm0, v11  }
0x33b: {  	[tilespmem:v3+s2+$0x0] =	vst.idx.add.f32.msk vm1, v1  }
.Ltmp15:
0x33c: {  	[tilespmem:v8+s2+$0x0] =	vst.idx.add.f32.msk vm6, v10;
	(pc) =	sbr.rel @p0 .LBB2_32-.Ltmp15, $4  }
0x33d: {  	[tilespmem:v4+s2+$0x0] =	vst.idx.add.f32.msk vm2, v9  }
0x33e: {  	[tilespmem:v5+s2+$0x0] =	vst.idx.add.f32.msk vm4, v12  }
0x33f: {  	[tilespmem:v6+s2+$0x0] =	vst.idx.add.f32.msk vm5, v13  }
0x340: {  	s25 =	sadd.s32 $0x80, s25;
	[tilespmem:v7+s2+$0x0] =	vst.idx.add.f32.msk vm3, v14  }
0x341: {  	s23 =	sor.u32 $0xC000, s22  }
0x342: {  	s24 =	sadd.s32 s4, s23  }
0x343: {  	[tilespmem:s12], [sflag:$0x1] =	stream.strided.gather [hbm4b:s24+s10], $0x2000, s11, s10, $0x38;
	[tilespmem:$0x18000] =	vst v63  }
0x344: {  	s23 =	sadd.s32 s5, s23  }
0x345: {  	[tilespmem:s13], [sflag:$0x1] =	stream.strided.gather [hbm4b:s23+s10], $0x2000, s11, s10, $0x38;
	[tilespmem:$0x18000] =	vst v63  }
0x346: {  	_ =	swait.ge [sflag:s17], $0x2000  }
0x347: {  	[sflag:s17] =	ssyncset.done $0x0  }
0x348: {  	[sflag:s17] =	ssyncadd.s32 $0xFFFFE000  }
0x349: {  	_ =	swait.ge [sflag:s17], $0x2000  }
0x34a: {  	[sflag:s17] =	ssyncset.done $0x0  }
0x34b: {  	s31 =	simm.s32 $0x14040;
	[sflag:s17] =	ssyncadd.s32 $0xFFFFE000  }
0x34c: {  	v1 =	vld [tilespmem:s31+$0x30]  }
0x34d: {  	v2 =	vld [tilespmem:s31+$0xFFFFFFD0]  }
0x34e: {  	v3 =	vld [tilespmem:s31+$0xFFFFFFE0]  }
0x34f: {  	v4 =	vld [tilespmem:s31+$0xFFFFFFF0]  }
0x350: {  	v5 =	vld [tilespmem:s31+$0x0]  }
0x351: {  	v6 =	vld [tilespmem:s31+$0x10]  }
0x352: {  	s23 =	simm.s32 $0x16040;
	v9 =	vld [tilespmem:s31+$0xFFFFFFC0]  }
0x353: {  	v7 =	vld [tilespmem:s23+$0x30];
	vm0 =	vgt.s32 v1, $0xFFFF  }
0x354: {  	v8 =	vld [tilespmem:s31+$0x20];
	v1 =	vadd.s32 $0xFFFF0000, v1  }
0x355: {  	v10 =	vld [tilespmem:s23+$0xFFFFFFC0]  }
0x356: {  	v11 =	vld [tilespmem:s23+$0xFFFFFFD0]  }
0x357: {  	v63 =	vld [tilespmem:s23+$0xFFFFFFF0];
	vm2 =	vgt.s32 v9, $0xFFFF  }
0x358: {  	v12 =	vld [tilespmem:s23+$0x0];
	vm1 =	vgt.s32 v2, $0xFFFF;
	v9 =	vadd.s32 $0xFFFF0000, v9  }
0x359: {  	vm3 =	vgt.s32 v4, $0xFFFF;
	[tilespmem:v1+s2+$0x0] =	vst.idx.add.f32.msk vm0, v7;
	v1 =	vadd.s32 $0xFFFF0000, v2  }
0x35a: {  	v13 =	vld [tilespmem:s23+$0x10];
	v4 =	vadd.s32 $0xFFFF0000, v4;
	vm4 =	vgt.s32 v5, $0xFFFF  }
0x35b: {  	v14 =	vld [tilespmem:s23+$0x20];
	v5 =	vadd.s32 $0xFFFF0000, v5;
	vm5 =	vgt.s32 v6, $0xFFFF  }
0x35c: {  	vm15 =	vgt.s32 v3, $0xFFFF;
	v6 =	vadd.s32 $0xFFFF0000, v6;
	v2 =	vld [tilespmem:s23+$0xFFFFFFE0]  }
0x35d: {  	v3 =	vadd.s32 $0xFFFF0000, v3;
	vm6 =	vgt.s32 v8, $0xFFFF;
	[tilespmem:v9+s2+$0x0] =	vst.idx.add.f32.msk vm2, v10  }
0x35e: {  	[tilespmem:v1+s2+$0x0] =	vst.idx.add.f32.msk vm1, v11;
	v1 =	vadd.s32 $0xFFFF0000, v8  }
0x35f: {  	[tilespmem:v4+s2+$0x0] =	vst.idx.add.f32.msk vm3, v63  }
0x360: {  	[tilespmem:v5+s2+$0x0] =	vst.idx.add.f32.msk vm4, v12  }
0x361: {  	[tilespmem:v6+s2+$0x0] =	vst.idx.add.f32.msk vm5, v13  }
0x362: {  	[tilespmem:v3+s2+$0x0] =	vst.idx.add.f32.msk vm15, v2  }
0x363: {  	s25 =	simm.s32 $0x140C0;
	s24 =	simm.s32 $0x0;
	[tilespmem:v1+s2+$0x0] =	vst.idx.add.f32.msk vm6, v14  }
.LBB2_34:
0x364: {  	v1 =	vld [tilespmem:s25+$0x30];
	s24 =	sadd.s32 $0x8, s24  }
0x365: {  	v2 =	vld [tilespmem:s25+$0xFFFFFFD0];
	p0 =	slt.u32 s24, $0x1F8  }
0x366: {  	v3 =	vld [tilespmem:s25+$0xFFFFFFE0]  }
0x367: {  	v4 =	vld [tilespmem:s25+$0xFFFFFFF0]  }
0x368: {  	v5 =	vld [tilespmem:s25+$0x0]  }
0x369: {  	s23 =	sadd.s32 $0x80, s23;
	v6 =	vld [tilespmem:s25+$0x10];
	vm3 =	vgt.s32 v1, $0xFFFF  }
0x36a: {  	v1 =	vadd.s32 $0xFFFF0000, v1;
	vm0 =	vgt.s32 v2, $0xFFFF;
	v2 =	vadd.s32 $0xFFFF0000, v2;
	v7 =	vld [tilespmem:s23+$0x30]  }
0x36b: {  	vm1 =	vgt.s32 v3, $0xFFFF;
	v3 =	vadd.s32 $0xFFFF0000, v3;
	v8 =	vld [tilespmem:s25+$0x20]  }
0x36c: {  	v9 =	vld [tilespmem:s25+$0xFFFFFFC0];
	vm2 =	vgt.s32 v4, $0xFFFF;
	v4 =	vadd.s32 $0xFFFF0000, v4  }
0x36d: {  	v10 =	vld [tilespmem:s23+$0xFFFFFFC0];
	vm4 =	vgt.s32 v5, $0xFFFF;
	v5 =	vadd.s32 $0xFFFF0000, v5  }
0x36e: {  	v11 =	vld [tilespmem:s23+$0xFFFFFFD0];
	vm5 =	vgt.s32 v6, $0xFFFF;
	v6 =	vadd.s32 $0xFFFF0000, v6  }
0x36f: {  	[tilespmem:v1+s2+$0x0] =	vst.idx.add.f32.msk vm3, v7  }
0x370: {  	v1 =	vld [tilespmem:s23+$0xFFFFFFE0];
	vm3 =	vgt.s32 v8, $0xFFFF;
	v7 =	vadd.s32 $0xFFFF0000, v8  }
0x371: {  	vm6 =	vgt.s32 v9, $0xFFFF;
	v8 =	vadd.s32 $0xFFFF0000, v9;
	v9 =	vld [tilespmem:s23+$0xFFFFFFF0]  }
0x372: {  	v12 =	vld [tilespmem:s23+$0x0]  }
0x373: {  	v13 =	vld [tilespmem:s23+$0x10]  }
0x374: {  	v14 =	vld [tilespmem:s23+$0x20]  }
0x375: {  	[tilespmem:v2+s2+$0x0] =	vst.idx.add.f32.msk vm0, v11  }
0x376: {  	[tilespmem:v3+s2+$0x0] =	vst.idx.add.f32.msk vm1, v1  }
.Ltmp16:
0x377: {  	[tilespmem:v8+s2+$0x0] =	vst.idx.add.f32.msk vm6, v10;
	(pc) =	sbr.rel @p0 .LBB2_34-.Ltmp16, $4  }
0x378: {  	[tilespmem:v4+s2+$0x0] =	vst.idx.add.f32.msk vm2, v9  }
0x379: {  	[tilespmem:v5+s2+$0x0] =	vst.idx.add.f32.msk vm4, v12  }
0x37a: {  	[tilespmem:v6+s2+$0x0] =	vst.idx.add.f32.msk vm5, v13  }
0x37b: {  	s25 =	sadd.s32 $0x80, s25;
	[tilespmem:v7+s2+$0x0] =	vst.idx.add.f32.msk vm3, v14  }
0x37c: {  	s22 =	sor.u32 $0xE000, s22  }
0x37d: {  	s23 =	sadd.s32 s4, s22  }
0x37e: {  	[tilespmem:s14], [sflag:$0x2] =	stream.strided.gather [hbm4b:s23+s10], $0x2000, s11, s10, $0x38;
	[tilespmem:$0x18000] =	vst v63  }
0x37f: {  	s22 =	sadd.s32 s5, s22  }
0x380: {  	[tilespmem:s15], [sflag:$0x2] =	stream.strided.gather [hbm4b:s22+s10], $0x2000, s11, s10, $0x38;
	[tilespmem:$0x18000] =	vst v63  }
0x381: {  	_ =	swait.ge [sflag:s16], $0x2000  }
0x382: {  	[sflag:s16] =	ssyncset.done $0x0  }
0x383: {  	[sflag:s16] =	ssyncadd.s32 $0xFFFFE000  }
0x384: {  	_ =	swait.ge [sflag:s16], $0x2000  }
0x385: {  	[sflag:s16] =	ssyncset.done $0x0  }
0x386: {  	s31 =	simm.s32 $0x10040;
	[sflag:s16] =	ssyncadd.s32 $0xFFFFE000  }
0x387: {  	v1 =	vld [tilespmem:s31+$0x30]  }
0x388: {  	v2 =	vld [tilespmem:s31+$0xFFFFFFD0]  }
0x389: {  	v3 =	vld [tilespmem:s31+$0xFFFFFFE0]  }
0x38a: {  	v4 =	vld [tilespmem:s31+$0xFFFFFFF0]  }
0x38b: {  	v5 =	vld [tilespmem:s31+$0x0]  }
0x38c: {  	v6 =	vld [tilespmem:s31+$0x10]  }
0x38d: {  	s22 =	simm.s32 $0x12040;
	v9 =	vld [tilespmem:s31+$0xFFFFFFC0]  }
0x38e: {  	v7 =	vld [tilespmem:s22+$0x30];
	vm0 =	vgt.s32 v1, $0xFFFF  }
0x38f: {  	v8 =	vld [tilespmem:s31+$0x20];
	v1 =	vadd.s32 $0xFFFF0000, v1  }
0x390: {  	v10 =	vld [tilespmem:s22+$0xFFFFFFC0]  }
0x391: {  	v11 =	vld [tilespmem:s22+$0xFFFFFFD0]  }
0x392: {  	v63 =	vld [tilespmem:s22+$0xFFFFFFF0];
	vm2 =	vgt.s32 v9, $0xFFFF  }
0x393: {  	v12 =	vld [tilespmem:s22+$0x0];
	vm1 =	vgt.s32 v2, $0xFFFF;
	v9 =	vadd.s32 $0xFFFF0000, v9  }
0x394: {  	vm3 =	vgt.s32 v4, $0xFFFF;
	[tilespmem:v1+s2+$0x0] =	vst.idx.add.f32.msk vm0, v7;
	v1 =	vadd.s32 $0xFFFF0000, v2  }
0x395: {  	v13 =	vld [tilespmem:s22+$0x10];
	v4 =	vadd.s32 $0xFFFF0000, v4;
	vm4 =	vgt.s32 v5, $0xFFFF  }
0x396: {  	v14 =	vld [tilespmem:s22+$0x20];
	v5 =	vadd.s32 $0xFFFF0000, v5;
	vm5 =	vgt.s32 v6, $0xFFFF  }
0x397: {  	vm15 =	vgt.s32 v3, $0xFFFF;
	v6 =	vadd.s32 $0xFFFF0000, v6;
	v2 =	vld [tilespmem:s22+$0xFFFFFFE0]  }
0x398: {  	v3 =	vadd.s32 $0xFFFF0000, v3;
	vm6 =	vgt.s32 v8, $0xFFFF;
	[tilespmem:v9+s2+$0x0] =	vst.idx.add.f32.msk vm2, v10  }
0x399: {  	[tilespmem:v1+s2+$0x0] =	vst.idx.add.f32.msk vm1, v11;
	v1 =	vadd.s32 $0xFFFF0000, v8  }
0x39a: {  	[tilespmem:v4+s2+$0x0] =	vst.idx.add.f32.msk vm3, v63  }
0x39b: {  	[tilespmem:v5+s2+$0x0] =	vst.idx.add.f32.msk vm4, v12  }
0x39c: {  	[tilespmem:v6+s2+$0x0] =	vst.idx.add.f32.msk vm5, v13  }
0x39d: {  	[tilespmem:v3+s2+$0x0] =	vst.idx.add.f32.msk vm15, v2  }
0x39e: {  	s24 =	simm.s32 $0x100C0;
	s23 =	simm.s32 $0x0;
	[tilespmem:v1+s2+$0x0] =	vst.idx.add.f32.msk vm6, v14  }
.LBB2_36:
0x39f: {  	v1 =	vld [tilespmem:s24+$0x30];
	s23 =	sadd.s32 $0x8, s23  }
0x3a0: {  	v2 =	vld [tilespmem:s24+$0xFFFFFFD0];
	p0 =	slt.u32 s23, $0x1F8  }
0x3a1: {  	v3 =	vld [tilespmem:s24+$0xFFFFFFE0]  }
0x3a2: {  	v4 =	vld [tilespmem:s24+$0xFFFFFFF0]  }
0x3a3: {  	v5 =	vld [tilespmem:s24+$0x0]  }
0x3a4: {  	s22 =	sadd.s32 $0x80, s22;
	v6 =	vld [tilespmem:s24+$0x10];
	vm3 =	vgt.s32 v1, $0xFFFF  }
0x3a5: {  	v1 =	vadd.s32 $0xFFFF0000, v1;
	vm0 =	vgt.s32 v2, $0xFFFF;
	v2 =	vadd.s32 $0xFFFF0000, v2;
	v7 =	vld [tilespmem:s22+$0x30]  }
0x3a6: {  	vm1 =	vgt.s32 v3, $0xFFFF;
	v3 =	vadd.s32 $0xFFFF0000, v3;
	v8 =	vld [tilespmem:s24+$0x20]  }
0x3a7: {  	v9 =	vld [tilespmem:s24+$0xFFFFFFC0];
	vm2 =	vgt.s32 v4, $0xFFFF;
	v4 =	vadd.s32 $0xFFFF0000, v4  }
0x3a8: {  	v10 =	vld [tilespmem:s22+$0xFFFFFFC0];
	vm4 =	vgt.s32 v5, $0xFFFF;
	v5 =	vadd.s32 $0xFFFF0000, v5  }
0x3a9: {  	v11 =	vld [tilespmem:s22+$0xFFFFFFD0];
	vm5 =	vgt.s32 v6, $0xFFFF;
	v6 =	vadd.s32 $0xFFFF0000, v6  }
0x3aa: {  	[tilespmem:v1+s2+$0x0] =	vst.idx.add.f32.msk vm3, v7  }
0x3ab: {  	v1 =	vld [tilespmem:s22+$0xFFFFFFE0];
	vm3 =	vgt.s32 v8, $0xFFFF;
	v7 =	vadd.s32 $0xFFFF0000, v8  }
0x3ac: {  	vm6 =	vgt.s32 v9, $0xFFFF;
	v8 =	vadd.s32 $0xFFFF0000, v9;
	v9 =	vld [tilespmem:s22+$0xFFFFFFF0]  }
0x3ad: {  	v12 =	vld [tilespmem:s22+$0x0]  }
0x3ae: {  	v13 =	vld [tilespmem:s22+$0x10]  }
0x3af: {  	v14 =	vld [tilespmem:s22+$0x20]  }
0x3b0: {  	[tilespmem:v2+s2+$0x0] =	vst.idx.add.f32.msk vm0, v11  }
0x3b1: {  	[tilespmem:v3+s2+$0x0] =	vst.idx.add.f32.msk vm1, v1  }
.Ltmp17:
0x3b2: {  	[tilespmem:v8+s2+$0x0] =	vst.idx.add.f32.msk vm6, v10;
	(pc) =	sbr.rel @p0 .LBB2_36-.Ltmp17, $4  }
0x3b3: {  	[tilespmem:v4+s2+$0x0] =	vst.idx.add.f32.msk vm2, v9  }
0x3b4: {  	[tilespmem:v5+s2+$0x0] =	vst.idx.add.f32.msk vm4, v12  }
0x3b5: {  	[tilespmem:v6+s2+$0x0] =	vst.idx.add.f32.msk vm5, v13  }
0x3b6: {  	s24 =	sadd.s32 $0x80, s24;
	[tilespmem:v7+s2+$0x0] =	vst.idx.add.f32.msk vm3, v14  }
0x3b7: {  	_ =	swait.ge [sflag:s17], $0x2000  }
0x3b8: {  	[sflag:s17] =	ssyncset.done $0x0  }
0x3b9: {  	[sflag:s17] =	ssyncadd.s32 $0xFFFFE000  }
0x3ba: {  	_ =	swait.ge [sflag:s17], $0x2000  }
0x3bb: {  	[sflag:s17] =	ssyncset.done $0x0  }
0x3bc: {  	s23 =	simm.s32 $0x14040;
	[sflag:s17] =	ssyncadd.s32 $0xFFFFE000  }
0x3bd: {  	v1 =	vld [tilespmem:s23+$0x30]  }
0x3be: {  	v2 =	vld [tilespmem:s23+$0xFFFFFFD0]  }
0x3bf: {  	v3 =	vld [tilespmem:s23+$0xFFFFFFE0]  }
0x3c0: {  	v4 =	vld [tilespmem:s23+$0xFFFFFFF0]  }
0x3c1: {  	v5 =	vld [tilespmem:s23+$0x0]  }
0x3c2: {  	v6 =	vld [tilespmem:s23+$0x10]  }
0x3c3: {  	s22 =	simm.s32 $0x16040;
	v9 =	vld [tilespmem:s23+$0xFFFFFFC0]  }
0x3c4: {  	v7 =	vld [tilespmem:s22+$0x30];
	vm0 =	vgt.s32 v1, $0xFFFF  }
0x3c5: {  	v8 =	vld [tilespmem:s23+$0x20];
	v1 =	vadd.s32 $0xFFFF0000, v1  }
0x3c6: {  	v10 =	vld [tilespmem:s22+$0xFFFFFFC0]  }
0x3c7: {  	v11 =	vld [tilespmem:s22+$0xFFFFFFD0]  }
0x3c8: {  	v63 =	vld [tilespmem:s22+$0xFFFFFFF0];
	vm2 =	vgt.s32 v9, $0xFFFF  }
0x3c9: {  	v12 =	vld [tilespmem:s22+$0x0];
	vm1 =	vgt.s32 v2, $0xFFFF;
	v9 =	vadd.s32 $0xFFFF0000, v9  }
0x3ca: {  	vm3 =	vgt.s32 v4, $0xFFFF;
	[tilespmem:v1+s2+$0x0] =	vst.idx.add.f32.msk vm0, v7;
	v1 =	vadd.s32 $0xFFFF0000, v2  }
0x3cb: {  	v13 =	vld [tilespmem:s22+$0x10];
	v4 =	vadd.s32 $0xFFFF0000, v4;
	vm4 =	vgt.s32 v5, $0xFFFF  }
0x3cc: {  	v14 =	vld [tilespmem:s22+$0x20];
	v5 =	vadd.s32 $0xFFFF0000, v5;
	vm5 =	vgt.s32 v6, $0xFFFF  }
0x3cd: {  	vm15 =	vgt.s32 v3, $0xFFFF;
	v6 =	vadd.s32 $0xFFFF0000, v6;
	v2 =	vld [tilespmem:s22+$0xFFFFFFE0]  }
0x3ce: {  	v3 =	vadd.s32 $0xFFFF0000, v3;
	vm6 =	vgt.s32 v8, $0xFFFF;
	[tilespmem:v9+s2+$0x0] =	vst.idx.add.f32.msk vm2, v10  }
0x3cf: {  	[tilespmem:v1+s2+$0x0] =	vst.idx.add.f32.msk vm1, v11;
	v1 =	vadd.s32 $0xFFFF0000, v8  }
0x3d0: {  	[tilespmem:v4+s2+$0x0] =	vst.idx.add.f32.msk vm3, v63  }
0x3d1: {  	[tilespmem:v5+s2+$0x0] =	vst.idx.add.f32.msk vm4, v12  }
0x3d2: {  	[tilespmem:v6+s2+$0x0] =	vst.idx.add.f32.msk vm5, v13  }
0x3d3: {  	[tilespmem:v3+s2+$0x0] =	vst.idx.add.f32.msk vm15, v2  }
0x3d4: {  	s24 =	simm.s32 $0x140C0;
	s23 =	simm.s32 $0x0;
	[tilespmem:v1+s2+$0x0] =	vst.idx.add.f32.msk vm6, v14  }
.LBB2_38:
0x3d5: {  	v1 =	vld [tilespmem:s24+$0x30];
	s23 =	sadd.s32 $0x8, s23  }
0x3d6: {  	v2 =	vld [tilespmem:s24+$0xFFFFFFD0];
	p0 =	slt.u32 s23, $0x1F8  }
0x3d7: {  	v3 =	vld [tilespmem:s24+$0xFFFFFFE0]  }
0x3d8: {  	v4 =	vld [tilespmem:s24+$0xFFFFFFF0]  }
0x3d9: {  	v5 =	vld [tilespmem:s24+$0x0]  }
0x3da: {  	s22 =	sadd.s32 $0x80, s22;
	v6 =	vld [tilespmem:s24+$0x10];
	vm3 =	vgt.s32 v1, $0xFFFF  }
0x3db: {  	v1 =	vadd.s32 $0xFFFF0000, v1;
	vm0 =	vgt.s32 v2, $0xFFFF;
	v2 =	vadd.s32 $0xFFFF0000, v2;
	v7 =	vld [tilespmem:s22+$0x30]  }
0x3dc: {  	vm1 =	vgt.s32 v3, $0xFFFF;
	v3 =	vadd.s32 $0xFFFF0000, v3;
	v8 =	vld [tilespmem:s24+$0x20]  }
0x3dd: {  	v9 =	vld [tilespmem:s24+$0xFFFFFFC0];
	vm2 =	vgt.s32 v4, $0xFFFF;
	v4 =	vadd.s32 $0xFFFF0000, v4  }
0x3de: {  	v10 =	vld [tilespmem:s22+$0xFFFFFFC0];
	vm4 =	vgt.s32 v5, $0xFFFF;
	v5 =	vadd.s32 $0xFFFF0000, v5  }
0x3df: {  	v11 =	vld [tilespmem:s22+$0xFFFFFFD0];
	vm5 =	vgt.s32 v6, $0xFFFF;
	v6 =	vadd.s32 $0xFFFF0000, v6  }
0x3e0: {  	[tilespmem:v1+s2+$0x0] =	vst.idx.add.f32.msk vm3, v7  }
0x3e1: {  	v1 =	vld [tilespmem:s22+$0xFFFFFFE0];
	vm3 =	vgt.s32 v8, $0xFFFF;
	v7 =	vadd.s32 $0xFFFF0000, v8  }
0x3e2: {  	vm6 =	vgt.s32 v9, $0xFFFF;
	v8 =	vadd.s32 $0xFFFF0000, v9;
	v9 =	vld [tilespmem:s22+$0xFFFFFFF0]  }
0x3e3: {  	v12 =	vld [tilespmem:s22+$0x0]  }
0x3e4: {  	v13 =	vld [tilespmem:s22+$0x10]  }
0x3e5: {  	v14 =	vld [tilespmem:s22+$0x20]  }
0x3e6: {  	[tilespmem:v2+s2+$0x0] =	vst.idx.add.f32.msk vm0, v11  }
0x3e7: {  	[tilespmem:v3+s2+$0x0] =	vst.idx.add.f32.msk vm1, v1  }
.Ltmp18:
0x3e8: {  	[tilespmem:v8+s2+$0x0] =	vst.idx.add.f32.msk vm6, v10;
	(pc) =	sbr.rel @p0 .LBB2_38-.Ltmp18, $4  }
0x3e9: {  	[tilespmem:v4+s2+$0x0] =	vst.idx.add.f32.msk vm2, v9  }
0x3ea: {  	[tilespmem:v5+s2+$0x0] =	vst.idx.add.f32.msk vm4, v12  }
0x3eb: {  	[tilespmem:v6+s2+$0x0] =	vst.idx.add.f32.msk vm5, v13  }
0x3ec: {  	s24 =	sadd.s32 $0x80, s24;
	[tilespmem:v7+s2+$0x0] =	vst.idx.add.f32.msk vm3, v14  }
0x3ed: {  	s21 =	sshll.u32 s21, $0x14  }
0x3ee: {  	s20 =	sadd.s32 $0x1, s20;
	s21 =	sor.u32 s7, s21  }
0x3ef: {  	p0 =	sne.s32 s20, $0x4;
	s21 =	sshrl.u32 s21, $0x3  }
.Ltmp19:
0x3f0: {  	s21 =	sadd.s32 s21, s8;
	(pc) =	sbr.rel @p0 .LBB2_21-.Ltmp19, $4  }
0x3f1: {  	[hbm4b:s21+s10] =	stream.strided.scatter [tilespmem:s2], [sflag:$0x3], $0x10000, s11, s10, $0x38;
	[tilespmem:$0x18000] =	vst v63  }
0x3f2: {  	_ =	swait.ge [sflag:s18], $0x10000  }
0x3f3: {  	[sflag:s18] =	ssyncset.done $0x0  }
0x3f4: {  	[sflag:s18] =	ssyncadd.s32 $0xFFFF0000  }
0x3f5: {  	s19 =	sadd.s32 $0x1, s19  }
0x3f6: {  	p0 =	sne.s32 s19, s9  }
.Ltmp20:
0x3f7: {  	_ = 	snop;
	(pc) =	sbr.rel @p0 .LBB2_1-.Ltmp20, $1  }
0x3f8: {  	_ =	sdelay $0x3  }
0x3f9: {  	_ =	sfence.sel $0x180000  }
0x3fa: {  	[bflag:$0x0] =	sbarrier.arrive $0xFFFF  }
0x3fb: {  	p0 =	sne.s32 s1, $0x0;
	_ =	strace $0x9000004A  }
0x3fc: {  	s0 =	sadd.s32 @!p0 $0x100000, s0;
	[bflag:$0x2] =	sbarrier.arrive $0xFFFF  }
0x3fd: {  	[sflag:s0] =	ssyncadd.tile.s32 @!p0 $0x1;
	_ =	shalt  }
.Lfunc_end2:
_tile_overlayer_lowered:
.L_overlay_start_2:
0x3fe: {  	(tag) =	ssettag $0x2  }
0x3ff: {  	s0 =	rddreg [dreg:$0x0];
	s2 =	stileid.u32  }
0x400: {  	s1 =	rddreg [dreg:$0x1];
	p0 =	sne.s32 s2, $0x0  }
0x401: {  	s3 =	rddreg [dreg:$0x2];
	[bflag:$0x3] =	sbarrier.arrive $0xFFFF;
	s2 =	simm.s32 @!p0 $0x1C03  }
0x402: {  	[timem:s3], [sflag:s2] =	dma.local @!p0 [hbm:s0], s1  }
0x403: {  	s0 =	simm.s32 @!p0 $0x3  }
0x404: {  	_ =	swait.ge @!p0 [sflag:s0], s1  }
0x405: {  	s1 =	ssub.s32 @!p0 $0x0, s1;
	[sflag:s0] =	ssyncset.done @!p0 $0x0  }
0x406: {  	[sflag:s0] =	ssyncadd.s32 @!p0 s1  }
0x407: {  	[bflag:$0x3] =	sbarrier.arrive $0xFFFF  }
0x408: {  	_ =	shalt  }

// kernel: kernel.8.cloned.1.call-start
scs
__scs_entry_jumppad:
0x0: {  	(pc) =	sbr.rel $0x88, $3  }
0x1: {  	(tag) =	ssettag $0x0;
	lr =	simm.s32 $0x1  }
0x2: {  	[smem:$0x3F9E] =	sst lr;
	_ =	strace $0xD0000000  }
0x3: {  	_ = 	snop  }
0x4: {  	_ = 	snop  }
0x5: {  	_ = 	snop  }
0x6: {  	_ = 	snop  }
0x7: {  	_ = 	snop  }
__scs_overlays_trampoline_lowered:
0x8: {  	[smem:$0x3FAD] =	sst s0  }
0x9: {  	[smem:$0x3FAE] =	sst s1  }
0xa: {  	[smem:$0x3FAF] =	sst s2  }
0xb: {  	[smem:$0x3FB0] =	sst s3  }
0xc: {  	[smem:$0x3FB1] =	sst s4  }
0xd: {  	[smem:$0x3FB2] =	sst s5  }
0xe: {  	[smem:$0x3FB3] =	sst s6  }
0xf: {  	[smem:$0x3FB4] =	sst s7  }
0x10: {  	[smem:$0x3FB5] =	sst s8  }
0x11: {  	[smem:$0x3FB6] =	sst s9;
	s0 =	simm.s32 @!p0 $0x0  }
0x12: {  	s1 =	sld [smem:$0x3F9C];
	s0 =	simm.s32 @p0 $0x1  }
0x13: {  	[smem:$0x3FB7] =	sst s0;
	s0 =	simm.s32 @!p1 $0x0  }
0x14: {  	s2 =	sld [smem:$0x3F9B];
	s0 =	simm.s32 @p1 $0x1  }
0x15: {  	[smem:$0x3FB8] =	sst s0;
	s0 =	simm.s32 @!p2 $0x0  }
0x16: {  	s3 =	sld [smem:$0x3FDB];
	s0 =	simm.s32 @p2 $0x1  }
0x17: {  	s4 =	simm.s32 $0x1BF5;
	[smem:$0x3FBA] =	sst s0  }
0x18: {  	s0 =	sld [smem:$0x3F9D];
	_ =	swait.ge [sflag:s4], $0x0  }
0x19: {  	s7 =	sld [smem:$0x3F9E]  }
0x1a: {  	s8 =	sadd.s32 $0xFFFFE003, lr  }
0x1b: {  	s9 =	sadd.s32 $0xFFFFFEF7, lr;
	s5 =	simm.s32 $0xFFFFFFFF;
	p2 =	slt.u32 s8, $0xFFFFF086  }
0x1c: {  	p1 =	slt.u32 s9, $0xF7A;
	s5 =	simm.s32 @!p2 $0x0  }
0x1d: {  	s5 =	simm.s32 @p1 $0x1;
	p0 =	seq.s32 s7, s2  }
0x1e: {  	s7 =	smul.u32 @!p0 $0xF7A, s2;
	p2 =	seq.s32 @!p0 s5, $0x0  }
0x1f: {  	s9 =	smul.u32 $0xF7A, s1;
	s8 =	simm.s32 @!p0 $0x1BF5;
	p2 =	por !p2, p0  }
0x20: {  	[sflag:s8] =	ssyncset.s32 @!p0 $0xFFFFF086;
	s6 =	sadd.s32 @!p0 s3, s7;
	s7 =	simm.s32 @!p0 $0x108  }
0x21: {  	s3 =	sadd.s32 s3, s9;
	s6 =	sadd.s32 @!p0 $0x88, s6;
	s7 =	simm.s32 @p2 $0x1082  }
0x22: {  	[simem:s7], [sflag:s8] =	dma.local @!p0 [hbm:s6], $0xF7A  }
0x23: {  	s9 =	sor.u32 $0xD0000000, s2;
	s6 =	simm.s32 $0x108;
	_ =	swait.ge @!p0 [sflag:s8], $0x0  }
0x24: {  	s3 =	sadd.s32 $0x88, s3;
	s6 =	simm.s32 @!p1 $0x1082;
	[sflag:s4] =	ssyncset.s32 $0xFFFFF086  }
0x25: {  	[simem:s6], [sflag:s4] =	dma.local [hbm:s3], $0xF7A  }
0x26: {  	[smem:$0x3F9E] =	sst s1;
	(tag) =	ssettag s2;
	_ =	strace s9  }
0x27: {  	s1 =	sld [smem:$0x3FAE]  }
0x28: {  	s2 =	sld [smem:$0x3FAF]  }
0x29: {  	s4 =	sld [smem:$0x3FB1]  }
0x2a: {  	p0 =	seq.s32 s5, $0x0;
	s5 =	sld [smem:$0x3FB2]  }
0x2b: {  	s6 =	sld [smem:$0x3FB3]  }
0x2c: {  	s7 =	sld [smem:$0x3FB4]  }
0x2d: {  	s3 =	simm.s32 $0x108;
	s8 =	sld [smem:$0x3FB5]  }
0x2e: {  	s3 =	simm.s32 @!p0 $0x1082;
	s9 =	sld [smem:$0x3FB6]  }
0x2f: {  	lr =	sadd.s32 s0, s3;
	s0 =	sld [smem:$0x3FAD]  }
0x30: {  	s3 =	sld [smem:$0x3FB0]  }
0x31: {  	[smem:$0x3FB9] =	sst s10  }
0x32: {  	s10 =	sld [smem:$0x3FB7];
	_ =	sdelay $0x3  }
0x33: {  	p0 =	seq.s32 s10, $0x1;
	s10 =	sld [smem:$0x3FB9];
	_ =	sdelay $0x3  }
0x34: {  	[smem:$0x3FB9] =	sst s10  }
0x35: {  	s10 =	sld [smem:$0x3FB8];
	_ =	sdelay $0x3  }
0x36: {  	p1 =	seq.s32 s10, $0x1;
	s10 =	sld [smem:$0x3FB9];
	_ =	sdelay $0x3  }
0x37: {  	[smem:$0x3FB9] =	sst s10  }
0x38: {  	s10 =	sld [smem:$0x3FBA]  }
0x39: {  	_ = 	snop;
	(pc) =	sbr.ind lr, $3  }
0x3a: {  	_ = 	snop  }
0x3b: {  	_ = 	snop  }
0x3c: {  	p2 =	seq.s32 s10, $0x1;
	s10 =	sld [smem:$0x3FB9]  }
0x3d: {  	_ =	shalt  }
0x3e: {  	_ =	shalt  }
0x3f: {  	_ =	shalt  }
0x40: {  	_ =	shalt  }
0x41: {  	_ =	shalt  }
0x42: {  	_ =	shalt  }
0x43: {  	_ =	shalt  }
0x44: {  	_ =	shalt  }
0x45: {  	_ =	shalt  }
0x46: {  	_ =	shalt  }
0x47: {  	_ =	shalt  }
0x48: {  	_ =	shalt  }
0x49: {  	_ =	shalt  }
0x4a: {  	_ =	shalt  }
0x4b: {  	_ =	shalt  }
0x4c: {  	_ =	shalt  }
0x4d: {  	_ =	shalt  }
0x4e: {  	_ =	shalt  }
0x4f: {  	_ =	shalt  }
0x50: {  	_ =	shalt  }
0x51: {  	_ =	shalt  }
0x52: {  	_ =	shalt  }
0x53: {  	_ =	shalt  }
0x54: {  	_ =	shalt  }
0x55: {  	_ =	shalt  }
0x56: {  	_ =	shalt  }
0x57: {  	_ =	shalt  }
0x58: {  	_ =	shalt  }
0x59: {  	_ =	shalt  }
0x5a: {  	_ =	shalt  }
0x5b: {  	_ =	shalt  }
0x5c: {  	_ =	shalt  }
0x5d: {  	_ =	shalt  }
0x5e: {  	_ =	shalt  }
0x5f: {  	_ =	shalt  }
0x60: {  	_ =	shalt  }
0x61: {  	_ =	shalt  }
0x62: {  	_ =	shalt  }
0x63: {  	_ =	shalt  }
0x64: {  	_ =	shalt  }
0x65: {  	_ =	shalt  }
0x66: {  	_ =	shalt  }
0x67: {  	_ =	shalt  }
0x68: {  	_ =	shalt  }
0x69: {  	_ =	shalt  }
0x6a: {  	_ =	shalt  }
0x6b: {  	_ =	shalt  }
0x6c: {  	_ =	shalt  }
0x6d: {  	_ =	shalt  }
0x6e: {  	_ =	shalt  }
0x6f: {  	_ =	shalt  }
0x70: {  	_ =	shalt  }
0x71: {  	_ =	shalt  }
0x72: {  	_ =	shalt  }
0x73: {  	_ =	shalt  }
0x74: {  	_ =	shalt  }
0x75: {  	_ =	shalt  }
0x76: {  	_ =	shalt  }
0x77: {  	_ =	shalt  }
0x78: {  	_ =	shalt  }
0x79: {  	_ =	shalt  }
0x7a: {  	_ =	shalt  }
0x7b: {  	_ =	shalt  }
0x7c: {  	_ =	shalt  }
0x7d: {  	_ =	shalt  }
0x7e: {  	_ =	shalt  }
0x7f: {  	_ =	shalt  }
0x80: {  	_ =	shalt  }
0x81: {  	_ =	shalt  }
0x82: {  	_ =	shalt  }
0x83: {  	_ =	shalt  }
0x84: {  	_ =	shalt  }
0x85: {  	_ =	shalt  }
0x86: {  	_ =	shalt  }
0x87: {  	_ =	shalt  }
.Lfunc_end0:
.L_simem_size_0:
called_computation_lowered:
.L_overlay_start_0:
0x88: {  	s2 =	sld [smem:$0x3FD9]  }
0x89: {  	s3 =	sld [smem:$0x3FFE];
	_ =	sdelay $0x1  }
0x8a: {  	s1 =	srdreg.scid  }
0x8b: {  	s0 =	sand.u32 $0x1, s1  }
0x8c: {  	s17 =	sshll.u32 s0, $0xA;
	s2 =	sadd.s32 s3, s2  }
0x8d: {  	s2 =	sadd.s32 s2, s17  }
0x8e: {  	[smem:$0x3FC5] =	sst s2  }
0x8f: {  	_ = 	snop  }
0x90: {  	s2 =	sld [smem:$0x3FD0];
	(tm) =	ssettm $0x1  }
0x91: {  	s18 =	sld [smem:$0x3FFB];
	_ =	sdelay $0x3  }
0x92: {  	_ =	strace s18  }
0x93: {  	s3 =	sld [smem:$0x3FFC];
	_ =	sdelay $0x3  }
0x94: {  	_ =	strace s3  }
0x95: {  	s3 =	sld [smem:$0x3FFD];
	_ =	sdelay $0x3  }
0x96: {  	_ =	strace s3  }
0x97: {  	_ =	strace $0x8FFFFFFF  }
0x98: {  	s19 =	sld [smem:$0x3FDB];
	_ =	sdelay $0x1  }
0x99: {  	s4 =	simm.s32 $_scs_section_size  }
0x9a: {  	s5 =	simm.s32 $_size__tile_overlayer_lowered;
	s6 =	simm.s32 $_tile_overlayer_lowered  }
0x9b: {  	s22 =	simm.s32 $0x1BFF;
	s21 =	sshll.u32 s6, $0x1;
	s3 =	sadd.s32 s4, s19  }
0x9c: {  	s7 =	simm.s32 $0x0;
	s20 =	sshll.u32 s5, $0x1;
	s5 =	sadd.s32 s21, s3  }
0x9d: {  	[timem:s7], [sflag:s22] =	dma.local [hbm:s5], s20  }
0x9e: {  	_ =	swait.ge [sflag:s22], s20  }
0x9f: {  	s4 =	ssub.s32 $0x0, s20;
	[sflag:s22] =	ssyncset.done $0x0  }
0xa0: {  	[sflag:s22] =	ssyncadd.s32 s4;
	_ =	sdelay $0x1  }
0xa1: {  	s23 =	simm.s32 $0x1B8B  }
0xa2: {  	_ =	swait.ge [sflag:s23], $0x1  }
0xa3: {  	[sflag:s23] =	ssyncset.done $0x0  }
0xa4: {  	s25 =	simm.s32 $0x1B8E;
	s24 =	sld [smem:$0x3FFE];
	[sflag:s23] =	ssyncadd.s32 $0xFFFFFFFF  }
0xa5: {  	s26 =	simm.s32 $execute0_lowered;
	[smem:$0x3FD2] =	sst s25  }
0xa6: {  	s5 =	sshll.u32 s26, $0x1;
	_ =	strace $0x80000046;
	[dreg:$0x1] =	wrdreg $0xFFFFFFFF  }
0xa7: {  	s28 =	simm.s32 $_size_execute0_lowered;
	s3 =	sadd.s32 s3, s5;
	[dreg:$0x0] =	wrdreg $0x0  }
0xa8: {  	s5 =	sshll.u32 s28, $0x1;
	[dreg:$0x2] =	wrdreg s3  }
0xa9: {  	[dreg:$0x3] =	wrdreg s5  }
0xaa: {  	[dreg:$0x4] =	wrdreg $0xC0  }
0xab: {  	_ =	task [dreg:s7], $0x5FFFF  }
0xac: {  	[dreg:$0x1] =	wrdreg $0xFFFFFFFF  }
0xad: {  	[dreg:$0x0] =	wrdreg $0x60  }
0xae: {  	[dreg:$0x2] =	wrdreg s2  }
0xaf: {  	[dreg:$0x3] =	wrdreg s24  }
0xb0: {  	[dreg:$0x4] =	wrdreg $0x9  }
0xb1: {  	_ =	task.clear_ibuf [dreg:s7], $0x5FFFF;
	_ =	strace $0x90000046  }
0xb2: {  	s29 =	simm.s32 $0x9;
	_ =	strace $0x80000048  }
0xb3: {  	_ =	swait.ge [sflag:s29], $0x1  }
0xb4: {  	[sflag:s29] =	ssyncadd.s32 $0xFFFFFFFF  }
0xb5: {  	_ =	strace $0x90000048  }
0xb6: {  	_ =	sfence  }
0xb7: {  	s30 =	sld [smem:$0x0];
	_ =	sdelay $0x2  }
0xb8: {  	s31 =	sshll.u32 s1, $0xD;
	s1 =	sshrl.u32 s1, $0x2  }
0xb9: {  	s3 =	sand.u32 $0x4000, s31;
	s1 =	sadd.s32 s1, s30  }
0xba: {  	s0 =	sor.u32 s3, s0;
	s1 =	sshll.u32 s1, $0x11  }
0xbb: {  	s0 =	sor.u32 s1, s0  }
0xbc: {  	s0 =	sadd.s32 $0x8F2B, s0  }
0xbd: {  	[sflag:s0] =	ssyncadd.remote.s32 $0x1  }
0xbe: {  	_ =	sfence.sel $0xFFFF  }
0xbf: {  	[dreg:$0x0] =	wrdreg $0xFFFFFFFF;
	(pc) =	sbr.abs _section_cstart, $3  }
0xc0: {  	[dreg:$0x1] =	wrdreg $0xFFFFFFFF  }
0xc1: {  	_ =	task.clear_ibuf [dreg:s7], $0x2FFFF;
	_ =	strace $0x9FFFFFFF  }
0xc2: {  	(tm) =	ssettm $0x7FFFFFFF  }
0xc3: {  	_ =	shalt  }
tec
execute0_lowered:
.L_overlay_start_1:
0x0: {  	(tag) =	ssettag $0x1  }
0x1: {  	s1 =	rddreg [dreg:$0x0]  }
0x2: {  	s8 =	rddreg [dreg:$0x1]  }
0x3: {  	s0 =	rddreg [dreg:$0x2]  }
0x4: {  	s3 =	simm.s32 $0x0;
	s4 =	srdreg.scid;
	s2 =	stileid.u32  }
0x5: {  	s11 =	simm.s32 $0x400;
	s12 =	simm.s32 $0x10000;
	s13 =	simm.s32 $0x12000  }
0x6: {  	s14 =	simm.s32 $0x14000;
	s15 =	simm.s32 $0x16000;
	s16 =	simm.s32 $0x1  }
0x7: {  	s17 =	simm.s32 $0x2;
	s18 =	simm.s32 $0x3;
	s19 =	simm.s32 $0x0  }
0x8: {  	[smem:$0x7FF] =	sst s3;
	s5 =	sand.u32 $0x1, s4;
	s4 =	sshll.u32 s2, $0x1  }
0x9: {  	_ =	strace $0x80000047;
	s7 =	ssub.s32 $0x2, s5;
	s6 =	sor.u32 s5, s4  }
0xa: {  	s5 =	sadd.s32 $0xC00, s8;
	s9 =	sshrl.u32 s7, $0x1;
	s10 =	sshll.u32 s6, $0x7  }
0xb: {  	s6 =	sadd.s32 $0x100C00, s8;
	s8 =	sadd.s32 $0x110C00, s8;
	s9 =	ssub.s32 s7, s9  }
0xc: {  	v0 =	vimm.f32 $0.0e+00;
	s7 =	sand.u32 $0x380, s10;
	s10 =	simm.s32 $0x80;
	s9 =	smax.u32 s9, $0x1  }
.LBB2_1:
0xd: {  	s21 =	simm.s32 $0x0  }
.LBB2_2:
0xe: {  	s20 =	sshll.u32 s21, $0x5  }
0xf: {  	s20 =	sor.u32 s4, s20  }
0x10: {  	s20 =	sshrl.u32 s20, $0x3  }
0x11: {  	s22 =	sshll.u32 s20, $0x13  }
0x12: {  	s22 =	sor.u32 s7, s22  }
0x13: {  	s22 =	sshrl.u32 s22, $0x3  }
0x14: {  	s23 =	sadd.s32 s1, s22  }
0x15: {  	[tilespmem:s12], [sflag:$0x1] =	stream.strided.gather [hbm4b:s23+s10], $0x2000, s11, s10, $0x38;
	[tilespmem:$0x18000] =	vst v63  }
0x16: {  	s31 =	sadd.s32 s5, s22;
	s23 =	simm.s32 $0x40  }
0x17: {  	[tilespmem:s13], [sflag:$0x1] =	stream.strided.gather [hbm4b:s31+s10], $0x2000, s11, s10, $0x38;
	[tilespmem:$0x18000] =	vst v63  }
0x18: {  	[tilespmem:s23+$0xFFFFFFC0] =	vst v0  }
0x19: {  	[tilespmem:s23+$0x30] =	vst v0  }
0x1a: {  	[tilespmem:s23+$0x20] =	vst v0  }
0x1b: {  	[tilespmem:s23+$0x10] =	vst v0  }
0x1c: {  	[tilespmem:s23+$0x0] =	vst v0  }
0x1d: {  	[tilespmem:s23+$0xFFFFFFF0] =	vst v0  }
0x1e: {  	s24 =	simm.s32 $0x0;
	[tilespmem:s23+$0xFFFFFFE0] =	vst v0  }
.LBB2_3:
0x1f: {  	s24 =	sadd.s32 $0x8, s24;
	[tilespmem:s23+$0xFFFFFFD0] =	vst v0;
	s23 =	sadd.s32 $0x80, s23  }
0x20: {  	[tilespmem:s23+$0xFFFFFFC0] =	vst v0;
	p0 =	slt.u32 s24, $0xFF8  }
0x21: {  	[tilespmem:s23+$0x30] =	vst v0  }
.Ltmp0:
0x22: {  	[tilespmem:s23+$0x20] =	vst v0;
	(pc) =	sbr.rel @p0 .LBB2_3-.Ltmp0, $4  }
0x23: {  	[tilespmem:s23+$0x10] =	vst v0  }
0x24: {  	[tilespmem:s23+$0x0] =	vst v0  }
0x25: {  	[tilespmem:s23+$0xFFFFFFF0] =	vst v0  }
0x26: {  	[tilespmem:s23+$0xFFFFFFE0] =	vst v0  }
0x27: {  	s24 =	sor.u32 $0x2000, s22  }
0x28: {  	[tilespmem:s23+$0xFFFFFFD0] =	vst v0;
	s29 =	sadd.s32 s1, s24  }
0x29: {  	[tilespmem:s14], [sflag:$0x2] =	stream.strided.gather [hbm4b:s29+s10], $0x2000, s11, s10, $0x38;
	[tilespmem:$0x18000] =	vst v63  }
0x2a: {  	s30 =	sadd.s32 s5, s24  }
0x2b: {  	[tilespmem:s15], [sflag:$0x2] =	stream.strided.gather [hbm4b:s30+s10], $0x2000, s11, s10, $0x38;
	[tilespmem:$0x18000] =	vst v63  }
0x2c: {  	_ =	swait.ge [sflag:s16], $0x2000  }
0x2d: {  	[sflag:s16] =	ssyncset.done $0x0  }
0x2e: {  	[sflag:s16] =	ssyncadd.s32 $0xFFFFE000  }
0x2f: {  	_ =	swait.ge [sflag:s16], $0x2000  }
0x30: {  	[sflag:s16] =	ssyncset.done $0x0  }
0x31: {  	s31 =	simm.s32 $0x10040;
	[sflag:s16] =	ssyncadd.s32 $0xFFFFE000  }
0x32: {  	v1 =	vld [tilespmem:s31+$0x30]  }
0x33: {  	v2 =	vld [tilespmem:s31+$0xFFFFFFD0]  }
0x34: {  	v3 =	vld [tilespmem:s31+$0xFFFFFFE0]  }
0x35: {  	v4 =	vld [tilespmem:s31+$0xFFFFFFF0]  }
0x36: {  	v5 =	vld [tilespmem:s31+$0x0]  }
0x37: {  	s23 =	simm.s32 $0x12040;
	v6 =	vld [tilespmem:s31+$0x10]  }
0x38: {  	v7 =	vld [tilespmem:s23+$0x30]  }
0x39: {  	v9 =	vld [tilespmem:s31+$0xFFFFFFC0]  }
0x3a: {  	v8 =	vld [tilespmem:s31+$0x20]  }
0x3b: {  	v10 =	vld [tilespmem:s23+$0xFFFFFFC0];
	vm0 =	vlt.s32 v1, $0x10000  }
0x3c: {  	v11 =	vld [tilespmem:s23+$0xFFFFFFD0]  }
0x3d: {  	v63 =	vld [tilespmem:s23+$0xFFFFFFF0];
	vm1 =	vlt.s32 v2, $0x10000  }
0x3e: {  	v12 =	vld [tilespmem:s23+$0x0];
	vm2 =	vlt.s32 v9, $0x10000  }
0x3f: {  	v13 =	vld [tilespmem:s23+$0x10];
	vm3 =	vlt.s32 v4, $0x10000  }
0x40: {  	v14 =	vld [tilespmem:s23+$0x20];
	vm4 =	vlt.s32 v5, $0x10000  }
0x41: {  	vm5 =	vlt.s32 v6, $0x10000;
	[tilespmem:v1+s3+$0x0] =	vst.idx.add.f32.msk vm0, v7  }
0x42: {  	vm6 =	vlt.s32 v8, $0x10000;
	v1 =	vld [tilespmem:s23+$0xFFFFFFE0]  }
0x43: {  	vm15 =	vlt.s32 v3, $0x10000;
	[tilespmem:v2+s3+$0x0] =	vst.idx.add.f32.msk vm1, v11  }
0x44: {  	[tilespmem:v9+s3+$0x0] =	vst.idx.add.f32.msk vm2, v10  }
0x45: {  	[tilespmem:v4+s3+$0x0] =	vst.idx.add.f32.msk vm3, v63  }
0x46: {  	[tilespmem:v5+s3+$0x0] =	vst.idx.add.f32.msk vm4, v12  }
0x47: {  	[tilespmem:v6+s3+$0x0] =	vst.idx.add.f32.msk vm5, v13  }
0x48: {  	[tilespmem:v8+s3+$0x0] =	vst.idx.add.f32.msk vm6, v14  }
0x49: {  	s25 =	simm.s32 $0x100C0;
	s24 =	simm.s32 $0x0;
	[tilespmem:v3+s3+$0x0] =	vst.idx.add.f32.msk vm15, v1  }
.LBB2_5:
0x4a: {  	v1 =	vld [tilespmem:s25+$0x30];
	s24 =	sadd.s32 $0x8, s24  }
0x4b: {  	v2 =	vld [tilespmem:s25+$0xFFFFFFD0];
	p0 =	slt.u32 s24, $0x1F8  }
0x4c: {  	v3 =	vld [tilespmem:s25+$0xFFFFFFE0]  }
0x4d: {  	v4 =	vld [tilespmem:s25+$0xFFFFFFF0]  }
0x4e: {  	v5 =	vld [tilespmem:s25+$0x0]  }
0x4f: {  	s23 =	sadd.s32 $0x80, s23;
	v6 =	vld [tilespmem:s25+$0x10];
	vm0 =	vlt.s32 v1, $0x10000  }
0x50: {  	vm1 =	vlt.s32 v2, $0x10000;
	v7 =	vld [tilespmem:s23+$0x30]  }
0x51: {  	vm2 =	vlt.s32 v3, $0x10000;
	v8 =	vld [tilespmem:s25+$0x20]  }
0x52: {  	v9 =	vld [tilespmem:s25+$0xFFFFFFC0];
	vm3 =	vlt.s32 v4, $0x10000  }
0x53: {  	v10 =	vld [tilespmem:s23+$0xFFFFFFC0];
	vm4 =	vlt.s32 v5, $0x10000  }
0x54: {  	v11 =	vld [tilespmem:s23+$0xFFFFFFD0];
	vm5 =	vlt.s32 v6, $0x10000  }
0x55: {  	[tilespmem:v1+s3+$0x0] =	vst.idx.add.f32.msk vm0, v7  }
0x56: {  	v1 =	vld [tilespmem:s23+$0xFFFFFFE0];
	vm0 =	vlt.s32 v8, $0x10000  }
0x57: {  	vm6 =	vlt.s32 v9, $0x10000;
	v7 =	vld [tilespmem:s23+$0xFFFFFFF0]  }
0x58: {  	v12 =	vld [tilespmem:s23+$0x0]  }
0x59: {  	v13 =	vld [tilespmem:s23+$0x10]  }
0x5a: {  	v14 =	vld [tilespmem:s23+$0x20]  }
0x5b: {  	[tilespmem:v2+s3+$0x0] =	vst.idx.add.f32.msk vm1, v11  }
0x5c: {  	[tilespmem:v3+s3+$0x0] =	vst.idx.add.f32.msk vm2, v1  }
.Ltmp1:
0x5d: {  	[tilespmem:v9+s3+$0x0] =	vst.idx.add.f32.msk vm6, v10;
	(pc) =	sbr.rel @p0 .LBB2_5-.Ltmp1, $4  }
0x5e: {  	[tilespmem:v4+s3+$0x0] =	vst.idx.add.f32.msk vm3, v7  }
0x5f: {  	[tilespmem:v5+s3+$0x0] =	vst.idx.add.f32.msk vm4, v12  }
0x60: {  	[tilespmem:v6+s3+$0x0] =	vst.idx.add.f32.msk vm5, v13  }
0x61: {  	s25 =	sadd.s32 $0x80, s25;
	[tilespmem:v8+s3+$0x0] =	vst.idx.add.f32.msk vm0, v14  }
0x62: {  	s23 =	sor.u32 $0x4000, s22  }
0x63: {  	s24 =	sadd.s32 s1, s23  }
0x64: {  	[tilespmem:s12], [sflag:$0x1] =	stream.strided.gather [hbm4b:s24+s10], $0x2000, s11, s10, $0x38;
	[tilespmem:$0x18000] =	vst v63  }
0x65: {  	s23 =	sadd.s32 s5, s23  }
0x66: {  	[tilespmem:s13], [sflag:$0x1] =	stream.strided.gather [hbm4b:s23+s10], $0x2000, s11, s10, $0x38;
	[tilespmem:$0x18000] =	vst v63  }
0x67: {  	_ =	swait.ge [sflag:s17], $0x2000  }
0x68: {  	[sflag:s17] =	ssyncset.done $0x0  }
0x69: {  	[sflag:s17] =	ssyncadd.s32 $0xFFFFE000  }
0x6a: {  	_ =	swait.ge [sflag:s17], $0x2000  }
0x6b: {  	[sflag:s17] =	ssyncset.done $0x0  }
0x6c: {  	s31 =	simm.s32 $0x14040;
	[sflag:s17] =	ssyncadd.s32 $0xFFFFE000  }
0x6d: {  	v1 =	vld [tilespmem:s31+$0x30]  }
0x6e: {  	v2 =	vld [tilespmem:s31+$0xFFFFFFD0]  }
0x6f: {  	v3 =	vld [tilespmem:s31+$0xFFFFFFE0]  }
0x70: {  	v4 =	vld [tilespmem:s31+$0xFFFFFFF0]  }
0x71: {  	v5 =	vld [tilespmem:s31+$0x0]  }
0x72: {  	s23 =	simm.s32 $0x16040;
	v6 =	vld [tilespmem:s31+$0x10]  }
0x73: {  	v7 =	vld [tilespmem:s23+$0x30]  }
0x74: {  	v9 =	vld [tilespmem:s31+$0xFFFFFFC0]  }
0x75: {  	v8 =	vld [tilespmem:s31+$0x20]  }
0x76: {  	v10 =	vld [tilespmem:s23+$0xFFFFFFC0];
	vm0 =	vlt.s32 v1, $0x10000  }
0x77: {  	v11 =	vld [tilespmem:s23+$0xFFFFFFD0]  }
0x78: {  	v63 =	vld [tilespmem:s23+$0xFFFFFFF0];
	vm1 =	vlt.s32 v2, $0x10000  }
0x79: {  	v12 =	vld [tilespmem:s23+$0x0];
	vm2 =	vlt.s32 v9, $0x10000  }
0x7a: {  	v13 =	vld [tilespmem:s23+$0x10];
	vm3 =	vlt.s32 v4, $0x10000  }
0x7b: {  	v14 =	vld [tilespmem:s23+$0x20];
	vm4 =	vlt.s32 v5, $0x10000  }
0x7c: {  	vm5 =	vlt.s32 v6, $0x10000;
	[tilespmem:v1+s3+$0x0] =	vst.idx.add.f32.msk vm0, v7  }
0x7d: {  	vm6 =	vlt.s32 v8, $0x10000;
	v1 =	vld [tilespmem:s23+$0xFFFFFFE0]  }
0x7e: {  	vm15 =	vlt.s32 v3, $0x10000;
	[tilespmem:v2+s3+$0x0] =	vst.idx.add.f32.msk vm1, v11  }
0x7f: {  	[tilespmem:v9+s3+$0x0] =	vst.idx.add.f32.msk vm2, v10  }
0x80: {  	[tilespmem:v4+s3+$0x0] =	vst.idx.add.f32.msk vm3, v63  }
0x81: {  	[tilespmem:v5+s3+$0x0] =	vst.idx.add.f32.msk vm4, v12  }
0x82: {  	[tilespmem:v6+s3+$0x0] =	vst.idx.add.f32.msk vm5, v13  }
0x83: {  	[tilespmem:v8+s3+$0x0] =	vst.idx.add.f32.msk vm6, v14  }
0x84: {  	s25 =	simm.s32 $0x140C0;
	s24 =	simm.s32 $0x0;
	[tilespmem:v3+s3+$0x0] =	vst.idx.add.f32.msk vm15, v1  }
.LBB2_7:
0x85: {  	v1 =	vld [tilespmem:s25+$0x30];
	s24 =	sadd.s32 $0x8, s24  }
0x86: {  	v2 =	vld [tilespmem:s25+$0xFFFFFFD0];
	p0 =	slt.u32 s24, $0x1F8  }
0x87: {  	v3 =	vld [tilespmem:s25+$0xFFFFFFE0]  }
0x88: {  	v4 =	vld [tilespmem:s25+$0xFFFFFFF0]  }
0x89: {  	v5 =	vld [tilespmem:s25+$0x0]  }
0x8a: {  	s23 =	sadd.s32 $0x80, s23;
	v6 =	vld [tilespmem:s25+$0x10];
	vm0 =	vlt.s32 v1, $0x10000  }
0x8b: {  	vm1 =	vlt.s32 v2, $0x10000;
	v7 =	vld [tilespmem:s23+$0x30]  }
0x8c: {  	vm2 =	vlt.s32 v3, $0x10000;
	v8 =	vld [tilespmem:s25+$0x20]  }
0x8d: {  	v9 =	vld [tilespmem:s25+$0xFFFFFFC0];
	vm3 =	vlt.s32 v4, $0x10000  }
0x8e: {  	v10 =	vld [tilespmem:s23+$0xFFFFFFC0];
	vm4 =	vlt.s32 v5, $0x10000  }
0x8f: {  	v11 =	vld [tilespmem:s23+$0xFFFFFFD0];
	vm5 =	vlt.s32 v6, $0x10000  }
0x90: {  	[tilespmem:v1+s3+$0x0] =	vst.idx.add.f32.msk vm0, v7  }
0x91: {  	v1 =	vld [tilespmem:s23+$0xFFFFFFE0];
	vm0 =	vlt.s32 v8, $0x10000  }
0x92: {  	vm6 =	vlt.s32 v9, $0x10000;
	v7 =	vld [tilespmem:s23+$0xFFFFFFF0]  }
0x93: {  	v12 =	vld [tilespmem:s23+$0x0]  }
0x94: {  	v13 =	vld [tilespmem:s23+$0x10]  }
0x95: {  	v14 =	vld [tilespmem:s23+$0x20]  }
0x96: {  	[tilespmem:v2+s3+$0x0] =	vst.idx.add.f32.msk vm1, v11  }
0x97: {  	[tilespmem:v3+s3+$0x0] =	vst.idx.add.f32.msk vm2, v1  }
.Ltmp2:
0x98: {  	[tilespmem:v9+s3+$0x0] =	vst.idx.add.f32.msk vm6, v10;
	(pc) =	sbr.rel @p0 .LBB2_7-.Ltmp2, $4  }
0x99: {  	[tilespmem:v4+s3+$0x0] =	vst.idx.add.f32.msk vm3, v7  }
0x9a: {  	[tilespmem:v5+s3+$0x0] =	vst.idx.add.f32.msk vm4, v12  }
0x9b: {  	[tilespmem:v6+s3+$0x0] =	vst.idx.add.f32.msk vm5, v13  }
0x9c: {  	s25 =	sadd.s32 $0x80, s25;
	[tilespmem:v8+s3+$0x0] =	vst.idx.add.f32.msk vm0, v14  }
0x9d: {  	s23 =	sor.u32 $0x6000, s22  }
0x9e: {  	s24 =	sadd.s32 s1, s23  }
0x9f: {  	[tilespmem:s14], [sflag:$0x2] =	stream.strided.gather [hbm4b:s24+s10], $0x2000, s11, s10, $0x38;
	[tilespmem:$0x18000] =	vst v63  }
0xa0: {  	s23 =	sadd.s32 s5, s23  }
0xa1: {  	[tilespmem:s15], [sflag:$0x2] =	stream.strided.gather [hbm4b:s23+s10], $0x2000, s11, s10, $0x38;
	[tilespmem:$0x18000] =	vst v63  }
0xa2: {  	_ =	swait.ge [sflag:s16], $0x2000  }
0xa3: {  	[sflag:s16] =	ssyncset.done $0x0  }
0xa4: {  	[sflag:s16] =	ssyncadd.s32 $0xFFFFE000  }
0xa5: {  	_ =	swait.ge [sflag:s16], $0x2000  }
0xa6: {  	[sflag:s16] =	ssyncset.done $0x0  }
0xa7: {  	s31 =	simm.s32 $0x10040;
	[sflag:s16] =	ssyncadd.s32 $0xFFFFE000  }
0xa8: {  	v1 =	vld [tilespmem:s31+$0x30]  }
0xa9: {  	v2 =	vld [tilespmem:s31+$0xFFFFFFD0]  }
0xaa: {  	v3 =	vld [tilespmem:s31+$0xFFFFFFE0]  }
0xab: {  	v4 =	vld [tilespmem:s31+$0xFFFFFFF0]  }
0xac: {  	v5 =	vld [tilespmem:s31+$0x0]  }
0xad: {  	s23 =	simm.s32 $0x12040;
	v6 =	vld [tilespmem:s31+$0x10]  }
0xae: {  	v7 =	vld [tilespmem:s23+$0x30]  }
0xaf: {  	v9 =	vld [tilespmem:s31+$0xFFFFFFC0]  }
0xb0: {  	v8 =	vld [tilespmem:s31+$0x20]  }
0xb1: {  	v10 =	vld [tilespmem:s23+$0xFFFFFFC0];
	vm0 =	vlt.s32 v1, $0x10000  }
0xb2: {  	v11 =	vld [tilespmem:s23+$0xFFFFFFD0]  }
0xb3: {  	v63 =	vld [tilespmem:s23+$0xFFFFFFF0];
	vm1 =	vlt.s32 v2, $0x10000  }
0xb4: {  	v12 =	vld [tilespmem:s23+$0x0];
	vm2 =	vlt.s32 v9, $0x10000  }
0xb5: {  	v13 =	vld [tilespmem:s23+$0x10];
	vm3 =	vlt.s32 v4, $0x10000  }
0xb6: {  	v14 =	vld [tilespmem:s23+$0x20];
	vm4 =	vlt.s32 v5, $0x10000  }
0xb7: {  	vm5 =	vlt.s32 v6, $0x10000;
	[tilespmem:v1+s3+$0x0] =	vst.idx.add.f32.msk vm0, v7  }
0xb8: {  	vm6 =	vlt.s32 v8, $0x10000;
	v1 =	vld [tilespmem:s23+$0xFFFFFFE0]  }
0xb9: {  	vm15 =	vlt.s32 v3, $0x10000;
	[tilespmem:v2+s3+$0x0] =	vst.idx.add.f32.msk vm1, v11  }
0xba: {  	[tilespmem:v9+s3+$0x0] =	vst.idx.add.f32.msk vm2, v10  }
0xbb: {  	[tilespmem:v4+s3+$0x0] =	vst.idx.add.f32.msk vm3, v63  }
0xbc: {  	[tilespmem:v5+s3+$0x0] =	vst.idx.add.f32.msk vm4, v12  }
0xbd: {  	[tilespmem:v6+s3+$0x0] =	vst.idx.add.f32.msk vm5, v13  }
0xbe: {  	[tilespmem:v8+s3+$0x0] =	vst.idx.add.f32.msk vm6, v14  }
0xbf: {  	s25 =	simm.s32 $0x100C0;
	s24 =	simm.s32 $0x0;
	[tilespmem:v3+s3+$0x0] =	vst.idx.add.f32.msk vm15, v1  }
.LBB2_9:
0xc0: {  	v1 =	vld [tilespmem:s25+$0x30];
	s24 =	sadd.s32 $0x8, s24  }
0xc1: {  	v2 =	vld [tilespmem:s25+$0xFFFFFFD0];
	p0 =	slt.u32 s24, $0x1F8  }
0xc2: {  	v3 =	vld [tilespmem:s25+$0xFFFFFFE0]  }
0xc3: {  	v4 =	vld [tilespmem:s25+$0xFFFFFFF0]  }
0xc4: {  	v5 =	vld [tilespmem:s25+$0x0]  }
0xc5: {  	s23 =	sadd.s32 $0x80, s23;
	v6 =	vld [tilespmem:s25+$0x10];
	vm0 =	vlt.s32 v1, $0x10000  }
0xc6: {  	vm1 =	vlt.s32 v2, $0x10000;
	v7 =	vld [tilespmem:s23+$0x30]  }
0xc7: {  	vm2 =	vlt.s32 v3, $0x10000;
	v8 =	vld [tilespmem:s25+$0x20]  }
0xc8: {  	v9 =	vld [tilespmem:s25+$0xFFFFFFC0];
	vm3 =	vlt.s32 v4, $0x10000  }
0xc9: {  	v10 =	vld [tilespmem:s23+$0xFFFFFFC0];
	vm4 =	vlt.s32 v5, $0x10000  }
0xca: {  	v11 =	vld [tilespmem:s23+$0xFFFFFFD0];
	vm5 =	vlt.s32 v6, $0x10000  }
0xcb: {  	[tilespmem:v1+s3+$0x0] =	vst.idx.add.f32.msk vm0, v7  }
0xcc: {  	v1 =	vld [tilespmem:s23+$0xFFFFFFE0];
	vm0 =	vlt.s32 v8, $0x10000  }
0xcd: {  	vm6 =	vlt.s32 v9, $0x10000;
	v7 =	vld [tilespmem:s23+$0xFFFFFFF0]  }
0xce: {  	v12 =	vld [tilespmem:s23+$0x0]  }
0xcf: {  	v13 =	vld [tilespmem:s23+$0x10]  }
0xd0: {  	v14 =	vld [tilespmem:s23+$0x20]  }
0xd1: {  	[tilespmem:v2+s3+$0x0] =	vst.idx.add.f32.msk vm1, v11  }
0xd2: {  	[tilespmem:v3+s3+$0x0] =	vst.idx.add.f32.msk vm2, v1  }
.Ltmp3:
0xd3: {  	[tilespmem:v9+s3+$0x0] =	vst.idx.add.f32.msk vm6, v10;
	(pc) =	sbr.rel @p0 .LBB2_9-.Ltmp3, $4  }
0xd4: {  	[tilespmem:v4+s3+$0x0] =	vst.idx.add.f32.msk vm3, v7  }
0xd5: {  	[tilespmem:v5+s3+$0x0] =	vst.idx.add.f32.msk vm4, v12  }
0xd6: {  	[tilespmem:v6+s3+$0x0] =	vst.idx.add.f32.msk vm5, v13  }
0xd7: {  	s25 =	sadd.s32 $0x80, s25;
	[tilespmem:v8+s3+$0x0] =	vst.idx.add.f32.msk vm0, v14  }
0xd8: {  	s23 =	sor.u32 $0x8000, s22  }
0xd9: {  	s24 =	sadd.s32 s1, s23  }
0xda: {  	[tilespmem:s12], [sflag:$0x1] =	stream.strided.gather [hbm4b:s24+s10], $0x2000, s11, s10, $0x38;
	[tilespmem:$0x18000] =	vst v63  }
0xdb: {  	s23 =	sadd.s32 s5, s23  }
0xdc: {  	[tilespmem:s13], [sflag:$0x1] =	stream.strided.gather [hbm4b:s23+s10], $0x2000, s11, s10, $0x38;
	[tilespmem:$0x18000] =	vst v63  }
0xdd: {  	_ =	swait.ge [sflag:s17], $0x2000  }
0xde: {  	[sflag:s17] =	ssyncset.done $0x0  }
0xdf: {  	[sflag:s17] =	ssyncadd.s32 $0xFFFFE000  }
0xe0: {  	_ =	swait.ge [sflag:s17], $0x2000  }
0xe1: {  	[sflag:s17] =	ssyncset.done $0x0  }
0xe2: {  	s31 =	simm.s32 $0x14040;
	[sflag:s17] =	ssyncadd.s32 $0xFFFFE000  }
0xe3: {  	v1 =	vld [tilespmem:s31+$0x30]  }
0xe4: {  	v2 =	vld [tilespmem:s31+$0xFFFFFFD0]  }
0xe5: {  	v3 =	vld [tilespmem:s31+$0xFFFFFFE0]  }
0xe6: {  	v4 =	vld [tilespmem:s31+$0xFFFFFFF0]  }
0xe7: {  	v5 =	vld [tilespmem:s31+$0x0]  }
0xe8: {  	s23 =	simm.s32 $0x16040;
	v6 =	vld [tilespmem:s31+$0x10]  }
0xe9: {  	v7 =	vld [tilespmem:s23+$0x30]  }
0xea: {  	v9 =	vld [tilespmem:s31+$0xFFFFFFC0]  }
0xeb: {  	v8 =	vld [tilespmem:s31+$0x20]  }
0xec: {  	v10 =	vld [tilespmem:s23+$0xFFFFFFC0];
	vm0 =	vlt.s32 v1, $0x10000  }
0xed: {  	v11 =	vld [tilespmem:s23+$0xFFFFFFD0]  }
0xee: {  	v63 =	vld [tilespmem:s23+$0xFFFFFFF0];
	vm1 =	vlt.s32 v2, $0x10000  }
0xef: {  	v12 =	vld [tilespmem:s23+$0x0];
	vm2 =	vlt.s32 v9, $0x10000  }
0xf0: {  	v13 =	vld [tilespmem:s23+$0x10];
	vm3 =	vlt.s32 v4, $0x10000  }
0xf1: {  	v14 =	vld [tilespmem:s23+$0x20];
	vm4 =	vlt.s32 v5, $0x10000  }
0xf2: {  	vm5 =	vlt.s32 v6, $0x10000;
	[tilespmem:v1+s3+$0x0] =	vst.idx.add.f32.msk vm0, v7  }
0xf3: {  	vm6 =	vlt.s32 v8, $0x10000;
	v1 =	vld [tilespmem:s23+$0xFFFFFFE0]  }
0xf4: {  	vm15 =	vlt.s32 v3, $0x10000;
	[tilespmem:v2+s3+$0x0] =	vst.idx.add.f32.msk vm1, v11  }
0xf5: {  	[tilespmem:v9+s3+$0x0] =	vst.idx.add.f32.msk vm2, v10  }
0xf6: {  	[tilespmem:v4+s3+$0x0] =	vst.idx.add.f32.msk vm3, v63  }
0xf7: {  	[tilespmem:v5+s3+$0x0] =	vst.idx.add.f32.msk vm4, v12  }
0xf8: {  	[tilespmem:v6+s3+$0x0] =	vst.idx.add.f32.msk vm5, v13  }
0xf9: {  	[tilespmem:v8+s3+$0x0] =	vst.idx.add.f32.msk vm6, v14  }
0xfa: {  	s25 =	simm.s32 $0x140C0;
	s24 =	simm.s32 $0x0;
	[tilespmem:v3+s3+$0x0] =	vst.idx.add.f32.msk vm15, v1  }
.LBB2_11:
0xfb: {  	v1 =	vld [tilespmem:s25+$0x30];
	s24 =	sadd.s32 $0x8, s24  }
0xfc: {  	v2 =	vld [tilespmem:s25+$0xFFFFFFD0];
	p0 =	slt.u32 s24, $0x1F8  }
0xfd: {  	v3 =	vld [tilespmem:s25+$0xFFFFFFE0]  }
0xfe: {  	v4 =	vld [tilespmem:s25+$0xFFFFFFF0]  }
0xff: {  	v5 =	vld [tilespmem:s25+$0x0]  }
0x100: {  	s23 =	sadd.s32 $0x80, s23;
	v6 =	vld [tilespmem:s25+$0x10];
	vm0 =	vlt.s32 v1, $0x10000  }
0x101: {  	vm1 =	vlt.s32 v2, $0x10000;
	v7 =	vld [tilespmem:s23+$0x30]  }
0x102: {  	vm2 =	vlt.s32 v3, $0x10000;
	v8 =	vld [tilespmem:s25+$0x20]  }
0x103: {  	v9 =	vld [tilespmem:s25+$0xFFFFFFC0];
	vm3 =	vlt.s32 v4, $0x10000  }
0x104: {  	v10 =	vld [tilespmem:s23+$0xFFFFFFC0];
	vm4 =	vlt.s32 v5, $0x10000  }
0x105: {  	v11 =	vld [tilespmem:s23+$0xFFFFFFD0];
	vm5 =	vlt.s32 v6, $0x10000  }
0x106: {  	[tilespmem:v1+s3+$0x0] =	vst.idx.add.f32.msk vm0, v7  }
0x107: {  	v1 =	vld [tilespmem:s23+$0xFFFFFFE0];
	vm0 =	vlt.s32 v8, $0x10000  }
0x108: {  	vm6 =	vlt.s32 v9, $0x10000;
	v7 =	vld [tilespmem:s23+$0xFFFFFFF0]  }
0x109: {  	v12 =	vld [tilespmem:s23+$0x0]  }
0x10a: {  	v13 =	vld [tilespmem:s23+$0x10]  }
0x10b: {  	v14 =	vld [tilespmem:s23+$0x20]  }
0x10c: {  	[tilespmem:v2+s3+$0x0] =	vst.idx.add.f32.msk vm1, v11  }
0x10d: {  	[tilespmem:v3+s3+$0x0] =	vst.idx.add.f32.msk vm2, v1  }
.Ltmp4:
0x10e: {  	[tilespmem:v9+s3+$0x0] =	vst.idx.add.f32.msk vm6, v10;
	(pc) =	sbr.rel @p0 .LBB2_11-.Ltmp4, $4  }
0x10f: {  	[tilespmem:v4+s3+$0x0] =	vst.idx.add.f32.msk vm3, v7  }
0x110: {  	[tilespmem:v5+s3+$0x0] =	vst.idx.add.f32.msk vm4, v12  }
0x111: {  	[tilespmem:v6+s3+$0x0] =	vst.idx.add.f32.msk vm5, v13  }
0x112: {  	s25 =	sadd.s32 $0x80, s25;
	[tilespmem:v8+s3+$0x0] =	vst.idx.add.f32.msk vm0, v14  }
0x113: {  	s23 =	sor.u32 $0xA000, s22  }
0x114: {  	s24 =	sadd.s32 s1, s23  }
0x115: {  	[tilespmem:s14], [sflag:$0x2] =	stream.strided.gather [hbm4b:s24+s10], $0x2000, s11, s10, $0x38;
	[tilespmem:$0x18000] =	vst v63  }
0x116: {  	s23 =	sadd.s32 s5, s23  }
0x117: {  	[tilespmem:s15], [sflag:$0x2] =	stream.strided.gather [hbm4b:s23+s10], $0x2000, s11, s10, $0x38;
	[tilespmem:$0x18000] =	vst v63  }
0x118: {  	_ =	swait.ge [sflag:s16], $0x2000  }
0x119: {  	[sflag:s16] =	ssyncset.done $0x0  }
0x11a: {  	[sflag:s16] =	ssyncadd.s32 $0xFFFFE000  }
0x11b: {  	_ =	swait.ge [sflag:s16], $0x2000  }
0x11c: {  	[sflag:s16] =	ssyncset.done $0x0  }
0x11d: {  	s31 =	simm.s32 $0x10040;
	[sflag:s16] =	ssyncadd.s32 $0xFFFFE000  }
0x11e: {  	v1 =	vld [tilespmem:s31+$0x30]  }
0x11f: {  	v2 =	vld [tilespmem:s31+$0xFFFFFFD0]  }
0x120: {  	v3 =	vld [tilespmem:s31+$0xFFFFFFE0]  }
0x121: {  	v4 =	vld [tilespmem:s31+$0xFFFFFFF0]  }
0x122: {  	v5 =	vld [tilespmem:s31+$0x0]  }
0x123: {  	s23 =	simm.s32 $0x12040;
	v6 =	vld [tilespmem:s31+$0x10]  }
0x124: {  	v7 =	vld [tilespmem:s23+$0x30]  }
0x125: {  	v9 =	vld [tilespmem:s31+$0xFFFFFFC0]  }
0x126: {  	v8 =	vld [tilespmem:s31+$0x20]  }
0x127: {  	v10 =	vld [tilespmem:s23+$0xFFFFFFC0];
	vm0 =	vlt.s32 v1, $0x10000  }
0x128: {  	v11 =	vld [tilespmem:s23+$0xFFFFFFD0]  }
0x129: {  	v63 =	vld [tilespmem:s23+$0xFFFFFFF0];
	vm1 =	vlt.s32 v2, $0x10000  }
0x12a: {  	v12 =	vld [tilespmem:s23+$0x0];
	vm2 =	vlt.s32 v9, $0x10000  }
0x12b: {  	v13 =	vld [tilespmem:s23+$0x10];
	vm3 =	vlt.s32 v4, $0x10000  }
0x12c: {  	v14 =	vld [tilespmem:s23+$0x20];
	vm4 =	vlt.s32 v5, $0x10000  }
0x12d: {  	vm5 =	vlt.s32 v6, $0x10000;
	[tilespmem:v1+s3+$0x0] =	vst.idx.add.f32.msk vm0, v7  }
0x12e: {  	vm6 =	vlt.s32 v8, $0x10000;
	v1 =	vld [tilespmem:s23+$0xFFFFFFE0]  }
0x12f: {  	vm15 =	vlt.s32 v3, $0x10000;
	[tilespmem:v2+s3+$0x0] =	vst.idx.add.f32.msk vm1, v11  }
0x130: {  	[tilespmem:v9+s3+$0x0] =	vst.idx.add.f32.msk vm2, v10  }
0x131: {  	[tilespmem:v4+s3+$0x0] =	vst.idx.add.f32.msk vm3, v63  }
0x132: {  	[tilespmem:v5+s3+$0x0] =	vst.idx.add.f32.msk vm4, v12  }
0x133: {  	[tilespmem:v6+s3+$0x0] =	vst.idx.add.f32.msk vm5, v13  }
0x134: {  	[tilespmem:v8+s3+$0x0] =	vst.idx.add.f32.msk vm6, v14  }
0x135: {  	s25 =	simm.s32 $0x100C0;
	s24 =	simm.s32 $0x0;
	[tilespmem:v3+s3+$0x0] =	vst.idx.add.f32.msk vm15, v1  }
.LBB2_13:
0x136: {  	v1 =	vld [tilespmem:s25+$0x30];
	s24 =	sadd.s32 $0x8, s24  }
0x137: {  	v2 =	vld [tilespmem:s25+$0xFFFFFFD0];
	p0 =	slt.u32 s24, $0x1F8  }
0x138: {  	v3 =	vld [tilespmem:s25+$0xFFFFFFE0]  }
0x139: {  	v4 =	vld [tilespmem:s25+$0xFFFFFFF0]  }
0x13a: {  	v5 =	vld [tilespmem:s25+$0x0]  }
0x13b: {  	s23 =	sadd.s32 $0x80, s23;
	v6 =	vld [tilespmem:s25+$0x10];
	vm0 =	vlt.s32 v1, $0x10000  }
0x13c: {  	vm1 =	vlt.s32 v2, $0x10000;
	v7 =	vld [tilespmem:s23+$0x30]  }
0x13d: {  	vm2 =	vlt.s32 v3, $0x10000;
	v8 =	vld [tilespmem:s25+$0x20]  }
0x13e: {  	v9 =	vld [tilespmem:s25+$0xFFFFFFC0];
	vm3 =	vlt.s32 v4, $0x10000  }
0x13f: {  	v10 =	vld [tilespmem:s23+$0xFFFFFFC0];
	vm4 =	vlt.s32 v5, $0x10000  }
0x140: {  	v11 =	vld [tilespmem:s23+$0xFFFFFFD0];
	vm5 =	vlt.s32 v6, $0x10000  }
0x141: {  	[tilespmem:v1+s3+$0x0] =	vst.idx.add.f32.msk vm0, v7  }
0x142: {  	v1 =	vld [tilespmem:s23+$0xFFFFFFE0];
	vm0 =	vlt.s32 v8, $0x10000  }
0x143: {  	vm6 =	vlt.s32 v9, $0x10000;
	v7 =	vld [tilespmem:s23+$0xFFFFFFF0]  }
0x144: {  	v12 =	vld [tilespmem:s23+$0x0]  }
0x145: {  	v13 =	vld [tilespmem:s23+$0x10]  }
0x146: {  	v14 =	vld [tilespmem:s23+$0x20]  }
0x147: {  	[tilespmem:v2+s3+$0x0] =	vst.idx.add.f32.msk vm1, v11  }
0x148: {  	[tilespmem:v3+s3+$0x0] =	vst.idx.add.f32.msk vm2, v1  }
.Ltmp5:
0x149: {  	[tilespmem:v9+s3+$0x0] =	vst.idx.add.f32.msk vm6, v10;
	(pc) =	sbr.rel @p0 .LBB2_13-.Ltmp5, $4  }
0x14a: {  	[tilespmem:v4+s3+$0x0] =	vst.idx.add.f32.msk vm3, v7  }
0x14b: {  	[tilespmem:v5+s3+$0x0] =	vst.idx.add.f32.msk vm4, v12  }
0x14c: {  	[tilespmem:v6+s3+$0x0] =	vst.idx.add.f32.msk vm5, v13  }
0x14d: {  	s25 =	sadd.s32 $0x80, s25;
	[tilespmem:v8+s3+$0x0] =	vst.idx.add.f32.msk vm0, v14  }
0x14e: {  	s23 =	sor.u32 $0xC000, s22  }
0x14f: {  	s24 =	sadd.s32 s1, s23  }
0x150: {  	[tilespmem:s12], [sflag:$0x1] =	stream.strided.gather [hbm4b:s24+s10], $0x2000, s11, s10, $0x38;
	[tilespmem:$0x18000] =	vst v63  }
0x151: {  	s23 =	sadd.s32 s5, s23  }
0x152: {  	[tilespmem:s13], [sflag:$0x1] =	stream.strided.gather [hbm4b:s23+s10], $0x2000, s11, s10, $0x38;
	[tilespmem:$0x18000] =	vst v63  }
0x153: {  	_ =	swait.ge [sflag:s17], $0x2000  }
0x154: {  	[sflag:s17] =	ssyncset.done $0x0  }
0x155: {  	[sflag:s17] =	ssyncadd.s32 $0xFFFFE000  }
0x156: {  	_ =	swait.ge [sflag:s17], $0x2000  }
0x157: {  	[sflag:s17] =	ssyncset.done $0x0  }
0x158: {  	s31 =	simm.s32 $0x14040;
	[sflag:s17] =	ssyncadd.s32 $0xFFFFE000  }
0x159: {  	v1 =	vld [tilespmem:s31+$0x30]  }
0x15a: {  	v2 =	vld [tilespmem:s31+$0xFFFFFFD0]  }
0x15b: {  	v3 =	vld [tilespmem:s31+$0xFFFFFFE0]  }
0x15c: {  	v4 =	vld [tilespmem:s31+$0xFFFFFFF0]  }
0x15d: {  	v5 =	vld [tilespmem:s31+$0x0]  }
0x15e: {  	s23 =	simm.s32 $0x16040;
	v6 =	vld [tilespmem:s31+$0x10]  }
0x15f: {  	v7 =	vld [tilespmem:s23+$0x30]  }
0x160: {  	v9 =	vld [tilespmem:s31+$0xFFFFFFC0]  }
0x161: {  	v8 =	vld [tilespmem:s31+$0x20]  }
0x162: {  	v10 =	vld [tilespmem:s23+$0xFFFFFFC0];
	vm0 =	vlt.s32 v1, $0x10000  }
0x163: {  	v11 =	vld [tilespmem:s23+$0xFFFFFFD0]  }
0x164: {  	v63 =	vld [tilespmem:s23+$0xFFFFFFF0];
	vm1 =	vlt.s32 v2, $0x10000  }
0x165: {  	v12 =	vld [tilespmem:s23+$0x0];
	vm2 =	vlt.s32 v9, $0x10000  }
0x166: {  	v13 =	vld [tilespmem:s23+$0x10];
	vm3 =	vlt.s32 v4, $0x10000  }
0x167: {  	v14 =	vld [tilespmem:s23+$0x20];
	vm4 =	vlt.s32 v5, $0x10000  }
0x168: {  	vm5 =	vlt.s32 v6, $0x10000;
	[tilespmem:v1+s3+$0x0] =	vst.idx.add.f32.msk vm0, v7  }
0x169: {  	vm6 =	vlt.s32 v8, $0x10000;
	v1 =	vld [tilespmem:s23+$0xFFFFFFE0]  }
0x16a: {  	vm15 =	vlt.s32 v3, $0x10000;
	[tilespmem:v2+s3+$0x0] =	vst.idx.add.f32.msk vm1, v11  }
0x16b: {  	[tilespmem:v9+s3+$0x0] =	vst.idx.add.f32.msk vm2, v10  }
0x16c: {  	[tilespmem:v4+s3+$0x0] =	vst.idx.add.f32.msk vm3, v63  }
0x16d: {  	[tilespmem:v5+s3+$0x0] =	vst.idx.add.f32.msk vm4, v12  }
0x16e: {  	[tilespmem:v6+s3+$0x0] =	vst.idx.add.f32.msk vm5, v13  }
0x16f: {  	[tilespmem:v8+s3+$0x0] =	vst.idx.add.f32.msk vm6, v14  }
0x170: {  	s25 =	simm.s32 $0x140C0;
	s24 =	simm.s32 $0x0;
	[tilespmem:v3+s3+$0x0] =	vst.idx.add.f32.msk vm15, v1  }
.LBB2_15:
0x171: {  	v1 =	vld [tilespmem:s25+$0x30];
	s24 =	sadd.s32 $0x8, s24  }
0x172: {  	v2 =	vld [tilespmem:s25+$0xFFFFFFD0];
	p0 =	slt.u32 s24, $0x1F8  }
0x173: {  	v3 =	vld [tilespmem:s25+$0xFFFFFFE0]  }
0x174: {  	v4 =	vld [tilespmem:s25+$0xFFFFFFF0]  }
0x175: {  	v5 =	vld [tilespmem:s25+$0x0]  }
0x176: {  	s23 =	sadd.s32 $0x80, s23;
	v6 =	vld [tilespmem:s25+$0x10];
	vm0 =	vlt.s32 v1, $0x10000  }
0x177: {  	vm1 =	vlt.s32 v2, $0x10000;
	v7 =	vld [tilespmem:s23+$0x30]  }
0x178: {  	vm2 =	vlt.s32 v3, $0x10000;
	v8 =	vld [tilespmem:s25+$0x20]  }
0x179: {  	v9 =	vld [tilespmem:s25+$0xFFFFFFC0];
	vm3 =	vlt.s32 v4, $0x10000  }
0x17a: {  	v10 =	vld [tilespmem:s23+$0xFFFFFFC0];
	vm4 =	vlt.s32 v5, $0x10000  }
0x17b: {  	v11 =	vld [tilespmem:s23+$0xFFFFFFD0];
	vm5 =	vlt.s32 v6, $0x10000  }
0x17c: {  	[tilespmem:v1+s3+$0x0] =	vst.idx.add.f32.msk vm0, v7  }
0x17d: {  	v1 =	vld [tilespmem:s23+$0xFFFFFFE0];
	vm0 =	vlt.s32 v8, $0x10000  }
0x17e: {  	vm6 =	vlt.s32 v9, $0x10000;
	v7 =	vld [tilespmem:s23+$0xFFFFFFF0]  }
0x17f: {  	v12 =	vld [tilespmem:s23+$0x0]  }
0x180: {  	v13 =	vld [tilespmem:s23+$0x10]  }
0x181: {  	v14 =	vld [tilespmem:s23+$0x20]  }
0x182: {  	[tilespmem:v2+s3+$0x0] =	vst.idx.add.f32.msk vm1, v11  }
0x183: {  	[tilespmem:v3+s3+$0x0] =	vst.idx.add.f32.msk vm2, v1  }
.Ltmp6:
0x184: {  	[tilespmem:v9+s3+$0x0] =	vst.idx.add.f32.msk vm6, v10;
	(pc) =	sbr.rel @p0 .LBB2_15-.Ltmp6, $4  }
0x185: {  	[tilespmem:v4+s3+$0x0] =	vst.idx.add.f32.msk vm3, v7  }
0x186: {  	[tilespmem:v5+s3+$0x0] =	vst.idx.add.f32.msk vm4, v12  }
0x187: {  	[tilespmem:v6+s3+$0x0] =	vst.idx.add.f32.msk vm5, v13  }
0x188: {  	s25 =	sadd.s32 $0x80, s25;
	[tilespmem:v8+s3+$0x0] =	vst.idx.add.f32.msk vm0, v14  }
0x189: {  	s22 =	sor.u32 $0xE000, s22  }
0x18a: {  	s23 =	sadd.s32 s1, s22  }
0x18b: {  	[tilespmem:s14], [sflag:$0x2] =	stream.strided.gather [hbm4b:s23+s10], $0x2000, s11, s10, $0x38;
	[tilespmem:$0x18000] =	vst v63  }
0x18c: {  	s22 =	sadd.s32 s5, s22  }
0x18d: {  	[tilespmem:s15], [sflag:$0x2] =	stream.strided.gather [hbm4b:s22+s10], $0x2000, s11, s10, $0x38;
	[tilespmem:$0x18000] =	vst v63  }
0x18e: {  	_ =	swait.ge [sflag:s16], $0x2000  }
0x18f: {  	[sflag:s16] =	ssyncset.done $0x0  }
0x190: {  	[sflag:s16] =	ssyncadd.s32 $0xFFFFE000  }
0x191: {  	_ =	swait.ge [sflag:s16], $0x2000  }
0x192: {  	[sflag:s16] =	ssyncset.done $0x0  }
0x193: {  	s31 =	simm.s32 $0x10040;
	[sflag:s16] =	ssyncadd.s32 $0xFFFFE000  }
0x194: {  	v1 =	vld [tilespmem:s31+$0x30]  }
0x195: {  	v2 =	vld [tilespmem:s31+$0xFFFFFFD0]  }
0x196: {  	v3 =	vld [tilespmem:s31+$0xFFFFFFE0]  }
0x197: {  	v4 =	vld [tilespmem:s31+$0xFFFFFFF0]  }
0x198: {  	v5 =	vld [tilespmem:s31+$0x0]  }
0x199: {  	s22 =	simm.s32 $0x12040;
	v6 =	vld [tilespmem:s31+$0x10]  }
0x19a: {  	v7 =	vld [tilespmem:s22+$0x30]  }
0x19b: {  	v9 =	vld [tilespmem:s31+$0xFFFFFFC0]  }
0x19c: {  	v8 =	vld [tilespmem:s31+$0x20]  }
0x19d: {  	v10 =	vld [tilespmem:s22+$0xFFFFFFC0];
	vm0 =	vlt.s32 v1, $0x10000  }
0x19e: {  	v11 =	vld [tilespmem:s22+$0xFFFFFFD0]  }
0x19f: {  	v63 =	vld [tilespmem:s22+$0xFFFFFFF0];
	vm1 =	vlt.s32 v2, $0x10000  }
0x1a0: {  	v12 =	vld [tilespmem:s22+$0x0];
	vm2 =	vlt.s32 v9, $0x10000  }
0x1a1: {  	v13 =	vld [tilespmem:s22+$0x10];
	vm3 =	vlt.s32 v4, $0x10000  }
0x1a2: {  	v14 =	vld [tilespmem:s22+$0x20];
	vm4 =	vlt.s32 v5, $0x10000  }
0x1a3: {  	vm5 =	vlt.s32 v6, $0x10000;
	[tilespmem:v1+s3+$0x0] =	vst.idx.add.f32.msk vm0, v7  }
0x1a4: {  	vm6 =	vlt.s32 v8, $0x10000;
	v1 =	vld [tilespmem:s22+$0xFFFFFFE0]  }
0x1a5: {  	vm15 =	vlt.s32 v3, $0x10000;
	[tilespmem:v2+s3+$0x0] =	vst.idx.add.f32.msk vm1, v11  }
0x1a6: {  	[tilespmem:v9+s3+$0x0] =	vst.idx.add.f32.msk vm2, v10  }
0x1a7: {  	[tilespmem:v4+s3+$0x0] =	vst.idx.add.f32.msk vm3, v63  }
0x1a8: {  	[tilespmem:v5+s3+$0x0] =	vst.idx.add.f32.msk vm4, v12  }
0x1a9: {  	[tilespmem:v6+s3+$0x0] =	vst.idx.add.f32.msk vm5, v13  }
0x1aa: {  	[tilespmem:v8+s3+$0x0] =	vst.idx.add.f32.msk vm6, v14  }
0x1ab: {  	s24 =	simm.s32 $0x100C0;
	s23 =	simm.s32 $0x0;
	[tilespmem:v3+s3+$0x0] =	vst.idx.add.f32.msk vm15, v1  }
.LBB2_17:
0x1ac: {  	v1 =	vld [tilespmem:s24+$0x30];
	s23 =	sadd.s32 $0x8, s23  }
0x1ad: {  	v2 =	vld [tilespmem:s24+$0xFFFFFFD0];
	p0 =	slt.u32 s23, $0x1F8  }
0x1ae: {  	v3 =	vld [tilespmem:s24+$0xFFFFFFE0]  }
0x1af: {  	v4 =	vld [tilespmem:s24+$0xFFFFFFF0]  }
0x1b0: {  	v5 =	vld [tilespmem:s24+$0x0]  }
0x1b1: {  	s22 =	sadd.s32 $0x80, s22;
	v6 =	vld [tilespmem:s24+$0x10];
	vm0 =	vlt.s32 v1, $0x10000  }
0x1b2: {  	vm1 =	vlt.s32 v2, $0x10000;
	v7 =	vld [tilespmem:s22+$0x30]  }
0x1b3: {  	vm2 =	vlt.s32 v3, $0x10000;
	v8 =	vld [tilespmem:s24+$0x20]  }
0x1b4: {  	v9 =	vld [tilespmem:s24+$0xFFFFFFC0];
	vm3 =	vlt.s32 v4, $0x10000  }
0x1b5: {  	v10 =	vld [tilespmem:s22+$0xFFFFFFC0];
	vm4 =	vlt.s32 v5, $0x10000  }
0x1b6: {  	v11 =	vld [tilespmem:s22+$0xFFFFFFD0];
	vm5 =	vlt.s32 v6, $0x10000  }
0x1b7: {  	[tilespmem:v1+s3+$0x0] =	vst.idx.add.f32.msk vm0, v7  }
0x1b8: {  	v1 =	vld [tilespmem:s22+$0xFFFFFFE0];
	vm0 =	vlt.s32 v8, $0x10000  }
0x1b9: {  	vm6 =	vlt.s32 v9, $0x10000;
	v7 =	vld [tilespmem:s22+$0xFFFFFFF0]  }
0x1ba: {  	v12 =	vld [tilespmem:s22+$0x0]  }
0x1bb: {  	v13 =	vld [tilespmem:s22+$0x10]  }
0x1bc: {  	v14 =	vld [tilespmem:s22+$0x20]  }
0x1bd: {  	[tilespmem:v2+s3+$0x0] =	vst.idx.add.f32.msk vm1, v11  }
0x1be: {  	[tilespmem:v3+s3+$0x0] =	vst.idx.add.f32.msk vm2, v1  }
.Ltmp7:
0x1bf: {  	[tilespmem:v9+s3+$0x0] =	vst.idx.add.f32.msk vm6, v10;
	(pc) =	sbr.rel @p0 .LBB2_17-.Ltmp7, $4  }
0x1c0: {  	[tilespmem:v4+s3+$0x0] =	vst.idx.add.f32.msk vm3, v7  }
0x1c1: {  	[tilespmem:v5+s3+$0x0] =	vst.idx.add.f32.msk vm4, v12  }
0x1c2: {  	[tilespmem:v6+s3+$0x0] =	vst.idx.add.f32.msk vm5, v13  }
0x1c3: {  	s24 =	sadd.s32 $0x80, s24;
	[tilespmem:v8+s3+$0x0] =	vst.idx.add.f32.msk vm0, v14  }
0x1c4: {  	_ =	swait.ge [sflag:s17], $0x2000  }
0x1c5: {  	[sflag:s17] =	ssyncset.done $0x0  }
0x1c6: {  	[sflag:s17] =	ssyncadd.s32 $0xFFFFE000  }
0x1c7: {  	_ =	swait.ge [sflag:s17], $0x2000  }
0x1c8: {  	[sflag:s17] =	ssyncset.done $0x0  }
0x1c9: {  	s23 =	simm.s32 $0x14040;
	[sflag:s17] =	ssyncadd.s32 $0xFFFFE000  }
0x1ca: {  	v1 =	vld [tilespmem:s23+$0x30]  }
0x1cb: {  	v2 =	vld [tilespmem:s23+$0xFFFFFFD0]  }
0x1cc: {  	v3 =	vld [tilespmem:s23+$0xFFFFFFE0]  }
0x1cd: {  	v4 =	vld [tilespmem:s23+$0xFFFFFFF0]  }
0x1ce: {  	v5 =	vld [tilespmem:s23+$0x0]  }
0x1cf: {  	s22 =	simm.s32 $0x16040;
	v6 =	vld [tilespmem:s23+$0x10]  }
0x1d0: {  	v7 =	vld [tilespmem:s22+$0x30]  }
0x1d1: {  	v9 =	vld [tilespmem:s23+$0xFFFFFFC0]  }
0x1d2: {  	v8 =	vld [tilespmem:s23+$0x20]  }
0x1d3: {  	v10 =	vld [tilespmem:s22+$0xFFFFFFC0];
	vm0 =	vlt.s32 v1, $0x10000  }
0x1d4: {  	v11 =	vld [tilespmem:s22+$0xFFFFFFD0]  }
0x1d5: {  	v63 =	vld [tilespmem:s22+$0xFFFFFFF0];
	vm1 =	vlt.s32 v2, $0x10000  }
0x1d6: {  	v12 =	vld [tilespmem:s22+$0x0];
	vm2 =	vlt.s32 v9, $0x10000  }
0x1d7: {  	v13 =	vld [tilespmem:s22+$0x10];
	vm3 =	vlt.s32 v4, $0x10000  }
0x1d8: {  	v14 =	vld [tilespmem:s22+$0x20];
	vm4 =	vlt.s32 v5, $0x10000  }
0x1d9: {  	vm5 =	vlt.s32 v6, $0x10000;
	[tilespmem:v1+s3+$0x0] =	vst.idx.add.f32.msk vm0, v7  }
0x1da: {  	vm6 =	vlt.s32 v8, $0x10000;
	v1 =	vld [tilespmem:s22+$0xFFFFFFE0]  }
0x1db: {  	vm15 =	vlt.s32 v3, $0x10000;
	[tilespmem:v2+s3+$0x0] =	vst.idx.add.f32.msk vm1, v11  }
0x1dc: {  	[tilespmem:v9+s3+$0x0] =	vst.idx.add.f32.msk vm2, v10  }
0x1dd: {  	[tilespmem:v4+s3+$0x0] =	vst.idx.add.f32.msk vm3, v63  }
0x1de: {  	[tilespmem:v5+s3+$0x0] =	vst.idx.add.f32.msk vm4, v12  }
0x1df: {  	[tilespmem:v6+s3+$0x0] =	vst.idx.add.f32.msk vm5, v13  }
0x1e0: {  	[tilespmem:v8+s3+$0x0] =	vst.idx.add.f32.msk vm6, v14  }
0x1e1: {  	s24 =	simm.s32 $0x140C0;
	s23 =	simm.s32 $0x0;
	[tilespmem:v3+s3+$0x0] =	vst.idx.add.f32.msk vm15, v1  }
.LBB2_19:
0x1e2: {  	v1 =	vld [tilespmem:s24+$0x30];
	s23 =	sadd.s32 $0x8, s23  }
0x1e3: {  	v2 =	vld [tilespmem:s24+$0xFFFFFFD0];
	p0 =	slt.u32 s23, $0x1F8  }
0x1e4: {  	v3 =	vld [tilespmem:s24+$0xFFFFFFE0]  }
0x1e5: {  	v4 =	vld [tilespmem:s24+$0xFFFFFFF0]  }
0x1e6: {  	v5 =	vld [tilespmem:s24+$0x0]  }
0x1e7: {  	s22 =	sadd.s32 $0x80, s22;
	v6 =	vld [tilespmem:s24+$0x10];
	vm0 =	vlt.s32 v1, $0x10000  }
0x1e8: {  	vm1 =	vlt.s32 v2, $0x10000;
	v7 =	vld [tilespmem:s22+$0x30]  }
0x1e9: {  	vm2 =	vlt.s32 v3, $0x10000;
	v8 =	vld [tilespmem:s24+$0x20]  }
0x1ea: {  	v9 =	vld [tilespmem:s24+$0xFFFFFFC0];
	vm3 =	vlt.s32 v4, $0x10000  }
0x1eb: {  	v10 =	vld [tilespmem:s22+$0xFFFFFFC0];
	vm4 =	vlt.s32 v5, $0x10000  }
0x1ec: {  	v11 =	vld [tilespmem:s22+$0xFFFFFFD0];
	vm5 =	vlt.s32 v6, $0x10000  }
0x1ed: {  	[tilespmem:v1+s3+$0x0] =	vst.idx.add.f32.msk vm0, v7  }
0x1ee: {  	v1 =	vld [tilespmem:s22+$0xFFFFFFE0];
	vm0 =	vlt.s32 v8, $0x10000  }
0x1ef: {  	vm6 =	vlt.s32 v9, $0x10000;
	v7 =	vld [tilespmem:s22+$0xFFFFFFF0]  }
0x1f0: {  	v12 =	vld [tilespmem:s22+$0x0]  }
0x1f1: {  	v13 =	vld [tilespmem:s22+$0x10]  }
0x1f2: {  	v14 =	vld [tilespmem:s22+$0x20]  }
0x1f3: {  	[tilespmem:v2+s3+$0x0] =	vst.idx.add.f32.msk vm1, v11  }
0x1f4: {  	[tilespmem:v3+s3+$0x0] =	vst.idx.add.f32.msk vm2, v1  }
.Ltmp8:
0x1f5: {  	[tilespmem:v9+s3+$0x0] =	vst.idx.add.f32.msk vm6, v10;
	(pc) =	sbr.rel @p0 .LBB2_19-.Ltmp8, $4  }
0x1f6: {  	[tilespmem:v4+s3+$0x0] =	vst.idx.add.f32.msk vm3, v7  }
0x1f7: {  	[tilespmem:v5+s3+$0x0] =	vst.idx.add.f32.msk vm4, v12  }
0x1f8: {  	[tilespmem:v6+s3+$0x0] =	vst.idx.add.f32.msk vm5, v13  }
0x1f9: {  	s24 =	sadd.s32 $0x80, s24;
	[tilespmem:v8+s3+$0x0] =	vst.idx.add.f32.msk vm0, v14  }
0x1fa: {  	s20 =	sshll.u32 s20, $0x14  }
0x1fb: {  	s21 =	sadd.s32 $0x1, s21;
	s20 =	sor.u32 s7, s20  }
0x1fc: {  	p0 =	sne.s32 s21, $0x4;
	s20 =	sshrl.u32 s20, $0x3  }
.Ltmp9:
0x1fd: {  	s22 =	sadd.s32 s6, s20;
	s20 =	simm.s32 $0x0;
	(pc) =	sbr.rel @p0 .LBB2_2-.Ltmp9, $4  }
0x1fe: {  	[hbm4b:s22+s10] =	stream.strided.scatter [tilespmem:s20], [sflag:$0x3], $0x10000, s11, s10, $0x38;
	[tilespmem:$0x18000] =	vst v63  }
0x1ff: {  	_ =	swait.ge [sflag:s18], $0x10000  }
0x200: {  	[sflag:s18] =	ssyncset.done $0x0  }
0x201: {  	[sflag:s18] =	ssyncadd.s32 $0xFFFF0000  }
.LBB2_21:
0x202: {  	s21 =	sshll.u32 s20, $0x5  }
0x203: {  	s21 =	sor.u32 s4, s21  }
0x204: {  	s21 =	sshrl.u32 s21, $0x3  }
0x205: {  	s22 =	sshll.u32 s21, $0x13  }
0x206: {  	s22 =	sor.u32 s7, s22  }
0x207: {  	s22 =	sshrl.u32 s22, $0x3  }
0x208: {  	s23 =	sadd.s32 s1, s22  }
0x209: {  	[tilespmem:s12], [sflag:$0x1] =	stream.strided.gather [hbm4b:s23+s10], $0x2000, s11, s10, $0x38;
	[tilespmem:$0x18000] =	vst v63  }
0x20a: {  	s31 =	sadd.s32 s5, s22;
	s23 =	simm.s32 $0x40  }
0x20b: {  	[tilespmem:s13], [sflag:$0x1] =	stream.strided.gather [hbm4b:s31+s10], $0x2000, s11, s10, $0x38;
	[tilespmem:$0x18000] =	vst v63  }
0x20c: {  	[tilespmem:s23+$0xFFFFFFC0] =	vst v0  }
0x20d: {  	[tilespmem:s23+$0x30] =	vst v0  }
0x20e: {  	[tilespmem:s23+$0x20] =	vst v0  }
0x20f: {  	[tilespmem:s23+$0x10] =	vst v0  }
0x210: {  	[tilespmem:s23+$0x0] =	vst v0  }
0x211: {  	[tilespmem:s23+$0xFFFFFFF0] =	vst v0  }
0x212: {  	s24 =	simm.s32 $0x0;
	[tilespmem:s23+$0xFFFFFFE0] =	vst v0  }
.LBB2_22:
0x213: {  	s24 =	sadd.s32 $0x8, s24;
	[tilespmem:s23+$0xFFFFFFD0] =	vst v0;
	s23 =	sadd.s32 $0x80, s23  }
0x214: {  	[tilespmem:s23+$0xFFFFFFC0] =	vst v0;
	p0 =	slt.u32 s24, $0xFF8  }
0x215: {  	[tilespmem:s23+$0x30] =	vst v0  }
.Ltmp10:
0x216: {  	[tilespmem:s23+$0x20] =	vst v0;
	(pc) =	sbr.rel @p0 .LBB2_22-.Ltmp10, $4  }
0x217: {  	[tilespmem:s23+$0x10] =	vst v0  }
0x218: {  	[tilespmem:s23+$0x0] =	vst v0  }
0x219: {  	[tilespmem:s23+$0xFFFFFFF0] =	vst v0  }
0x21a: {  	[tilespmem:s23+$0xFFFFFFE0] =	vst v0  }
0x21b: {  	s24 =	sor.u32 $0x2000, s22  }
0x21c: {  	[tilespmem:s23+$0xFFFFFFD0] =	vst v0;
	s29 =	sadd.s32 s1, s24  }
0x21d: {  	[tilespmem:s14], [sflag:$0x2] =	stream.strided.gather [hbm4b:s29+s10], $0x2000, s11, s10, $0x38;
	[tilespmem:$0x18000] =	vst v63  }
0x21e: {  	s30 =	sadd.s32 s5, s24  }
0x21f: {  	[tilespmem:s15], [sflag:$0x2] =	stream.strided.gather [hbm4b:s30+s10], $0x2000, s11, s10, $0x38;
	[tilespmem:$0x18000] =	vst v63  }
0x220: {  	_ =	swait.ge [sflag:s16], $0x2000  }
0x221: {  	[sflag:s16] =	ssyncset.done $0x0  }
0x222: {  	[sflag:s16] =	ssyncadd.s32 $0xFFFFE000  }
0x223: {  	_ =	swait.ge [sflag:s16], $0x2000  }
0x224: {  	[sflag:s16] =	ssyncset.done $0x0  }
0x225: {  	s31 =	simm.s32 $0x10040;
	[sflag:s16] =	ssyncadd.s32 $0xFFFFE000  }
0x226: {  	v1 =	vld [tilespmem:s31+$0x30]  }
0x227: {  	v2 =	vld [tilespmem:s31+$0xFFFFFFD0]  }
0x228: {  	v3 =	vld [tilespmem:s31+$0xFFFFFFE0]  }
0x229: {  	v4 =	vld [tilespmem:s31+$0xFFFFFFF0]  }
0x22a: {  	v5 =	vld [tilespmem:s31+$0x0]  }
0x22b: {  	v6 =	vld [tilespmem:s31+$0x10]  }
0x22c: {  	s23 =	simm.s32 $0x12040;
	v9 =	vld [tilespmem:s31+$0xFFFFFFC0]  }
0x22d: {  	v7 =	vld [tilespmem:s23+$0x30];
	vm0 =	vgt.s32 v1, $0xFFFF  }
0x22e: {  	v8 =	vld [tilespmem:s31+$0x20];
	v1 =	vadd.s32 $0xFFFF0000, v1  }
0x22f: {  	v10 =	vld [tilespmem:s23+$0xFFFFFFC0]  }
0x230: {  	v11 =	vld [tilespmem:s23+$0xFFFFFFD0]  }
0x231: {  	v63 =	vld [tilespmem:s23+$0xFFFFFFF0];
	vm2 =	vgt.s32 v9, $0xFFFF  }
0x232: {  	v12 =	vld [tilespmem:s23+$0x0];
	vm1 =	vgt.s32 v2, $0xFFFF;
	v9 =	vadd.s32 $0xFFFF0000, v9  }
0x233: {  	vm3 =	vgt.s32 v4, $0xFFFF;
	[tilespmem:v1+s3+$0x0] =	vst.idx.add.f32.msk vm0, v7;
	v1 =	vadd.s32 $0xFFFF0000, v2  }
0x234: {  	v13 =	vld [tilespmem:s23+$0x10];
	v4 =	vadd.s32 $0xFFFF0000, v4;
	vm4 =	vgt.s32 v5, $0xFFFF  }
0x235: {  	v14 =	vld [tilespmem:s23+$0x20];
	v5 =	vadd.s32 $0xFFFF0000, v5;
	vm5 =	vgt.s32 v6, $0xFFFF  }
0x236: {  	vm15 =	vgt.s32 v3, $0xFFFF;
	v6 =	vadd.s32 $0xFFFF0000, v6;
	v2 =	vld [tilespmem:s23+$0xFFFFFFE0]  }
0x237: {  	v3 =	vadd.s32 $0xFFFF0000, v3;
	vm6 =	vgt.s32 v8, $0xFFFF;
	[tilespmem:v9+s3+$0x0] =	vst.idx.add.f32.msk vm2, v10  }
0x238: {  	[tilespmem:v1+s3+$0x0] =	vst.idx.add.f32.msk vm1, v11;
	v1 =	vadd.s32 $0xFFFF0000, v8  }
0x239: {  	[tilespmem:v4+s3+$0x0] =	vst.idx.add.f32.msk vm3, v63  }
0x23a: {  	[tilespmem:v5+s3+$0x0] =	vst.idx.add.f32.msk vm4, v12  }
0x23b: {  	[tilespmem:v6+s3+$0x0] =	vst.idx.add.f32.msk vm5, v13  }
0x23c: {  	[tilespmem:v3+s3+$0x0] =	vst.idx.add.f32.msk vm15, v2  }
0x23d: {  	s25 =	simm.s32 $0x100C0;
	s24 =	simm.s32 $0x0;
	[tilespmem:v1+s3+$0x0] =	vst.idx.add.f32.msk vm6, v14  }
.LBB2_24:
0x23e: {  	v1 =	vld [tilespmem:s25+$0x30];
	s24 =	sadd.s32 $0x8, s24  }
0x23f: {  	v2 =	vld [tilespmem:s25+$0xFFFFFFD0];
	p0 =	slt.u32 s24, $0x1F8  }
0x240: {  	v3 =	vld [tilespmem:s25+$0xFFFFFFE0]  }
0x241: {  	v4 =	vld [tilespmem:s25+$0xFFFFFFF0]  }
0x242: {  	v5 =	vld [tilespmem:s25+$0x0]  }
0x243: {  	s23 =	sadd.s32 $0x80, s23;
	v6 =	vld [tilespmem:s25+$0x10];
	vm3 =	vgt.s32 v1, $0xFFFF  }
0x244: {  	v1 =	vadd.s32 $0xFFFF0000, v1;
	vm0 =	vgt.s32 v2, $0xFFFF;
	v2 =	vadd.s32 $0xFFFF0000, v2;
	v7 =	vld [tilespmem:s23+$0x30]  }
0x245: {  	vm1 =	vgt.s32 v3, $0xFFFF;
	v3 =	vadd.s32 $0xFFFF0000, v3;
	v8 =	vld [tilespmem:s25+$0x20]  }
0x246: {  	v9 =	vld [tilespmem:s25+$0xFFFFFFC0];
	vm2 =	vgt.s32 v4, $0xFFFF;
	v4 =	vadd.s32 $0xFFFF0000, v4  }
0x247: {  	v10 =	vld [tilespmem:s23+$0xFFFFFFC0];
	vm4 =	vgt.s32 v5, $0xFFFF;
	v5 =	vadd.s32 $0xFFFF0000, v5  }
0x248: {  	v11 =	vld [tilespmem:s23+$0xFFFFFFD0];
	vm5 =	vgt.s32 v6, $0xFFFF;
	v6 =	vadd.s32 $0xFFFF0000, v6  }
0x249: {  	[tilespmem:v1+s3+$0x0] =	vst.idx.add.f32.msk vm3, v7  }
0x24a: {  	v1 =	vld [tilespmem:s23+$0xFFFFFFE0];
	vm3 =	vgt.s32 v8, $0xFFFF;
	v7 =	vadd.s32 $0xFFFF0000, v8  }
0x24b: {  	vm6 =	vgt.s32 v9, $0xFFFF;
	v8 =	vadd.s32 $0xFFFF0000, v9;
	v9 =	vld [tilespmem:s23+$0xFFFFFFF0]  }
0x24c: {  	v12 =	vld [tilespmem:s23+$0x0]  }
0x24d: {  	v13 =	vld [tilespmem:s23+$0x10]  }
0x24e: {  	v14 =	vld [tilespmem:s23+$0x20]  }
0x24f: {  	[tilespmem:v2+s3+$0x0] =	vst.idx.add.f32.msk vm0, v11  }
0x250: {  	[tilespmem:v3+s3+$0x0] =	vst.idx.add.f32.msk vm1, v1  }
.Ltmp11:
0x251: {  	[tilespmem:v8+s3+$0x0] =	vst.idx.add.f32.msk vm6, v10;
	(pc) =	sbr.rel @p0 .LBB2_24-.Ltmp11, $4  }
0x252: {  	[tilespmem:v4+s3+$0x0] =	vst.idx.add.f32.msk vm2, v9  }
0x253: {  	[tilespmem:v5+s3+$0x0] =	vst.idx.add.f32.msk vm4, v12  }
0x254: {  	[tilespmem:v6+s3+$0x0] =	vst.idx.add.f32.msk vm5, v13  }
0x255: {  	s25 =	sadd.s32 $0x80, s25;
	[tilespmem:v7+s3+$0x0] =	vst.idx.add.f32.msk vm3, v14  }
0x256: {  	s23 =	sor.u32 $0x4000, s22  }
0x257: {  	s24 =	sadd.s32 s1, s23  }
0x258: {  	[tilespmem:s12], [sflag:$0x1] =	stream.strided.gather [hbm4b:s24+s10], $0x2000, s11, s10, $0x38;
	[tilespmem:$0x18000] =	vst v63  }
0x259: {  	s23 =	sadd.s32 s5, s23  }
0x25a: {  	[tilespmem:s13], [sflag:$0x1] =	stream.strided.gather [hbm4b:s23+s10], $0x2000, s11, s10, $0x38;
	[tilespmem:$0x18000] =	vst v63  }
0x25b: {  	_ =	swait.ge [sflag:s17], $0x2000  }
0x25c: {  	[sflag:s17] =	ssyncset.done $0x0  }
0x25d: {  	[sflag:s17] =	ssyncadd.s32 $0xFFFFE000  }
0x25e: {  	_ =	swait.ge [sflag:s17], $0x2000  }
0x25f: {  	[sflag:s17] =	ssyncset.done $0x0  }
0x260: {  	s31 =	simm.s32 $0x14040;
	[sflag:s17] =	ssyncadd.s32 $0xFFFFE000  }
0x261: {  	v1 =	vld [tilespmem:s31+$0x30]  }
0x262: {  	v2 =	vld [tilespmem:s31+$0xFFFFFFD0]  }
0x263: {  	v3 =	vld [tilespmem:s31+$0xFFFFFFE0]  }
0x264: {  	v4 =	vld [tilespmem:s31+$0xFFFFFFF0]  }
0x265: {  	v5 =	vld [tilespmem:s31+$0x0]  }
0x266: {  	v6 =	vld [tilespmem:s31+$0x10]  }
0x267: {  	s23 =	simm.s32 $0x16040;
	v9 =	vld [tilespmem:s31+$0xFFFFFFC0]  }
0x268: {  	v7 =	vld [tilespmem:s23+$0x30];
	vm0 =	vgt.s32 v1, $0xFFFF  }
0x269: {  	v8 =	vld [tilespmem:s31+$0x20];
	v1 =	vadd.s32 $0xFFFF0000, v1  }
0x26a: {  	v10 =	vld [tilespmem:s23+$0xFFFFFFC0]  }
0x26b: {  	v11 =	vld [tilespmem:s23+$0xFFFFFFD0]  }
0x26c: {  	v63 =	vld [tilespmem:s23+$0xFFFFFFF0];
	vm2 =	vgt.s32 v9, $0xFFFF  }
0x26d: {  	v12 =	vld [tilespmem:s23+$0x0];
	vm1 =	vgt.s32 v2, $0xFFFF;
	v9 =	vadd.s32 $0xFFFF0000, v9  }
0x26e: {  	vm3 =	vgt.s32 v4, $0xFFFF;
	[tilespmem:v1+s3+$0x0] =	vst.idx.add.f32.msk vm0, v7;
	v1 =	vadd.s32 $0xFFFF0000, v2  }
0x26f: {  	v13 =	vld [tilespmem:s23+$0x10];
	v4 =	vadd.s32 $0xFFFF0000, v4;
	vm4 =	vgt.s32 v5, $0xFFFF  }
0x270: {  	v14 =	vld [tilespmem:s23+$0x20];
	v5 =	vadd.s32 $0xFFFF0000, v5;
	vm5 =	vgt.s32 v6, $0xFFFF  }
0x271: {  	vm15 =	vgt.s32 v3, $0xFFFF;
	v6 =	vadd.s32 $0xFFFF0000, v6;
	v2 =	vld [tilespmem:s23+$0xFFFFFFE0]  }
0x272: {  	v3 =	vadd.s32 $0xFFFF0000, v3;
	vm6 =	vgt.s32 v8, $0xFFFF;
	[tilespmem:v9+s3+$0x0] =	vst.idx.add.f32.msk vm2, v10  }
0x273: {  	[tilespmem:v1+s3+$0x0] =	vst.idx.add.f32.msk vm1, v11;
	v1 =	vadd.s32 $0xFFFF0000, v8  }
0x274: {  	[tilespmem:v4+s3+$0x0] =	vst.idx.add.f32.msk vm3, v63  }
0x275: {  	[tilespmem:v5+s3+$0x0] =	vst.idx.add.f32.msk vm4, v12  }
0x276: {  	[tilespmem:v6+s3+$0x0] =	vst.idx.add.f32.msk vm5, v13  }
0x277: {  	[tilespmem:v3+s3+$0x0] =	vst.idx.add.f32.msk vm15, v2  }
0x278: {  	s25 =	simm.s32 $0x140C0;
	s24 =	simm.s32 $0x0;
	[tilespmem:v1+s3+$0x0] =	vst.idx.add.f32.msk vm6, v14  }
.LBB2_26:
0x279: {  	v1 =	vld [tilespmem:s25+$0x30];
	s24 =	sadd.s32 $0x8, s24  }
0x27a: {  	v2 =	vld [tilespmem:s25+$0xFFFFFFD0];
	p0 =	slt.u32 s24, $0x1F8  }
0x27b: {  	v3 =	vld [tilespmem:s25+$0xFFFFFFE0]  }
0x27c: {  	v4 =	vld [tilespmem:s25+$0xFFFFFFF0]  }
0x27d: {  	v5 =	vld [tilespmem:s25+$0x0]  }
0x27e: {  	s23 =	sadd.s32 $0x80, s23;
	v6 =	vld [tilespmem:s25+$0x10];
	vm3 =	vgt.s32 v1, $0xFFFF  }
0x27f: {  	v1 =	vadd.s32 $0xFFFF0000, v1;
	vm0 =	vgt.s32 v2, $0xFFFF;
	v2 =	vadd.s32 $0xFFFF0000, v2;
	v7 =	vld [tilespmem:s23+$0x30]  }
0x280: {  	vm1 =	vgt.s32 v3, $0xFFFF;
	v3 =	vadd.s32 $0xFFFF0000, v3;
	v8 =	vld [tilespmem:s25+$0x20]  }
0x281: {  	v9 =	vld [tilespmem:s25+$0xFFFFFFC0];
	vm2 =	vgt.s32 v4, $0xFFFF;
	v4 =	vadd.s32 $0xFFFF0000, v4  }
0x282: {  	v10 =	vld [tilespmem:s23+$0xFFFFFFC0];
	vm4 =	vgt.s32 v5, $0xFFFF;
	v5 =	vadd.s32 $0xFFFF0000, v5  }
0x283: {  	v11 =	vld [tilespmem:s23+$0xFFFFFFD0];
	vm5 =	vgt.s32 v6, $0xFFFF;
	v6 =	vadd.s32 $0xFFFF0000, v6  }
0x284: {  	[tilespmem:v1+s3+$0x0] =	vst.idx.add.f32.msk vm3, v7  }
0x285: {  	v1 =	vld [tilespmem:s23+$0xFFFFFFE0];
	vm3 =	vgt.s32 v8, $0xFFFF;
	v7 =	vadd.s32 $0xFFFF0000, v8  }
0x286: {  	vm6 =	vgt.s32 v9, $0xFFFF;
	v8 =	vadd.s32 $0xFFFF0000, v9;
	v9 =	vld [tilespmem:s23+$0xFFFFFFF0]  }
0x287: {  	v12 =	vld [tilespmem:s23+$0x0]  }
0x288: {  	v13 =	vld [tilespmem:s23+$0x10]  }
0x289: {  	v14 =	vld [tilespmem:s23+$0x20]  }
0x28a: {  	[tilespmem:v2+s3+$0x0] =	vst.idx.add.f32.msk vm0, v11  }
0x28b: {  	[tilespmem:v3+s3+$0x0] =	vst.idx.add.f32.msk vm1, v1  }
.Ltmp12:
0x28c: {  	[tilespmem:v8+s3+$0x0] =	vst.idx.add.f32.msk vm6, v10;
	(pc) =	sbr.rel @p0 .LBB2_26-.Ltmp12, $4  }
0x28d: {  	[tilespmem:v4+s3+$0x0] =	vst.idx.add.f32.msk vm2, v9  }
0x28e: {  	[tilespmem:v5+s3+$0x0] =	vst.idx.add.f32.msk vm4, v12  }
0x28f: {  	[tilespmem:v6+s3+$0x0] =	vst.idx.add.f32.msk vm5, v13  }
0x290: {  	s25 =	sadd.s32 $0x80, s25;
	[tilespmem:v7+s3+$0x0] =	vst.idx.add.f32.msk vm3, v14  }
0x291: {  	s23 =	sor.u32 $0x6000, s22  }
0x292: {  	s24 =	sadd.s32 s1, s23  }
0x293: {  	[tilespmem:s14], [sflag:$0x2] =	stream.strided.gather [hbm4b:s24+s10], $0x2000, s11, s10, $0x38;
	[tilespmem:$0x18000] =	vst v63  }
0x294: {  	s23 =	sadd.s32 s5, s23  }
0x295: {  	[tilespmem:s15], [sflag:$0x2] =	stream.strided.gather [hbm4b:s23+s10], $0x2000, s11, s10, $0x38;
	[tilespmem:$0x18000] =	vst v63  }
0x296: {  	_ =	swait.ge [sflag:s16], $0x2000  }
0x297: {  	[sflag:s16] =	ssyncset.done $0x0  }
0x298: {  	[sflag:s16] =	ssyncadd.s32 $0xFFFFE000  }
0x299: {  	_ =	swait.ge [sflag:s16], $0x2000  }
0x29a: {  	[sflag:s16] =	ssyncset.done $0x0  }
0x29b: {  	s31 =	simm.s32 $0x10040;
	[sflag:s16] =	ssyncadd.s32 $0xFFFFE000  }
0x29c: {  	v1 =	vld [tilespmem:s31+$0x30]  }
0x29d: {  	v2 =	vld [tilespmem:s31+$0xFFFFFFD0]  }
0x29e: {  	v3 =	vld [tilespmem:s31+$0xFFFFFFE0]  }
0x29f: {  	v4 =	vld [tilespmem:s31+$0xFFFFFFF0]  }
0x2a0: {  	v5 =	vld [tilespmem:s31+$0x0]  }
0x2a1: {  	v6 =	vld [tilespmem:s31+$0x10]  }
0x2a2: {  	s23 =	simm.s32 $0x12040;
	v9 =	vld [tilespmem:s31+$0xFFFFFFC0]  }
0x2a3: {  	v7 =	vld [tilespmem:s23+$0x30];
	vm0 =	vgt.s32 v1, $0xFFFF  }
0x2a4: {  	v8 =	vld [tilespmem:s31+$0x20];
	v1 =	vadd.s32 $0xFFFF0000, v1  }
0x2a5: {  	v10 =	vld [tilespmem:s23+$0xFFFFFFC0]  }
0x2a6: {  	v11 =	vld [tilespmem:s23+$0xFFFFFFD0]  }
0x2a7: {  	v63 =	vld [tilespmem:s23+$0xFFFFFFF0];
	vm2 =	vgt.s32 v9, $0xFFFF  }
0x2a8: {  	v12 =	vld [tilespmem:s23+$0x0];
	vm1 =	vgt.s32 v2, $0xFFFF;
	v9 =	vadd.s32 $0xFFFF0000, v9  }
0x2a9: {  	vm3 =	vgt.s32 v4, $0xFFFF;
	[tilespmem:v1+s3+$0x0] =	vst.idx.add.f32.msk vm0, v7;
	v1 =	vadd.s32 $0xFFFF0000, v2  }
0x2aa: {  	v13 =	vld [tilespmem:s23+$0x10];
	v4 =	vadd.s32 $0xFFFF0000, v4;
	vm4 =	vgt.s32 v5, $0xFFFF  }
0x2ab: {  	v14 =	vld [tilespmem:s23+$0x20];
	v5 =	vadd.s32 $0xFFFF0000, v5;
	vm5 =	vgt.s32 v6, $0xFFFF  }
0x2ac: {  	vm15 =	vgt.s32 v3, $0xFFFF;
	v6 =	vadd.s32 $0xFFFF0000, v6;
	v2 =	vld [tilespmem:s23+$0xFFFFFFE0]  }
0x2ad: {  	v3 =	vadd.s32 $0xFFFF0000, v3;
	vm6 =	vgt.s32 v8, $0xFFFF;
	[tilespmem:v9+s3+$0x0] =	vst.idx.add.f32.msk vm2, v10  }
0x2ae: {  	[tilespmem:v1+s3+$0x0] =	vst.idx.add.f32.msk vm1, v11;
	v1 =	vadd.s32 $0xFFFF0000, v8  }
0x2af: {  	[tilespmem:v4+s3+$0x0] =	vst.idx.add.f32.msk vm3, v63  }
0x2b0: {  	[tilespmem:v5+s3+$0x0] =	vst.idx.add.f32.msk vm4, v12  }
0x2b1: {  	[tilespmem:v6+s3+$0x0] =	vst.idx.add.f32.msk vm5, v13  }
0x2b2: {  	[tilespmem:v3+s3+$0x0] =	vst.idx.add.f32.msk vm15, v2  }
0x2b3: {  	s25 =	simm.s32 $0x100C0;
	s24 =	simm.s32 $0x0;
	[tilespmem:v1+s3+$0x0] =	vst.idx.add.f32.msk vm6, v14  }
.LBB2_28:
0x2b4: {  	v1 =	vld [tilespmem:s25+$0x30];
	s24 =	sadd.s32 $0x8, s24  }
0x2b5: {  	v2 =	vld [tilespmem:s25+$0xFFFFFFD0];
	p0 =	slt.u32 s24, $0x1F8  }
0x2b6: {  	v3 =	vld [tilespmem:s25+$0xFFFFFFE0]  }
0x2b7: {  	v4 =	vld [tilespmem:s25+$0xFFFFFFF0]  }
0x2b8: {  	v5 =	vld [tilespmem:s25+$0x0]  }
0x2b9: {  	s23 =	sadd.s32 $0x80, s23;
	v6 =	vld [tilespmem:s25+$0x10];
	vm3 =	vgt.s32 v1, $0xFFFF  }
0x2ba: {  	v1 =	vadd.s32 $0xFFFF0000, v1;
	vm0 =	vgt.s32 v2, $0xFFFF;
	v2 =	vadd.s32 $0xFFFF0000, v2;
	v7 =	vld [tilespmem:s23+$0x30]  }
0x2bb: {  	vm1 =	vgt.s32 v3, $0xFFFF;
	v3 =	vadd.s32 $0xFFFF0000, v3;
	v8 =	vld [tilespmem:s25+$0x20]  }
0x2bc: {  	v9 =	vld [tilespmem:s25+$0xFFFFFFC0];
	vm2 =	vgt.s32 v4, $0xFFFF;
	v4 =	vadd.s32 $0xFFFF0000, v4  }
0x2bd: {  	v10 =	vld [tilespmem:s23+$0xFFFFFFC0];
	vm4 =	vgt.s32 v5, $0xFFFF;
	v5 =	vadd.s32 $0xFFFF0000, v5  }
0x2be: {  	v11 =	vld [tilespmem:s23+$0xFFFFFFD0];
	vm5 =	vgt.s32 v6, $0xFFFF;
	v6 =	vadd.s32 $0xFFFF0000, v6  }
0x2bf: {  	[tilespmem:v1+s3+$0x0] =	vst.idx.add.f32.msk vm3, v7  }
0x2c0: {  	v1 =	vld [tilespmem:s23+$0xFFFFFFE0];
	vm3 =	vgt.s32 v8, $0xFFFF;
	v7 =	vadd.s32 $0xFFFF0000, v8  }
0x2c1: {  	vm6 =	vgt.s32 v9, $0xFFFF;
	v8 =	vadd.s32 $0xFFFF0000, v9;
	v9 =	vld [tilespmem:s23+$0xFFFFFFF0]  }
0x2c2: {  	v12 =	vld [tilespmem:s23+$0x0]  }
0x2c3: {  	v13 =	vld [tilespmem:s23+$0x10]  }
0x2c4: {  	v14 =	vld [tilespmem:s23+$0x20]  }
0x2c5: {  	[tilespmem:v2+s3+$0x0] =	vst.idx.add.f32.msk vm0, v11  }
0x2c6: {  	[tilespmem:v3+s3+$0x0] =	vst.idx.add.f32.msk vm1, v1  }
.Ltmp13:
0x2c7: {  	[tilespmem:v8+s3+$0x0] =	vst.idx.add.f32.msk vm6, v10;
	(pc) =	sbr.rel @p0 .LBB2_28-.Ltmp13, $4  }
0x2c8: {  	[tilespmem:v4+s3+$0x0] =	vst.idx.add.f32.msk vm2, v9  }
0x2c9: {  	[tilespmem:v5+s3+$0x0] =	vst.idx.add.f32.msk vm4, v12  }
0x2ca: {  	[tilespmem:v6+s3+$0x0] =	vst.idx.add.f32.msk vm5, v13  }
0x2cb: {  	s25 =	sadd.s32 $0x80, s25;
	[tilespmem:v7+s3+$0x0] =	vst.idx.add.f32.msk vm3, v14  }
0x2cc: {  	s23 =	sor.u32 $0x8000, s22  }
0x2cd: {  	s24 =	sadd.s32 s1, s23  }
0x2ce: {  	[tilespmem:s12], [sflag:$0x1] =	stream.strided.gather [hbm4b:s24+s10], $0x2000, s11, s10, $0x38;
	[tilespmem:$0x18000] =	vst v63  }
0x2cf: {  	s23 =	sadd.s32 s5, s23  }
0x2d0: {  	[tilespmem:s13], [sflag:$0x1] =	stream.strided.gather [hbm4b:s23+s10], $0x2000, s11, s10, $0x38;
	[tilespmem:$0x18000] =	vst v63  }
0x2d1: {  	_ =	swait.ge [sflag:s17], $0x2000  }
0x2d2: {  	[sflag:s17] =	ssyncset.done $0x0  }
0x2d3: {  	[sflag:s17] =	ssyncadd.s32 $0xFFFFE000  }
0x2d4: {  	_ =	swait.ge [sflag:s17], $0x2000  }
0x2d5: {  	[sflag:s17] =	ssyncset.done $0x0  }
0x2d6: {  	s31 =	simm.s32 $0x14040;
	[sflag:s17] =	ssyncadd.s32 $0xFFFFE000  }
0x2d7: {  	v1 =	vld [tilespmem:s31+$0x30]  }
0x2d8: {  	v2 =	vld [tilespmem:s31+$0xFFFFFFD0]  }
0x2d9: {  	v3 =	vld [tilespmem:s31+$0xFFFFFFE0]  }
0x2da: {  	v4 =	vld [tilespmem:s31+$0xFFFFFFF0]  }
0x2db: {  	v5 =	vld [tilespmem:s31+$0x0]  }
0x2dc: {  	v6 =	vld [tilespmem:s31+$0x10]  }
0x2dd: {  	s23 =	simm.s32 $0x16040;
	v9 =	vld [tilespmem:s31+$0xFFFFFFC0]  }
0x2de: {  	v7 =	vld [tilespmem:s23+$0x30];
	vm0 =	vgt.s32 v1, $0xFFFF  }
0x2df: {  	v8 =	vld [tilespmem:s31+$0x20];
	v1 =	vadd.s32 $0xFFFF0000, v1  }
0x2e0: {  	v10 =	vld [tilespmem:s23+$0xFFFFFFC0]  }
0x2e1: {  	v11 =	vld [tilespmem:s23+$0xFFFFFFD0]  }
0x2e2: {  	v63 =	vld [tilespmem:s23+$0xFFFFFFF0];
	vm2 =	vgt.s32 v9, $0xFFFF  }
0x2e3: {  	v12 =	vld [tilespmem:s23+$0x0];
	vm1 =	vgt.s32 v2, $0xFFFF;
	v9 =	vadd.s32 $0xFFFF0000, v9  }
0x2e4: {  	vm3 =	vgt.s32 v4, $0xFFFF;
	[tilespmem:v1+s3+$0x0] =	vst.idx.add.f32.msk vm0, v7;
	v1 =	vadd.s32 $0xFFFF0000, v2  }
0x2e5: {  	v13 =	vld [tilespmem:s23+$0x10];
	v4 =	vadd.s32 $0xFFFF0000, v4;
	vm4 =	vgt.s32 v5, $0xFFFF  }
0x2e6: {  	v14 =	vld [tilespmem:s23+$0x20];
	v5 =	vadd.s32 $0xFFFF0000, v5;
	vm5 =	vgt.s32 v6, $0xFFFF  }
0x2e7: {  	vm15 =	vgt.s32 v3, $0xFFFF;
	v6 =	vadd.s32 $0xFFFF0000, v6;
	v2 =	vld [tilespmem:s23+$0xFFFFFFE0]  }
0x2e8: {  	v3 =	vadd.s32 $0xFFFF0000, v3;
	vm6 =	vgt.s32 v8, $0xFFFF;
	[tilespmem:v9+s3+$0x0] =	vst.idx.add.f32.msk vm2, v10  }
0x2e9: {  	[tilespmem:v1+s3+$0x0] =	vst.idx.add.f32.msk vm1, v11;
	v1 =	vadd.s32 $0xFFFF0000, v8  }
0x2ea: {  	[tilespmem:v4+s3+$0x0] =	vst.idx.add.f32.msk vm3, v63  }
0x2eb: {  	[tilespmem:v5+s3+$0x0] =	vst.idx.add.f32.msk vm4, v12  }
0x2ec: {  	[tilespmem:v6+s3+$0x0] =	vst.idx.add.f32.msk vm5, v13  }
0x2ed: {  	[tilespmem:v3+s3+$0x0] =	vst.idx.add.f32.msk vm15, v2  }
0x2ee: {  	s25 =	simm.s32 $0x140C0;
	s24 =	simm.s32 $0x0;
	[tilespmem:v1+s3+$0x0] =	vst.idx.add.f32.msk vm6, v14  }
.LBB2_30:
0x2ef: {  	v1 =	vld [tilespmem:s25+$0x30];
	s24 =	sadd.s32 $0x8, s24  }
0x2f0: {  	v2 =	vld [tilespmem:s25+$0xFFFFFFD0];
	p0 =	slt.u32 s24, $0x1F8  }
0x2f1: {  	v3 =	vld [tilespmem:s25+$0xFFFFFFE0]  }
0x2f2: {  	v4 =	vld [tilespmem:s25+$0xFFFFFFF0]  }
0x2f3: {  	v5 =	vld [tilespmem:s25+$0x0]  }
0x2f4: {  	s23 =	sadd.s32 $0x80, s23;
	v6 =	vld [tilespmem:s25+$0x10];
	vm3 =	vgt.s32 v1, $0xFFFF  }
0x2f5: {  	v1 =	vadd.s32 $0xFFFF0000, v1;
	vm0 =	vgt.s32 v2, $0xFFFF;
	v2 =	vadd.s32 $0xFFFF0000, v2;
	v7 =	vld [tilespmem:s23+$0x30]  }
0x2f6: {  	vm1 =	vgt.s32 v3, $0xFFFF;
	v3 =	vadd.s32 $0xFFFF0000, v3;
	v8 =	vld [tilespmem:s25+$0x20]  }
0x2f7: {  	v9 =	vld [tilespmem:s25+$0xFFFFFFC0];
	vm2 =	vgt.s32 v4, $0xFFFF;
	v4 =	vadd.s32 $0xFFFF0000, v4  }
0x2f8: {  	v10 =	vld [tilespmem:s23+$0xFFFFFFC0];
	vm4 =	vgt.s32 v5, $0xFFFF;
	v5 =	vadd.s32 $0xFFFF0000, v5  }
0x2f9: {  	v11 =	vld [tilespmem:s23+$0xFFFFFFD0];
	vm5 =	vgt.s32 v6, $0xFFFF;
	v6 =	vadd.s32 $0xFFFF0000, v6  }
0x2fa: {  	[tilespmem:v1+s3+$0x0] =	vst.idx.add.f32.msk vm3, v7  }
0x2fb: {  	v1 =	vld [tilespmem:s23+$0xFFFFFFE0];
	vm3 =	vgt.s32 v8, $0xFFFF;
	v7 =	vadd.s32 $0xFFFF0000, v8  }
0x2fc: {  	vm6 =	vgt.s32 v9, $0xFFFF;
	v8 =	vadd.s32 $0xFFFF0000, v9;
	v9 =	vld [tilespmem:s23+$0xFFFFFFF0]  }
0x2fd: {  	v12 =	vld [tilespmem:s23+$0x0]  }
0x2fe: {  	v13 =	vld [tilespmem:s23+$0x10]  }
0x2ff: {  	v14 =	vld [tilespmem:s23+$0x20]  }
0x300: {  	[tilespmem:v2+s3+$0x0] =	vst.idx.add.f32.msk vm0, v11  }
0x301: {  	[tilespmem:v3+s3+$0x0] =	vst.idx.add.f32.msk vm1, v1  }
.Ltmp14:
0x302: {  	[tilespmem:v8+s3+$0x0] =	vst.idx.add.f32.msk vm6, v10;
	(pc) =	sbr.rel @p0 .LBB2_30-.Ltmp14, $4  }
0x303: {  	[tilespmem:v4+s3+$0x0] =	vst.idx.add.f32.msk vm2, v9  }
0x304: {  	[tilespmem:v5+s3+$0x0] =	vst.idx.add.f32.msk vm4, v12  }
0x305: {  	[tilespmem:v6+s3+$0x0] =	vst.idx.add.f32.msk vm5, v13  }
0x306: {  	s25 =	sadd.s32 $0x80, s25;
	[tilespmem:v7+s3+$0x0] =	vst.idx.add.f32.msk vm3, v14  }
0x307: {  	s23 =	sor.u32 $0xA000, s22  }
0x308: {  	s24 =	sadd.s32 s1, s23  }
0x309: {  	[tilespmem:s14], [sflag:$0x2] =	stream.strided.gather [hbm4b:s24+s10], $0x2000, s11, s10, $0x38;
	[tilespmem:$0x18000] =	vst v63  }
0x30a: {  	s23 =	sadd.s32 s5, s23  }
0x30b: {  	[tilespmem:s15], [sflag:$0x2] =	stream.strided.gather [hbm4b:s23+s10], $0x2000, s11, s10, $0x38;
	[tilespmem:$0x18000] =	vst v63  }
0x30c: {  	_ =	swait.ge [sflag:s16], $0x2000  }
0x30d: {  	[sflag:s16] =	ssyncset.done $0x0  }
0x30e: {  	[sflag:s16] =	ssyncadd.s32 $0xFFFFE000  }
0x30f: {  	_ =	swait.ge [sflag:s16], $0x2000  }
0x310: {  	[sflag:s16] =	ssyncset.done $0x0  }
0x311: {  	s31 =	simm.s32 $0x10040;
	[sflag:s16] =	ssyncadd.s32 $0xFFFFE000  }
0x312: {  	v1 =	vld [tilespmem:s31+$0x30]  }
0x313: {  	v2 =	vld [tilespmem:s31+$0xFFFFFFD0]  }
0x314: {  	v3 =	vld [tilespmem:s31+$0xFFFFFFE0]  }
0x315: {  	v4 =	vld [tilespmem:s31+$0xFFFFFFF0]  }
0x316: {  	v5 =	vld [tilespmem:s31+$0x0]  }
0x317: {  	v6 =	vld [tilespmem:s31+$0x10]  }
0x318: {  	s23 =	simm.s32 $0x12040;
	v9 =	vld [tilespmem:s31+$0xFFFFFFC0]  }
0x319: {  	v7 =	vld [tilespmem:s23+$0x30];
	vm0 =	vgt.s32 v1, $0xFFFF  }
0x31a: {  	v8 =	vld [tilespmem:s31+$0x20];
	v1 =	vadd.s32 $0xFFFF0000, v1  }
0x31b: {  	v10 =	vld [tilespmem:s23+$0xFFFFFFC0]  }
0x31c: {  	v11 =	vld [tilespmem:s23+$0xFFFFFFD0]  }
0x31d: {  	v63 =	vld [tilespmem:s23+$0xFFFFFFF0];
	vm2 =	vgt.s32 v9, $0xFFFF  }
0x31e: {  	v12 =	vld [tilespmem:s23+$0x0];
	vm1 =	vgt.s32 v2, $0xFFFF;
	v9 =	vadd.s32 $0xFFFF0000, v9  }
0x31f: {  	vm3 =	vgt.s32 v4, $0xFFFF;
	[tilespmem:v1+s3+$0x0] =	vst.idx.add.f32.msk vm0, v7;
	v1 =	vadd.s32 $0xFFFF0000, v2  }
0x320: {  	v13 =	vld [tilespmem:s23+$0x10];
	v4 =	vadd.s32 $0xFFFF0000, v4;
	vm4 =	vgt.s32 v5, $0xFFFF  }
0x321: {  	v14 =	vld [tilespmem:s23+$0x20];
	v5 =	vadd.s32 $0xFFFF0000, v5;
	vm5 =	vgt.s32 v6, $0xFFFF  }
0x322: {  	vm15 =	vgt.s32 v3, $0xFFFF;
	v6 =	vadd.s32 $0xFFFF0000, v6;
	v2 =	vld [tilespmem:s23+$0xFFFFFFE0]  }
0x323: {  	v3 =	vadd.s32 $0xFFFF0000, v3;
	vm6 =	vgt.s32 v8, $0xFFFF;
	[tilespmem:v9+s3+$0x0] =	vst.idx.add.f32.msk vm2, v10  }
0x324: {  	[tilespmem:v1+s3+$0x0] =	vst.idx.add.f32.msk vm1, v11;
	v1 =	vadd.s32 $0xFFFF0000, v8  }
0x325: {  	[tilespmem:v4+s3+$0x0] =	vst.idx.add.f32.msk vm3, v63  }
0x326: {  	[tilespmem:v5+s3+$0x0] =	vst.idx.add.f32.msk vm4, v12  }
0x327: {  	[tilespmem:v6+s3+$0x0] =	vst.idx.add.f32.msk vm5, v13  }
0x328: {  	[tilespmem:v3+s3+$0x0] =	vst.idx.add.f32.msk vm15, v2  }
0x329: {  	s25 =	simm.s32 $0x100C0;
	s24 =	simm.s32 $0x0;
	[tilespmem:v1+s3+$0x0] =	vst.idx.add.f32.msk vm6, v14  }
.LBB2_32:
0x32a: {  	v1 =	vld [tilespmem:s25+$0x30];
	s24 =	sadd.s32 $0x8, s24  }
0x32b: {  	v2 =	vld [tilespmem:s25+$0xFFFFFFD0];
	p0 =	slt.u32 s24, $0x1F8  }
0x32c: {  	v3 =	vld [tilespmem:s25+$0xFFFFFFE0]  }
0x32d: {  	v4 =	vld [tilespmem:s25+$0xFFFFFFF0]  }
0x32e: {  	v5 =	vld [tilespmem:s25+$0x0]  }
0x32f: {  	s23 =	sadd.s32 $0x80, s23;
	v6 =	vld [tilespmem:s25+$0x10];
	vm3 =	vgt.s32 v1, $0xFFFF  }
0x330: {  	v1 =	vadd.s32 $0xFFFF0000, v1;
	vm0 =	vgt.s32 v2, $0xFFFF;
	v2 =	vadd.s32 $0xFFFF0000, v2;
	v7 =	vld [tilespmem:s23+$0x30]  }
0x331: {  	vm1 =	vgt.s32 v3, $0xFFFF;
	v3 =	vadd.s32 $0xFFFF0000, v3;
	v8 =	vld [tilespmem:s25+$0x20]  }
0x332: {  	v9 =	vld [tilespmem:s25+$0xFFFFFFC0];
	vm2 =	vgt.s32 v4, $0xFFFF;
	v4 =	vadd.s32 $0xFFFF0000, v4  }
0x333: {  	v10 =	vld [tilespmem:s23+$0xFFFFFFC0];
	vm4 =	vgt.s32 v5, $0xFFFF;
	v5 =	vadd.s32 $0xFFFF0000, v5  }
0x334: {  	v11 =	vld [tilespmem:s23+$0xFFFFFFD0];
	vm5 =	vgt.s32 v6, $0xFFFF;
	v6 =	vadd.s32 $0xFFFF0000, v6  }
0x335: {  	[tilespmem:v1+s3+$0x0] =	vst.idx.add.f32.msk vm3, v7  }
0x336: {  	v1 =	vld [tilespmem:s23+$0xFFFFFFE0];
	vm3 =	vgt.s32 v8, $0xFFFF;
	v7 =	vadd.s32 $0xFFFF0000, v8  }
0x337: {  	vm6 =	vgt.s32 v9, $0xFFFF;
	v8 =	vadd.s32 $0xFFFF0000, v9;
	v9 =	vld [tilespmem:s23+$0xFFFFFFF0]  }
0x338: {  	v12 =	vld [tilespmem:s23+$0x0]  }
0x339: {  	v13 =	vld [tilespmem:s23+$0x10]  }
0x33a: {  	v14 =	vld [tilespmem:s23+$0x20]  }
0x33b: {  	[tilespmem:v2+s3+$0x0] =	vst.idx.add.f32.msk vm0, v11  }
0x33c: {  	[tilespmem:v3+s3+$0x0] =	vst.idx.add.f32.msk vm1, v1  }
.Ltmp15:
0x33d: {  	[tilespmem:v8+s3+$0x0] =	vst.idx.add.f32.msk vm6, v10;
	(pc) =	sbr.rel @p0 .LBB2_32-.Ltmp15, $4  }
0x33e: {  	[tilespmem:v4+s3+$0x0] =	vst.idx.add.f32.msk vm2, v9  }
0x33f: {  	[tilespmem:v5+s3+$0x0] =	vst.idx.add.f32.msk vm4, v12  }
0x340: {  	[tilespmem:v6+s3+$0x0] =	vst.idx.add.f32.msk vm5, v13  }
0x341: {  	s25 =	sadd.s32 $0x80, s25;
	[tilespmem:v7+s3+$0x0] =	vst.idx.add.f32.msk vm3, v14  }
0x342: {  	s23 =	sor.u32 $0xC000, s22  }
0x343: {  	s24 =	sadd.s32 s1, s23  }
0x344: {  	[tilespmem:s12], [sflag:$0x1] =	stream.strided.gather [hbm4b:s24+s10], $0x2000, s11, s10, $0x38;
	[tilespmem:$0x18000] =	vst v63  }
0x345: {  	s23 =	sadd.s32 s5, s23  }
0x346: {  	[tilespmem:s13], [sflag:$0x1] =	stream.strided.gather [hbm4b:s23+s10], $0x2000, s11, s10, $0x38;
	[tilespmem:$0x18000] =	vst v63  }
0x347: {  	_ =	swait.ge [sflag:s17], $0x2000  }
0x348: {  	[sflag:s17] =	ssyncset.done $0x0  }
0x349: {  	[sflag:s17] =	ssyncadd.s32 $0xFFFFE000  }
0x34a: {  	_ =	swait.ge [sflag:s17], $0x2000  }
0x34b: {  	[sflag:s17] =	ssyncset.done $0x0  }
0x34c: {  	s31 =	simm.s32 $0x14040;
	[sflag:s17] =	ssyncadd.s32 $0xFFFFE000  }
0x34d: {  	v1 =	vld [tilespmem:s31+$0x30]  }
0x34e: {  	v2 =	vld [tilespmem:s31+$0xFFFFFFD0]  }
0x34f: {  	v3 =	vld [tilespmem:s31+$0xFFFFFFE0]  }
0x350: {  	v4 =	vld [tilespmem:s31+$0xFFFFFFF0]  }
0x351: {  	v5 =	vld [tilespmem:s31+$0x0]  }
0x352: {  	v6 =	vld [tilespmem:s31+$0x10]  }
0x353: {  	s23 =	simm.s32 $0x16040;
	v9 =	vld [tilespmem:s31+$0xFFFFFFC0]  }
0x354: {  	v7 =	vld [tilespmem:s23+$0x30];
	vm0 =	vgt.s32 v1, $0xFFFF  }
0x355: {  	v8 =	vld [tilespmem:s31+$0x20];
	v1 =	vadd.s32 $0xFFFF0000, v1  }
0x356: {  	v10 =	vld [tilespmem:s23+$0xFFFFFFC0]  }
0x357: {  	v11 =	vld [tilespmem:s23+$0xFFFFFFD0]  }
0x358: {  	v63 =	vld [tilespmem:s23+$0xFFFFFFF0];
	vm2 =	vgt.s32 v9, $0xFFFF  }
0x359: {  	v12 =	vld [tilespmem:s23+$0x0];
	vm1 =	vgt.s32 v2, $0xFFFF;
	v9 =	vadd.s32 $0xFFFF0000, v9  }
0x35a: {  	vm3 =	vgt.s32 v4, $0xFFFF;
	[tilespmem:v1+s3+$0x0] =	vst.idx.add.f32.msk vm0, v7;
	v1 =	vadd.s32 $0xFFFF0000, v2  }
0x35b: {  	v13 =	vld [tilespmem:s23+$0x10];
	v4 =	vadd.s32 $0xFFFF0000, v4;
	vm4 =	vgt.s32 v5, $0xFFFF  }
0x35c: {  	v14 =	vld [tilespmem:s23+$0x20];
	v5 =	vadd.s32 $0xFFFF0000, v5;
	vm5 =	vgt.s32 v6, $0xFFFF  }
0x35d: {  	vm15 =	vgt.s32 v3, $0xFFFF;
	v6 =	vadd.s32 $0xFFFF0000, v6;
	v2 =	vld [tilespmem:s23+$0xFFFFFFE0]  }
0x35e: {  	v3 =	vadd.s32 $0xFFFF0000, v3;
	vm6 =	vgt.s32 v8, $0xFFFF;
	[tilespmem:v9+s3+$0x0] =	vst.idx.add.f32.msk vm2, v10  }
0x35f: {  	[tilespmem:v1+s3+$0x0] =	vst.idx.add.f32.msk vm1, v11;
	v1 =	vadd.s32 $0xFFFF0000, v8  }
0x360: {  	[tilespmem:v4+s3+$0x0] =	vst.idx.add.f32.msk vm3, v63  }
0x361: {  	[tilespmem:v5+s3+$0x0] =	vst.idx.add.f32.msk vm4, v12  }
0x362: {  	[tilespmem:v6+s3+$0x0] =	vst.idx.add.f32.msk vm5, v13  }
0x363: {  	[tilespmem:v3+s3+$0x0] =	vst.idx.add.f32.msk vm15, v2  }
0x364: {  	s25 =	simm.s32 $0x140C0;
	s24 =	simm.s32 $0x0;
	[tilespmem:v1+s3+$0x0] =	vst.idx.add.f32.msk vm6, v14  }
.LBB2_34:
0x365: {  	v1 =	vld [tilespmem:s25+$0x30];
	s24 =	sadd.s32 $0x8, s24  }
0x366: {  	v2 =	vld [tilespmem:s25+$0xFFFFFFD0];
	p0 =	slt.u32 s24, $0x1F8  }
0x367: {  	v3 =	vld [tilespmem:s25+$0xFFFFFFE0]  }
0x368: {  	v4 =	vld [tilespmem:s25+$0xFFFFFFF0]  }
0x369: {  	v5 =	vld [tilespmem:s25+$0x0]  }
0x36a: {  	s23 =	sadd.s32 $0x80, s23;
	v6 =	vld [tilespmem:s25+$0x10];
	vm3 =	vgt.s32 v1, $0xFFFF  }
0x36b: {  	v1 =	vadd.s32 $0xFFFF0000, v1;
	vm0 =	vgt.s32 v2, $0xFFFF;
	v2 =	vadd.s32 $0xFFFF0000, v2;
	v7 =	vld [tilespmem:s23+$0x30]  }
0x36c: {  	vm1 =	vgt.s32 v3, $0xFFFF;
	v3 =	vadd.s32 $0xFFFF0000, v3;
	v8 =	vld [tilespmem:s25+$0x20]  }
0x36d: {  	v9 =	vld [tilespmem:s25+$0xFFFFFFC0];
	vm2 =	vgt.s32 v4, $0xFFFF;
	v4 =	vadd.s32 $0xFFFF0000, v4  }
0x36e: {  	v10 =	vld [tilespmem:s23+$0xFFFFFFC0];
	vm4 =	vgt.s32 v5, $0xFFFF;
	v5 =	vadd.s32 $0xFFFF0000, v5  }
0x36f: {  	v11 =	vld [tilespmem:s23+$0xFFFFFFD0];
	vm5 =	vgt.s32 v6, $0xFFFF;
	v6 =	vadd.s32 $0xFFFF0000, v6  }
0x370: {  	[tilespmem:v1+s3+$0x0] =	vst.idx.add.f32.msk vm3, v7  }
0x371: {  	v1 =	vld [tilespmem:s23+$0xFFFFFFE0];
	vm3 =	vgt.s32 v8, $0xFFFF;
	v7 =	vadd.s32 $0xFFFF0000, v8  }
0x372: {  	vm6 =	vgt.s32 v9, $0xFFFF;
	v8 =	vadd.s32 $0xFFFF0000, v9;
	v9 =	vld [tilespmem:s23+$0xFFFFFFF0]  }
0x373: {  	v12 =	vld [tilespmem:s23+$0x0]  }
0x374: {  	v13 =	vld [tilespmem:s23+$0x10]  }
0x375: {  	v14 =	vld [tilespmem:s23+$0x20]  }
0x376: {  	[tilespmem:v2+s3+$0x0] =	vst.idx.add.f32.msk vm0, v11  }
0x377: {  	[tilespmem:v3+s3+$0x0] =	vst.idx.add.f32.msk vm1, v1  }
.Ltmp16:
0x378: {  	[tilespmem:v8+s3+$0x0] =	vst.idx.add.f32.msk vm6, v10;
	(pc) =	sbr.rel @p0 .LBB2_34-.Ltmp16, $4  }
0x379: {  	[tilespmem:v4+s3+$0x0] =	vst.idx.add.f32.msk vm2, v9  }
0x37a: {  	[tilespmem:v5+s3+$0x0] =	vst.idx.add.f32.msk vm4, v12  }
0x37b: {  	[tilespmem:v6+s3+$0x0] =	vst.idx.add.f32.msk vm5, v13  }
0x37c: {  	s25 =	sadd.s32 $0x80, s25;
	[tilespmem:v7+s3+$0x0] =	vst.idx.add.f32.msk vm3, v14  }
0x37d: {  	s22 =	sor.u32 $0xE000, s22  }
0x37e: {  	s23 =	sadd.s32 s1, s22  }
0x37f: {  	[tilespmem:s14], [sflag:$0x2] =	stream.strided.gather [hbm4b:s23+s10], $0x2000, s11, s10, $0x38;
	[tilespmem:$0x18000] =	vst v63  }
0x380: {  	s22 =	sadd.s32 s5, s22  }
0x381: {  	[tilespmem:s15], [sflag:$0x2] =	stream.strided.gather [hbm4b:s22+s10], $0x2000, s11, s10, $0x38;
	[tilespmem:$0x18000] =	vst v63  }
0x382: {  	_ =	swait.ge [sflag:s16], $0x2000  }
0x383: {  	[sflag:s16] =	ssyncset.done $0x0  }
0x384: {  	[sflag:s16] =	ssyncadd.s32 $0xFFFFE000  }
0x385: {  	_ =	swait.ge [sflag:s16], $0x2000  }
0x386: {  	[sflag:s16] =	ssyncset.done $0x0  }
0x387: {  	s31 =	simm.s32 $0x10040;
	[sflag:s16] =	ssyncadd.s32 $0xFFFFE000  }
0x388: {  	v1 =	vld [tilespmem:s31+$0x30]  }
0x389: {  	v2 =	vld [tilespmem:s31+$0xFFFFFFD0]  }
0x38a: {  	v3 =	vld [tilespmem:s31+$0xFFFFFFE0]  }
0x38b: {  	v4 =	vld [tilespmem:s31+$0xFFFFFFF0]  }
0x38c: {  	v5 =	vld [tilespmem:s31+$0x0]  }
0x38d: {  	v6 =	vld [tilespmem:s31+$0x10]  }
0x38e: {  	s22 =	simm.s32 $0x12040;
	v9 =	vld [tilespmem:s31+$0xFFFFFFC0]  }
0x38f: {  	v7 =	vld [tilespmem:s22+$0x30];
	vm0 =	vgt.s32 v1, $0xFFFF  }
0x390: {  	v8 =	vld [tilespmem:s31+$0x20];
	v1 =	vadd.s32 $0xFFFF0000, v1  }
0x391: {  	v10 =	vld [tilespmem:s22+$0xFFFFFFC0]  }
0x392: {  	v11 =	vld [tilespmem:s22+$0xFFFFFFD0]  }
0x393: {  	v63 =	vld [tilespmem:s22+$0xFFFFFFF0];
	vm2 =	vgt.s32 v9, $0xFFFF  }
0x394: {  	v12 =	vld [tilespmem:s22+$0x0];
	vm1 =	vgt.s32 v2, $0xFFFF;
	v9 =	vadd.s32 $0xFFFF0000, v9  }
0x395: {  	vm3 =	vgt.s32 v4, $0xFFFF;
	[tilespmem:v1+s3+$0x0] =	vst.idx.add.f32.msk vm0, v7;
	v1 =	vadd.s32 $0xFFFF0000, v2  }
0x396: {  	v13 =	vld [tilespmem:s22+$0x10];
	v4 =	vadd.s32 $0xFFFF0000, v4;
	vm4 =	vgt.s32 v5, $0xFFFF  }
0x397: {  	v14 =	vld [tilespmem:s22+$0x20];
	v5 =	vadd.s32 $0xFFFF0000, v5;
	vm5 =	vgt.s32 v6, $0xFFFF  }
0x398: {  	vm15 =	vgt.s32 v3, $0xFFFF;
	v6 =	vadd.s32 $0xFFFF0000, v6;
	v2 =	vld [tilespmem:s22+$0xFFFFFFE0]  }
0x399: {  	v3 =	vadd.s32 $0xFFFF0000, v3;
	vm6 =	vgt.s32 v8, $0xFFFF;
	[tilespmem:v9+s3+$0x0] =	vst.idx.add.f32.msk vm2, v10  }
0x39a: {  	[tilespmem:v1+s3+$0x0] =	vst.idx.add.f32.msk vm1, v11;
	v1 =	vadd.s32 $0xFFFF0000, v8  }
0x39b: {  	[tilespmem:v4+s3+$0x0] =	vst.idx.add.f32.msk vm3, v63  }
0x39c: {  	[tilespmem:v5+s3+$0x0] =	vst.idx.add.f32.msk vm4, v12  }
0x39d: {  	[tilespmem:v6+s3+$0x0] =	vst.idx.add.f32.msk vm5, v13  }
0x39e: {  	[tilespmem:v3+s3+$0x0] =	vst.idx.add.f32.msk vm15, v2  }
0x39f: {  	s24 =	simm.s32 $0x100C0;
	s23 =	simm.s32 $0x0;
	[tilespmem:v1+s3+$0x0] =	vst.idx.add.f32.msk vm6, v14  }
.LBB2_36:
0x3a0: {  	v1 =	vld [tilespmem:s24+$0x30];
	s23 =	sadd.s32 $0x8, s23  }
0x3a1: {  	v2 =	vld [tilespmem:s24+$0xFFFFFFD0];
	p0 =	slt.u32 s23, $0x1F8  }
0x3a2: {  	v3 =	vld [tilespmem:s24+$0xFFFFFFE0]  }
0x3a3: {  	v4 =	vld [tilespmem:s24+$0xFFFFFFF0]  }
0x3a4: {  	v5 =	vld [tilespmem:s24+$0x0]  }
0x3a5: {  	s22 =	sadd.s32 $0x80, s22;
	v6 =	vld [tilespmem:s24+$0x10];
	vm3 =	vgt.s32 v1, $0xFFFF  }
0x3a6: {  	v1 =	vadd.s32 $0xFFFF0000, v1;
	vm0 =	vgt.s32 v2, $0xFFFF;
	v2 =	vadd.s32 $0xFFFF0000, v2;
	v7 =	vld [tilespmem:s22+$0x30]  }
0x3a7: {  	vm1 =	vgt.s32 v3, $0xFFFF;
	v3 =	vadd.s32 $0xFFFF0000, v3;
	v8 =	vld [tilespmem:s24+$0x20]  }
0x3a8: {  	v9 =	vld [tilespmem:s24+$0xFFFFFFC0];
	vm2 =	vgt.s32 v4, $0xFFFF;
	v4 =	vadd.s32 $0xFFFF0000, v4  }
0x3a9: {  	v10 =	vld [tilespmem:s22+$0xFFFFFFC0];
	vm4 =	vgt.s32 v5, $0xFFFF;
	v5 =	vadd.s32 $0xFFFF0000, v5  }
0x3aa: {  	v11 =	vld [tilespmem:s22+$0xFFFFFFD0];
	vm5 =	vgt.s32 v6, $0xFFFF;
	v6 =	vadd.s32 $0xFFFF0000, v6  }
0x3ab: {  	[tilespmem:v1+s3+$0x0] =	vst.idx.add.f32.msk vm3, v7  }
0x3ac: {  	v1 =	vld [tilespmem:s22+$0xFFFFFFE0];
	vm3 =	vgt.s32 v8, $0xFFFF;
	v7 =	vadd.s32 $0xFFFF0000, v8  }
0x3ad: {  	vm6 =	vgt.s32 v9, $0xFFFF;
	v8 =	vadd.s32 $0xFFFF0000, v9;
	v9 =	vld [tilespmem:s22+$0xFFFFFFF0]  }
0x3ae: {  	v12 =	vld [tilespmem:s22+$0x0]  }
0x3af: {  	v13 =	vld [tilespmem:s22+$0x10]  }
0x3b0: {  	v14 =	vld [tilespmem:s22+$0x20]  }
0x3b1: {  	[tilespmem:v2+s3+$0x0] =	vst.idx.add.f32.msk vm0, v11  }
0x3b2: {  	[tilespmem:v3+s3+$0x0] =	vst.idx.add.f32.msk vm1, v1  }
.Ltmp17:
0x3b3: {  	[tilespmem:v8+s3+$0x0] =	vst.idx.add.f32.msk vm6, v10;
	(pc) =	sbr.rel @p0 .LBB2_36-.Ltmp17, $4  }
0x3b4: {  	[tilespmem:v4+s3+$0x0] =	vst.idx.add.f32.msk vm2, v9  }
0x3b5: {  	[tilespmem:v5+s3+$0x0] =	vst.idx.add.f32.msk vm4, v12  }
0x3b6: {  	[tilespmem:v6+s3+$0x0] =	vst.idx.add.f32.msk vm5, v13  }
0x3b7: {  	s24 =	sadd.s32 $0x80, s24;
	[tilespmem:v7+s3+$0x0] =	vst.idx.add.f32.msk vm3, v14  }
0x3b8: {  	_ =	swait.ge [sflag:s17], $0x2000  }
0x3b9: {  	[sflag:s17] =	ssyncset.done $0x0  }
0x3ba: {  	[sflag:s17] =	ssyncadd.s32 $0xFFFFE000  }
0x3bb: {  	_ =	swait.ge [sflag:s17], $0x2000  }
0x3bc: {  	[sflag:s17] =	ssyncset.done $0x0  }
0x3bd: {  	s23 =	simm.s32 $0x14040;
	[sflag:s17] =	ssyncadd.s32 $0xFFFFE000  }
0x3be: {  	v1 =	vld [tilespmem:s23+$0x30]  }
0x3bf: {  	v2 =	vld [tilespmem:s23+$0xFFFFFFD0]  }
0x3c0: {  	v3 =	vld [tilespmem:s23+$0xFFFFFFE0]  }
0x3c1: {  	v4 =	vld [tilespmem:s23+$0xFFFFFFF0]  }
0x3c2: {  	v5 =	vld [tilespmem:s23+$0x0]  }
0x3c3: {  	v6 =	vld [tilespmem:s23+$0x10]  }
0x3c4: {  	s22 =	simm.s32 $0x16040;
	v9 =	vld [tilespmem:s23+$0xFFFFFFC0]  }
0x3c5: {  	v7 =	vld [tilespmem:s22+$0x30];
	vm0 =	vgt.s32 v1, $0xFFFF  }
0x3c6: {  	v8 =	vld [tilespmem:s23+$0x20];
	v1 =	vadd.s32 $0xFFFF0000, v1  }
0x3c7: {  	v10 =	vld [tilespmem:s22+$0xFFFFFFC0]  }
0x3c8: {  	v11 =	vld [tilespmem:s22+$0xFFFFFFD0]  }
0x3c9: {  	v63 =	vld [tilespmem:s22+$0xFFFFFFF0];
	vm2 =	vgt.s32 v9, $0xFFFF  }
0x3ca: {  	v12 =	vld [tilespmem:s22+$0x0];
	vm1 =	vgt.s32 v2, $0xFFFF;
	v9 =	vadd.s32 $0xFFFF0000, v9  }
0x3cb: {  	vm3 =	vgt.s32 v4, $0xFFFF;
	[tilespmem:v1+s3+$0x0] =	vst.idx.add.f32.msk vm0, v7;
	v1 =	vadd.s32 $0xFFFF0000, v2  }
0x3cc: {  	v13 =	vld [tilespmem:s22+$0x10];
	v4 =	vadd.s32 $0xFFFF0000, v4;
	vm4 =	vgt.s32 v5, $0xFFFF  }
0x3cd: {  	v14 =	vld [tilespmem:s22+$0x20];
	v5 =	vadd.s32 $0xFFFF0000, v5;
	vm5 =	vgt.s32 v6, $0xFFFF  }
0x3ce: {  	vm15 =	vgt.s32 v3, $0xFFFF;
	v6 =	vadd.s32 $0xFFFF0000, v6;
	v2 =	vld [tilespmem:s22+$0xFFFFFFE0]  }
0x3cf: {  	v3 =	vadd.s32 $0xFFFF0000, v3;
	vm6 =	vgt.s32 v8, $0xFFFF;
	[tilespmem:v9+s3+$0x0] =	vst.idx.add.f32.msk vm2, v10  }
0x3d0: {  	[tilespmem:v1+s3+$0x0] =	vst.idx.add.f32.msk vm1, v11;
	v1 =	vadd.s32 $0xFFFF0000, v8  }
0x3d1: {  	[tilespmem:v4+s3+$0x0] =	vst.idx.add.f32.msk vm3, v63  }
0x3d2: {  	[tilespmem:v5+s3+$0x0] =	vst.idx.add.f32.msk vm4, v12  }
0x3d3: {  	[tilespmem:v6+s3+$0x0] =	vst.idx.add.f32.msk vm5, v13  }
0x3d4: {  	[tilespmem:v3+s3+$0x0] =	vst.idx.add.f32.msk vm15, v2  }
0x3d5: {  	s24 =	simm.s32 $0x140C0;
	s23 =	simm.s32 $0x0;
	[tilespmem:v1+s3+$0x0] =	vst.idx.add.f32.msk vm6, v14  }
.LBB2_38:
0x3d6: {  	v1 =	vld [tilespmem:s24+$0x30];
	s23 =	sadd.s32 $0x8, s23  }
0x3d7: {  	v2 =	vld [tilespmem:s24+$0xFFFFFFD0];
	p0 =	slt.u32 s23, $0x1F8  }
0x3d8: {  	v3 =	vld [tilespmem:s24+$0xFFFFFFE0]  }
0x3d9: {  	v4 =	vld [tilespmem:s24+$0xFFFFFFF0]  }
0x3da: {  	v5 =	vld [tilespmem:s24+$0x0]  }
0x3db: {  	s22 =	sadd.s32 $0x80, s22;
	v6 =	vld [tilespmem:s24+$0x10];
	vm3 =	vgt.s32 v1, $0xFFFF  }
0x3dc: {  	v1 =	vadd.s32 $0xFFFF0000, v1;
	vm0 =	vgt.s32 v2, $0xFFFF;
	v2 =	vadd.s32 $0xFFFF0000, v2;
	v7 =	vld [tilespmem:s22+$0x30]  }
0x3dd: {  	vm1 =	vgt.s32 v3, $0xFFFF;
	v3 =	vadd.s32 $0xFFFF0000, v3;
	v8 =	vld [tilespmem:s24+$0x20]  }
0x3de: {  	v9 =	vld [tilespmem:s24+$0xFFFFFFC0];
	vm2 =	vgt.s32 v4, $0xFFFF;
	v4 =	vadd.s32 $0xFFFF0000, v4  }
0x3df: {  	v10 =	vld [tilespmem:s22+$0xFFFFFFC0];
	vm4 =	vgt.s32 v5, $0xFFFF;
	v5 =	vadd.s32 $0xFFFF0000, v5  }
0x3e0: {  	v11 =	vld [tilespmem:s22+$0xFFFFFFD0];
	vm5 =	vgt.s32 v6, $0xFFFF;
	v6 =	vadd.s32 $0xFFFF0000, v6  }
0x3e1: {  	[tilespmem:v1+s3+$0x0] =	vst.idx.add.f32.msk vm3, v7  }
0x3e2: {  	v1 =	vld [tilespmem:s22+$0xFFFFFFE0];
	vm3 =	vgt.s32 v8, $0xFFFF;
	v7 =	vadd.s32 $0xFFFF0000, v8  }
0x3e3: {  	vm6 =	vgt.s32 v9, $0xFFFF;
	v8 =	vadd.s32 $0xFFFF0000, v9;
	v9 =	vld [tilespmem:s22+$0xFFFFFFF0]  }
0x3e4: {  	v12 =	vld [tilespmem:s22+$0x0]  }
0x3e5: {  	v13 =	vld [tilespmem:s22+$0x10]  }
0x3e6: {  	v14 =	vld [tilespmem:s22+$0x20]  }
0x3e7: {  	[tilespmem:v2+s3+$0x0] =	vst.idx.add.f32.msk vm0, v11  }
0x3e8: {  	[tilespmem:v3+s3+$0x0] =	vst.idx.add.f32.msk vm1, v1  }
.Ltmp18:
0x3e9: {  	[tilespmem:v8+s3+$0x0] =	vst.idx.add.f32.msk vm6, v10;
	(pc) =	sbr.rel @p0 .LBB2_38-.Ltmp18, $4  }
0x3ea: {  	[tilespmem:v4+s3+$0x0] =	vst.idx.add.f32.msk vm2, v9  }
0x3eb: {  	[tilespmem:v5+s3+$0x0] =	vst.idx.add.f32.msk vm4, v12  }
0x3ec: {  	[tilespmem:v6+s3+$0x0] =	vst.idx.add.f32.msk vm5, v13  }
0x3ed: {  	s24 =	sadd.s32 $0x80, s24;
	[tilespmem:v7+s3+$0x0] =	vst.idx.add.f32.msk vm3, v14  }
0x3ee: {  	s21 =	sshll.u32 s21, $0x14  }
0x3ef: {  	s20 =	sadd.s32 $0x1, s20;
	s21 =	sor.u32 s7, s21  }
0x3f0: {  	p0 =	sne.s32 s20, $0x4;
	s21 =	sshrl.u32 s21, $0x3  }
.Ltmp19:
0x3f1: {  	s21 =	sadd.s32 s21, s8;
	(pc) =	sbr.rel @p0 .LBB2_21-.Ltmp19, $4  }
0x3f2: {  	[hbm4b:s21+s10] =	stream.strided.scatter [tilespmem:s3], [sflag:$0x3], $0x10000, s11, s10, $0x38;
	[tilespmem:$0x18000] =	vst v63  }
0x3f3: {  	_ =	swait.ge [sflag:s18], $0x10000  }
0x3f4: {  	[sflag:s18] =	ssyncset.done $0x0  }
0x3f5: {  	[sflag:s18] =	ssyncadd.s32 $0xFFFF0000  }
0x3f6: {  	s19 =	sadd.s32 $0x1, s19  }
0x3f7: {  	p0 =	sne.s32 s19, s9  }
.Ltmp20:
0x3f8: {  	_ = 	snop;
	(pc) =	sbr.rel @p0 .LBB2_1-.Ltmp20, $1  }
0x3f9: {  	_ =	sdelay $0x3  }
0x3fa: {  	_ =	sfence.sel $0x180000  }
0x3fb: {  	[bflag:$0x0] =	sbarrier.arrive $0xFFFF  }
0x3fc: {  	p0 =	sne.s32 s2, $0x0;
	_ =	strace $0x90000047  }
0x3fd: {  	s0 =	sadd.s32 @!p0 $0x100000, s0;
	[bflag:$0x2] =	sbarrier.arrive $0xFFFF  }
0x3fe: {  	[sflag:s0] =	ssyncadd.tile.s32 @!p0 $0x1;
	_ =	shalt  }
.Lfunc_end2:
_tile_overlayer_lowered:
.L_overlay_start_2:
0x3ff: {  	(tag) =	ssettag $0x2  }
0x400: {  	s0 =	rddreg [dreg:$0x0];
	s2 =	stileid.u32  }
0x401: {  	s1 =	rddreg [dreg:$0x1];
	p0 =	sne.s32 s2, $0x0  }
0x402: {  	s3 =	rddreg [dreg:$0x2];
	[bflag:$0x3] =	sbarrier.arrive $0xFFFF;
	s2 =	simm.s32 @!p0 $0x1C03  }
0x403: {  	[timem:s3], [sflag:s2] =	dma.local @!p0 [hbm:s0], s1  }
0x404: {  	s0 =	simm.s32 @!p0 $0x3  }
0x405: {  	_ =	swait.ge @!p0 [sflag:s0], s1  }
0x406: {  	s1 =	ssub.s32 @!p0 $0x0, s1;
	[sflag:s0] =	ssyncset.done @!p0 $0x0  }
0x407: {  	[sflag:s0] =	ssyncadd.s32 @!p0 s1  }
0x408: {  	[bflag:$0x3] =	sbarrier.arrive $0xFFFF  }
0x409: {  	_ =	shalt  }

</sc_bundles>
